<compile_context>
chip_gen: v7x
topology: tpu7x:2x2x1
jax: 0.10.2.dev20260603
libtpu: 0.0.44.dev20260713+nightly
codegen_flags: <defaults>
</compile_context>

<pallas_src>
import jax
import jax.numpy as jnp
from jax import lax
from jax.experimental import pallas as pl
from jax.experimental.pallas import tpu as pltpu
from jax.experimental.pallas import tpu_sc as plsc

N = 10000
D = 128
H = 64
HEAD = 128
E = 320000

NC = 2
NS = 16
NW = NC * NS
CH = 128
NCH = 80
EPW = CH * NCH
EPAD = EPW * NW
DUMMY_LO = 10048
DUMMY_SPAN = 192
NPAD = 10240
RPW = NPAD // NS
CPR = RPW // 128

_f32 = jnp.float32


def _mm(a, b):
  return jnp.dot(a, b, preferred_element_type=_f32,
                 precision=lax.Precision.HIGHEST)


def _sc_scatter_kernel(gather: bool, width: int):
  mesh = plsc.VectorSubcoreMesh(core_axis_name="c", subcore_axis_name="s")
  w16 = width // 16

  def body(*refs):
    if gather:
      y_hbm, rows_hbm, cols_hbm, out_hbm, rows_v, cols_v, gbuf, zbuf, s_sh, \
          gsem0, gsem1, ssem0, ssem1 = refs
    else:
      cols_hbm, out_hbm, cols_v, gbuf, zbuf, s_sh, gsem0, gsem1, ssem0, ssem1 = refs
    cid = lax.axis_index("c")
    sid = lax.axis_index("s")
    wid = cid * NS + sid

    if gather:
      pltpu.sync_copy(rows_hbm.at[wid], rows_v)
    pltpu.sync_copy(cols_hbm.at[wid], cols_v)

    if not gather:
      def _fill_row(r):
        for c in range(w16):
          gbuf[0, r, pl.ds(c * 16, 16)] = jnp.ones((16,), _f32)
          gbuf[1, r, pl.ds(c * 16, 16)] = jnp.ones((16,), _f32)

      pl.loop(0, CH)(_fill_row)

    def _zero_row(r):
      for c in range(w16):
        zbuf[r, pl.ds(c * 16, 16)] = jnp.zeros((16,), _f32)

    pl.loop(0, 128)(_zero_row)
    for t in range(CPR):
      pltpu.sync_copy(zbuf, s_sh.at[pl.ds(sid * RPW + t * 128, 128)])
    plsc.subcore_barrier()

    if gather:
      pltpu.async_copy(y_hbm.at[rows_v.at[0]], gbuf.at[0], gsem0)
      pltpu.async_copy(y_hbm.at[rows_v.at[1]], gbuf.at[1], gsem1)

      def _step(j):
        pltpu.make_async_copy(y_hbm.at[rows_v.at[j]], gbuf.at[0], gsem0).wait()
        pltpu.sync_copy(gbuf.at[0], s_sh.at[cols_v.at[j]], add=True)

        @pl.when(j + 2 < NCH)
        def _():
          pltpu.async_copy(y_hbm.at[rows_v.at[j + 2]], gbuf.at[0], gsem0)

        pltpu.make_async_copy(y_hbm.at[rows_v.at[j + 1]], gbuf.at[1], gsem1).wait()
        pltpu.sync_copy(gbuf.at[1], s_sh.at[cols_v.at[j + 1]], add=True)

        @pl.when(j + 3 < NCH)
        def _():
          pltpu.async_copy(y_hbm.at[rows_v.at[j + 3]], gbuf.at[1], gsem1)

      pl.loop(0, NCH, step=2)(_step)
    else:
      def _step(j):
        pltpu.async_copy(gbuf.at[0], s_sh.at[cols_v.at[j]], ssem0, add=True)
        pltpu.async_copy(gbuf.at[1], s_sh.at[cols_v.at[j + 1]], ssem1, add=True)
        pltpu.make_async_copy(gbuf.at[0], s_sh.at[cols_v.at[j]], ssem0).wait()
        pltpu.make_async_copy(gbuf.at[1], s_sh.at[cols_v.at[j + 1]], ssem1).wait()

      pl.loop(0, NCH, step=2)(_step)

    plsc.subcore_barrier()
    for t in range(CPR):
      base = sid * RPW + t * 128
      pltpu.sync_copy(s_sh.at[pl.ds(base, 128)], zbuf)
      pltpu.sync_copy(zbuf, out_hbm.at[cid, pl.ds(base, 128)])

  scratch = []
  if gather:
    scratch.append(pltpu.VMEM((NCH, CH), jnp.int32))
  scratch += [
      pltpu.VMEM((NCH, CH), jnp.int32),
      pltpu.VMEM((2, CH, width), _f32),
      pltpu.VMEM((128, width), _f32),
      pltpu.VMEM_SHARED((NPAD, width), _f32),
      pltpu.SemaphoreType.DMA,
      pltpu.SemaphoreType.DMA,
      pltpu.SemaphoreType.DMA,
      pltpu.SemaphoreType.DMA,
  ]
  return pl.kernel(
      body,
      out_type=jax.ShapeDtypeStruct((NC, NPAD, width), _f32),
      mesh=mesh,
      scratch_types=scratch,
      compiler_params=pltpu.CompilerParams(use_tc_tiling_on_sc=False),
  )


def _tc_mm1_body(x_ref, w1_ref, xw_ref):
  xw_ref[...] = _mm(x_ref[...], w1_ref[...])


def _tc_scale1_body(sdeg_ref, xw_ref, y_ref, dinv_ref):
  deg = sdeg_ref[0, :, 0:1] + sdeg_ref[1, :, 0:1]
  dinv = (deg + 1.0) ** -0.5
  y_ref[...] = dinv * xw_ref[...]
  dinv_ref[...] = dinv


def _tc_mid_body(s_ref, y_ref, dinv_ref, b_ref, w_ref, out_ref):
  s = s_ref[0] + s_ref[1] + y_ref[...]
  dinv = dinv_ref[...]
  h = jax.nn.relu(dinv * s + b_ref[...])
  out_ref[...] = dinv * _mm(h, w_ref[...])


def _tc_final_body(s_ref, y_ref, dinv_ref, b_ref, wf1_ref, bf1_ref,
                   wf2_ref, bf2_ref, out_ref):
  s = s_ref[0] + s_ref[1] + y_ref[...]
  h = jax.nn.relu(dinv_ref[...] * s + b_ref[...])
  mask = lax.broadcasted_iota(jnp.int32, (NPAD, 1), 0) < N
  h = jnp.where(mask, h, 0.0)
  pooled = jnp.sum(h, axis=0, keepdims=True) * (1.0 / N)
  hidden = jax.nn.relu(_mm(pooled, wf1_ref[...]) + bf1_ref[...])
  out_ref[...] = _mm(hidden, wf2_ref[...]) + bf2_ref[...]


_BLK = 1024
_GRID = NPAD // _BLK


def _tc_mm1(x_pad, w1t):
  return pl.pallas_call(
      _tc_mm1_body,
      grid=(_GRID,),
      in_specs=[
          pl.BlockSpec((_BLK, D), lambda i: (i, 0)),
          pl.BlockSpec((D, H), lambda i: (0, 0)),
      ],
      out_specs=pl.BlockSpec((_BLK, H), lambda i: (i, 0)),
      out_shape=jax.ShapeDtypeStruct((NPAD, H), _f32),
  )(x_pad, w1t)


def _tc_scale1(sdeg, xw):
  return pl.pallas_call(
      _tc_scale1_body,
      grid=(_GRID,),
      in_specs=[
          pl.BlockSpec((NC, _BLK, 16), lambda i: (0, i, 0)),
          pl.BlockSpec((_BLK, H), lambda i: (i, 0)),
      ],
      out_specs=[
          pl.BlockSpec((_BLK, H), lambda i: (i, 0)),
          pl.BlockSpec((_BLK, 1), lambda i: (i, 0)),
      ],
      out_shape=[
          jax.ShapeDtypeStruct((NPAD, H), _f32),
          jax.ShapeDtypeStruct((NPAD, 1), _f32),
      ],
  )(sdeg, xw)


def _tc_mid(s, y, dinv, b2d, w):
  return pl.pallas_call(
      _tc_mid_body,
      grid=(_GRID,),
      in_specs=[
          pl.BlockSpec((NC, _BLK, H), lambda i: (0, i, 0)),
          pl.BlockSpec((_BLK, H), lambda i: (i, 0)),
          pl.BlockSpec((_BLK, 1), lambda i: (i, 0)),
          pl.BlockSpec((1, H), lambda i: (0, 0)),
          pl.BlockSpec((H, H), lambda i: (0, 0)),
      ],
      out_specs=pl.BlockSpec((_BLK, H), lambda i: (i, 0)),
      out_shape=jax.ShapeDtypeStruct((NPAD, H), _f32),
  )(s, y, dinv, b2d, w)


def _tc_final(s, y, dinv, b2d, Wf1, bf1_2d, Wf2, bf2_2d):
  return pl.pallas_call(
      _tc_final_body,
      out_shape=jax.ShapeDtypeStruct((1, 1), _f32),
  )(s, y, dinv, b2d, Wf1, bf1_2d, Wf2, bf2_2d)


@jax.jit
def _run(graph, edge_index, W1, b1, W2, b2, W3, b3, Wf1, bf1, Wf2, bf2):
  x_pad = jnp.pad(graph, ((0, NPAD - N), (0, 0)))
  fill = DUMMY_LO + (jnp.arange(EPAD - E, dtype=jnp.int32) % DUMMY_SPAN)
  rows3d = jnp.concatenate([edge_index[0], fill]).reshape(NW, NCH, CH)
  cols3d = jnp.concatenate([edge_index[1], fill]).reshape(NW, NCH, CH)

  b1_2d = b1.reshape(1, H)
  b2_2d = b2.reshape(1, H)
  b3_2d = b3.reshape(1, H)
  bf1_2d = bf1.reshape(1, HEAD)
  bf2_2d = bf2.reshape(1, 1)

  w1t = W1.T
  w2t = W2.T
  w3t = W3.T
  wf1t = Wf1.T
  wf2t = Wf2.T

  deg_pass = _sc_scatter_kernel(gather=False, width=16)
  agg_pass = _sc_scatter_kernel(gather=True, width=H)

  sdeg = deg_pass(cols3d)
  xw1 = _tc_mm1(x_pad, w1t)
  y1, dinv = _tc_scale1(sdeg, xw1)
  s1 = agg_pass(y1, rows3d, cols3d)
  y2 = _tc_mid(s1, y1, dinv, b1_2d, w2t)
  s2 = agg_pass(y2, rows3d, cols3d)
  y3 = _tc_mid(s2, y2, dinv, b2_2d, w3t)
  s3 = agg_pass(y3, rows3d, cols3d)
  return _tc_final(s3, y3, dinv, b3_2d, wf1t, bf1_2d, wf2t, bf2_2d)


def kernel(graph, edge_index, batch, W1, b1, W2, b2, W3, b3, Wf1, bf1, Wf2, bf2):
  del batch
  return _run(graph, edge_index, W1, b1, W2, b2, W3, b3, Wf1, bf1, Wf2, bf2)

# --- scband reference (transcript-rebuilt; emitter-appended) ---
"""Pipeline reference for scband-pgcncritic-10857677324684 (READ-ONLY COPY).

The authoritative reference and input builder live on the scoring server;
editing this copy changes nothing except your own understanding.
"""

import jax, jax.numpy as jnp
import numpy as np

N = 10000
D = 128
H = 64
HEAD = 128
E = 320000


def setup_inputs(seed: int = 0) -> dict:
    key = jax.random.key(seed)
    ks = jax.random.split(key, 16)
    x = jax.random.normal(ks[0], (N, D), dtype=jnp.float32)
    edge_index = jax.random.randint(ks[1], (2, E), 0, N, dtype=jnp.int32)
    batch = jnp.zeros((N,), dtype=jnp.int32)
    # Learned parameters (GCNConv uses Linear-style weight [out, in] and bias)
    W1 = jax.random.normal(ks[2], (H, D), dtype=jnp.float32) * 0.05
    b1 = jnp.zeros((H,), dtype=jnp.float32)
    W2 = jax.random.normal(ks[3], (H, H), dtype=jnp.float32) * 0.05
    b2 = jnp.zeros((H,), dtype=jnp.float32)
    W3 = jax.random.normal(ks[4], (H, H), dtype=jnp.float32) * 0.05
    b3 = jnp.zeros((H,), dtype=jnp.float32)
    Wf1 = jax.random.normal(ks[5], (HEAD, H), dtype=jnp.float32) * 0.05
    bf1 = jnp.zeros((HEAD,), dtype=jnp.float32)
    Wf2 = jax.random.normal(ks[6], (1, HEAD), dtype=jnp.float32) * 0.05
    bf2 = jnp.zeros((1,), dtype=jnp.float32)
    return {"graph": x, "edge_index": edge_index, "batch": batch,
            "W1": W1, "b1": b1, "W2": W2, "b2": b2, "W3": W3, "b3": b3,
            "Wf1": Wf1, "bf1": bf1, "Wf2": Wf2, "bf2": bf2}


def _gcn_conv(x, edge_index, W, b):
    # Faithful PyG GCNConv: add self loops, symmetric normalization, scatter-add aggregation.
    n = x.shape[0]
    xw = x @ W.T
    loop = jnp.arange(n, dtype=edge_index.dtype)
    row = jnp.concatenate([edge_index[0], loop])  # source
    col = jnp.concatenate([edge_index[1], loop])  # destination
    w = jnp.ones(row.shape[0], dtype=x.dtype)
    deg = jnp.zeros((n,), dtype=x.dtype).at[col].add(w)
    dinv = jnp.where(deg > 0, deg ** -0.5, 0.0)
    norm = dinv[row] * w * dinv[col]
    msg = norm[:, None] * jnp.take(xw, row, axis=0)
    out = jnp.zeros((n, W.shape[0]), dtype=x.dtype).at[col].add(msg)
    return out + b


def reference(graph, edge_index, batch, W1, b1, W2, b2, W3, b3, Wf1, bf1, Wf2, bf2):
    h = jax.nn.relu(_gcn_conv(graph, edge_index, W1, b1))
    h = jax.nn.relu(_gcn_conv(h, edge_index, W2, b2))
    h = jax.nn.relu(_gcn_conv(h, edge_index, W3, b3))
    # global_mean_pool over batch vector (single graph: batch is all zeros)
    num_graphs = 1
    sums = jax.ops.segment_sum(h, batch, num_segments=num_graphs)
    counts = jax.ops.segment_sum(jnp.ones((h.shape[0],), dtype=h.dtype), batch, num_segments=num_graphs)
    pooled = sums / jnp.clip(counts, 1.0)[:, None]
    hidden = jax.nn.relu(pooled @ Wf1.T + bf1)
    return hidden @ Wf2.T + bf2

if __name__ == "__main__":
    import jax
    _d = setup_inputs()
    print(jax.jit(kernel)(*tuple(_d.values())))

</pallas_src>

<mosaic_0001>
#map = affine_map<(d0, d1) -> (0, 0)>
#map1 = affine_map<(d0, d1) -> (0, 0, 0)>
module attributes {stable_mosaic.version = 14 : i64} {
  func.func @body(%arg0: i32, %arg1: i32, %arg2: memref<10240x64xf32, #tpu.memory_space<hbm>>, %arg3: memref<32x80x128xi32, #tpu.memory_space<hbm>>, %arg4: memref<32x80x128xi32, #tpu.memory_space<hbm>>, %arg5: memref<2x10240x64xf32, #tpu.memory_space<hbm>>, %arg6: memref<80x128xi32, #tpu.memory_space<vmem>>, %arg7: memref<80x128xi32, #tpu.memory_space<vmem>>, %arg8: memref<2x128x64xf32, #tpu.memory_space<vmem>>, %arg9: memref<128x64xf32, #tpu.memory_space<vmem>>, %arg10: memref<10240x64xf32, #tpu.memory_space<vmem_shared>>, %arg11: memref<!tpu.dma_semaphore, #tpu.memory_space<semaphore_mem>>, %arg12: memref<!tpu.dma_semaphore, #tpu.memory_space<semaphore_mem>>, %arg13: memref<!tpu.dma_semaphore, #tpu.memory_space<semaphore_mem>>, %arg14: memref<!tpu.dma_semaphore, #tpu.memory_space<semaphore_mem>>) attributes {dimension_semantics = [#tpu.dimension_semantics<core_parallel>, #tpu.dimension_semantics<subcore_parallel>], iteration_bounds = array<i64: 2, 16>, scalar_prefetch = 0 : i64, scratch_operands = 9 : i64, tpu.core_type = #tpu.core_type<sc_vector_subcore>, window_params = [{transform_indices = #map}, {transform_indices = #map1}, {transform_indices = #map1}, {transform_indices = #map1}]} {
    %mul3A = arith.constant 16 : i32
    %mul3A_0 = arith.muli %arg0, %mul3A : i32
    %add3A = arith.addi %mul3A_0, %arg1 : i32
    "tpu.region"() ({
      %run_scoped3A = tpu.sem_alloc : memref<!tpu.dma_semaphore, #tpu.memory_space<semaphore_mem>>
      %dma_start3A_74 = arith.constant 0 : i32
      %dma_start3A_75 = arith.constant 0 : i32
      %dma_start3A_76 = tpu.memref_slice %arg3[%add3A, %dma_start3A_74, %dma_start3A_75] : memref<32x80x128xi32, #tpu.memory_space<hbm>> -> memref<1x80x128xi32, #tpu.memory_space<hbm>>
      %dma_start3A_77 = tpu.memref_squeeze %dma_start3A_76 : memref<1x80x128xi32, #tpu.memory_space<hbm>> -> memref<80x128xi32, #tpu.memory_space<hbm>>
      %dma_start3A_78 = arith.constant 0 : i32
      %dma_start3A_79 = arith.constant 0 : i32
      %dma_start3A_80 = tpu.memref_slice %arg3[%add3A, %dma_start3A_78, %dma_start3A_79] : memref<32x80x128xi32, #tpu.memory_space<hbm>> -> memref<1x80x128xi32, #tpu.memory_space<hbm>>
      %dma_start3A_81 = tpu.memref_squeeze %dma_start3A_80 : memref<1x80x128xi32, #tpu.memory_space<hbm>> -> memref<80x128xi32, #tpu.memory_space<hbm>>
      tpu.enqueue_dma source(%dma_start3A_81 : memref<80x128xi32, #tpu.memory_space<hbm>>) target(%arg6 : memref<80x128xi32, #tpu.memory_space<vmem>>) target_semaphore(%run_scoped3A : memref<!tpu.dma_semaphore, #tpu.memory_space<semaphore_mem>>)
      %dma_wait3A = arith.constant 0 : i32
      %dma_wait3A_82 = arith.constant 0 : i32
      %dma_wait3A_83 = tpu.memref_slice %arg3[%add3A, %dma_wait3A, %dma_wait3A_82] : memref<32x80x128xi32, #tpu.memory_space<hbm>> -> memref<1x80x128xi32, #tpu.memory_space<hbm>>
      %dma_wait3A_84 = tpu.memref_squeeze %dma_wait3A_83 : memref<1x80x128xi32, #tpu.memory_space<hbm>> -> memref<80x128xi32, #tpu.memory_space<hbm>>
      %dma_wait3A_85 = arith.constant 0 : i32
      %dma_wait3A_86 = arith.constant 0 : i32
      %dma_wait3A_87 = tpu.memref_slice %arg3[%add3A, %dma_wait3A_85, %dma_wait3A_86] : memref<32x80x128xi32, #tpu.memory_space<hbm>> -> memref<1x80x128xi32, #tpu.memory_space<hbm>>
      %dma_wait3A_88 = tpu.memref_squeeze %dma_wait3A_87 : memref<1x80x128xi32, #tpu.memory_space<hbm>> -> memref<80x128xi32, #tpu.memory_space<hbm>>
      tpu.wait_dma2 semaphore(%run_scoped3A : memref<!tpu.dma_semaphore, #tpu.memory_space<semaphore_mem>>) src(%dma_wait3A_88 : memref<80x128xi32, #tpu.memory_space<hbm>>) dst(%arg6 : memref<80x128xi32, #tpu.memory_space<vmem>>)
      tpu.yield
    }) : () -> ()
    "tpu.region"() ({
      %run_scoped3A = tpu.sem_alloc : memref<!tpu.dma_semaphore, #tpu.memory_space<semaphore_mem>>
      %dma_start3A_74 = arith.constant 0 : i32
      %dma_start3A_75 = arith.constant 0 : i32
      %dma_start3A_76 = tpu.memref_slice %arg4[%add3A, %dma_start3A_74, %dma_start3A_75] : memref<32x80x128xi32, #tpu.memory_space<hbm>> -> memref<1x80x128xi32, #tpu.memory_space<hbm>>
      %dma_start3A_77 = tpu.memref_squeeze %dma_start3A_76 : memref<1x80x128xi32, #tpu.memory_space<hbm>> -> memref<80x128xi32, #tpu.memory_space<hbm>>
      %dma_start3A_78 = arith.constant 0 : i32
      %dma_start3A_79 = arith.constant 0 : i32
      %dma_start3A_80 = tpu.memref_slice %arg4[%add3A, %dma_start3A_78, %dma_start3A_79] : memref<32x80x128xi32, #tpu.memory_space<hbm>> -> memref<1x80x128xi32, #tpu.memory_space<hbm>>
      %dma_start3A_81 = tpu.memref_squeeze %dma_start3A_80 : memref<1x80x128xi32, #tpu.memory_space<hbm>> -> memref<80x128xi32, #tpu.memory_space<hbm>>
      tpu.enqueue_dma source(%dma_start3A_81 : memref<80x128xi32, #tpu.memory_space<hbm>>) target(%arg7 : memref<80x128xi32, #tpu.memory_space<vmem>>) target_semaphore(%run_scoped3A : memref<!tpu.dma_semaphore, #tpu.memory_space<semaphore_mem>>)
      %dma_wait3A = arith.constant 0 : i32
      %dma_wait3A_82 = arith.constant 0 : i32
      %dma_wait3A_83 = tpu.memref_slice %arg4[%add3A, %dma_wait3A, %dma_wait3A_82] : memref<32x80x128xi32, #tpu.memory_space<hbm>> -> memref<1x80x128xi32, #tpu.memory_space<hbm>>
      %dma_wait3A_84 = tpu.memref_squeeze %dma_wait3A_83 : memref<1x80x128xi32, #tpu.memory_space<hbm>> -> memref<80x128xi32, #tpu.memory_space<hbm>>
      %dma_wait3A_85 = arith.constant 0 : i32
      %dma_wait3A_86 = arith.constant 0 : i32
      %dma_wait3A_87 = tpu.memref_slice %arg4[%add3A, %dma_wait3A_85, %dma_wait3A_86] : memref<32x80x128xi32, #tpu.memory_space<hbm>> -> memref<1x80x128xi32, #tpu.memory_space<hbm>>
      %dma_wait3A_88 = tpu.memref_squeeze %dma_wait3A_87 : memref<1x80x128xi32, #tpu.memory_space<hbm>> -> memref<80x128xi32, #tpu.memory_space<hbm>>
      tpu.wait_dma2 semaphore(%run_scoped3A : memref<!tpu.dma_semaphore, #tpu.memory_space<semaphore_mem>>) src(%dma_wait3A_88 : memref<80x128xi32, #tpu.memory_space<hbm>>) dst(%arg7 : memref<80x128xi32, #tpu.memory_space<vmem>>)
      tpu.yield
    }) : () -> ()
    %scan3A = arith.constant 0 : i32
    %scan3A_1 = arith.constant 128 : i32
    %scan3A_2 = arith.addi %scan3A, %scan3A_1 : i32
    %scan3A_3 = arith.constant 1 : i32
    scf.for %scan3A_74 = %scan3A to %scan3A_2 step %scan3A_3  : i32 {
      %mul3A_75 = arith.constant 1 : i32
      %mul3A_76 = arith.muli %scan3A_74, %mul3A_75 : i32
      %add3A_77 = arith.constant 0 : i32
      %add3A_78 = arith.addi %add3A_77, %mul3A_76 : i32
      %broadcast_in_dim3A = arith.constant 0.000000e+00 : f32
      %broadcast_in_dim3A_79 = vector.broadcast %broadcast_in_dim3A : f32 to vector<16xf32>
      %swap3A = arith.index_cast %add3A_78 : i32 to index
      %swap3A_80 = arith.constant 0 : index
      %swap3A_81 = tpu.vector_load %arg9[%swap3A, %swap3A_80] {strides = array<i32>} : memref<128x64xf32, #tpu.memory_space<vmem>>, vector<1x16xf32>,
      %swap3A_82 = vector.shape_cast %swap3A_81 : vector<1x16xf32> to vector<16xf32>
      %swap3A_83 = vector.shape_cast %broadcast_in_dim3A_79 : vector<16xf32> to vector<1x16xf32>
      tpu.vector_store %arg9[%swap3A, %swap3A_80], %swap3A_83 {strides = array<i32>} : memref<128x64xf32, #tpu.memory_space<vmem>>, vector<1x16xf32>,
      %broadcast_in_dim3A_84 = arith.constant 0.000000e+00 : f32
      %broadcast_in_dim3A_85 = vector.broadcast %broadcast_in_dim3A_84 : f32 to vector<16xf32>
      %swap3A_86 = arith.index_cast %add3A_78 : i32 to index
      %swap3A_87 = arith.constant 16 : index
      %swap3A_88 = tpu.vector_load %arg9[%swap3A_86, %swap3A_87] {strides = array<i32>} : memref<128x64xf32, #tpu.memory_space<vmem>>, vector<1x16xf32>,
      %swap3A_89 = vector.shape_cast %swap3A_88 : vector<1x16xf32> to vector<16xf32>
      %swap3A_90 = vector.shape_cast %broadcast_in_dim3A_85 : vector<16xf32> to vector<1x16xf32>
      tpu.vector_store %arg9[%swap3A_86, %swap3A_87], %swap3A_90 {strides = array<i32>} : memref<128x64xf32, #tpu.memory_space<vmem>>, vector<1x16xf32>,
      %broadcast_in_dim3A_91 = arith.constant 0.000000e+00 : f32
      %broadcast_in_dim3A_92 = vector.broadcast %broadcast_in_dim3A_91 : f32 to vector<16xf32>
      %swap3A_93 = arith.index_cast %add3A_78 : i32 to index
      %swap3A_94 = arith.constant 32 : index
      %swap3A_95 = tpu.vector_load %arg9[%swap3A_93, %swap3A_94] {strides = array<i32>} : memref<128x64xf32, #tpu.memory_space<vmem>>, vector<1x16xf32>,
      %swap3A_96 = vector.shape_cast %swap3A_95 : vector<1x16xf32> to vector<16xf32>
      %swap3A_97 = vector.shape_cast %broadcast_in_dim3A_92 : vector<16xf32> to vector<1x16xf32>
      tpu.vector_store %arg9[%swap3A_93, %swap3A_94], %swap3A_97 {strides = array<i32>} : memref<128x64xf32, #tpu.memory_space<vmem>>, vector<1x16xf32>,
      %broadcast_in_dim3A_98 = arith.constant 0.000000e+00 : f32
      %broadcast_in_dim3A_99 = vector.broadcast %broadcast_in_dim3A_98 : f32 to vector<16xf32>
      %swap3A_100 = arith.index_cast %add3A_78 : i32 to index
      %swap3A_101 = arith.constant 48 : index
      %swap3A_102 = tpu.vector_load %arg9[%swap3A_100, %swap3A_101] {strides = array<i32>} : memref<128x64xf32, #tpu.memory_space<vmem>>, vector<1x16xf32>,
      %swap3A_103 = vector.shape_cast %swap3A_102 : vector<1x16xf32> to vector<16xf32>
      %swap3A_104 = vector.shape_cast %broadcast_in_dim3A_99 : vector<16xf32> to vector<1x16xf32>
      tpu.vector_store %arg9[%swap3A_100, %swap3A_101], %swap3A_104 {strides = array<i32>} : memref<128x64xf32, #tpu.memory_space<vmem>>, vector<1x16xf32>,
    }
    %scan3A_4 = arith.constant 128 : i32
    %mul3A_5 = arith.constant 640 : i32
    %mul3A_6 = arith.muli %arg1, %mul3A_5 : i32
    %add3A_7 = arith.constant 0 : i32
    %add3A_8 = arith.addi %mul3A_6, %add3A_7 : i32
    "tpu.region"() ({
      %run_scoped3A = tpu.sem_alloc : memref<!tpu.dma_semaphore, #tpu.memory_space<semaphore_mem>>
      %dma_start3A_74 = arith.constant 0 : i32
      %dma_start3A_75 = tpu.memref_slice %arg10[%add3A_8, %dma_start3A_74] : memref<10240x64xf32, #tpu.memory_space<vmem_shared>> -> memref<128x64xf32, #tpu.memory_space<vmem_shared>>
      %dma_start3A_76 = arith.constant 0 : i32
      %dma_start3A_77 = tpu.memref_slice %arg10[%add3A_8, %dma_start3A_76] : memref<10240x64xf32, #tpu.memory_space<vmem_shared>> -> memref<128x64xf32, #tpu.memory_space<vmem_shared>>
      tpu.enqueue_dma source(%arg9 : memref<128x64xf32, #tpu.memory_space<vmem>>) target(%dma_start3A_77 : memref<128x64xf32, #tpu.memory_space<vmem_shared>>) target_semaphore(%run_scoped3A : memref<!tpu.dma_semaphore, #tpu.memory_space<semaphore_mem>>)
      %dma_wait3A = arith.constant 0 : i32
      %dma_wait3A_78 = tpu.memref_slice %arg10[%add3A_8, %dma_wait3A] : memref<10240x64xf32, #tpu.memory_space<vmem_shared>> -> memref<128x64xf32, #tpu.memory_space<vmem_shared>>
      %dma_wait3A_79 = arith.constant 0 : i32
      %dma_wait3A_80 = tpu.memref_slice %arg10[%add3A_8, %dma_wait3A_79] : memref<10240x64xf32, #tpu.memory_space<vmem_shared>> -> memref<128x64xf32, #tpu.memory_space<vmem_shared>>
      tpu.wait_dma2 semaphore(%run_scoped3A : memref<!tpu.dma_semaphore, #tpu.memory_space<semaphore_mem>>) src(%arg9 : memref<128x64xf32, #tpu.memory_space<vmem>>) dst(%dma_wait3A_80 : memref<128x64xf32, #tpu.memory_space<vmem_shared>>)
      tpu.yield
    }) : () -> ()
    %mul3A_9 = arith.constant 640 : i32
    %mul3A_10 = arith.muli %arg1, %mul3A_9 : i32
    %add3A_11 = arith.constant 128 : i32
    %add3A_12 = arith.addi %mul3A_10, %add3A_11 : i32
    "tpu.region"() ({
      %run_scoped3A = tpu.sem_alloc : memref<!tpu.dma_semaphore, #tpu.memory_space<semaphore_mem>>
      %dma_start3A_74 = arith.constant 0 : i32
      %dma_start3A_75 = tpu.memref_slice %arg10[%add3A_12, %dma_start3A_74] : memref<10240x64xf32, #tpu.memory_space<vmem_shared>> -> memref<128x64xf32, #tpu.memory_space<vmem_shared>>
      %dma_start3A_76 = arith.constant 0 : i32
      %dma_start3A_77 = tpu.memref_slice %arg10[%add3A_12, %dma_start3A_76] : memref<10240x64xf32, #tpu.memory_space<vmem_shared>> -> memref<128x64xf32, #tpu.memory_space<vmem_shared>>
      tpu.enqueue_dma source(%arg9 : memref<128x64xf32, #tpu.memory_space<vmem>>) target(%dma_start3A_77 : memref<128x64xf32, #tpu.memory_space<vmem_shared>>) target_semaphore(%run_scoped3A : memref<!tpu.dma_semaphore, #tpu.memory_space<semaphore_mem>>)
      %dma_wait3A = arith.constant 0 : i32
      %dma_wait3A_78 = tpu.memref_slice %arg10[%add3A_12, %dma_wait3A] : memref<10240x64xf32, #tpu.memory_space<vmem_shared>> -> memref<128x64xf32, #tpu.memory_space<vmem_shared>>
      %dma_wait3A_79 = arith.constant 0 : i32
      %dma_wait3A_80 = tpu.memref_slice %arg10[%add3A_12, %dma_wait3A_79] : memref<10240x64xf32, #tpu.memory_space<vmem_shared>> -> memref<128x64xf32, #tpu.memory_space<vmem_shared>>
      tpu.wait_dma2 semaphore(%run_scoped3A : memref<!tpu.dma_semaphore, #tpu.memory_space<semaphore_mem>>) src(%arg9 : memref<128x64xf32, #tpu.memory_space<vmem>>) dst(%dma_wait3A_80 : memref<128x64xf32, #tpu.memory_space<vmem_shared>>)
      tpu.yield
    }) : () -> ()
    %mul3A_13 = arith.constant 640 : i32
    %mul3A_14 = arith.muli %arg1, %mul3A_13 : i32
    %add3A_15 = arith.constant 256 : i32
    %add3A_16 = arith.addi %mul3A_14, %add3A_15 : i32
    "tpu.region"() ({
      %run_scoped3A = tpu.sem_alloc : memref<!tpu.dma_semaphore, #tpu.memory_space<semaphore_mem>>
      %dma_start3A_74 = arith.constant 0 : i32
      %dma_start3A_75 = tpu.memref_slice %arg10[%add3A_16, %dma_start3A_74] : memref<10240x64xf32, #tpu.memory_space<vmem_shared>> -> memref<128x64xf32, #tpu.memory_space<vmem_shared>>
      %dma_start3A_76 = arith.constant 0 : i32
      %dma_start3A_77 = tpu.memref_slice %arg10[%add3A_16, %dma_start3A_76] : memref<10240x64xf32, #tpu.memory_space<vmem_shared>> -> memref<128x64xf32, #tpu.memory_space<vmem_shared>>
      tpu.enqueue_dma source(%arg9 : memref<128x64xf32, #tpu.memory_space<vmem>>) target(%dma_start3A_77 : memref<128x64xf32, #tpu.memory_space<vmem_shared>>) target_semaphore(%run_scoped3A : memref<!tpu.dma_semaphore, #tpu.memory_space<semaphore_mem>>)
      %dma_wait3A = arith.constant 0 : i32
      %dma_wait3A_78 = tpu.memref_slice %arg10[%add3A_16, %dma_wait3A] : memref<10240x64xf32, #tpu.memory_space<vmem_shared>> -> memref<128x64xf32, #tpu.memory_space<vmem_shared>>
      %dma_wait3A_79 = arith.constant 0 : i32
      %dma_wait3A_80 = tpu.memref_slice %arg10[%add3A_16, %dma_wait3A_79] : memref<10240x64xf32, #tpu.memory_space<vmem_shared>> -> memref<128x64xf32, #tpu.memory_space<vmem_shared>>
      tpu.wait_dma2 semaphore(%run_scoped3A : memref<!tpu.dma_semaphore, #tpu.memory_space<semaphore_mem>>) src(%arg9 : memref<128x64xf32, #tpu.memory_space<vmem>>) dst(%dma_wait3A_80 : memref<128x64xf32, #tpu.memory_space<vmem_shared>>)
      tpu.yield
    }) : () -> ()
    %mul3A_17 = arith.constant 640 : i32
    %mul3A_18 = arith.muli %arg1, %mul3A_17 : i32
    %add3A_19 = arith.constant 384 : i32
    %add3A_20 = arith.addi %mul3A_18, %add3A_19 : i32
    "tpu.region"() ({
      %run_scoped3A = tpu.sem_alloc : memref<!tpu.dma_semaphore, #tpu.memory_space<semaphore_mem>>
      %dma_start3A_74 = arith.constant 0 : i32
      %dma_start3A_75 = tpu.memref_slice %arg10[%add3A_20, %dma_start3A_74] : memref<10240x64xf32, #tpu.memory_space<vmem_shared>> -> memref<128x64xf32, #tpu.memory_space<vmem_shared>>
      %dma_start3A_76 = arith.constant 0 : i32
      %dma_start3A_77 = tpu.memref_slice %arg10[%add3A_20, %dma_start3A_76] : memref<10240x64xf32, #tpu.memory_space<vmem_shared>> -> memref<128x64xf32, #tpu.memory_space<vmem_shared>>
      tpu.enqueue_dma source(%arg9 : memref<128x64xf32, #tpu.memory_space<vmem>>) target(%dma_start3A_77 : memref<128x64xf32, #tpu.memory_space<vmem_shared>>) target_semaphore(%run_scoped3A : memref<!tpu.dma_semaphore, #tpu.memory_space<semaphore_mem>>)
      %dma_wait3A = arith.constant 0 : i32
      %dma_wait3A_78 = tpu.memref_slice %arg10[%add3A_20, %dma_wait3A] : memref<10240x64xf32, #tpu.memory_space<vmem_shared>> -> memref<128x64xf32, #tpu.memory_space<vmem_shared>>
      %dma_wait3A_79 = arith.constant 0 : i32
      %dma_wait3A_80 = tpu.memref_slice %arg10[%add3A_20, %dma_wait3A_79] : memref<10240x64xf32, #tpu.memory_space<vmem_shared>> -> memref<128x64xf32, #tpu.memory_space<vmem_shared>>
      tpu.wait_dma2 semaphore(%run_scoped3A : memref<!tpu.dma_semaphore, #tpu.memory_space<semaphore_mem>>) src(%arg9 : memref<128x64xf32, #tpu.memory_space<vmem>>) dst(%dma_wait3A_80 : memref<128x64xf32, #tpu.memory_space<vmem_shared>>)
      tpu.yield
    }) : () -> ()
    %mul3A_21 = arith.constant 640 : i32
    %mul3A_22 = arith.muli %arg1, %mul3A_21 : i32
    %add3A_23 = arith.constant 512 : i32
    %add3A_24 = arith.addi %mul3A_22, %add3A_23 : i32
    "tpu.region"() ({
      %run_scoped3A = tpu.sem_alloc : memref<!tpu.dma_semaphore, #tpu.memory_space<semaphore_mem>>
      %dma_start3A_74 = arith.constant 0 : i32
      %dma_start3A_75 = tpu.memref_slice %arg10[%add3A_24, %dma_start3A_74] : memref<10240x64xf32, #tpu.memory_space<vmem_shared>> -> memref<128x64xf32, #tpu.memory_space<vmem_shared>>
      %dma_start3A_76 = arith.constant 0 : i32
      %dma_start3A_77 = tpu.memref_slice %arg10[%add3A_24, %dma_start3A_76] : memref<10240x64xf32, #tpu.memory_space<vmem_shared>> -> memref<128x64xf32, #tpu.memory_space<vmem_shared>>
      tpu.enqueue_dma source(%arg9 : memref<128x64xf32, #tpu.memory_space<vmem>>) target(%dma_start3A_77 : memref<128x64xf32, #tpu.memory_space<vmem_shared>>) target_semaphore(%run_scoped3A : memref<!tpu.dma_semaphore, #tpu.memory_space<semaphore_mem>>)
      %dma_wait3A = arith.constant 0 : i32
      %dma_wait3A_78 = tpu.memref_slice %arg10[%add3A_24, %dma_wait3A] : memref<10240x64xf32, #tpu.memory_space<vmem_shared>> -> memref<128x64xf32, #tpu.memory_space<vmem_shared>>
      %dma_wait3A_79 = arith.constant 0 : i32
      %dma_wait3A_80 = tpu.memref_slice %arg10[%add3A_24, %dma_wait3A_79] : memref<10240x64xf32, #tpu.memory_space<vmem_shared>> -> memref<128x64xf32, #tpu.memory_space<vmem_shared>>
      tpu.wait_dma2 semaphore(%run_scoped3A : memref<!tpu.dma_semaphore, #tpu.memory_space<semaphore_mem>>) src(%arg9 : memref<128x64xf32, #tpu.memory_space<vmem>>) dst(%dma_wait3A_80 : memref<128x64xf32, #tpu.memory_space<vmem_shared>>)
      tpu.yield
    }) : () -> ()
    %barrier3A = arith.constant 0 : index
    tpu.barrier barrier_id(%barrier3A)
    %dma_start3A = arith.constant 0 : i32
    %dma_start3A_25 = arith.constant 0 : i32
    %dma_start3A_26 = arith.constant 0 : i32
    %dma_start3A_27 = arith.constant 0 : i32
    %dma_start3A_28 = tpu.memref_slice %arg8[%dma_start3A_25, %dma_start3A_26, %dma_start3A_27] : memref<2x128x64xf32, #tpu.memory_space<vmem>> -> memref<1x128x64xf32, #tpu.memory_space<vmem>>
    %dma_start3A_29 = tpu.memref_squeeze %dma_start3A_28 : memref<1x128x64xf32, #tpu.memory_space<vmem>> -> memref<128x64xf32, #tpu.memory_space<vmem>>
    %dma_start3A_30 = arith.constant 0 : i32
    %dma_start3A_31 = tpu.memref_slice %arg6[%dma_start3A, %dma_start3A_30] : memref<80x128xi32, #tpu.memory_space<vmem>> -> memref<1x128xi32, #tpu.memory_space<vmem>>
    %dma_start3A_32 = tpu.memref_squeeze %dma_start3A_31 : memref<1x128xi32, #tpu.memory_space<vmem>> -> memref<128xi32, #tpu.memory_space<vmem>>
    %dma_start3A_33 = arith.constant 0 : i32
    %dma_start3A_34 = arith.constant 0 : i32
    %dma_start3A_35 = tpu.memref_slice %arg2[%dma_start3A_33, %dma_start3A_34] : memref<10240x64xf32, #tpu.memory_space<hbm>> -> memref<10240x64xf32, #tpu.memory_space<hbm>>
    tpu.enqueue_indirect_dma source(%dma_start3A_35 : memref<10240x64xf32, #tpu.memory_space<hbm>>) target(%dma_start3A_29 : memref<128x64xf32, #tpu.memory_space<vmem>>) offsets(%dma_start3A_32 : memref<128xi32, #tpu.memory_space<vmem>>) semaphore(%arg11 : memref<!tpu.dma_semaphore, #tpu.memory_space<semaphore_mem>>)
    %dma_start3A_36 = arith.constant 1 : i32
    %dma_start3A_37 = arith.constant 1 : i32
    %dma_start3A_38 = arith.constant 0 : i32
    %dma_start3A_39 = arith.constant 0 : i32
    %dma_start3A_40 = tpu.memref_slice %arg8[%dma_start3A_37, %dma_start3A_38, %dma_start3A_39] : memref<2x128x64xf32, #tpu.memory_space<vmem>> -> memref<1x128x64xf32, #tpu.memory_space<vmem>>
    %dma_start3A_41 = tpu.memref_squeeze %dma_start3A_40 : memref<1x128x64xf32, #tpu.memory_space<vmem>> -> memref<128x64xf32, #tpu.memory_space<vmem>>
    %dma_start3A_42 = arith.constant 0 : i32
    %dma_start3A_43 = tpu.memref_slice %arg6[%dma_start3A_36, %dma_start3A_42] : memref<80x128xi32, #tpu.memory_space<vmem>> -> memref<1x128xi32, #tpu.memory_space<vmem>>
    %dma_start3A_44 = tpu.memref_squeeze %dma_start3A_43 : memref<1x128xi32, #tpu.memory_space<vmem>> -> memref<128xi32, #tpu.memory_space<vmem>>
    %dma_start3A_45 = arith.constant 0 : i32
    %dma_start3A_46 = arith.constant 0 : i32
    %dma_start3A_47 = tpu.memref_slice %arg2[%dma_start3A_45, %dma_start3A_46] : memref<10240x64xf32, #tpu.memory_space<hbm>> -> memref<10240x64xf32, #tpu.memory_space<hbm>>
    tpu.enqueue_indirect_dma source(%dma_start3A_47 : memref<10240x64xf32, #tpu.memory_space<hbm>>) target(%dma_start3A_41 : memref<128x64xf32, #tpu.memory_space<vmem>>) offsets(%dma_start3A_44 : memref<128xi32, #tpu.memory_space<vmem>>) semaphore(%arg12 : memref<!tpu.dma_semaphore, #tpu.memory_space<semaphore_mem>>)
    %scan3A_48 = arith.constant 0 : i32
    %scan3A_49 = arith.constant 40 : i32
    %scan3A_50 = arith.addi %scan3A_48, %scan3A_49 : i32
    %scan3A_51 = arith.constant 1 : i32
    scf.for %scan3A_74 = %scan3A_48 to %scan3A_50 step %scan3A_51  : i32 {
      %mul3A_75 = arith.constant 2 : i32
      %mul3A_76 = arith.muli %scan3A_74, %mul3A_75 : i32
      %add3A_77 = arith.constant 0 : i32
      %add3A_78 = arith.addi %add3A_77, %mul3A_76 : i32
      %dma_wait3A = arith.constant 0 : i32
      %dma_wait3A_79 = arith.constant 0 : i32
      %dma_wait3A_80 = arith.constant 0 : i32
      %dma_wait3A_81 = tpu.memref_slice %arg8[%dma_wait3A, %dma_wait3A_79, %dma_wait3A_80] : memref<2x128x64xf32, #tpu.memory_space<vmem>> -> memref<1x128x64xf32, #tpu.memory_space<vmem>>
      %dma_wait3A_82 = tpu.memref_squeeze %dma_wait3A_81 : memref<1x128x64xf32, #tpu.memory_space<vmem>> -> memref<128x64xf32, #tpu.memory_space<vmem>>
      %dma_wait3A_83 = arith.constant 0 : i32
      %dma_wait3A_84 = tpu.memref_slice %arg6[%add3A_78, %dma_wait3A_83] : memref<80x128xi32, #tpu.memory_space<vmem>> -> memref<1x128xi32, #tpu.memory_space<vmem>>
      %dma_wait3A_85 = tpu.memref_squeeze %dma_wait3A_84 : memref<1x128xi32, #tpu.memory_space<vmem>> -> memref<128xi32, #tpu.memory_space<vmem>>
      %dma_wait3A_86 = arith.constant 0 : i32
      %dma_wait3A_87 = arith.constant 0 : i32
      %dma_wait3A_88 = tpu.memref_slice %arg2[%dma_wait3A_86, %dma_wait3A_87] : memref<10240x64xf32, #tpu.memory_space<hbm>> -> memref<10240x64xf32, #tpu.memory_space<hbm>>
      tpu.wait_indirect_dma semaphore(%arg11 : memref<!tpu.dma_semaphore, #tpu.memory_space<semaphore_mem>>) src(%dma_wait3A_88 : memref<10240x64xf32, #tpu.memory_space<hbm>>) dst(%dma_wait3A_82 : memref<128x64xf32, #tpu.memory_space<vmem>>)
      %run_scoped3A = arith.constant 0 : i32
      "tpu.region"() ({
        %run_scoped3A_116 = tpu.sem_alloc : memref<!tpu.dma_semaphore, #tpu.memory_space<semaphore_mem>>
        %dma_start3A_117 = arith.constant 0 : i32
        %dma_start3A_118 = arith.constant 0 : i32
        %dma_start3A_119 = tpu.memref_slice %arg8[%run_scoped3A, %dma_start3A_117, %dma_start3A_118] : memref<2x128x64xf32, #tpu.memory_space<vmem>> -> memref<1x128x64xf32, #tpu.memory_space<vmem>>
        %dma_start3A_120 = tpu.memref_squeeze %dma_start3A_119 : memref<1x128x64xf32, #tpu.memory_space<vmem>> -> memref<128x64xf32, #tpu.memory_space<vmem>>
        %dma_start3A_121 = arith.constant 0 : i32
        %dma_start3A_122 = tpu.memref_slice %arg7[%add3A_78, %dma_start3A_121] : memref<80x128xi32, #tpu.memory_space<vmem>> -> memref<1x128xi32, #tpu.memory_space<vmem>>
        %dma_start3A_123 = tpu.memref_squeeze %dma_start3A_122 : memref<1x128xi32, #tpu.memory_space<vmem>> -> memref<128xi32, #tpu.memory_space<vmem>>
        %dma_start3A_124 = arith.constant 0 : i32
        %dma_start3A_125 = arith.constant 0 : i32
        %dma_start3A_126 = tpu.memref_slice %arg10[%dma_start3A_124, %dma_start3A_125] : memref<10240x64xf32, #tpu.memory_space<vmem_shared>> -> memref<10240x64xf32, #tpu.memory_space<vmem_shared>>
        tpu.enqueue_indirect_dma source(%dma_start3A_120 : memref<128x64xf32, #tpu.memory_space<vmem>>) target(%dma_start3A_126 : memref<10240x64xf32, #tpu.memory_space<vmem_shared>>) offsets(%dma_start3A_123 : memref<128xi32, #tpu.memory_space<vmem>>) semaphore(%run_scoped3A_116 : memref<!tpu.dma_semaphore, #tpu.memory_space<semaphore_mem>>) {add = true}
        %dma_wait3A_127 = arith.constant 0 : i32
        %dma_wait3A_128 = arith.constant 0 : i32
        %dma_wait3A_129 = tpu.memref_slice %arg8[%run_scoped3A, %dma_wait3A_127, %dma_wait3A_128] : memref<2x128x64xf32, #tpu.memory_space<vmem>> -> memref<1x128x64xf32, #tpu.memory_space<vmem>>
        %dma_wait3A_130 = tpu.memref_squeeze %dma_wait3A_129 : memref<1x128x64xf32, #tpu.memory_space<vmem>> -> memref<128x64xf32, #tpu.memory_space<vmem>>
        %dma_wait3A_131 = arith.constant 0 : i32
        %dma_wait3A_132 = tpu.memref_slice %arg7[%add3A_78, %dma_wait3A_131] : memref<80x128xi32, #tpu.memory_space<vmem>> -> memref<1x128xi32, #tpu.memory_space<vmem>>
        %dma_wait3A_133 = tpu.memref_squeeze %dma_wait3A_132 : memref<1x128xi32, #tpu.memory_space<vmem>> -> memref<128xi32, #tpu.memory_space<vmem>>
        %dma_wait3A_134 = arith.constant 0 : i32
        %dma_wait3A_135 = arith.constant 0 : i32
        %dma_wait3A_136 = tpu.memref_slice %arg10[%dma_wait3A_134, %dma_wait3A_135] : memref<10240x64xf32, #tpu.memory_space<vmem_shared>> -> memref<10240x64xf32, #tpu.memory_space<vmem_shared>>
        tpu.wait_indirect_dma semaphore(%run_scoped3A_116 : memref<!tpu.dma_semaphore, #tpu.memory_space<semaphore_mem>>) src(%dma_wait3A_130 : memref<128x64xf32, #tpu.memory_space<vmem>>) dst(%dma_wait3A_136 : memref<10240x64xf32, #tpu.memory_space<vmem_shared>>)
        tpu.yield
      }) : () -> ()
      %add3A_89 = arith.constant 2 : i32
      %add3A_90 = arith.addi %add3A_78, %add3A_89 : i32
      %lt3A = arith.constant 80 : i32
      %lt3A_91 = arith.cmpi slt, %add3A_90, %lt3A : i32
      %convert_element_type3A = arith.extui %lt3A_91 : i1 to i32
      %cond3A = arith.constant 0 : i32
      %cond3A_92 = arith.cmpi ne, %convert_element_type3A, %cond3A : i32
      scf.if %cond3A_92 {
        %add3A_116 = arith.constant 2 : i32
        %add3A_117 = arith.addi %add3A_78, %add3A_116 : i32
        %dma_start3A_118 = arith.constant 0 : i32
        %dma_start3A_119 = arith.constant 0 : i32
        %dma_start3A_120 = arith.constant 0 : i32
        %dma_start3A_121 = tpu.memref_slice %arg8[%dma_start3A_118, %dma_start3A_119, %dma_start3A_120] : memref<2x128x64xf32, #tpu.memory_space<vmem>> -> memref<1x128x64xf32, #tpu.memory_space<vmem>>
        %dma_start3A_122 = tpu.memref_squeeze %dma_start3A_121 : memref<1x128x64xf32, #tpu.memory_space<vmem>> -> memref<128x64xf32, #tpu.memory_space<vmem>>
        %dma_start3A_123 = arith.constant 0 : i32
        %dma_start3A_124 = tpu.memref_slice %arg6[%add3A_117, %dma_start3A_123] : memref<80x128xi32, #tpu.memory_space<vmem>> -> memref<1x128xi32, #tpu.memory_space<vmem>>
        %dma_start3A_125 = tpu.memref_squeeze %dma_start3A_124 : memref<1x128xi32, #tpu.memory_space<vmem>> -> memref<128xi32, #tpu.memory_space<vmem>>
        %dma_start3A_126 = arith.constant 0 : i32
        %dma_start3A_127 = arith.constant 0 : i32
        %dma_start3A_128 = tpu.memref_slice %arg2[%dma_start3A_126, %dma_start3A_127] : memref<10240x64xf32, #tpu.memory_space<hbm>> -> memref<10240x64xf32, #tpu.memory_space<hbm>>
        tpu.enqueue_indirect_dma source(%dma_start3A_128 : memref<10240x64xf32, #tpu.memory_space<hbm>>) target(%dma_start3A_122 : memref<128x64xf32, #tpu.memory_space<vmem>>) offsets(%dma_start3A_125 : memref<128xi32, #tpu.memory_space<vmem>>) semaphore(%arg11 : memref<!tpu.dma_semaphore, #tpu.memory_space<semaphore_mem>>)
      } else {
      }
      %add3A_93 = arith.constant 1 : i32
      %add3A_94 = arith.addi %add3A_78, %add3A_93 : i32
      %dma_wait3A_95 = arith.constant 1 : i32
      %dma_wait3A_96 = arith.constant 0 : i32
      %dma_wait3A_97 = arith.constant 0 : i32
      %dma_wait3A_98 = tpu.memref_slice %arg8[%dma_wait3A_95, %dma_wait3A_96, %dma_wait3A_97] : memref<2x128x64xf32, #tpu.memory_space<vmem>> -> memref<1x128x64xf32, #tpu.memory_space<vmem>>
      %dma_wait3A_99 = tpu.memref_squeeze %dma_wait3A_98 : memref<1x128x64xf32, #tpu.memory_space<vmem>> -> memref<128x64xf32, #tpu.memory_space<vmem>>
      %dma_wait3A_100 = arith.constant 0 : i32
      %dma_wait3A_101 = tpu.memref_slice %arg6[%add3A_94, %dma_wait3A_100] : memref<80x128xi32, #tpu.memory_space<vmem>> -> memref<1x128xi32, #tpu.memory_space<vmem>>
      %dma_wait3A_102 = tpu.memref_squeeze %dma_wait3A_101 : memref<1x128xi32, #tpu.memory_space<vmem>> -> memref<128xi32, #tpu.memory_space<vmem>>
      %dma_wait3A_103 = arith.constant 0 : i32
      %dma_wait3A_104 = arith.constant 0 : i32
      %dma_wait3A_105 = tpu.memref_slice %arg2[%dma_wait3A_103, %dma_wait3A_104] : memref<10240x64xf32, #tpu.memory_space<hbm>> -> memref<10240x64xf32, #tpu.memory_space<hbm>>
      tpu.wait_indirect_dma semaphore(%arg12 : memref<!tpu.dma_semaphore, #tpu.memory_space<semaphore_mem>>) src(%dma_wait3A_105 : memref<10240x64xf32, #tpu.memory_space<hbm>>) dst(%dma_wait3A_99 : memref<128x64xf32, #tpu.memory_space<vmem>>)
      %add3A_106 = arith.constant 1 : i32
      %add3A_107 = arith.addi %add3A_78, %add3A_106 : i32
      %run_scoped3A_108 = arith.constant 1 : i32
      "tpu.region"() ({
        %run_scoped3A_116 = tpu.sem_alloc : memref<!tpu.dma_semaphore, #tpu.memory_space<semaphore_mem>>
        %dma_start3A_117 = arith.constant 0 : i32
        %dma_start3A_118 = arith.constant 0 : i32
        %dma_start3A_119 = tpu.memref_slice %arg8[%run_scoped3A_108, %dma_start3A_117, %dma_start3A_118] : memref<2x128x64xf32, #tpu.memory_space<vmem>> -> memref<1x128x64xf32, #tpu.memory_space<vmem>>
        %dma_start3A_120 = tpu.memref_squeeze %dma_start3A_119 : memref<1x128x64xf32, #tpu.memory_space<vmem>> -> memref<128x64xf32, #tpu.memory_space<vmem>>
        %dma_start3A_121 = arith.constant 0 : i32
        %dma_start3A_122 = tpu.memref_slice %arg7[%add3A_107, %dma_start3A_121] : memref<80x128xi32, #tpu.memory_space<vmem>> -> memref<1x128xi32, #tpu.memory_space<vmem>>
        %dma_start3A_123 = tpu.memref_squeeze %dma_start3A_122 : memref<1x128xi32, #tpu.memory_space<vmem>> -> memref<128xi32, #tpu.memory_space<vmem>>
        %dma_start3A_124 = arith.constant 0 : i32
        %dma_start3A_125 = arith.constant 0 : i32
        %dma_start3A_126 = tpu.memref_slice %arg10[%dma_start3A_124, %dma_start3A_125] : memref<10240x64xf32, #tpu.memory_space<vmem_shared>> -> memref<10240x64xf32, #tpu.memory_space<vmem_shared>>
        tpu.enqueue_indirect_dma source(%dma_start3A_120 : memref<128x64xf32, #tpu.memory_space<vmem>>) target(%dma_start3A_126 : memref<10240x64xf32, #tpu.memory_space<vmem_shared>>) offsets(%dma_start3A_123 : memref<128xi32, #tpu.memory_space<vmem>>) semaphore(%run_scoped3A_116 : memref<!tpu.dma_semaphore, #tpu.memory_space<semaphore_mem>>) {add = true}
        %dma_wait3A_127 = arith.constant 0 : i32
        %dma_wait3A_128 = arith.constant 0 : i32
        %dma_wait3A_129 = tpu.memref_slice %arg8[%run_scoped3A_108, %dma_wait3A_127, %dma_wait3A_128] : memref<2x128x64xf32, #tpu.memory_space<vmem>> -> memref<1x128x64xf32, #tpu.memory_space<vmem>>
        %dma_wait3A_130 = tpu.memref_squeeze %dma_wait3A_129 : memref<1x128x64xf32, #tpu.memory_space<vmem>> -> memref<128x64xf32, #tpu.memory_space<vmem>>
        %dma_wait3A_131 = arith.constant 0 : i32
        %dma_wait3A_132 = tpu.memref_slice %arg7[%add3A_107, %dma_wait3A_131] : memref<80x128xi32, #tpu.memory_space<vmem>> -> memref<1x128xi32, #tpu.memory_space<vmem>>
        %dma_wait3A_133 = tpu.memref_squeeze %dma_wait3A_132 : memref<1x128xi32, #tpu.memory_space<vmem>> -> memref<128xi32, #tpu.memory_space<vmem>>
        %dma_wait3A_134 = arith.constant 0 : i32
        %dma_wait3A_135 = arith.constant 0 : i32
        %dma_wait3A_136 = tpu.memref_slice %arg10[%dma_wait3A_134, %dma_wait3A_135] : memref<10240x64xf32, #tpu.memory_space<vmem_shared>> -> memref<10240x64xf32, #tpu.memory_space<vmem_shared>>
        tpu.wait_indirect_dma semaphore(%run_scoped3A_116 : memref<!tpu.dma_semaphore, #tpu.memory_space<semaphore_mem>>) src(%dma_wait3A_130 : memref<128x64xf32, #tpu.memory_space<vmem>>) dst(%dma_wait3A_136 : memref<10240x64xf32, #tpu.memory_space<vmem_shared>>)
        tpu.yield
      }) : () -> ()
      %add3A_109 = arith.constant 3 : i32
      %add3A_110 = arith.addi %add3A_78, %add3A_109 : i32
      %lt3A_111 = arith.constant 80 : i32
      %lt3A_112 = arith.cmpi slt, %add3A_110, %lt3A_111 : i32
      %convert_element_type3A_113 = arith.extui %lt3A_112 : i1 to i32
      %cond3A_114 = arith.constant 0 : i32
      %cond3A_115 = arith.cmpi ne, %convert_element_type3A_113, %cond3A_114 : i32
      scf.if %cond3A_115 {
        %add3A_116 = arith.constant 3 : i32
        %add3A_117 = arith.addi %add3A_78, %add3A_116 : i32
        %dma_start3A_118 = arith.constant 1 : i32
        %dma_start3A_119 = arith.constant 0 : i32
        %dma_start3A_120 = arith.constant 0 : i32
        %dma_start3A_121 = tpu.memref_slice %arg8[%dma_start3A_118, %dma_start3A_119, %dma_start3A_120] : memref<2x128x64xf32, #tpu.memory_space<vmem>> -> memref<1x128x64xf32, #tpu.memory_space<vmem>>
        %dma_start3A_122 = tpu.memref_squeeze %dma_start3A_121 : memref<1x128x64xf32, #tpu.memory_space<vmem>> -> memref<128x64xf32, #tpu.memory_space<vmem>>
        %dma_start3A_123 = arith.constant 0 : i32
        %dma_start3A_124 = tpu.memref_slice %arg6[%add3A_117, %dma_start3A_123] : memref<80x128xi32, #tpu.memory_space<vmem>> -> memref<1x128xi32, #tpu.memory_space<vmem>>
        %dma_start3A_125 = tpu.memref_squeeze %dma_start3A_124 : memref<1x128xi32, #tpu.memory_space<vmem>> -> memref<128xi32, #tpu.memory_space<vmem>>
        %dma_start3A_126 = arith.constant 0 : i32
        %dma_start3A_127 = arith.constant 0 : i32
        %dma_start3A_128 = tpu.memref_slice %arg2[%dma_start3A_126, %dma_start3A_127] : memref<10240x64xf32, #tpu.memory_space<hbm>> -> memref<10240x64xf32, #tpu.memory_space<hbm>>
        tpu.enqueue_indirect_dma source(%dma_start3A_128 : memref<10240x64xf32, #tpu.memory_space<hbm>>) target(%dma_start3A_122 : memref<128x64xf32, #tpu.memory_space<vmem>>) offsets(%dma_start3A_125 : memref<128xi32, #tpu.memory_space<vmem>>) semaphore(%arg12 : memref<!tpu.dma_semaphore, #tpu.memory_space<semaphore_mem>>)
      } else {
      }
    }
    %scan3A_52 = arith.constant 40 : i32
    %barrier3A_53 = arith.constant 0 : index
    tpu.barrier barrier_id(%barrier3A_53)
    %mul3A_54 = arith.constant 640 : i32
    %mul3A_55 = arith.muli %arg1, %mul3A_54 : i32
    %add3A_56 = arith.constant 0 : i32
    %add3A_57 = arith.addi %mul3A_55, %add3A_56 : i32
    "tpu.region"() ({
      %run_scoped3A = tpu.sem_alloc : memref<!tpu.dma_semaphore, #tpu.memory_space<semaphore_mem>>
      %dma_start3A_74 = arith.constant 0 : i32
      %dma_start3A_75 = tpu.memref_slice %arg10[%add3A_57, %dma_start3A_74] : memref<10240x64xf32, #tpu.memory_space<vmem_shared>> -> memref<128x64xf32, #tpu.memory_space<vmem_shared>>
      %dma_start3A_76 = arith.constant 0 : i32
      %dma_start3A_77 = tpu.memref_slice %arg10[%add3A_57, %dma_start3A_76] : memref<10240x64xf32, #tpu.memory_space<vmem_shared>> -> memref<128x64xf32, #tpu.memory_space<vmem_shared>>
      tpu.enqueue_dma source(%dma_start3A_77 : memref<128x64xf32, #tpu.memory_space<vmem_shared>>) target(%arg9 : memref<128x64xf32, #tpu.memory_space<vmem>>) target_semaphore(%run_scoped3A : memref<!tpu.dma_semaphore, #tpu.memory_space<semaphore_mem>>)
      %dma_wait3A = arith.constant 0 : i32
      %dma_wait3A_78 = tpu.memref_slice %arg10[%add3A_57, %dma_wait3A] : memref<10240x64xf32, #tpu.memory_space<vmem_shared>> -> memref<128x64xf32, #tpu.memory_space<vmem_shared>>
      %dma_wait3A_79 = arith.constant 0 : i32
      %dma_wait3A_80 = tpu.memref_slice %arg10[%add3A_57, %dma_wait3A_79] : memref<10240x64xf32, #tpu.memory_space<vmem_shared>> -> memref<128x64xf32, #tpu.memory_space<vmem_shared>>
      tpu.wait_dma2 semaphore(%run_scoped3A : memref<!tpu.dma_semaphore, #tpu.memory_space<semaphore_mem>>) src(%dma_wait3A_80 : memref<128x64xf32, #tpu.memory_space<vmem_shared>>) dst(%arg9 : memref<128x64xf32, #tpu.memory_space<vmem>>)
      tpu.yield
    }) : () -> ()
    "tpu.region"() ({
      %run_scoped3A = tpu.sem_alloc : memref<!tpu.dma_semaphore, #tpu.memory_space<semaphore_mem>>
      %dma_start3A_74 = arith.constant 0 : i32
      %dma_start3A_75 = tpu.memref_slice %arg5[%arg0, %add3A_57, %dma_start3A_74] : memref<2x10240x64xf32, #tpu.memory_space<hbm>> -> memref<1x128x64xf32, #tpu.memory_space<hbm>>
      %dma_start3A_76 = tpu.memref_squeeze %dma_start3A_75 : memref<1x128x64xf32, #tpu.memory_space<hbm>> -> memref<128x64xf32, #tpu.memory_space<hbm>>
      %dma_start3A_77 = arith.constant 0 : i32
      %dma_start3A_78 = tpu.memref_slice %arg5[%arg0, %add3A_57, %dma_start3A_77] : memref<2x10240x64xf32, #tpu.memory_space<hbm>> -> memref<1x128x64xf32, #tpu.memory_space<hbm>>
      %dma_start3A_79 = tpu.memref_squeeze %dma_start3A_78 : memref<1x128x64xf32, #tpu.memory_space<hbm>> -> memref<128x64xf32, #tpu.memory_space<hbm>>
      tpu.enqueue_dma source(%arg9 : memref<128x64xf32, #tpu.memory_space<vmem>>) target(%dma_start3A_79 : memref<128x64xf32, #tpu.memory_space<hbm>>) target_semaphore(%run_scoped3A : memref<!tpu.dma_semaphore, #tpu.memory_space<semaphore_mem>>)
      %dma_wait3A = arith.constant 0 : i32
      %dma_wait3A_80 = tpu.memref_slice %arg5[%arg0, %add3A_57, %dma_wait3A] : memref<2x10240x64xf32, #tpu.memory_space<hbm>> -> memref<1x128x64xf32, #tpu.memory_space<hbm>>
      %dma_wait3A_81 = tpu.memref_squeeze %dma_wait3A_80 : memref<1x128x64xf32, #tpu.memory_space<hbm>> -> memref<128x64xf32, #tpu.memory_space<hbm>>
      %dma_wait3A_82 = arith.constant 0 : i32
      %dma_wait3A_83 = tpu.memref_slice %arg5[%arg0, %add3A_57, %dma_wait3A_82] : memref<2x10240x64xf32, #tpu.memory_space<hbm>> -> memref<1x128x64xf32, #tpu.memory_space<hbm>>
      %dma_wait3A_84 = tpu.memref_squeeze %dma_wait3A_83 : memref<1x128x64xf32, #tpu.memory_space<hbm>> -> memref<128x64xf32, #tpu.memory_space<hbm>>
      tpu.wait_dma2 semaphore(%run_scoped3A : memref<!tpu.dma_semaphore, #tpu.memory_space<semaphore_mem>>) src(%arg9 : memref<128x64xf32, #tpu.memory_space<vmem>>) dst(%dma_wait3A_84 : memref<128x64xf32, #tpu.memory_space<hbm>>)
      tpu.yield
    }) : () -> ()
    %mul3A_58 = arith.constant 640 : i32
    %mul3A_59 = arith.muli %arg1, %mul3A_58 : i32
    %add3A_60 = arith.constant 128 : i32
    %add3A_61 = arith.addi %mul3A_59, %add3A_60 : i32
    "tpu.region"() ({
      %run_scoped3A = tpu.sem_alloc : memref<!tpu.dma_semaphore, #tpu.memory_space<semaphore_mem>>
      %dma_start3A_74 = arith.constant 0 : i32
      %dma_start3A_75 = tpu.memref_slice %arg10[%add3A_61, %dma_start3A_74] : memref<10240x64xf32, #tpu.memory_space<vmem_shared>> -> memref<128x64xf32, #tpu.memory_space<vmem_shared>>
      %dma_start3A_76 = arith.constant 0 : i32
      %dma_start3A_77 = tpu.memref_slice %arg10[%add3A_61, %dma_start3A_76] : memref<10240x64xf32, #tpu.memory_space<vmem_shared>> -> memref<128x64xf32, #tpu.memory_space<vmem_shared>>
      tpu.enqueue_dma source(%dma_start3A_77 : memref<128x64xf32, #tpu.memory_space<vmem_shared>>) target(%arg9 : memref<128x64xf32, #tpu.memory_space<vmem>>) target_semaphore(%run_scoped3A : memref<!tpu.dma_semaphore, #tpu.memory_space<semaphore_mem>>)
      %dma_wait3A = arith.constant 0 : i32
      %dma_wait3A_78 = tpu.memref_slice %arg10[%add3A_61, %dma_wait3A] : memref<10240x64xf32, #tpu.memory_space<vmem_shared>> -> memref<128x64xf32, #tpu.memory_space<vmem_shared>>
      %dma_wait3A_79 = arith.constant 0 : i32
      %dma_wait3A_80 = tpu.memref_slice %arg10[%add3A_61, %dma_wait3A_79] : memref<10240x64xf32, #tpu.memory_space<vmem_shared>> -> memref<128x64xf32, #tpu.memory_space<vmem_shared>>
      tpu.wait_dma2 semaphore(%run_scoped3A : memref<!tpu.dma_semaphore, #tpu.memory_space<semaphore_mem>>) src(%dma_wait3A_80 : memref<128x64xf32, #tpu.memory_space<vmem_shared>>) dst(%arg9 : memref<128x64xf32, #tpu.memory_space<vmem>>)
      tpu.yield
    }) : () -> ()
    "tpu.region"() ({
      %run_scoped3A = tpu.sem_alloc : memref<!tpu.dma_semaphore, #tpu.memory_space<semaphore_mem>>
      %dma_start3A_74 = arith.constant 0 : i32
      %dma_start3A_75 = tpu.memref_slice %arg5[%arg0, %add3A_61, %dma_start3A_74] : memref<2x10240x64xf32, #tpu.memory_space<hbm>> -> memref<1x128x64xf32, #tpu.memory_space<hbm>>
      %dma_start3A_76 = tpu.memref_squeeze %dma_start3A_75 : memref<1x128x64xf32, #tpu.memory_space<hbm>> -> memref<128x64xf32, #tpu.memory_space<hbm>>
      %dma_start3A_77 = arith.constant 0 : i32
      %dma_start3A_78 = tpu.memref_slice %arg5[%arg0, %add3A_61, %dma_start3A_77] : memref<2x10240x64xf32, #tpu.memory_space<hbm>> -> memref<1x128x64xf32, #tpu.memory_space<hbm>>
      %dma_start3A_79 = tpu.memref_squeeze %dma_start3A_78 : memref<1x128x64xf32, #tpu.memory_space<hbm>> -> memref<128x64xf32, #tpu.memory_space<hbm>>
      tpu.enqueue_dma source(%arg9 : memref<128x64xf32, #tpu.memory_space<vmem>>) target(%dma_start3A_79 : memref<128x64xf32, #tpu.memory_space<hbm>>) target_semaphore(%run_scoped3A : memref<!tpu.dma_semaphore, #tpu.memory_space<semaphore_mem>>)
      %dma_wait3A = arith.constant 0 : i32
      %dma_wait3A_80 = tpu.memref_slice %arg5[%arg0, %add3A_61, %dma_wait3A] : memref<2x10240x64xf32, #tpu.memory_space<hbm>> -> memref<1x128x64xf32, #tpu.memory_space<hbm>>
      %dma_wait3A_81 = tpu.memref_squeeze %dma_wait3A_80 : memref<1x128x64xf32, #tpu.memory_space<hbm>> -> memref<128x64xf32, #tpu.memory_space<hbm>>
      %dma_wait3A_82 = arith.constant 0 : i32
      %dma_wait3A_83 = tpu.memref_slice %arg5[%arg0, %add3A_61, %dma_wait3A_82] : memref<2x10240x64xf32, #tpu.memory_space<hbm>> -> memref<1x128x64xf32, #tpu.memory_space<hbm>>
      %dma_wait3A_84 = tpu.memref_squeeze %dma_wait3A_83 : memref<1x128x64xf32, #tpu.memory_space<hbm>> -> memref<128x64xf32, #tpu.memory_space<hbm>>
      tpu.wait_dma2 semaphore(%run_scoped3A : memref<!tpu.dma_semaphore, #tpu.memory_space<semaphore_mem>>) src(%arg9 : memref<128x64xf32, #tpu.memory_space<vmem>>) dst(%dma_wait3A_84 : memref<128x64xf32, #tpu.memory_space<hbm>>)
      tpu.yield
    }) : () -> ()
    %mul3A_62 = arith.constant 640 : i32
    %mul3A_63 = arith.muli %arg1, %mul3A_62 : i32
    %add3A_64 = arith.constant 256 : i32
    %add3A_65 = arith.addi %mul3A_63, %add3A_64 : i32
    "tpu.region"() ({
      %run_scoped3A = tpu.sem_alloc : memref<!tpu.dma_semaphore, #tpu.memory_space<semaphore_mem>>
      %dma_start3A_74 = arith.constant 0 : i32
      %dma_start3A_75 = tpu.memref_slice %arg10[%add3A_65, %dma_start3A_74] : memref<10240x64xf32, #tpu.memory_space<vmem_shared>> -> memref<128x64xf32, #tpu.memory_space<vmem_shared>>
      %dma_start3A_76 = arith.constant 0 : i32
      %dma_start3A_77 = tpu.memref_slice %arg10[%add3A_65, %dma_start3A_76] : memref<10240x64xf32, #tpu.memory_space<vmem_shared>> -> memref<128x64xf32, #tpu.memory_space<vmem_shared>>
      tpu.enqueue_dma source(%dma_start3A_77 : memref<128x64xf32, #tpu.memory_space<vmem_shared>>) target(%arg9 : memref<128x64xf32, #tpu.memory_space<vmem>>) target_semaphore(%run_scoped3A : memref<!tpu.dma_semaphore, #tpu.memory_space<semaphore_mem>>)
      %dma_wait3A = arith.constant 0 : i32
      %dma_wait3A_78 = tpu.memref_slice %arg10[%add3A_65, %dma_wait3A] : memref<10240x64xf32, #tpu.memory_space<vmem_shared>> -> memref<128x64xf32, #tpu.memory_space<vmem_shared>>
      %dma_wait3A_79 = arith.constant 0 : i32
      %dma_wait3A_80 = tpu.memref_slice %arg10[%add3A_65, %dma_wait3A_79] : memref<10240x64xf32, #tpu.memory_space<vmem_shared>> -> memref<128x64xf32, #tpu.memory_space<vmem_shared>>
      tpu.wait_dma2 semaphore(%run_scoped3A : memref<!tpu.dma_semaphore, #tpu.memory_space<semaphore_mem>>) src(%dma_wait3A_80 : memref<128x64xf32, #tpu.memory_space<vmem_shared>>) dst(%arg9 : memref<128x64xf32, #tpu.memory_space<vmem>>)
      tpu.yield
    }) : () -> ()
    "tpu.region"() ({
      %run_scoped3A = tpu.sem_alloc : memref<!tpu.dma_semaphore, #tpu.memory_space<semaphore_mem>>
      %dma_start3A_74 = arith.constant 0 : i32
      %dma_start3A_75 = tpu.memref_slice %arg5[%arg0, %add3A_65, %dma_start3A_74] : memref<2x10240x64xf32, #tpu.memory_space<hbm>> -> memref<1x128x64xf32, #tpu.memory_space<hbm>>
      %dma_start3A_76 = tpu.memref_squeeze %dma_start3A_75 : memref<1x128x64xf32, #tpu.memory_space<hbm>> -> memref<128x64xf32, #tpu.memory_space<hbm>>
      %dma_start3A_77 = arith.constant 0 : i32
      %dma_start3A_78 = tpu.memref_slice %arg5[%arg0, %add3A_65, %dma_start3A_77] : memref<2x10240x64xf32, #tpu.memory_space<hbm>> -> memref<1x128x64xf32, #tpu.memory_space<hbm>>
      %dma_start3A_79 = tpu.memref_squeeze %dma_start3A_78 : memref<1x128x64xf32, #tpu.memory_space<hbm>> -> memref<128x64xf32, #tpu.memory_space<hbm>>
      tpu.enqueue_dma source(%arg9 : memref<128x64xf32, #tpu.memory_space<vmem>>) target(%dma_start3A_79 : memref<128x64xf32, #tpu.memory_space<hbm>>) target_semaphore(%run_scoped3A : memref<!tpu.dma_semaphore, #tpu.memory_space<semaphore_mem>>)
      %dma_wait3A = arith.constant 0 : i32
      %dma_wait3A_80 = tpu.memref_slice %arg5[%arg0, %add3A_65, %dma_wait3A] : memref<2x10240x64xf32, #tpu.memory_space<hbm>> -> memref<1x128x64xf32, #tpu.memory_space<hbm>>
      %dma_wait3A_81 = tpu.memref_squeeze %dma_wait3A_80 : memref<1x128x64xf32, #tpu.memory_space<hbm>> -> memref<128x64xf32, #tpu.memory_space<hbm>>
      %dma_wait3A_82 = arith.constant 0 : i32
      %dma_wait3A_83 = tpu.memref_slice %arg5[%arg0, %add3A_65, %dma_wait3A_82] : memref<2x10240x64xf32, #tpu.memory_space<hbm>> -> memref<1x128x64xf32, #tpu.memory_space<hbm>>
      %dma_wait3A_84 = tpu.memref_squeeze %dma_wait3A_83 : memref<1x128x64xf32, #tpu.memory_space<hbm>> -> memref<128x64xf32, #tpu.memory_space<hbm>>
      tpu.wait_dma2 semaphore(%run_scoped3A : memref<!tpu.dma_semaphore, #tpu.memory_space<semaphore_mem>>) src(%arg9 : memref<128x64xf32, #tpu.memory_space<vmem>>) dst(%dma_wait3A_84 : memref<128x64xf32, #tpu.memory_space<hbm>>)
      tpu.yield
    }) : () -> ()
    %mul3A_66 = arith.constant 640 : i32
    %mul3A_67 = arith.muli %arg1, %mul3A_66 : i32
    %add3A_68 = arith.constant 384 : i32
    %add3A_69 = arith.addi %mul3A_67, %add3A_68 : i32
    "tpu.region"() ({
      %run_scoped3A = tpu.sem_alloc : memref<!tpu.dma_semaphore, #tpu.memory_space<semaphore_mem>>
      %dma_start3A_74 = arith.constant 0 : i32
      %dma_start3A_75 = tpu.memref_slice %arg10[%add3A_69, %dma_start3A_74] : memref<10240x64xf32, #tpu.memory_space<vmem_shared>> -> memref<128x64xf32, #tpu.memory_space<vmem_shared>>
      %dma_start3A_76 = arith.constant 0 : i32
      %dma_start3A_77 = tpu.memref_slice %arg10[%add3A_69, %dma_start3A_76] : memref<10240x64xf32, #tpu.memory_space<vmem_shared>> -> memref<128x64xf32, #tpu.memory_space<vmem_shared>>
      tpu.enqueue_dma source(%dma_start3A_77 : memref<128x64xf32, #tpu.memory_space<vmem_shared>>) target(%arg9 : memref<128x64xf32, #tpu.memory_space<vmem>>) target_semaphore(%run_scoped3A : memref<!tpu.dma_semaphore, #tpu.memory_space<semaphore_mem>>)
      %dma_wait3A = arith.constant 0 : i32
      %dma_wait3A_78 = tpu.memref_slice %arg10[%add3A_69, %dma_wait3A] : memref<10240x64xf32, #tpu.memory_space<vmem_shared>> -> memref<128x64xf32, #tpu.memory_space<vmem_shared>>
      %dma_wait3A_79 = arith.constant 0 : i32
      %dma_wait3A_80 = tpu.memref_slice %arg10[%add3A_69, %dma_wait3A_79] : memref<10240x64xf32, #tpu.memory_space<vmem_shared>> -> memref<128x64xf32, #tpu.memory_space<vmem_shared>>
      tpu.wait_dma2 semaphore(%run_scoped3A : memref<!tpu.dma_semaphore, #tpu.memory_space<semaphore_mem>>) src(%dma_wait3A_80 : memref<128x64xf32, #tpu.memory_space<vmem_shared>>) dst(%arg9 : memref<128x64xf32, #tpu.memory_space<vmem>>)
      tpu.yield
    }) : () -> ()
    "tpu.region"() ({
      %run_scoped3A = tpu.sem_alloc : memref<!tpu.dma_semaphore, #tpu.memory_space<semaphore_mem>>
      %dma_start3A_74 = arith.constant 0 : i32
      %dma_start3A_75 = tpu.memref_slice %arg5[%arg0, %add3A_69, %dma_start3A_74] : memref<2x10240x64xf32, #tpu.memory_space<hbm>> -> memref<1x128x64xf32, #tpu.memory_space<hbm>>
      %dma_start3A_76 = tpu.memref_squeeze %dma_start3A_75 : memref<1x128x64xf32, #tpu.memory_space<hbm>> -> memref<128x64xf32, #tpu.memory_space<hbm>>
      %dma_start3A_77 = arith.constant 0 : i32
      %dma_start3A_78 = tpu.memref_slice %arg5[%arg0, %add3A_69, %dma_start3A_77] : memref<2x10240x64xf32, #tpu.memory_space<hbm>> -> memref<1x128x64xf32, #tpu.memory_space<hbm>>
      %dma_start3A_79 = tpu.memref_squeeze %dma_start3A_78 : memref<1x128x64xf32, #tpu.memory_space<hbm>> -> memref<128x64xf32, #tpu.memory_space<hbm>>
      tpu.enqueue_dma source(%arg9 : memref<128x64xf32, #tpu.memory_space<vmem>>) target(%dma_start3A_79 : memref<128x64xf32, #tpu.memory_space<hbm>>) target_semaphore(%run_scoped3A : memref<!tpu.dma_semaphore, #tpu.memory_space<semaphore_mem>>)
      %dma_wait3A = arith.constant 0 : i32
      %dma_wait3A_80 = tpu.memref_slice %arg5[%arg0, %add3A_69, %dma_wait3A] : memref<2x10240x64xf32, #tpu.memory_space<hbm>> -> memref<1x128x64xf32, #tpu.memory_space<hbm>>
      %dma_wait3A_81 = tpu.memref_squeeze %dma_wait3A_80 : memref<1x128x64xf32, #tpu.memory_space<hbm>> -> memref<128x64xf32, #tpu.memory_space<hbm>>
      %dma_wait3A_82 = arith.constant 0 : i32
      %dma_wait3A_83 = tpu.memref_slice %arg5[%arg0, %add3A_69, %dma_wait3A_82] : memref<2x10240x64xf32, #tpu.memory_space<hbm>> -> memref<1x128x64xf32, #tpu.memory_space<hbm>>
      %dma_wait3A_84 = tpu.memref_squeeze %dma_wait3A_83 : memref<1x128x64xf32, #tpu.memory_space<hbm>> -> memref<128x64xf32, #tpu.memory_space<hbm>>
      tpu.wait_dma2 semaphore(%run_scoped3A : memref<!tpu.dma_semaphore, #tpu.memory_space<semaphore_mem>>) src(%arg9 : memref<128x64xf32, #tpu.memory_space<vmem>>) dst(%dma_wait3A_84 : memref<128x64xf32, #tpu.memory_space<hbm>>)
      tpu.yield
    }) : () -> ()
    %mul3A_70 = arith.constant 640 : i32
    %mul3A_71 = arith.muli %arg1, %mul3A_70 : i32
    %add3A_72 = arith.constant 512 : i32
    %add3A_73 = arith.addi %mul3A_71, %add3A_72 : i32
    "tpu.region"() ({
      %run_scoped3A = tpu.sem_alloc : memref<!tpu.dma_semaphore, #tpu.memory_space<semaphore_mem>>
      %dma_start3A_74 = arith.constant 0 : i32
      %dma_start3A_75 = tpu.memref_slice %arg10[%add3A_73, %dma_start3A_74] : memref<10240x64xf32, #tpu.memory_space<vmem_shared>> -> memref<128x64xf32, #tpu.memory_space<vmem_shared>>
      %dma_start3A_76 = arith.constant 0 : i32
      %dma_start3A_77 = tpu.memref_slice %arg10[%add3A_73, %dma_start3A_76] : memref<10240x64xf32, #tpu.memory_space<vmem_shared>> -> memref<128x64xf32, #tpu.memory_space<vmem_shared>>
      tpu.enqueue_dma source(%dma_start3A_77 : memref<128x64xf32, #tpu.memory_space<vmem_shared>>) target(%arg9 : memref<128x64xf32, #tpu.memory_space<vmem>>) target_semaphore(%run_scoped3A : memref<!tpu.dma_semaphore, #tpu.memory_space<semaphore_mem>>)
      %dma_wait3A = arith.constant 0 : i32
      %dma_wait3A_78 = tpu.memref_slice %arg10[%add3A_73, %dma_wait3A] : memref<10240x64xf32, #tpu.memory_space<vmem_shared>> -> memref<128x64xf32, #tpu.memory_space<vmem_shared>>
      %dma_wait3A_79 = arith.constant 0 : i32
      %dma_wait3A_80 = tpu.memref_slice %arg10[%add3A_73, %dma_wait3A_79] : memref<10240x64xf32, #tpu.memory_space<vmem_shared>> -> memref<128x64xf32, #tpu.memory_space<vmem_shared>>
      tpu.wait_dma2 semaphore(%run_scoped3A : memref<!tpu.dma_semaphore, #tpu.memory_space<semaphore_mem>>) src(%dma_wait3A_80 : memref<128x64xf32, #tpu.memory_space<vmem_shared>>) dst(%arg9 : memref<128x64xf32, #tpu.memory_space<vmem>>)
      tpu.yield
    }) : () -> ()
    "tpu.region"() ({
      %run_scoped3A = tpu.sem_alloc : memref<!tpu.dma_semaphore, #tpu.memory_space<semaphore_mem>>
      %dma_start3A_74 = arith.constant 0 : i32
      %dma_start3A_75 = tpu.memref_slice %arg5[%arg0, %add3A_73, %dma_start3A_74] : memref<2x10240x64xf32, #tpu.memory_space<hbm>> -> memref<1x128x64xf32, #tpu.memory_space<hbm>>
      %dma_start3A_76 = tpu.memref_squeeze %dma_start3A_75 : memref<1x128x64xf32, #tpu.memory_space<hbm>> -> memref<128x64xf32, #tpu.memory_space<hbm>>
      %dma_start3A_77 = arith.constant 0 : i32
      %dma_start3A_78 = tpu.memref_slice %arg5[%arg0, %add3A_73, %dma_start3A_77] : memref<2x10240x64xf32, #tpu.memory_space<hbm>> -> memref<1x128x64xf32, #tpu.memory_space<hbm>>
      %dma_start3A_79 = tpu.memref_squeeze %dma_start3A_78 : memref<1x128x64xf32, #tpu.memory_space<hbm>> -> memref<128x64xf32, #tpu.memory_space<hbm>>
      tpu.enqueue_dma source(%arg9 : memref<128x64xf32, #tpu.memory_space<vmem>>) target(%dma_start3A_79 : memref<128x64xf32, #tpu.memory_space<hbm>>) target_semaphore(%run_scoped3A : memref<!tpu.dma_semaphore, #tpu.memory_space<semaphore_mem>>)
      %dma_wait3A = arith.constant 0 : i32
      %dma_wait3A_80 = tpu.memref_slice %arg5[%arg0, %add3A_73, %dma_wait3A] : memref<2x10240x64xf32, #tpu.memory_space<hbm>> -> memref<1x128x64xf32, #tpu.memory_space<hbm>>
      %dma_wait3A_81 = tpu.memref_squeeze %dma_wait3A_80 : memref<1x128x64xf32, #tpu.memory_space<hbm>> -> memref<128x64xf32, #tpu.memory_space<hbm>>
      %dma_wait3A_82 = arith.constant 0 : i32
      %dma_wait3A_83 = tpu.memref_slice %arg5[%arg0, %add3A_73, %dma_wait3A_82] : memref<2x10240x64xf32, #tpu.memory_space<hbm>> -> memref<1x128x64xf32, #tpu.memory_space<hbm>>
      %dma_wait3A_84 = tpu.memref_squeeze %dma_wait3A_83 : memref<1x128x64xf32, #tpu.memory_space<hbm>> -> memref<128x64xf32, #tpu.memory_space<hbm>>
      tpu.wait_dma2 semaphore(%run_scoped3A : memref<!tpu.dma_semaphore, #tpu.memory_space<semaphore_mem>>) src(%arg9 : memref<128x64xf32, #tpu.memory_space<vmem>>) dst(%dma_wait3A_84 : memref<128x64xf32, #tpu.memory_space<hbm>>)
      tpu.yield
    }) : () -> ()
    return
  }
}

#map = affine_map<(d0, d1) -> (0, 0)>
#map1 = affine_map<(d0, d1) -> (0, 0, 0)>
module attributes {stable_mosaic.version = 14 : i64} {
  func.func @body(%arg0: i32, %arg1: i32, %arg2: memref<10240x64xf32, #tpu.memory_space<hbm>>, %arg3: memref<32x80x128xi32, #tpu.memory_space<hbm>>, %arg4: memref<32x80x128xi32, #tpu.memory_space<hbm>>, %arg5: memref<2x10240x64xf32, #tpu.memory_space<hbm>>, %arg6: memref<80x128xi32, #tpu.memory_space<vmem>>, %arg7: memref<80x128xi32, #tpu.memory_space<vmem>>, %arg8: memref<2x128x64xf32, #tpu.memory_space<vmem>>, %arg9: memref<128x64xf32, #tpu.memory_space<vmem>>, %arg10: memref<10240x64xf32, #tpu.memory_space<vmem_shared>>, %arg11: memref<!tpu.dma_semaphore, #tpu.memory_space<semaphore_mem>>, %arg12: memref<!tpu.dma_semaphore, #tpu.memory_space<semaphore_mem>>, %arg13: memref<!tpu.dma_semaphore, #tpu.memory_space<semaphore_mem>>, %arg14: memref<!tpu.dma_semaphore, #tpu.memory_space<semaphore_mem>>) attributes {dimension_semantics = [#tpu.dimension_semantics<core_parallel>, #tpu.dimension_semantics<subcore_parallel>], iteration_bounds = array<i64: 2, 16>, scalar_prefetch = 0 : i64, scratch_operands = 9 : i64, tpu.core_type = #tpu.core_type<sc_vector_subcore>, window_params = [{transform_indices = #map}, {transform_indices = #map1}, {transform_indices = #map1}, {transform_indices = #map1}]} {
    %mul3A = arith.constant 16 : i32
    %mul3A_0 = arith.muli %arg0, %mul3A : i32
    %add3A = arith.addi %mul3A_0, %arg1 : i32
    "tpu.region"() ({
      %run_scoped3A = tpu.sem_alloc : memref<!tpu.dma_semaphore, #tpu.memory_space<semaphore_mem>>
      %dma_start3A_74 = arith.constant 0 : i32
      %dma_start3A_75 = arith.constant 0 : i32
      %dma_start3A_76 = tpu.memref_slice %arg3[%add3A, %dma_start3A_74, %dma_start3A_75] : memref<32x80x128xi32, #tpu.memory_space<hbm>> -> memref<1x80x128xi32, #tpu.memory_space<hbm>>
      %dma_start3A_77 = tpu.memref_squeeze %dma_start3A_76 : memref<1x80x128xi32, #tpu.memory_space<hbm>> -> memref<80x128xi32, #tpu.memory_space<hbm>>
      %dma_start3A_78 = arith.constant 0 : i32
      %dma_start3A_79 = arith.constant 0 : i32
      %dma_start3A_80 = tpu.memref_slice %arg3[%add3A, %dma_start3A_78, %dma_start3A_79] : memref<32x80x128xi32, #tpu.memory_space<hbm>> -> memref<1x80x128xi32, #tpu.memory_space<hbm>>
      %dma_start3A_81 = tpu.memref_squeeze %dma_start3A_80 : memref<1x80x128xi32, #tpu.memory_space<hbm>> -> memref<80x128xi32, #tpu.memory_space<hbm>>
      tpu.enqueue_dma source(%dma_start3A_81 : memref<80x128xi32, #tpu.memory_space<hbm>>) target(%arg6 : memref<80x128xi32, #tpu.memory_space<vmem>>) target_semaphore(%run_scoped3A : memref<!tpu.dma_semaphore, #tpu.memory_space<semaphore_mem>>)
      %dma_wait3A = arith.constant 0 : i32
      %dma_wait3A_82 = arith.constant 0 : i32
      %dma_wait3A_83 = tpu.memref_slice %arg3[%add3A, %dma_wait3A, %dma_wait3A_82] : memref<32x80x128xi32, #tpu.memory_space<hbm>> -> memref<1x80x128xi32, #tpu.memory_space<hbm>>
      %dma_wait3A_84 = tpu.memref_squeeze %dma_wait3A_83 : memref<1x80x128xi32, #tpu.memory_space<hbm>> -> memref<80x128xi32, #tpu.memory_space<hbm>>
      %dma_wait3A_85 = arith.constant 0 : i32
      %dma_wait3A_86 = arith.constant 0 : i32
      %dma_wait3A_87 = tpu.memref_slice %arg3[%add3A, %dma_wait3A_85, %dma_wait3A_86] : memref<32x80x128xi32, #tpu.memory_space<hbm>> -> memref<1x80x128xi32, #tpu.memory_space<hbm>>
      %dma_wait3A_88 = tpu.memref_squeeze %dma_wait3A_87 : memref<1x80x128xi32, #tpu.memory_space<hbm>> -> memref<80x128xi32, #tpu.memory_space<hbm>>
      tpu.wait_dma2 semaphore(%run_scoped3A : memref<!tpu.dma_semaphore, #tpu.memory_space<semaphore_mem>>) src(%dma_wait3A_88 : memref<80x128xi32, #tpu.memory_space<hbm>>) dst(%arg6 : memref<80x128xi32, #tpu.memory_space<vmem>>)
      tpu.yield
    }) : () -> ()
    "tpu.region"() ({
      %run_scoped3A = tpu.sem_alloc : memref<!tpu.dma_semaphore, #tpu.memory_space<semaphore_mem>>
      %dma_start3A_74 = arith.constant 0 : i32
      %dma_start3A_75 = arith.constant 0 : i32
      %dma_start3A_76 = tpu.memref_slice %arg4[%add3A, %dma_start3A_74, %dma_start3A_75] : memref<32x80x128xi32, #tpu.memory_space<hbm>> -> memref<1x80x128xi32, #tpu.memory_space<hbm>>
      %dma_start3A_77 = tpu.memref_squeeze %dma_start3A_76 : memref<1x80x128xi32, #tpu.memory_space<hbm>> -> memref<80x128xi32, #tpu.memory_space<hbm>>
      %dma_start3A_78 = arith.constant 0 : i32
      %dma_start3A_79 = arith.constant 0 : i32
      %dma_start3A_80 = tpu.memref_slice %arg4[%add3A, %dma_start3A_78, %dma_start3A_79] : memref<32x80x128xi32, #tpu.memory_space<hbm>> -> memref<1x80x128xi32, #tpu.memory_space<hbm>>
      %dma_start3A_81 = tpu.memref_squeeze %dma_start3A_80 : memref<1x80x128xi32, #tpu.memory_space<hbm>> -> memref<80x128xi32, #tpu.memory_space<hbm>>
      tpu.enqueue_dma source(%dma_start3A_81 : memref<80x128xi32, #tpu.memory_space<hbm>>) target(%arg7 : memref<80x128xi32, #tpu.memory_space<vmem>>) target_semaphore(%run_scoped3A : memref<!tpu.dma_semaphore, #tpu.memory_space<semaphore_mem>>)
      %dma_wait3A = arith.constant 0 : i32
      %dma_wait3A_82 = arith.constant 0 : i32
      %dma_wait3A_83 = tpu.memref_slice %arg4[%add3A, %dma_wait3A, %dma_wait3A_82] : memref<32x80x128xi32, #tpu.memory_space<hbm>> -> memref<1x80x128xi32, #tpu.memory_space<hbm>>
      %dma_wait3A_84 = tpu.memref_squeeze %dma_wait3A_83 : memref<1x80x128xi32, #tpu.memory_space<hbm>> -> memref<80x128xi32, #tpu.memory_space<hbm>>
      %dma_wait3A_85 = arith.constant 0 : i32
      %dma_wait3A_86 = arith.constant 0 : i32
      %dma_wait3A_87 = tpu.memref_slice %arg4[%add3A, %dma_wait3A_85, %dma_wait3A_86] : memref<32x80x128xi32, #tpu.memory_space<hbm>> -> memref<1x80x128xi32, #tpu.memory_space<hbm>>
      %dma_wait3A_88 = tpu.memref_squeeze %dma_wait3A_87 : memref<1x80x128xi32, #tpu.memory_space<hbm>> -> memref<80x128xi32, #tpu.memory_space<hbm>>
      tpu.wait_dma2 semaphore(%run_scoped3A : memref<!tpu.dma_semaphore, #tpu.memory_space<semaphore_mem>>) src(%dma_wait3A_88 : memref<80x128xi32, #tpu.memory_space<hbm>>) dst(%arg7 : memref<80x128xi32, #tpu.memory_space<vmem>>)
      tpu.yield
    }) : () -> ()
    %scan3A = arith.constant 0 : i32
    %scan3A_1 = arith.constant 128 : i32
    %scan3A_2 = arith.addi %scan3A, %scan3A_1 : i32
    %scan3A_3 = arith.constant 1 : i32
    scf.for %scan3A_74 = %scan3A to %scan3A_2 step %scan3A_3  : i32 {
      %mul3A_75 = arith.constant 1 : i32
      %mul3A_76 = arith.muli %scan3A_74, %mul3A_75 : i32
      %add3A_77 = arith.constant 0 : i32
      %add3A_78 = arith.addi %add3A_77, %mul3A_76 : i32
      %broadcast_in_dim3A = arith.constant 0.000000e+00 : f32
      %broadcast_in_dim3A_79 = vector.broadcast %broadcast_in_dim3A : f32 to vector<16xf32>
      %swap3A = arith.index_cast %add3A_78 : i32 to index
      %swap3A_80 = arith.constant 0 : index
      %swap3A_81 = tpu.vector_load %arg9[%swap3A, %swap3A_80] {strides = array<i32>} : memref<128x64xf32, #tpu.memory_space<vmem>>, vector<1x16xf32>,
      %swap3A_82 = vector.shape_cast %swap3A_81 : vector<1x16xf32> to vector<16xf32>
      %swap3A_83 = vector.shape_cast %broadcast_in_dim3A_79 : vector<16xf32> to vector<1x16xf32>
      tpu.vector_store %arg9[%swap3A, %swap3A_80], %swap3A_83 {strides = array<i32>} : memref<128x64xf32, #tpu.memory_space<vmem>>, vector<1x16xf32>,
      %broadcast_in_dim3A_84 = arith.constant 0.000000e+00 : f32
      %broadcast_in_dim3A_85 = vector.broadcast %broadcast_in_dim3A_84 : f32 to vector<16xf32>
      %swap3A_86 = arith.index_cast %add3A_78 : i32 to index
      %swap3A_87 = arith.constant 16 : index
      %swap3A_88 = tpu.vector_load %arg9[%swap3A_86, %swap3A_87] {strides = array<i32>} : memref<128x64xf32, #tpu.memory_space<vmem>>, vector<1x16xf32>,
      %swap3A_89 = vector.shape_cast %swap3A_88 : vector<1x16xf32> to vector<16xf32>
      %swap3A_90 = vector.shape_cast %broadcast_in_dim3A_85 : vector<16xf32> to vector<1x16xf32>
      tpu.vector_store %arg9[%swap3A_86, %swap3A_87], %swap3A_90 {strides = array<i32>} : memref<128x64xf32, #tpu.memory_space<vmem>>, vector<1x16xf32>,
      %broadcast_in_dim3A_91 = arith.constant 0.000000e+00 : f32
      %broadcast_in_dim3A_92 = vector.broadcast %broadcast_in_dim3A_91 : f32 to vector<16xf32>
      %swap3A_93 = arith.index_cast %add3A_78 : i32 to index
      %swap3A_94 = arith.constant 32 : index
      %swap3A_95 = tpu.vector_load %arg9[%swap3A_93, %swap3A_94] {strides = array<i32>} : memref<128x64xf32, #tpu.memory_space<vmem>>, vector<1x16xf32>,
      %swap3A_96 = vector.shape_cast %swap3A_95 : vector<1x16xf32> to vector<16xf32>
      %swap3A_97 = vector.shape_cast %broadcast_in_dim3A_92 : vector<16xf32> to vector<1x16xf32>
      tpu.vector_store %arg9[%swap3A_93, %swap3A_94], %swap3A_97 {strides = array<i32>} : memref<128x64xf32, #tpu.memory_space<vmem>>, vector<1x16xf32>,
      %broadcast_in_dim3A_98 = arith.constant 0.000000e+00 : f32
      %broadcast_in_dim3A_99 = vector.broadcast %broadcast_in_dim3A_98 : f32 to vector<16xf32>
      %swap3A_100 = arith.index_cast %add3A_78 : i32 to index
      %swap3A_101 = arith.constant 48 : index
      %swap3A_102 = tpu.vector_load %arg9[%swap3A_100, %swap3A_101] {strides = array<i32>} : memref<128x64xf32, #tpu.memory_space<vmem>>, vector<1x16xf32>,
      %swap3A_103 = vector.shape_cast %swap3A_102 : vector<1x16xf32> to vector<16xf32>
      %swap3A_104 = vector.shape_cast %broadcast_in_dim3A_99 : vector<16xf32> to vector<1x16xf32>
      tpu.vector_store %arg9[%swap3A_100, %swap3A_101], %swap3A_104 {strides = array<i32>} : memref<128x64xf32, #tpu.memory_space<vmem>>, vector<1x16xf32>,
    }
    %scan3A_4 = arith.constant 128 : i32
    %mul3A_5 = arith.constant 640 : i32
    %mul3A_6 = arith.muli %arg1, %mul3A_5 : i32
    %add3A_7 = arith.constant 0 : i32
    %add3A_8 = arith.addi %mul3A_6, %add3A_7 : i32
    "tpu.region"() ({
      %run_scoped3A = tpu.sem_alloc : memref<!tpu.dma_semaphore, #tpu.memory_space<semaphore_mem>>
      %dma_start3A_74 = arith.constant 0 : i32
      %dma_start3A_75 = tpu.memref_slice %arg10[%add3A_8, %dma_start3A_74] : memref<10240x64xf32, #tpu.memory_space<vmem_shared>> -> memref<128x64xf32, #tpu.memory_space<vmem_shared>>
      %dma_start3A_76 = arith.constant 0 : i32
      %dma_start3A_77 = tpu.memref_slice %arg10[%add3A_8, %dma_start3A_76] : memref<10240x64xf32, #tpu.memory_space<vmem_shared>> -> memref<128x64xf32, #tpu.memory_space<vmem_shared>>
      tpu.enqueue_dma source(%arg9 : memref<128x64xf32, #tpu.memory_space<vmem>>) target(%dma_start3A_77 : memref<128x64xf32, #tpu.memory_space<vmem_shared>>) target_semaphore(%run_scoped3A : memref<!tpu.dma_semaphore, #tpu.memory_space<semaphore_mem>>)
      %dma_wait3A = arith.constant 0 : i32
      %dma_wait3A_78 = tpu.memref_slice %arg10[%add3A_8, %dma_wait3A] : memref<10240x64xf32, #tpu.memory_space<vmem_shared>> -> memref<128x64xf32, #tpu.memory_space<vmem_shared>>
      %dma_wait3A_79 = arith.constant 0 : i32
      %dma_wait3A_80 = tpu.memref_slice %arg10[%add3A_8, %dma_wait3A_79] : memref<10240x64xf32, #tpu.memory_space<vmem_shared>> -> memref<128x64xf32, #tpu.memory_space<vmem_shared>>
      tpu.wait_dma2 semaphore(%run_scoped3A : memref<!tpu.dma_semaphore, #tpu.memory_space<semaphore_mem>>) src(%arg9 : memref<128x64xf32, #tpu.memory_space<vmem>>) dst(%dma_wait3A_80 : memref<128x64xf32, #tpu.memory_space<vmem_shared>>)
      tpu.yield
    }) : () -> ()
    %mul3A_9 = arith.constant 640 : i32
    %mul3A_10 = arith.muli %arg1, %mul3A_9 : i32
    %add3A_11 = arith.constant 128 : i32
    %add3A_12 = arith.addi %mul3A_10, %add3A_11 : i32
    "tpu.region"() ({
      %run_scoped3A = tpu.sem_alloc : memref<!tpu.dma_semaphore, #tpu.memory_space<semaphore_mem>>
      %dma_start3A_74 = arith.constant 0 : i32
      %dma_start3A_75 = tpu.memref_slice %arg10[%add3A_12, %dma_start3A_74] : memref<10240x64xf32, #tpu.memory_space<vmem_shared>> -> memref<128x64xf32, #tpu.memory_space<vmem_shared>>
      %dma_start3A_76 = arith.constant 0 : i32
      %dma_start3A_77 = tpu.memref_slice %arg10[%add3A_12, %dma_start3A_76] : memref<10240x64xf32, #tpu.memory_space<vmem_shared>> -> memref<128x64xf32, #tpu.memory_space<vmem_shared>>
      tpu.enqueue_dma source(%arg9 : memref<128x64xf32, #tpu.memory_space<vmem>>) target(%dma_start3A_77 : memref<128x64xf32, #tpu.memory_space<vmem_shared>>) target_semaphore(%run_scoped3A : memref<!tpu.dma_semaphore, #tpu.memory_space<semaphore_mem>>)
      %dma_wait3A = arith.constant 0 : i32
      %dma_wait3A_78 = tpu.memref_slice %arg10[%add3A_12, %dma_wait3A] : memref<10240x64xf32, #tpu.memory_space<vmem_shared>> -> memref<128x64xf32, #tpu.memory_space<vmem_shared>>
      %dma_wait3A_79 = arith.constant 0 : i32
      %dma_wait3A_80 = tpu.memref_slice %arg10[%add3A_12, %dma_wait3A_79] : memref<10240x64xf32, #tpu.memory_space<vmem_shared>> -> memref<128x64xf32, #tpu.memory_space<vmem_shared>>
      tpu.wait_dma2 semaphore(%run_scoped3A : memref<!tpu.dma_semaphore, #tpu.memory_space<semaphore_mem>>) src(%arg9 : memref<128x64xf32, #tpu.memory_space<vmem>>) dst(%dma_wait3A_80 : memref<128x64xf32, #tpu.memory_space<vmem_shared>>)
      tpu.yield
    }) : () -> ()
    %mul3A_13 = arith.constant 640 : i32
    %mul3A_14 = arith.muli %arg1, %mul3A_13 : i32
    %add3A_15 = arith.constant 256 : i32
    %add3A_16 = arith.addi %mul3A_14, %add3A_15 : i32
    "tpu.region"() ({
      %run_scoped3A = tpu.sem_alloc : memref<!tpu.dma_semaphore, #tpu.memory_space<semaphore_mem>>
      %dma_start3A_74 = arith.constant 0 : i32
      %dma_start3A_75 = tpu.memref_slice %arg10[%add3A_16, %dma_start3A_74] : memref<10240x64xf32, #tpu.memory_space<vmem_shared>> -> memref<128x64xf32, #tpu.memory_space<vmem_shared>>
      %dma_start3A_76 = arith.constant 0 : i32
      %dma_start3A_77 = tpu.memref_slice %arg10[%add3A_16, %dma_start3A_76] : memref<10240x64xf32, #tpu.memory_space<vmem_shared>> -> memref<128x64xf32, #tpu.memory_space<vmem_shared>>
      tpu.enqueue_dma source(%arg9 : memref<128x64xf32, #tpu.memory_space<vmem>>) target(%dma_start3A_77 : memref<128x64xf32, #tpu.memory_space<vmem_shared>>) target_semaphore(%run_scoped3A : memref<!tpu.dma_semaphore, #tpu.memory_space<semaphore_mem>>)
      %dma_wait3A = arith.constant 0 : i32
      %dma_wait3A_78 = tpu.memref_slice %arg10[%add3A_16, %dma_wait3A] : memref<10240x64xf32, #tpu.memory_space<vmem_shared>> -> memref<128x64xf32, #tpu.memory_space<vmem_shared>>
      %dma_wait3A_79 = arith.constant 0 : i32
      %dma_wait3A_80 = tpu.memref_slice %arg10[%add3A_16, %dma_wait3A_79] : memref<10240x64xf32, #tpu.memory_space<vmem_shared>> -> memref<128x64xf32, #tpu.memory_space<vmem_shared>>
      tpu.wait_dma2 semaphore(%run_scoped3A : memref<!tpu.dma_semaphore, #tpu.memory_space<semaphore_mem>>) src(%arg9 : memref<128x64xf32, #tpu.memory_space<vmem>>) dst(%dma_wait3A_80 : memref<128x64xf32, #tpu.memory_space<vmem_shared>>)
      tpu.yield
    }) : () -> ()
    %mul3A_17 = arith.constant 640 : i32
    %mul3A_18 = arith.muli %arg1, %mul3A_17 : i32
    %add3A_19 = arith.constant 384 : i32
    %add3A_20 = arith.addi %mul3A_18, %add3A_19 : i32
    "tpu.region"() ({
      %run_scoped3A = tpu.sem_alloc : memref<!tpu.dma_semaphore, #tpu.memory_space<semaphore_mem>>
      %dma_start3A_74 = arith.constant 0 : i32
      %dma_start3A_75 = tpu.memref_slice %arg10[%add3A_20, %dma_start3A_74] : memref<10240x64xf32, #tpu.memory_space<vmem_shared>> -> memref<128x64xf32, #tpu.memory_space<vmem_shared>>
      %dma_start3A_76 = arith.constant 0 : i32
      %dma_start3A_77 = tpu.memref_slice %arg10[%add3A_20, %dma_start3A_76] : memref<10240x64xf32, #tpu.memory_space<vmem_shared>> -> memref<128x64xf32, #tpu.memory_space<vmem_shared>>
      tpu.enqueue_dma source(%arg9 : memref<128x64xf32, #tpu.memory_space<vmem>>) target(%dma_start3A_77 : memref<128x64xf32, #tpu.memory_space<vmem_shared>>) target_semaphore(%run_scoped3A : memref<!tpu.dma_semaphore, #tpu.memory_space<semaphore_mem>>)
      %dma_wait3A = arith.constant 0 : i32
      %dma_wait3A_78 = tpu.memref_slice %arg10[%add3A_20, %dma_wait3A] : memref<10240x64xf32, #tpu.memory_space<vmem_shared>> -> memref<128x64xf32, #tpu.memory_space<vmem_shared>>
      %dma_wait3A_79 = arith.constant 0 : i32
      %dma_wait3A_80 = tpu.memref_slice %arg10[%add3A_20, %dma_wait3A_79] : memref<10240x64xf32, #tpu.memory_space<vmem_shared>> -> memref<128x64xf32, #tpu.memory_space<vmem_shared>>
      tpu.wait_dma2 semaphore(%run_scoped3A : memref<!tpu.dma_semaphore, #tpu.memory_space<semaphore_mem>>) src(%arg9 : memref<128x64xf32, #tpu.memory_space<vmem>>) dst(%dma_wait3A_80 : memref<128x64xf32, #tpu.memory_space<vmem_shared>>)
      tpu.yield
    }) : () -> ()
    %mul3A_21 = arith.constant 640 : i32
    %mul3A_22 = arith.muli %arg1, %mul3A_21 : i32
    %add3A_23 = arith.constant 512 : i32
    %add3A_24 = arith.addi %mul3A_22, %add3A_23 : i32
    "tpu.region"() ({
      %run_scoped3A = tpu.sem_alloc : memref<!tpu.dma_semaphore, #tpu.memory_space<semaphore_mem>>
      %dma_start3A_74 = arith.constant 0 : i32
      %dma_start3A_75 = tpu.memref_slice %arg10[%add3A_24, %dma_start3A_74] : memref<10240x64xf32, #tpu.memory_space<vmem_shared>> -> memref<128x64xf32, #tpu.memory_space<vmem_shared>>
      %dma_start3A_76 = arith.constant 0 : i32
      %dma_start3A_77 = tpu.memref_slice %arg10[%add3A_24, %dma_start3A_76] : memref<10240x64xf32, #tpu.memory_space<vmem_shared>> -> memref<128x64xf32, #tpu.memory_space<vmem_shared>>
      tpu.enqueue_dma source(%arg9 : memref<128x64xf32, #tpu.memory_space<vmem>>) target(%dma_start3A_77 : memref<128x64xf32, #tpu.memory_space<vmem_shared>>) target_semaphore(%run_scoped3A : memref<!tpu.dma_semaphore, #tpu.memory_space<semaphore_mem>>)
      %dma_wait3A = arith.constant 0 : i32
      %dma_wait3A_78 = tpu.memref_slice %arg10[%add3A_24, %dma_wait3A] : memref<10240x64xf32, #tpu.memory_space<vmem_shared>> -> memref<128x64xf32, #tpu.memory_space<vmem_shared>>
      %dma_wait3A_79 = arith.constant 0 : i32
      %dma_wait3A_80 = tpu.memref_slice %arg10[%add3A_24, %dma_wait3A_79] : memref<10240x64xf32, #tpu.memory_space<vmem_shared>> -> memref<128x64xf32, #tpu.memory_space<vmem_shared>>
      tpu.wait_dma2 semaphore(%run_scoped3A : memref<!tpu.dma_semaphore, #tpu.memory_space<semaphore_mem>>) src(%arg9 : memref<128x64xf32, #tpu.memory_space<vmem>>) dst(%dma_wait3A_80 : memref<128x64xf32, #tpu.memory_space<vmem_shared>>)
      tpu.yield
    }) : () -> ()
    %barrier3A = arith.constant 0 : index
    tpu.barrier barrier_id(%barrier3A)
    %dma_start3A = arith.constant 0 : i32
    %dma_start3A_25 = arith.constant 0 : i32
    %dma_start3A_26 = arith.constant 0 : i32
    %dma_start3A_27 = arith.constant 0 : i32
    %dma_start3A_28 = tpu.memref_slice %arg8[%dma_start3A_25, %dma_start3A_26, %dma_start3A_27] : memref<2x128x64xf32, #tpu.memory_space<vmem>> -> memref<1x128x64xf32, #tpu.memory_space<vmem>>
    %dma_start3A_29 = tpu.memref_squeeze %dma_start3A_28 : memref<1x128x64xf32, #tpu.memory_space<vmem>> -> memref<128x64xf32, #tpu.memory_space<vmem>>
    %dma_start3A_30 = arith.constant 0 : i32
    %dma_start3A_31 = tpu.memref_slice %arg6[%dma_start3A, %dma_start3A_30] : memref<80x128xi32, #tpu.memory_space<vmem>> -> memref<1x128xi32, #tpu.memory_space<vmem>>
    %dma_start3A_32 = tpu.memref_squeeze %dma_start3A_31 : memref<1x128xi32, #tpu.memory_space<vmem>> -> memref<128xi32, #tpu.memory_space<vmem>>
    %dma_start3A_33 = arith.constant 0 : i32
    %dma_start3A_34 = arith.constant 0 : i32
    %dma_start3A_35 = tpu.memref_slice %arg2[%dma_start3A_33, %dma_start3A_34] : memref<10240x64xf32, #tpu.memory_space<hbm>> -> memref<10240x64xf32, #tpu.memory_space<hbm>>
    tpu.enqueue_indirect_dma source(%dma_start3A_35 : memref<10240x64xf32, #tpu.memory_space<hbm>>) target(%dma_start3A_29 : memref<128x64xf32, #tpu.memory_space<vmem>>) offsets(%dma_start3A_32 : memref<128xi32, #tpu.memory_space<vmem>>) semaphore(%arg11 : memref<!tpu.dma_semaphore, #tpu.memory_space<semaphore_mem>>)
    %dma_start3A_36 = arith.constant 1 : i32
    %dma_start3A_37 = arith.constant 1 : i32
    %dma_start3A_38 = arith.constant 0 : i32
    %dma_start3A_39 = arith.constant 0 : i32
    %dma_start3A_40 = tpu.memref_slice %arg8[%dma_start3A_37, %dma_start3A_38, %dma_start3A_39] : memref<2x128x64xf32, #tpu.memory_space<vmem>> -> memref<1x128x64xf32, #tpu.memory_space<vmem>>
    %dma_start3A_41 = tpu.memref_squeeze %dma_start3A_40 : memref<1x128x64xf32, #tpu.memory_space<vmem>> -> memref<128x64xf32, #tpu.memory_space<vmem>>
    %dma_start3A_42 = arith.constant 0 : i32
    %dma_start3A_43 = tpu.memref_slice %arg6[%dma_start3A_36, %dma_start3A_42] : memref<80x128xi32, #tpu.memory_space<vmem>> -> memref<1x128xi32, #tpu.memory_space<vmem>>
    %dma_start3A_44 = tpu.memref_squeeze %dma_start3A_43 : memref<1x128xi32, #tpu.memory_space<vmem>> -> memref<128xi32, #tpu.memory_space<vmem>>
    %dma_start3A_45 = arith.constant 0 : i32
    %dma_start3A_46 = arith.constant 0 : i32
    %dma_start3A_47 = tpu.memref_slice %arg2[%dma_start3A_45, %dma_start3A_46] : memref<10240x64xf32, #tpu.memory_space<hbm>> -> memref<10240x64xf32, #tpu.memory_space<hbm>>
    tpu.enqueue_indirect_dma source(%dma_start3A_47 : memref<10240x64xf32, #tpu.memory_space<hbm>>) target(%dma_start3A_41 : memref<128x64xf32, #tpu.memory_space<vmem>>) offsets(%dma_start3A_44 : memref<128xi32, #tpu.memory_space<vmem>>) semaphore(%arg12 : memref<!tpu.dma_semaphore, #tpu.memory_space<semaphore_mem>>)
    %scan3A_48 = arith.constant 0 : i32
    %scan3A_49 = arith.constant 40 : i32
    %scan3A_50 = arith.addi %scan3A_48, %scan3A_49 : i32
    %scan3A_51 = arith.constant 1 : i32
    scf.for %scan3A_74 = %scan3A_48 to %scan3A_50 step %scan3A_51  : i32 {
      %mul3A_75 = arith.constant 2 : i32
      %mul3A_76 = arith.muli %scan3A_74, %mul3A_75 : i32
      %add3A_77 = arith.constant 0 : i32
      %add3A_78 = arith.addi %add3A_77, %mul3A_76 : i32
      %dma_wait3A = arith.constant 0 : i32
      %dma_wait3A_79 = arith.constant 0 : i32
      %dma_wait3A_80 = arith.constant 0 : i32
      %dma_wait3A_81 = tpu.memref_slice %arg8[%dma_wait3A, %dma_wait3A_79, %dma_wait3A_80] : memref<2x128x64xf32, #tpu.memory_space<vmem>> -> memref<1x128x64xf32, #tpu.memory_space<vmem>>
      %dma_wait3A_82 = tpu.memref_squeeze %dma_wait3A_81 : memref<1x128x64xf32, #tpu.memory_space<vmem>> -> memref<128x64xf32, #tpu.memory_space<vmem>>
      %dma_wait3A_83 = arith.constant 0 : i32
      %dma_wait3A_84 = tpu.memref_slice %arg6[%add3A_78, %dma_wait3A_83] : memref<80x128xi32, #tpu.memory_space<vmem>> -> memref<1x128xi32, #tpu.memory_space<vmem>>
      %dma_wait3A_85 = tpu.memref_squeeze %dma_wait3A_84 : memref<1x128xi32, #tpu.memory_space<vmem>> -> memref<128xi32, #tpu.memory_space<vmem>>
      %dma_wait3A_86 = arith.constant 0 : i32
      %dma_wait3A_87 = arith.constant 0 : i32
      %dma_wait3A_88 = tpu.memref_slice %arg2[%dma_wait3A_86, %dma_wait3A_87] : memref<10240x64xf32, #tpu.memory_space<hbm>> -> memref<10240x64xf32, #tpu.memory_space<hbm>>
      tpu.wait_indirect_dma semaphore(%arg11 : memref<!tpu.dma_semaphore, #tpu.memory_space<semaphore_mem>>) src(%dma_wait3A_88 : memref<10240x64xf32, #tpu.memory_space<hbm>>) dst(%dma_wait3A_82 : memref<128x64xf32, #tpu.memory_space<vmem>>)
      %run_scoped3A = arith.constant 0 : i32
      "tpu.region"() ({
        %run_scoped3A_116 = tpu.sem_alloc : memref<!tpu.dma_semaphore, #tpu.memory_space<semaphore_mem>>
        %dma_start3A_117 = arith.constant 0 : i32
        %dma_start3A_118 = arith.constant 0 : i32
        %dma_start3A_119 = tpu.memref_slice %arg8[%run_scoped3A, %dma_start3A_117, %dma_start3A_118] : memref<2x128x64xf32, #tpu.memory_space<vmem>> -> memref<1x128x64xf32, #tpu.memory_space<vmem>>
        %dma_start3A_120 = tpu.memref_squeeze %dma_start3A_119 : memref<1x128x64xf32, #tpu.memory_space<vmem>> -> memref<128x64xf32, #tpu.memory_space<vmem>>
        %dma_start3A_121 = arith.constant 0 : i32
        %dma_start3A_122 = tpu.memref_slice %arg7[%add3A_78, %dma_start3A_121] : memref<80x128xi32, #tpu.memory_space<vmem>> -> memref<1x128xi32, #tpu.memory_space<vmem>>
        %dma_start3A_123 = tpu.memref_squeeze %dma_start3A_122 : memref<1x128xi32, #tpu.memory_space<vmem>> -> memref<128xi32, #tpu.memory_space<vmem>>
        %dma_start3A_124 = arith.constant 0 : i32
        %dma_start3A_125 = arith.constant 0 : i32
        %dma_start3A_126 = tpu.memref_slice %arg10[%dma_start3A_124, %dma_start3A_125] : memref<10240x64xf32, #tpu.memory_space<vmem_shared>> -> memref<10240x64xf32, #tpu.memory_space<vmem_shared>>
        tpu.enqueue_indirect_dma source(%dma_start3A_120 : memref<128x64xf32, #tpu.memory_space<vmem>>) target(%dma_start3A_126 : memref<10240x64xf32, #tpu.memory_space<vmem_shared>>) offsets(%dma_start3A_123 : memref<128xi32, #tpu.memory_space<vmem>>) semaphore(%run_scoped3A_116 : memref<!tpu.dma_semaphore, #tpu.memory_space<semaphore_mem>>) {add = true}
        %dma_wait3A_127 = arith.constant 0 : i32
        %dma_wait3A_128 = arith.constant 0 : i32
        %dma_wait3A_129 = tpu.memref_slice %arg8[%run_scoped3A, %dma_wait3A_127, %dma_wait3A_128] : memref<2x128x64xf32, #tpu.memory_space<vmem>> -> memref<1x128x64xf32, #tpu.memory_space<vmem>>
        %dma_wait3A_130 = tpu.memref_squeeze %dma_wait3A_129 : memref<1x128x64xf32, #tpu.memory_space<vmem>> -> memref<128x64xf32, #tpu.memory_space<vmem>>
        %dma_wait3A_131 = arith.constant 0 : i32
        %dma_wait3A_132 = tpu.memref_slice %arg7[%add3A_78, %dma_wait3A_131] : memref<80x128xi32, #tpu.memory_space<vmem>> -> memref<1x128xi32, #tpu.memory_space<vmem>>
        %dma_wait3A_133 = tpu.memref_squeeze %dma_wait3A_132 : memref<1x128xi32, #tpu.memory_space<vmem>> -> memref<128xi32, #tpu.memory_space<vmem>>
        %dma_wait3A_134 = arith.constant 0 : i32
        %dma_wait3A_135 = arith.constant 0 : i32
        %dma_wait3A_136 = tpu.memref_slice %arg10[%dma_wait3A_134, %dma_wait3A_135] : memref<10240x64xf32, #tpu.memory_space<vmem_shared>> -> memref<10240x64xf32, #tpu.memory_space<vmem_shared>>
        tpu.wait_indirect_dma semaphore(%run_scoped3A_116 : memref<!tpu.dma_semaphore, #tpu.memory_space<semaphore_mem>>) src(%dma_wait3A_130 : memref<128x64xf32, #tpu.memory_space<vmem>>) dst(%dma_wait3A_136 : memref<10240x64xf32, #tpu.memory_space<vmem_shared>>)
        tpu.yield
      }) : () -> ()
      %add3A_89 = arith.constant 2 : i32
      %add3A_90 = arith.addi %add3A_78, %add3A_89 : i32
      %lt3A = arith.constant 80 : i32
      %lt3A_91 = arith.cmpi slt, %add3A_90, %lt3A : i32
      %convert_element_type3A = arith.extui %lt3A_91 : i1 to i32
      %cond3A = arith.constant 0 : i32
      %cond3A_92 = arith.cmpi ne, %convert_element_type3A, %cond3A : i32
      scf.if %cond3A_92 {
        %add3A_116 = arith.constant 2 : i32
        %add3A_117 = arith.addi %add3A_78, %add3A_116 : i32
        %dma_start3A_118 = arith.constant 0 : i32
        %dma_start3A_119 = arith.constant 0 : i32
        %dma_start3A_120 = arith.constant 0 : i32
        %dma_start3A_121 = tpu.memref_slice %arg8[%dma_start3A_118, %dma_start3A_119, %dma_start3A_120] : memref<2x128x64xf32, #tpu.memory_space<vmem>> -> memref<1x128x64xf32, #tpu.memory_space<vmem>>
        %dma_start3A_122 = tpu.memref_squeeze %dma_start3A_121 : memref<1x128x64xf32, #tpu.memory_space<vmem>> -> memref<128x64xf32, #tpu.memory_space<vmem>>
        %dma_start3A_123 = arith.constant 0 : i32
        %dma_start3A_124 = tpu.memref_slice %arg6[%add3A_117, %dma_start3A_123] : memref<80x128xi32, #tpu.memory_space<vmem>> -> memref<1x128xi32, #tpu.memory_space<vmem>>
        %dma_start3A_125 = tpu.memref_squeeze %dma_start3A_124 : memref<1x128xi32, #tpu.memory_space<vmem>> -> memref<128xi32, #tpu.memory_space<vmem>>
        %dma_start3A_126 = arith.constant 0 : i32
        %dma_start3A_127 = arith.constant 0 : i32
        %dma_start3A_128 = tpu.memref_slice %arg2[%dma_start3A_126, %dma_start3A_127] : memref<10240x64xf32, #tpu.memory_space<hbm>> -> memref<10240x64xf32, #tpu.memory_space<hbm>>
        tpu.enqueue_indirect_dma source(%dma_start3A_128 : memref<10240x64xf32, #tpu.memory_space<hbm>>) target(%dma_start3A_122 : memref<128x64xf32, #tpu.memory_space<vmem>>) offsets(%dma_start3A_125 : memref<128xi32, #tpu.memory_space<vmem>>) semaphore(%arg11 : memref<!tpu.dma_semaphore, #tpu.memory_space<semaphore_mem>>)
      } else {
      }
      %add3A_93 = arith.constant 1 : i32
      %add3A_94 = arith.addi %add3A_78, %add3A_93 : i32
      %dma_wait3A_95 = arith.constant 1 : i32
      %dma_wait3A_96 = arith.constant 0 : i32
      %dma_wait3A_97 = arith.constant 0 : i32
      %dma_wait3A_98 = tpu.memref_slice %arg8[%dma_wait3A_95, %dma_wait3A_96, %dma_wait3A_97] : memref<2x128x64xf32, #tpu.memory_space<vmem>> -> memref<1x128x64xf32, #tpu.memory_space<vmem>>
      %dma_wait3A_99 = tpu.memref_squeeze %dma_wait3A_98 : memref<1x128x64xf32, #tpu.memory_space<vmem>> -> memref<128x64xf32, #tpu.memory_space<vmem>>
      %dma_wait3A_100 = arith.constant 0 : i32
      %dma_wait3A_101 = tpu.memref_slice %arg6[%add3A_94, %dma_wait3A_100] : memref<80x128xi32, #tpu.memory_space<vmem>> -> memref<1x128xi32, #tpu.memory_space<vmem>>
      %dma_wait3A_102 = tpu.memref_squeeze %dma_wait3A_101 : memref<1x128xi32, #tpu.memory_space<vmem>> -> memref<128xi32, #tpu.memory_space<vmem>>
      %dma_wait3A_103 = arith.constant 0 : i32
      %dma_wait3A_104 = arith.constant 0 : i32
      %dma_wait3A_105 = tpu.memref_slice %arg2[%dma_wait3A_103, %dma_wait3A_104] : memref<10240x64xf32, #tpu.memory_space<hbm>> -> memref<10240x64xf32, #tpu.memory_space<hbm>>
      tpu.wait_indirect_dma semaphore(%arg12 : memref<!tpu.dma_semaphore, #tpu.memory_space<semaphore_mem>>) src(%dma_wait3A_105 : memref<10240x64xf32, #tpu.memory_space<hbm>>) dst(%dma_wait3A_99 : memref<128x64xf32, #tpu.memory_space<vmem>>)
      %add3A_106 = arith.constant 1 : i32
      %add3A_107 = arith.addi %add3A_78, %add3A_106 : i32
      %run_scoped3A_108 = arith.constant 1 : i32
      "tpu.region"() ({
        %run_scoped3A_116 = tpu.sem_alloc : memref<!tpu.dma_semaphore, #tpu.memory_space<semaphore_mem>>
        %dma_start3A_117 = arith.constant 0 : i32
        %dma_start3A_118 = arith.constant 0 : i32
        %dma_start3A_119 = tpu.memref_slice %arg8[%run_scoped3A_108, %dma_start3A_117, %dma_start3A_118] : memref<2x128x64xf32, #tpu.memory_space<vmem>> -> memref<1x128x64xf32, #tpu.memory_space<vmem>>
        %dma_start3A_120 = tpu.memref_squeeze %dma_start3A_119 : memref<1x128x64xf32, #tpu.memory_space<vmem>> -> memref<128x64xf32, #tpu.memory_space<vmem>>
        %dma_start3A_121 = arith.constant 0 : i32
        %dma_start3A_122 = tpu.memref_slice %arg7[%add3A_107, %dma_start3A_121] : memref<80x128xi32, #tpu.memory_space<vmem>> -> memref<1x128xi32, #tpu.memory_space<vmem>>
        %dma_start3A_123 = tpu.memref_squeeze %dma_start3A_122 : memref<1x128xi32, #tpu.memory_space<vmem>> -> memref<128xi32, #tpu.memory_space<vmem>>
        %dma_start3A_124 = arith.constant 0 : i32
        %dma_start3A_125 = arith.constant 0 : i32
        %dma_start3A_126 = tpu.memref_slice %arg10[%dma_start3A_124, %dma_start3A_125] : memref<10240x64xf32, #tpu.memory_space<vmem_shared>> -> memref<10240x64xf32, #tpu.memory_space<vmem_shared>>
        tpu.enqueue_indirect_dma source(%dma_start3A_120 : memref<128x64xf32, #tpu.memory_space<vmem>>) target(%dma_start3A_126 : memref<10240x64xf32, #tpu.memory_space<vmem_shared>>) offsets(%dma_start3A_123 : memref<128xi32, #tpu.memory_space<vmem>>) semaphore(%run_scoped3A_116 : memref<!tpu.dma_semaphore, #tpu.memory_space<semaphore_mem>>) {add = true}
        %dma_wait3A_127 = arith.constant 0 : i32
        %dma_wait3A_128 = arith.constant 0 : i32
        %dma_wait3A_129 = tpu.memref_slice %arg8[%run_scoped3A_108, %dma_wait3A_127, %dma_wait3A_128] : memref<2x128x64xf32, #tpu.memory_space<vmem>> -> memref<1x128x64xf32, #tpu.memory_space<vmem>>
        %dma_wait3A_130 = tpu.memref_squeeze %dma_wait3A_129 : memref<1x128x64xf32, #tpu.memory_space<vmem>> -> memref<128x64xf32, #tpu.memory_space<vmem>>
        %dma_wait3A_131 = arith.constant 0 : i32
        %dma_wait3A_132 = tpu.memref_slice %arg7[%add3A_107, %dma_wait3A_131] : memref<80x128xi32, #tpu.memory_space<vmem>> -> memref<1x128xi32, #tpu.memory_space<vmem>>
        %dma_wait3A_133 = tpu.memref_squeeze %dma_wait3A_132 : memref<1x128xi32, #tpu.memory_space<vmem>> -> memref<128xi32, #tpu.memory_space<vmem>>
        %dma_wait3A_134 = arith.constant 0 : i32
        %dma_wait3A_135 = arith.constant 0 : i32
        %dma_wait3A_136 = tpu.memref_slice %arg10[%dma_wait3A_134, %dma_wait3A_135] : memref<10240x64xf32, #tpu.memory_space<vmem_shared>> -> memref<10240x64xf32, #tpu.memory_space<vmem_shared>>
        tpu.wait_indirect_dma semaphore(%run_scoped3A_116 : memref<!tpu.dma_semaphore, #tpu.memory_space<semaphore_mem>>) src(%dma_wait3A_130 : memref<128x64xf32, #tpu.memory_space<vmem>>) dst(%dma_wait3A_136 : memref<10240x64xf32, #tpu.memory_space<vmem_shared>>)
        tpu.yield
      }) : () -> ()
      %add3A_109 = arith.constant 3 : i32
      %add3A_110 = arith.addi %add3A_78, %add3A_109 : i32
      %lt3A_111 = arith.constant 80 : i32
      %lt3A_112 = arith.cmpi slt, %add3A_110, %lt3A_111 : i32
      %convert_element_type3A_113 = arith.extui %lt3A_112 : i1 to i32
      %cond3A_114 = arith.constant 0 : i32
      %cond3A_115 = arith.cmpi ne, %convert_element_type3A_113, %cond3A_114 : i32
      scf.if %cond3A_115 {
        %add3A_116 = arith.constant 3 : i32
        %add3A_117 = arith.addi %add3A_78, %add3A_116 : i32
        %dma_start3A_118 = arith.constant 1 : i32
        %dma_start3A_119 = arith.constant 0 : i32
        %dma_start3A_120 = arith.constant 0 : i32
        %dma_start3A_121 = tpu.memref_slice %arg8[%dma_start3A_118, %dma_start3A_119, %dma_start3A_120] : memref<2x128x64xf32, #tpu.memory_space<vmem>> -> memref<1x128x64xf32, #tpu.memory_space<vmem>>
        %dma_start3A_122 = tpu.memref_squeeze %dma_start3A_121 : memref<1x128x64xf32, #tpu.memory_space<vmem>> -> memref<128x64xf32, #tpu.memory_space<vmem>>
        %dma_start3A_123 = arith.constant 0 : i32
        %dma_start3A_124 = tpu.memref_slice %arg6[%add3A_117, %dma_start3A_123] : memref<80x128xi32, #tpu.memory_space<vmem>> -> memref<1x128xi32, #tpu.memory_space<vmem>>
        %dma_start3A_125 = tpu.memref_squeeze %dma_start3A_124 : memref<1x128xi32, #tpu.memory_space<vmem>> -> memref<128xi32, #tpu.memory_space<vmem>>
        %dma_start3A_126 = arith.constant 0 : i32
        %dma_start3A_127 = arith.constant 0 : i32
        %dma_start3A_128 = tpu.memref_slice %arg2[%dma_start3A_126, %dma_start3A_127] : memref<10240x64xf32, #tpu.memory_space<hbm>> -> memref<10240x64xf32, #tpu.memory_space<hbm>>
        tpu.enqueue_indirect_dma source(%dma_start3A_128 : memref<10240x64xf32, #tpu.memory_space<hbm>>) target(%dma_start3A_122 : memref<128x64xf32, #tpu.memory_space<vmem>>) offsets(%dma_start3A_125 : memref<128xi32, #tpu.memory_space<vmem>>) semaphore(%arg12 : memref<!tpu.dma_semaphore, #tpu.memory_space<semaphore_mem>>)
      } else {
      }
    }
    %scan3A_52 = arith.constant 40 : i32
    %barrier3A_53 = arith.constant 0 : index
    tpu.barrier barrier_id(%barrier3A_53)
    %mul3A_54 = arith.constant 640 : i32
    %mul3A_55 = arith.muli %arg1, %mul3A_54 : i32
    %add3A_56 = arith.constant 0 : i32
    %add3A_57 = arith.addi %mul3A_55, %add3A_56 : i32
    "tpu.region"() ({
      %run_scoped3A = tpu.sem_alloc : memref<!tpu.dma_semaphore, #tpu.memory_space<semaphore_mem>>
      %dma_start3A_74 = arith.constant 0 : i32
      %dma_start3A_75 = tpu.memref_slice %arg10[%add3A_57, %dma_start3A_74] : memref<10240x64xf32, #tpu.memory_space<vmem_shared>> -> memref<128x64xf32, #tpu.memory_space<vmem_shared>>
      %dma_start3A_76 = arith.constant 0 : i32
      %dma_start3A_77 = tpu.memref_slice %arg10[%add3A_57, %dma_start3A_76] : memref<10240x64xf32, #tpu.memory_space<vmem_shared>> -> memref<128x64xf32, #tpu.memory_space<vmem_shared>>
      tpu.enqueue_dma source(%dma_start3A_77 : memref<128x64xf32, #tpu.memory_space<vmem_shared>>) target(%arg9 : memref<128x64xf32, #tpu.memory_space<vmem>>) target_semaphore(%run_scoped3A : memref<!tpu.dma_semaphore, #tpu.memory_space<semaphore_mem>>)
      %dma_wait3A = arith.constant 0 : i32
      %dma_wait3A_78 = tpu.memref_slice %arg10[%add3A_57, %dma_wait3A] : memref<10240x64xf32, #tpu.memory_space<vmem_shared>> -> memref<128x64xf32, #tpu.memory_space<vmem_shared>>
      %dma_wait3A_79 = arith.constant 0 : i32
      %dma_wait3A_80 = tpu.memref_slice %arg10[%add3A_57, %dma_wait3A_79] : memref<10240x64xf32, #tpu.memory_space<vmem_shared>> -> memref<128x64xf32, #tpu.memory_space<vmem_shared>>
      tpu.wait_dma2 semaphore(%run_scoped3A : memref<!tpu.dma_semaphore, #tpu.memory_space<semaphore_mem>>) src(%dma_wait3A_80 : memref<128x64xf32, #tpu.memory_space<vmem_shared>>) dst(%arg9 : memref<128x64xf32, #tpu.memory_space<vmem>>)
      tpu.yield
    }) : () -> ()
    "tpu.region"() ({
      %run_scoped3A = tpu.sem_alloc : memref<!tpu.dma_semaphore, #tpu.memory_space<semaphore_mem>>
      %dma_start3A_74 = arith.constant 0 : i32
      %dma_start3A_75 = tpu.memref_slice %arg5[%arg0, %add3A_57, %dma_start3A_74] : memref<2x10240x64xf32, #tpu.memory_space<hbm>> -> memref<1x128x64xf32, #tpu.memory_space<hbm>>
      %dma_start3A_76 = tpu.memref_squeeze %dma_start3A_75 : memref<1x128x64xf32, #tpu.memory_space<hbm>> -> memref<128x64xf32, #tpu.memory_space<hbm>>
      %dma_start3A_77 = arith.constant 0 : i32
      %dma_start3A_78 = tpu.memref_slice %arg5[%arg0, %add3A_57, %dma_start3A_77] : memref<2x10240x64xf32, #tpu.memory_space<hbm>> -> memref<1x128x64xf32, #tpu.memory_space<hbm>>
      %dma_start3A_79 = tpu.memref_squeeze %dma_start3A_78 : memref<1x128x64xf32, #tpu.memory_space<hbm>> -> memref<128x64xf32, #tpu.memory_space<hbm>>
      tpu.enqueue_dma source(%arg9 : memref<128x64xf32, #tpu.memory_space<vmem>>) target(%dma_start3A_79 : memref<128x64xf32, #tpu.memory_space<hbm>>) target_semaphore(%run_scoped3A : memref<!tpu.dma_semaphore, #tpu.memory_space<semaphore_mem>>)
      %dma_wait3A = arith.constant 0 : i32
      %dma_wait3A_80 = tpu.memref_slice %arg5[%arg0, %add3A_57, %dma_wait3A] : memref<2x10240x64xf32, #tpu.memory_space<hbm>> -> memref<1x128x64xf32, #tpu.memory_space<hbm>>
      %dma_wait3A_81 = tpu.memref_squeeze %dma_wait3A_80 : memref<1x128x64xf32, #tpu.memory_space<hbm>> -> memref<128x64xf32, #tpu.memory_space<hbm>>
      %dma_wait3A_82 = arith.constant 0 : i32
      %dma_wait3A_83 = tpu.memref_slice %arg5[%arg0, %add3A_57, %dma_wait3A_82] : memref<2x10240x64xf32, #tpu.memory_space<hbm>> -> memref<1x128x64xf32, #tpu.memory_space<hbm>>
      %dma_wait3A_84 = tpu.memref_squeeze %dma_wait3A_83 : memref<1x128x64xf32, #tpu.memory_space<hbm>> -> memref<128x64xf32, #tpu.memory_space<hbm>>
      tpu.wait_dma2 semaphore(%run_scoped3A : memref<!tpu.dma_semaphore, #tpu.memory_space<semaphore_mem>>) src(%arg9 : memref<128x64xf32, #tpu.memory_space<vmem>>) dst(%dma_wait3A_84 : memref<128x64xf32, #tpu.memory_space<hbm>>)
      tpu.yield
    }) : () -> ()
    %mul3A_58 = arith.constant 640 : i32
    %mul3A_59 = arith.muli %arg1, %mul3A_58 : i32
    %add3A_60 = arith.constant 128 : i32
    %add3A_61 = arith.addi %mul3A_59, %add3A_60 : i32
    "tpu.region"() ({
      %run_scoped3A = tpu.sem_alloc : memref<!tpu.dma_semaphore, #tpu.memory_space<semaphore_mem>>
      %dma_start3A_74 = arith.constant 0 : i32
      %dma_start3A_75 = tpu.memref_slice %arg10[%add3A_61, %dma_start3A_74] : memref<10240x64xf32, #tpu.memory_space<vmem_shared>> -> memref<128x64xf32, #tpu.memory_space<vmem_shared>>
      %dma_start3A_76 = arith.constant 0 : i32
      %dma_start3A_77 = tpu.memref_slice %arg10[%add3A_61, %dma_start3A_76] : memref<10240x64xf32, #tpu.memory_space<vmem_shared>> -> memref<128x64xf32, #tpu.memory_space<vmem_shared>>
      tpu.enqueue_dma source(%dma_start3A_77 : memref<128x64xf32, #tpu.memory_space<vmem_shared>>) target(%arg9 : memref<128x64xf32, #tpu.memory_space<vmem>>) target_semaphore(%run_scoped3A : memref<!tpu.dma_semaphore, #tpu.memory_space<semaphore_mem>>)
      %dma_wait3A = arith.constant 0 : i32
      %dma_wait3A_78 = tpu.memref_slice %arg10[%add3A_61, %dma_wait3A] : memref<10240x64xf32, #tpu.memory_space<vmem_shared>> -> memref<128x64xf32, #tpu.memory_space<vmem_shared>>
      %dma_wait3A_79 = arith.constant 0 : i32
      %dma_wait3A_80 = tpu.memref_slice %arg10[%add3A_61, %dma_wait3A_79] : memref<10240x64xf32, #tpu.memory_space<vmem_shared>> -> memref<128x64xf32, #tpu.memory_space<vmem_shared>>
      tpu.wait_dma2 semaphore(%run_scoped3A : memref<!tpu.dma_semaphore, #tpu.memory_space<semaphore_mem>>) src(%dma_wait3A_80 : memref<128x64xf32, #tpu.memory_space<vmem_shared>>) dst(%arg9 : memref<128x64xf32, #tpu.memory_space<vmem>>)
      tpu.yield
    }) : () -> ()
    "tpu.region"() ({
      %run_scoped3A = tpu.sem_alloc : memref<!tpu.dma_semaphore, #tpu.memory_space<semaphore_mem>>
      %dma_start3A_74 = arith.constant 0 : i32
      %dma_start3A_75 = tpu.memref_slice %arg5[%arg0, %add3A_61, %dma_start3A_74] : memref<2x10240x64xf32, #tpu.memory_space<hbm>> -> memref<1x128x64xf32, #tpu.memory_space<hbm>>
      %dma_start3A_76 = tpu.memref_squeeze %dma_start3A_75 : memref<1x128x64xf32, #tpu.memory_space<hbm>> -> memref<128x64xf32, #tpu.memory_space<hbm>>
      %dma_start3A_77 = arith.constant 0 : i32
      %dma_start3A_78 = tpu.memref_slice %arg5[%arg0, %add3A_61, %dma_start3A_77] : memref<2x10240x64xf32, #tpu.memory_space<hbm>> -> memref<1x128x64xf32, #tpu.memory_space<hbm>>
      %dma_start3A_79 = tpu.memref_squeeze %dma_start3A_78 : memref<1x128x64xf32, #tpu.memory_space<hbm>> -> memref<128x64xf32, #tpu.memory_space<hbm>>
      tpu.enqueue_dma source(%arg9 : memref<128x64xf32, #tpu.memory_space<vmem>>) target(%dma_start3A_79 : memref<128x64xf32, #tpu.memory_space<hbm>>) target_semaphore(%run_scoped3A : memref<!tpu.dma_semaphore, #tpu.memory_space<semaphore_mem>>)
      %dma_wait3A = arith.constant 0 : i32
      %dma_wait3A_80 = tpu.memref_slice %arg5[%arg0, %add3A_61, %dma_wait3A] : memref<2x10240x64xf32, #tpu.memory_space<hbm>> -> memref<1x128x64xf32, #tpu.memory_space<hbm>>
      %dma_wait3A_81 = tpu.memref_squeeze %dma_wait3A_80 : memref<1x128x64xf32, #tpu.memory_space<hbm>> -> memref<128x64xf32, #tpu.memory_space<hbm>>
      %dma_wait3A_82 = arith.constant 0 : i32
      %dma_wait3A_83 = tpu.memref_slice %arg5[%arg0, %add3A_61, %dma_wait3A_82] : memref<2x10240x64xf32, #tpu.memory_space<hbm>> -> memref<1x128x64xf32, #tpu.memory_space<hbm>>
      %dma_wait3A_84 = tpu.memref_squeeze %dma_wait3A_83 : memref<1x128x64xf32, #tpu.memory_space<hbm>> -> memref<128x64xf32, #tpu.memory_space<hbm>>
      tpu.wait_dma2 semaphore(%run_scoped3A : memref<!tpu.dma_semaphore, #tpu.memory_space<semaphore_mem>>) src(%arg9 : memref<128x64xf32, #tpu.memory_space<vmem>>) dst(%dma_wait3A_84 : memref<128x64xf32, #tpu.memory_space<hbm>>)
      tpu.yield
    }) : () -> ()
    %mul3A_62 = arith.constant 640 : i32
    %mul3A_63 = arith.muli %arg1, %mul3A_62 : i32
    %add3A_64 = arith.constant 256 : i32
    %add3A_65 = arith.addi %mul3A_63, %add3A_64 : i32
    "tpu.region"() ({
      %run_scoped3A = tpu.sem_alloc : memref<!tpu.dma_semaphore, #tpu.memory_space<semaphore_mem>>
      %dma_start3A_74 = arith.constant 0 : i32
      %dma_start3A_75 = tpu.memref_slice %arg10[%add3A_65, %dma_start3A_74] : memref<10240x64xf32, #tpu.memory_space<vmem_shared>> -> memref<128x64xf32, #tpu.memory_space<vmem_shared>>
      %dma_start3A_76 = arith.constant 0 : i32
      %dma_start3A_77 = tpu.memref_slice %arg10[%add3A_65, %dma_start3A_76] : memref<10240x64xf32, #tpu.memory_space<vmem_shared>> -> memref<128x64xf32, #tpu.memory_space<vmem_shared>>
      tpu.enqueue_dma source(%dma_start3A_77 : memref<128x64xf32, #tpu.memory_space<vmem_shared>>) target(%arg9 : memref<128x64xf32, #tpu.memory_space<vmem>>) target_semaphore(%run_scoped3A : memref<!tpu.dma_semaphore, #tpu.memory_space<semaphore_mem>>)
      %dma_wait3A = arith.constant 0 : i32
      %dma_wait3A_78 = tpu.memref_slice %arg10[%add3A_65, %dma_wait3A] : memref<10240x64xf32, #tpu.memory_space<vmem_shared>> -> memref<128x64xf32, #tpu.memory_space<vmem_shared>>
      %dma_wait3A_79 = arith.constant 0 : i32
      %dma_wait3A_80 = tpu.memref_slice %arg10[%add3A_65, %dma_wait3A_79] : memref<10240x64xf32, #tpu.memory_space<vmem_shared>> -> memref<128x64xf32, #tpu.memory_space<vmem_shared>>
      tpu.wait_dma2 semaphore(%run_scoped3A : memref<!tpu.dma_semaphore, #tpu.memory_space<semaphore_mem>>) src(%dma_wait3A_80 : memref<128x64xf32, #tpu.memory_space<vmem_shared>>) dst(%arg9 : memref<128x64xf32, #tpu.memory_space<vmem>>)
      tpu.yield
    }) : () -> ()
    "tpu.region"() ({
      %run_scoped3A = tpu.sem_alloc : memref<!tpu.dma_semaphore, #tpu.memory_space<semaphore_mem>>
      %dma_start3A_74 = arith.constant 0 : i32
      %dma_start3A_75 = tpu.memref_slice %arg5[%arg0, %add3A_65, %dma_start3A_74] : memref<2x10240x64xf32, #tpu.memory_space<hbm>> -> memref<1x128x64xf32, #tpu.memory_space<hbm>>
      %dma_start3A_76 = tpu.memref_squeeze %dma_start3A_75 : memref<1x128x64xf32, #tpu.memory_space<hbm>> -> memref<128x64xf32, #tpu.memory_space<hbm>>
      %dma_start3A_77 = arith.constant 0 : i32
      %dma_start3A_78 = tpu.memref_slice %arg5[%arg0, %add3A_65, %dma_start3A_77] : memref<2x10240x64xf32, #tpu.memory_space<hbm>> -> memref<1x128x64xf32, #tpu.memory_space<hbm>>
      %dma_start3A_79 = tpu.memref_squeeze %dma_start3A_78 : memref<1x128x64xf32, #tpu.memory_space<hbm>> -> memref<128x64xf32, #tpu.memory_space<hbm>>
      tpu.enqueue_dma source(%arg9 : memref<128x64xf32, #tpu.memory_space<vmem>>) target(%dma_start3A_79 : memref<128x64xf32, #tpu.memory_space<hbm>>) target_semaphore(%run_scoped3A : memref<!tpu.dma_semaphore, #tpu.memory_space<semaphore_mem>>)
      %dma_wait3A = arith.constant 0 : i32
      %dma_wait3A_80 = tpu.memref_slice %arg5[%arg0, %add3A_65, %dma_wait3A] : memref<2x10240x64xf32, #tpu.memory_space<hbm>> -> memref<1x128x64xf32, #tpu.memory_space<hbm>>
      %dma_wait3A_81 = tpu.memref_squeeze %dma_wait3A_80 : memref<1x128x64xf32, #tpu.memory_space<hbm>> -> memref<128x64xf32, #tpu.memory_space<hbm>>
      %dma_wait3A_82 = arith.constant 0 : i32
      %dma_wait3A_83 = tpu.memref_slice %arg5[%arg0, %add3A_65, %dma_wait3A_82] : memref<2x10240x64xf32, #tpu.memory_space<hbm>> -> memref<1x128x64xf32, #tpu.memory_space<hbm>>
      %dma_wait3A_84 = tpu.memref_squeeze %dma_wait3A_83 : memref<1x128x64xf32, #tpu.memory_space<hbm>> -> memref<128x64xf32, #tpu.memory_space<hbm>>
      tpu.wait_dma2 semaphore(%run_scoped3A : memref<!tpu.dma_semaphore, #tpu.memory_space<semaphore_mem>>) src(%arg9 : memref<128x64xf32, #tpu.memory_space<vmem>>) dst(%dma_wait3A_84 : memref<128x64xf32, #tpu.memory_space<hbm>>)
      tpu.yield
    }) : () -> ()
    %mul3A_66 = arith.constant 640 : i32
    %mul3A_67 = arith.muli %arg1, %mul3A_66 : i32
    %add3A_68 = arith.constant 384 : i32
    %add3A_69 = arith.addi %mul3A_67, %add3A_68 : i32
    "tpu.region"() ({
      %run_scoped3A = tpu.sem_alloc : memref<!tpu.dma_semaphore, #tpu.memory_space<semaphore_mem>>
      %dma_start3A_74 = arith.constant 0 : i32
      %dma_start3A_75 = tpu.memref_slice %arg10[%add3A_69, %dma_start3A_74] : memref<10240x64xf32, #tpu.memory_space<vmem_shared>> -> memref<128x64xf32, #tpu.memory_space<vmem_shared>>
      %dma_start3A_76 = arith.constant 0 : i32
      %dma_start3A_77 = tpu.memref_slice %arg10[%add3A_69, %dma_start3A_76] : memref<10240x64xf32, #tpu.memory_space<vmem_shared>> -> memref<128x64xf32, #tpu.memory_space<vmem_shared>>
      tpu.enqueue_dma source(%dma_start3A_77 : memref<128x64xf32, #tpu.memory_space<vmem_shared>>) target(%arg9 : memref<128x64xf32, #tpu.memory_space<vmem>>) target_semaphore(%run_scoped3A : memref<!tpu.dma_semaphore, #tpu.memory_space<semaphore_mem>>)
      %dma_wait3A = arith.constant 0 : i32
      %dma_wait3A_78 = tpu.memref_slice %arg10[%add3A_69, %dma_wait3A] : memref<10240x64xf32, #tpu.memory_space<vmem_shared>> -> memref<128x64xf32, #tpu.memory_space<vmem_shared>>
      %dma_wait3A_79 = arith.constant 0 : i32
      %dma_wait3A_80 = tpu.memref_slice %arg10[%add3A_69, %dma_wait3A_79] : memref<10240x64xf32, #tpu.memory_space<vmem_shared>> -> memref<128x64xf32, #tpu.memory_space<vmem_shared>>
      tpu.wait_dma2 semaphore(%run_scoped3A : memref<!tpu.dma_semaphore, #tpu.memory_space<semaphore_mem>>) src(%dma_wait3A_80 : memref<128x64xf32, #tpu.memory_space<vmem_shared>>) dst(%arg9 : memref<128x64xf32, #tpu.memory_space<vmem>>)
      tpu.yield
    }) : () -> ()
    "tpu.region"() ({
      %run_scoped3A = tpu.sem_alloc : memref<!tpu.dma_semaphore, #tpu.memory_space<semaphore_mem>>
      %dma_start3A_74 = arith.constant 0 : i32
      %dma_start3A_75 = tpu.memref_slice %arg5[%arg0, %add3A_69, %dma_start3A_74] : memref<2x10240x64xf32, #tpu.memory_space<hbm>> -> memref<1x128x64xf32, #tpu.memory_space<hbm>>
      %dma_start3A_76 = tpu.memref_squeeze %dma_start3A_75 : memref<1x128x64xf32, #tpu.memory_space<hbm>> -> memref<128x64xf32, #tpu.memory_space<hbm>>
      %dma_start3A_77 = arith.constant 0 : i32
      %dma_start3A_78 = tpu.memref_slice %arg5[%arg0, %add3A_69, %dma_start3A_77] : memref<2x10240x64xf32, #tpu.memory_space<hbm>> -> memref<1x128x64xf32, #tpu.memory_space<hbm>>
      %dma_start3A_79 = tpu.memref_squeeze %dma_start3A_78 : memref<1x128x64xf32, #tpu.memory_space<hbm>> -> memref<128x64xf32, #tpu.memory_space<hbm>>
      tpu.enqueue_dma source(%arg9 : memref<128x64xf32, #tpu.memory_space<vmem>>) target(%dma_start3A_79 : memref<128x64xf32, #tpu.memory_space<hbm>>) target_semaphore(%run_scoped3A : memref<!tpu.dma_semaphore, #tpu.memory_space<semaphore_mem>>)
      %dma_wait3A = arith.constant 0 : i32
      %dma_wait3A_80 = tpu.memref_slice %arg5[%arg0, %add3A_69, %dma_wait3A] : memref<2x10240x64xf32, #tpu.memory_space<hbm>> -> memref<1x128x64xf32, #tpu.memory_space<hbm>>
      %dma_wait3A_81 = tpu.memref_squeeze %dma_wait3A_80 : memref<1x128x64xf32, #tpu.memory_space<hbm>> -> memref<128x64xf32, #tpu.memory_space<hbm>>
      %dma_wait3A_82 = arith.constant 0 : i32
      %dma_wait3A_83 = tpu.memref_slice %arg5[%arg0, %add3A_69, %dma_wait3A_82] : memref<2x10240x64xf32, #tpu.memory_space<hbm>> -> memref<1x128x64xf32, #tpu.memory_space<hbm>>
      %dma_wait3A_84 = tpu.memref_squeeze %dma_wait3A_83 : memref<1x128x64xf32, #tpu.memory_space<hbm>> -> memref<128x64xf32, #tpu.memory_space<hbm>>
      tpu.wait_dma2 semaphore(%run_scoped3A : memref<!tpu.dma_semaphore, #tpu.memory_space<semaphore_mem>>) src(%arg9 : memref<128x64xf32, #tpu.memory_space<vmem>>) dst(%dma_wait3A_84 : memref<128x64xf32, #tpu.memory_space<hbm>>)
      tpu.yield
    }) : () -> ()
    %mul3A_70 = arith.constant 640 : i32
    %mul3A_71 = arith.muli %arg1, %mul3A_70 : i32
    %add3A_72 = arith.constant 512 : i32
    %add3A_73 = arith.addi %mul3A_71, %add3A_72 : i32
    "tpu.region"() ({
      %run_scoped3A = tpu.sem_alloc : memref<!tpu.dma_semaphore, #tpu.memory_space<semaphore_mem>>
      %dma_start3A_74 = arith.constant 0 : i32
      %dma_start3A_75 = tpu.memref_slice %arg10[%add3A_73, %dma_start3A_74] : memref<10240x64xf32, #tpu.memory_space<vmem_shared>> -> memref<128x64xf32, #tpu.memory_space<vmem_shared>>
      %dma_start3A_76 = arith.constant 0 : i32
      %dma_start3A_77 = tpu.memref_slice %arg10[%add3A_73, %dma_start3A_76] : memref<10240x64xf32, #tpu.memory_space<vmem_shared>> -> memref<128x64xf32, #tpu.memory_space<vmem_shared>>
      tpu.enqueue_dma source(%dma_start3A_77 : memref<128x64xf32, #tpu.memory_space<vmem_shared>>) target(%arg9 : memref<128x64xf32, #tpu.memory_space<vmem>>) target_semaphore(%run_scoped3A : memref<!tpu.dma_semaphore, #tpu.memory_space<semaphore_mem>>)
      %dma_wait3A = arith.constant 0 : i32
      %dma_wait3A_78 = tpu.memref_slice %arg10[%add3A_73, %dma_wait3A] : memref<10240x64xf32, #tpu.memory_space<vmem_shared>> -> memref<128x64xf32, #tpu.memory_space<vmem_shared>>
      %dma_wait3A_79 = arith.constant 0 : i32
      %dma_wait3A_80 = tpu.memref_slice %arg10[%add3A_73, %dma_wait3A_79] : memref<10240x64xf32, #tpu.memory_space<vmem_shared>> -> memref<128x64xf32, #tpu.memory_space<vmem_shared>>
      tpu.wait_dma2 semaphore(%run_scoped3A : memref<!tpu.dma_semaphore, #tpu.memory_space<semaphore_mem>>) src(%dma_wait3A_80 : memref<128x64xf32, #tpu.memory_space<vmem_shared>>) dst(%arg9 : memref<128x64xf32, #tpu.memory_space<vmem>>)
      tpu.yield
    }) : () -> ()
    "tpu.region"() ({
      %run_scoped3A = tpu.sem_alloc : memref<!tpu.dma_semaphore, #tpu.memory_space<semaphore_mem>>
      %dma_start3A_74 = arith.constant 0 : i32
      %dma_start3A_75 = tpu.memref_slice %arg5[%arg0, %add3A_73, %dma_start3A_74] : memref<2x10240x64xf32, #tpu.memory_space<hbm>> -> memref<1x128x64xf32, #tpu.memory_space<hbm>>
      %dma_start3A_76 = tpu.memref_squeeze %dma_start3A_75 : memref<1x128x64xf32, #tpu.memory_space<hbm>> -> memref<128x64xf32, #tpu.memory_space<hbm>>
      %dma_start3A_77 = arith.constant 0 : i32
      %dma_start3A_78 = tpu.memref_slice %arg5[%arg0, %add3A_73, %dma_start3A_77] : memref<2x10240x64xf32, #tpu.memory_space<hbm>> -> memref<1x128x64xf32, #tpu.memory_space<hbm>>
      %dma_start3A_79 = tpu.memref_squeeze %dma_start3A_78 : memref<1x128x64xf32, #tpu.memory_space<hbm>> -> memref<128x64xf32, #tpu.memory_space<hbm>>
      tpu.enqueue_dma source(%arg9 : memref<128x64xf32, #tpu.memory_space<vmem>>) target(%dma_start3A_79 : memref<128x64xf32, #tpu.memory_space<hbm>>) target_semaphore(%run_scoped3A : memref<!tpu.dma_semaphore, #tpu.memory_space<semaphore_mem>>)
      %dma_wait3A = arith.constant 0 : i32
      %dma_wait3A_80 = tpu.memref_slice %arg5[%arg0, %add3A_73, %dma_wait3A] : memref<2x10240x64xf32, #tpu.memory_space<hbm>> -> memref<1x128x64xf32, #tpu.memory_space<hbm>>
      %dma_wait3A_81 = tpu.memref_squeeze %dma_wait3A_80 : memref<1x128x64xf32, #tpu.memory_space<hbm>> -> memref<128x64xf32, #tpu.memory_space<hbm>>
      %dma_wait3A_82 = arith.constant 0 : i32
      %dma_wait3A_83 = tpu.memref_slice %arg5[%arg0, %add3A_73, %dma_wait3A_82] : memref<2x10240x64xf32, #tpu.memory_space<hbm>> -> memref<1x128x64xf32, #tpu.memory_space<hbm>>
      %dma_wait3A_84 = tpu.memref_squeeze %dma_wait3A_83 : memref<1x128x64xf32, #tpu.memory_space<hbm>> -> memref<128x64xf32, #tpu.memory_space<hbm>>
      tpu.wait_dma2 semaphore(%run_scoped3A : memref<!tpu.dma_semaphore, #tpu.memory_space<semaphore_mem>>) src(%arg9 : memref<128x64xf32, #tpu.memory_space<vmem>>) dst(%dma_wait3A_84 : memref<128x64xf32, #tpu.memory_space<hbm>>)
      tpu.yield
    }) : () -> ()
    return
  }
}

#map = affine_map<(d0, d1) -> (0, 0, 0)>
module attributes {stable_mosaic.version = 14 : i64} {
  func.func @body(%arg0: i32, %arg1: i32, %arg2: memref<32x80x128xi32, #tpu.memory_space<hbm>>, %arg3: memref<2x10240x16xf32, #tpu.memory_space<hbm>>, %arg4: memref<80x128xi32, #tpu.memory_space<vmem>>, %arg5: memref<2x128x16xf32, #tpu.memory_space<vmem>>, %arg6: memref<128x16xf32, #tpu.memory_space<vmem>>, %arg7: memref<10240x16xf32, #tpu.memory_space<vmem_shared>>, %arg8: memref<!tpu.dma_semaphore, #tpu.memory_space<semaphore_mem>>, %arg9: memref<!tpu.dma_semaphore, #tpu.memory_space<semaphore_mem>>, %arg10: memref<!tpu.dma_semaphore, #tpu.memory_space<semaphore_mem>>, %arg11: memref<!tpu.dma_semaphore, #tpu.memory_space<semaphore_mem>>) attributes {dimension_semantics = [#tpu.dimension_semantics<core_parallel>, #tpu.dimension_semantics<subcore_parallel>], iteration_bounds = array<i64: 2, 16>, scalar_prefetch = 0 : i64, scratch_operands = 8 : i64, tpu.core_type = #tpu.core_type<sc_vector_subcore>, window_params = [{transform_indices = #map}, {transform_indices = #map}]} {
    %mul3A = arith.constant 16 : i32
    %mul3A_0 = arith.muli %arg0, %mul3A : i32
    %add3A = arith.addi %mul3A_0, %arg1 : i32
    "tpu.region"() ({
      %run_scoped3A = tpu.sem_alloc : memref<!tpu.dma_semaphore, #tpu.memory_space<semaphore_mem>>
      %dma_start3A = arith.constant 0 : i32
      %dma_start3A_56 = arith.constant 0 : i32
      %dma_start3A_57 = tpu.memref_slice %arg2[%add3A, %dma_start3A, %dma_start3A_56] : memref<32x80x128xi32, #tpu.memory_space<hbm>> -> memref<1x80x128xi32, #tpu.memory_space<hbm>>
      %dma_start3A_58 = tpu.memref_squeeze %dma_start3A_57 : memref<1x80x128xi32, #tpu.memory_space<hbm>> -> memref<80x128xi32, #tpu.memory_space<hbm>>
      %dma_start3A_59 = arith.constant 0 : i32
      %dma_start3A_60 = arith.constant 0 : i32
      %dma_start3A_61 = tpu.memref_slice %arg2[%add3A, %dma_start3A_59, %dma_start3A_60] : memref<32x80x128xi32, #tpu.memory_space<hbm>> -> memref<1x80x128xi32, #tpu.memory_space<hbm>>
      %dma_start3A_62 = tpu.memref_squeeze %dma_start3A_61 : memref<1x80x128xi32, #tpu.memory_space<hbm>> -> memref<80x128xi32, #tpu.memory_space<hbm>>
      tpu.enqueue_dma source(%dma_start3A_62 : memref<80x128xi32, #tpu.memory_space<hbm>>) target(%arg4 : memref<80x128xi32, #tpu.memory_space<vmem>>) target_semaphore(%run_scoped3A : memref<!tpu.dma_semaphore, #tpu.memory_space<semaphore_mem>>)
      %dma_wait3A = arith.constant 0 : i32
      %dma_wait3A_63 = arith.constant 0 : i32
      %dma_wait3A_64 = tpu.memref_slice %arg2[%add3A, %dma_wait3A, %dma_wait3A_63] : memref<32x80x128xi32, #tpu.memory_space<hbm>> -> memref<1x80x128xi32, #tpu.memory_space<hbm>>
      %dma_wait3A_65 = tpu.memref_squeeze %dma_wait3A_64 : memref<1x80x128xi32, #tpu.memory_space<hbm>> -> memref<80x128xi32, #tpu.memory_space<hbm>>
      %dma_wait3A_66 = arith.constant 0 : i32
      %dma_wait3A_67 = arith.constant 0 : i32
      %dma_wait3A_68 = tpu.memref_slice %arg2[%add3A, %dma_wait3A_66, %dma_wait3A_67] : memref<32x80x128xi32, #tpu.memory_space<hbm>> -> memref<1x80x128xi32, #tpu.memory_space<hbm>>
      %dma_wait3A_69 = tpu.memref_squeeze %dma_wait3A_68 : memref<1x80x128xi32, #tpu.memory_space<hbm>> -> memref<80x128xi32, #tpu.memory_space<hbm>>
      tpu.wait_dma2 semaphore(%run_scoped3A : memref<!tpu.dma_semaphore, #tpu.memory_space<semaphore_mem>>) src(%dma_wait3A_69 : memref<80x128xi32, #tpu.memory_space<hbm>>) dst(%arg4 : memref<80x128xi32, #tpu.memory_space<vmem>>)
      tpu.yield
    }) : () -> ()
    %scan3A = arith.constant 0 : i32
    %scan3A_1 = arith.constant 128 : i32
    %scan3A_2 = arith.addi %scan3A, %scan3A_1 : i32
    %scan3A_3 = arith.constant 1 : i32
    scf.for %scan3A_56 = %scan3A to %scan3A_2 step %scan3A_3  : i32 {
      %mul3A_57 = arith.constant 1 : i32
      %mul3A_58 = arith.muli %scan3A_56, %mul3A_57 : i32
      %add3A_59 = arith.constant 0 : i32
      %add3A_60 = arith.addi %add3A_59, %mul3A_58 : i32
      %broadcast_in_dim3A = arith.constant 1.000000e+00 : f32
      %broadcast_in_dim3A_61 = vector.broadcast %broadcast_in_dim3A : f32 to vector<16xf32>
      %swap3A = arith.constant 0 : i32
      %swap3A_62 = arith.index_cast %swap3A : i32 to index
      %swap3A_63 = arith.index_cast %add3A_60 : i32 to index
      %swap3A_64 = arith.constant 0 : index
      %swap3A_65 = tpu.vector_load %arg5[%swap3A_62, %swap3A_63, %swap3A_64] {strides = array<i32>} : memref<2x128x16xf32, #tpu.memory_space<vmem>>, vector<1x1x16xf32>,
      %swap3A_66 = vector.shape_cast %swap3A_65 : vector<1x1x16xf32> to vector<16xf32>
      %swap3A_67 = vector.shape_cast %broadcast_in_dim3A_61 : vector<16xf32> to vector<1x1x16xf32>
      tpu.vector_store %arg5[%swap3A_62, %swap3A_63, %swap3A_64], %swap3A_67 {strides = array<i32>} : memref<2x128x16xf32, #tpu.memory_space<vmem>>, vector<1x1x16xf32>,
      %broadcast_in_dim3A_68 = arith.constant 1.000000e+00 : f32
      %broadcast_in_dim3A_69 = vector.broadcast %broadcast_in_dim3A_68 : f32 to vector<16xf32>
      %swap3A_70 = arith.constant 1 : i32
      %swap3A_71 = arith.index_cast %swap3A_70 : i32 to index
      %swap3A_72 = arith.index_cast %add3A_60 : i32 to index
      %swap3A_73 = arith.constant 0 : index
      %swap3A_74 = tpu.vector_load %arg5[%swap3A_71, %swap3A_72, %swap3A_73] {strides = array<i32>} : memref<2x128x16xf32, #tpu.memory_space<vmem>>, vector<1x1x16xf32>,
      %swap3A_75 = vector.shape_cast %swap3A_74 : vector<1x1x16xf32> to vector<16xf32>
      %swap3A_76 = vector.shape_cast %broadcast_in_dim3A_69 : vector<16xf32> to vector<1x1x16xf32>
      tpu.vector_store %arg5[%swap3A_71, %swap3A_72, %swap3A_73], %swap3A_76 {strides = array<i32>} : memref<2x128x16xf32, #tpu.memory_space<vmem>>, vector<1x1x16xf32>,
    }
    %scan3A_4 = arith.constant 128 : i32
    %scan3A_5 = arith.constant 0 : i32
    %scan3A_6 = arith.constant 128 : i32
    %scan3A_7 = arith.addi %scan3A_5, %scan3A_6 : i32
    %scan3A_8 = arith.constant 1 : i32
    scf.for %scan3A_56 = %scan3A_5 to %scan3A_7 step %scan3A_8  : i32 {
      %mul3A_57 = arith.constant 1 : i32
      %mul3A_58 = arith.muli %scan3A_56, %mul3A_57 : i32
      %add3A_59 = arith.constant 0 : i32
      %add3A_60 = arith.addi %add3A_59, %mul3A_58 : i32
      %broadcast_in_dim3A = arith.constant 0.000000e+00 : f32
      %broadcast_in_dim3A_61 = vector.broadcast %broadcast_in_dim3A : f32 to vector<16xf32>
      %swap3A = arith.index_cast %add3A_60 : i32 to index
      %swap3A_62 = arith.constant 0 : index
      %swap3A_63 = tpu.vector_load %arg6[%swap3A, %swap3A_62] {strides = array<i32>} : memref<128x16xf32, #tpu.memory_space<vmem>>, vector<1x16xf32>,
      %swap3A_64 = vector.shape_cast %swap3A_63 : vector<1x16xf32> to vector<16xf32>
      %swap3A_65 = vector.shape_cast %broadcast_in_dim3A_61 : vector<16xf32> to vector<1x16xf32>
      tpu.vector_store %arg6[%swap3A, %swap3A_62], %swap3A_65 {strides = array<i32>} : memref<128x16xf32, #tpu.memory_space<vmem>>, vector<1x16xf32>,
    }
    %scan3A_9 = arith.constant 128 : i32
    %mul3A_10 = arith.constant 640 : i32
    %mul3A_11 = arith.muli %arg1, %mul3A_10 : i32
    %add3A_12 = arith.constant 0 : i32
    %add3A_13 = arith.addi %mul3A_11, %add3A_12 : i32
    "tpu.region"() ({
      %run_scoped3A = tpu.sem_alloc : memref<!tpu.dma_semaphore, #tpu.memory_space<semaphore_mem>>
      %dma_start3A = arith.constant 0 : i32
      %dma_start3A_56 = tpu.memref_slice %arg7[%add3A_13, %dma_start3A] : memref<10240x16xf32, #tpu.memory_space<vmem_shared>> -> memref<128x16xf32, #tpu.memory_space<vmem_shared>>
      %dma_start3A_57 = arith.constant 0 : i32
      %dma_start3A_58 = tpu.memref_slice %arg7[%add3A_13, %dma_start3A_57] : memref<10240x16xf32, #tpu.memory_space<vmem_shared>> -> memref<128x16xf32, #tpu.memory_space<vmem_shared>>
      tpu.enqueue_dma source(%arg6 : memref<128x16xf32, #tpu.memory_space<vmem>>) target(%dma_start3A_58 : memref<128x16xf32, #tpu.memory_space<vmem_shared>>) target_semaphore(%run_scoped3A : memref<!tpu.dma_semaphore, #tpu.memory_space<semaphore_mem>>)
      %dma_wait3A = arith.constant 0 : i32
      %dma_wait3A_59 = tpu.memref_slice %arg7[%add3A_13, %dma_wait3A] : memref<10240x16xf32, #tpu.memory_space<vmem_shared>> -> memref<128x16xf32, #tpu.memory_space<vmem_shared>>
      %dma_wait3A_60 = arith.constant 0 : i32
      %dma_wait3A_61 = tpu.memref_slice %arg7[%add3A_13, %dma_wait3A_60] : memref<10240x16xf32, #tpu.memory_space<vmem_shared>> -> memref<128x16xf32, #tpu.memory_space<vmem_shared>>
      tpu.wait_dma2 semaphore(%run_scoped3A : memref<!tpu.dma_semaphore, #tpu.memory_space<semaphore_mem>>) src(%arg6 : memref<128x16xf32, #tpu.memory_space<vmem>>) dst(%dma_wait3A_61 : memref<128x16xf32, #tpu.memory_space<vmem_shared>>)
      tpu.yield
    }) : () -> ()
    %mul3A_14 = arith.constant 640 : i32
    %mul3A_15 = arith.muli %arg1, %mul3A_14 : i32
    %add3A_16 = arith.constant 128 : i32
    %add3A_17 = arith.addi %mul3A_15, %add3A_16 : i32
    "tpu.region"() ({
      %run_scoped3A = tpu.sem_alloc : memref<!tpu.dma_semaphore, #tpu.memory_space<semaphore_mem>>
      %dma_start3A = arith.constant 0 : i32
      %dma_start3A_56 = tpu.memref_slice %arg7[%add3A_17, %dma_start3A] : memref<10240x16xf32, #tpu.memory_space<vmem_shared>> -> memref<128x16xf32, #tpu.memory_space<vmem_shared>>
      %dma_start3A_57 = arith.constant 0 : i32
      %dma_start3A_58 = tpu.memref_slice %arg7[%add3A_17, %dma_start3A_57] : memref<10240x16xf32, #tpu.memory_space<vmem_shared>> -> memref<128x16xf32, #tpu.memory_space<vmem_shared>>
      tpu.enqueue_dma source(%arg6 : memref<128x16xf32, #tpu.memory_space<vmem>>) target(%dma_start3A_58 : memref<128x16xf32, #tpu.memory_space<vmem_shared>>) target_semaphore(%run_scoped3A : memref<!tpu.dma_semaphore, #tpu.memory_space<semaphore_mem>>)
      %dma_wait3A = arith.constant 0 : i32
      %dma_wait3A_59 = tpu.memref_slice %arg7[%add3A_17, %dma_wait3A] : memref<10240x16xf32, #tpu.memory_space<vmem_shared>> -> memref<128x16xf32, #tpu.memory_space<vmem_shared>>
      %dma_wait3A_60 = arith.constant 0 : i32
      %dma_wait3A_61 = tpu.memref_slice %arg7[%add3A_17, %dma_wait3A_60] : memref<10240x16xf32, #tpu.memory_space<vmem_shared>> -> memref<128x16xf32, #tpu.memory_space<vmem_shared>>
      tpu.wait_dma2 semaphore(%run_scoped3A : memref<!tpu.dma_semaphore, #tpu.memory_space<semaphore_mem>>) src(%arg6 : memref<128x16xf32, #tpu.memory_space<vmem>>) dst(%dma_wait3A_61 : memref<128x16xf32, #tpu.memory_space<vmem_shared>>)
      tpu.yield
    }) : () -> ()
    %mul3A_18 = arith.constant 640 : i32
    %mul3A_19 = arith.muli %arg1, %mul3A_18 : i32
    %add3A_20 = arith.constant 256 : i32
    %add3A_21 = arith.addi %mul3A_19, %add3A_20 : i32
    "tpu.region"() ({
      %run_scoped3A = tpu.sem_alloc : memref<!tpu.dma_semaphore, #tpu.memory_space<semaphore_mem>>
      %dma_start3A = arith.constant 0 : i32
      %dma_start3A_56 = tpu.memref_slice %arg7[%add3A_21, %dma_start3A] : memref<10240x16xf32, #tpu.memory_space<vmem_shared>> -> memref<128x16xf32, #tpu.memory_space<vmem_shared>>
      %dma_start3A_57 = arith.constant 0 : i32
      %dma_start3A_58 = tpu.memref_slice %arg7[%add3A_21, %dma_start3A_57] : memref<10240x16xf32, #tpu.memory_space<vmem_shared>> -> memref<128x16xf32, #tpu.memory_space<vmem_shared>>
      tpu.enqueue_dma source(%arg6 : memref<128x16xf32, #tpu.memory_space<vmem>>) target(%dma_start3A_58 : memref<128x16xf32, #tpu.memory_space<vmem_shared>>) target_semaphore(%run_scoped3A : memref<!tpu.dma_semaphore, #tpu.memory_space<semaphore_mem>>)
      %dma_wait3A = arith.constant 0 : i32
      %dma_wait3A_59 = tpu.memref_slice %arg7[%add3A_21, %dma_wait3A] : memref<10240x16xf32, #tpu.memory_space<vmem_shared>> -> memref<128x16xf32, #tpu.memory_space<vmem_shared>>
      %dma_wait3A_60 = arith.constant 0 : i32
      %dma_wait3A_61 = tpu.memref_slice %arg7[%add3A_21, %dma_wait3A_60] : memref<10240x16xf32, #tpu.memory_space<vmem_shared>> -> memref<128x16xf32, #tpu.memory_space<vmem_shared>>
      tpu.wait_dma2 semaphore(%run_scoped3A : memref<!tpu.dma_semaphore, #tpu.memory_space<semaphore_mem>>) src(%arg6 : memref<128x16xf32, #tpu.memory_space<vmem>>) dst(%dma_wait3A_61 : memref<128x16xf32, #tpu.memory_space<vmem_shared>>)
      tpu.yield
    }) : () -> ()
    %mul3A_22 = arith.constant 640 : i32
    %mul3A_23 = arith.muli %arg1, %mul3A_22 : i32
    %add3A_24 = arith.constant 384 : i32
    %add3A_25 = arith.addi %mul3A_23, %add3A_24 : i32
    "tpu.region"() ({
      %run_scoped3A = tpu.sem_alloc : memref<!tpu.dma_semaphore, #tpu.memory_space<semaphore_mem>>
      %dma_start3A = arith.constant 0 : i32
      %dma_start3A_56 = tpu.memref_slice %arg7[%add3A_25, %dma_start3A] : memref<10240x16xf32, #tpu.memory_space<vmem_shared>> -> memref<128x16xf32, #tpu.memory_space<vmem_shared>>
      %dma_start3A_57 = arith.constant 0 : i32
      %dma_start3A_58 = tpu.memref_slice %arg7[%add3A_25, %dma_start3A_57] : memref<10240x16xf32, #tpu.memory_space<vmem_shared>> -> memref<128x16xf32, #tpu.memory_space<vmem_shared>>
      tpu.enqueue_dma source(%arg6 : memref<128x16xf32, #tpu.memory_space<vmem>>) target(%dma_start3A_58 : memref<128x16xf32, #tpu.memory_space<vmem_shared>>) target_semaphore(%run_scoped3A : memref<!tpu.dma_semaphore, #tpu.memory_space<semaphore_mem>>)
      %dma_wait3A = arith.constant 0 : i32
      %dma_wait3A_59 = tpu.memref_slice %arg7[%add3A_25, %dma_wait3A] : memref<10240x16xf32, #tpu.memory_space<vmem_shared>> -> memref<128x16xf32, #tpu.memory_space<vmem_shared>>
      %dma_wait3A_60 = arith.constant 0 : i32
      %dma_wait3A_61 = tpu.memref_slice %arg7[%add3A_25, %dma_wait3A_60] : memref<10240x16xf32, #tpu.memory_space<vmem_shared>> -> memref<128x16xf32, #tpu.memory_space<vmem_shared>>
      tpu.wait_dma2 semaphore(%run_scoped3A : memref<!tpu.dma_semaphore, #tpu.memory_space<semaphore_mem>>) src(%arg6 : memref<128x16xf32, #tpu.memory_space<vmem>>) dst(%dma_wait3A_61 : memref<128x16xf32, #tpu.memory_space<vmem_shared>>)
      tpu.yield
    }) : () -> ()
    %mul3A_26 = arith.constant 640 : i32
    %mul3A_27 = arith.muli %arg1, %mul3A_26 : i32
    %add3A_28 = arith.constant 512 : i32
    %add3A_29 = arith.addi %mul3A_27, %add3A_28 : i32
    "tpu.region"() ({
      %run_scoped3A = tpu.sem_alloc : memref<!tpu.dma_semaphore, #tpu.memory_space<semaphore_mem>>
      %dma_start3A = arith.constant 0 : i32
      %dma_start3A_56 = tpu.memref_slice %arg7[%add3A_29, %dma_start3A] : memref<10240x16xf32, #tpu.memory_space<vmem_shared>> -> memref<128x16xf32, #tpu.memory_space<vmem_shared>>
      %dma_start3A_57 = arith.constant 0 : i32
      %dma_start3A_58 = tpu.memref_slice %arg7[%add3A_29, %dma_start3A_57] : memref<10240x16xf32, #tpu.memory_space<vmem_shared>> -> memref<128x16xf32, #tpu.memory_space<vmem_shared>>
      tpu.enqueue_dma source(%arg6 : memref<128x16xf32, #tpu.memory_space<vmem>>) target(%dma_start3A_58 : memref<128x16xf32, #tpu.memory_space<vmem_shared>>) target_semaphore(%run_scoped3A : memref<!tpu.dma_semaphore, #tpu.memory_space<semaphore_mem>>)
      %dma_wait3A = arith.constant 0 : i32
      %dma_wait3A_59 = tpu.memref_slice %arg7[%add3A_29, %dma_wait3A] : memref<10240x16xf32, #tpu.memory_space<vmem_shared>> -> memref<128x16xf32, #tpu.memory_space<vmem_shared>>
      %dma_wait3A_60 = arith.constant 0 : i32
      %dma_wait3A_61 = tpu.memref_slice %arg7[%add3A_29, %dma_wait3A_60] : memref<10240x16xf32, #tpu.memory_space<vmem_shared>> -> memref<128x16xf32, #tpu.memory_space<vmem_shared>>
      tpu.wait_dma2 semaphore(%run_scoped3A : memref<!tpu.dma_semaphore, #tpu.memory_space<semaphore_mem>>) src(%arg6 : memref<128x16xf32, #tpu.memory_space<vmem>>) dst(%dma_wait3A_61 : memref<128x16xf32, #tpu.memory_space<vmem_shared>>)
      tpu.yield
    }) : () -> ()
    %barrier3A = arith.constant 0 : index
    tpu.barrier barrier_id(%barrier3A)
    %scan3A_30 = arith.constant 0 : i32
    %scan3A_31 = arith.constant 40 : i32
    %scan3A_32 = arith.addi %scan3A_30, %scan3A_31 : i32
    %scan3A_33 = arith.constant 1 : i32
    scf.for %scan3A_56 = %scan3A_30 to %scan3A_32 step %scan3A_33  : i32 {
      %mul3A_57 = arith.constant 2 : i32
      %mul3A_58 = arith.muli %scan3A_56, %mul3A_57 : i32
      %add3A_59 = arith.constant 0 : i32
      %add3A_60 = arith.addi %add3A_59, %mul3A_58 : i32
      %dma_start3A = arith.constant 0 : i32
      %dma_start3A_61 = arith.constant 0 : i32
      %dma_start3A_62 = arith.constant 0 : i32
      %dma_start3A_63 = tpu.memref_slice %arg5[%dma_start3A, %dma_start3A_61, %dma_start3A_62] : memref<2x128x16xf32, #tpu.memory_space<vmem>> -> memref<1x128x16xf32, #tpu.memory_space<vmem>>
      %dma_start3A_64 = tpu.memref_squeeze %dma_start3A_63 : memref<1x128x16xf32, #tpu.memory_space<vmem>> -> memref<128x16xf32, #tpu.memory_space<vmem>>
      %dma_start3A_65 = arith.constant 0 : i32
      %dma_start3A_66 = tpu.memref_slice %arg4[%add3A_60, %dma_start3A_65] : memref<80x128xi32, #tpu.memory_space<vmem>> -> memref<1x128xi32, #tpu.memory_space<vmem>>
      %dma_start3A_67 = tpu.memref_squeeze %dma_start3A_66 : memref<1x128xi32, #tpu.memory_space<vmem>> -> memref<128xi32, #tpu.memory_space<vmem>>
      %dma_start3A_68 = arith.constant 0 : i32
      %dma_start3A_69 = arith.constant 0 : i32
      %dma_start3A_70 = tpu.memref_slice %arg7[%dma_start3A_68, %dma_start3A_69] : memref<10240x16xf32, #tpu.memory_space<vmem_shared>> -> memref<10240x16xf32, #tpu.memory_space<vmem_shared>>
      tpu.enqueue_indirect_dma source(%dma_start3A_64 : memref<128x16xf32, #tpu.memory_space<vmem>>) target(%dma_start3A_70 : memref<10240x16xf32, #tpu.memory_space<vmem_shared>>) offsets(%dma_start3A_67 : memref<128xi32, #tpu.memory_space<vmem>>) semaphore(%arg10 : memref<!tpu.dma_semaphore, #tpu.memory_space<semaphore_mem>>) {add = true}
      %add3A_71 = arith.constant 1 : i32
      %add3A_72 = arith.addi %add3A_60, %add3A_71 : i32
      %dma_start3A_73 = arith.constant 1 : i32
      %dma_start3A_74 = arith.constant 0 : i32
      %dma_start3A_75 = arith.constant 0 : i32
      %dma_start3A_76 = tpu.memref_slice %arg5[%dma_start3A_73, %dma_start3A_74, %dma_start3A_75] : memref<2x128x16xf32, #tpu.memory_space<vmem>> -> memref<1x128x16xf32, #tpu.memory_space<vmem>>
      %dma_start3A_77 = tpu.memref_squeeze %dma_start3A_76 : memref<1x128x16xf32, #tpu.memory_space<vmem>> -> memref<128x16xf32, #tpu.memory_space<vmem>>
      %dma_start3A_78 = arith.constant 0 : i32
      %dma_start3A_79 = tpu.memref_slice %arg4[%add3A_72, %dma_start3A_78] : memref<80x128xi32, #tpu.memory_space<vmem>> -> memref<1x128xi32, #tpu.memory_space<vmem>>
      %dma_start3A_80 = tpu.memref_squeeze %dma_start3A_79 : memref<1x128xi32, #tpu.memory_space<vmem>> -> memref<128xi32, #tpu.memory_space<vmem>>
      %dma_start3A_81 = arith.constant 0 : i32
      %dma_start3A_82 = arith.constant 0 : i32
      %dma_start3A_83 = tpu.memref_slice %arg7[%dma_start3A_81, %dma_start3A_82] : memref<10240x16xf32, #tpu.memory_space<vmem_shared>> -> memref<10240x16xf32, #tpu.memory_space<vmem_shared>>
      tpu.enqueue_indirect_dma source(%dma_start3A_77 : memref<128x16xf32, #tpu.memory_space<vmem>>) target(%dma_start3A_83 : memref<10240x16xf32, #tpu.memory_space<vmem_shared>>) offsets(%dma_start3A_80 : memref<128xi32, #tpu.memory_space<vmem>>) semaphore(%arg11 : memref<!tpu.dma_semaphore, #tpu.memory_space<semaphore_mem>>) {add = true}
      %dma_wait3A = arith.constant 0 : i32
      %dma_wait3A_84 = arith.constant 0 : i32
      %dma_wait3A_85 = arith.constant 0 : i32
      %dma_wait3A_86 = tpu.memref_slice %arg5[%dma_wait3A, %dma_wait3A_84, %dma_wait3A_85] : memref<2x128x16xf32, #tpu.memory_space<vmem>> -> memref<1x128x16xf32, #tpu.memory_space<vmem>>
      %dma_wait3A_87 = tpu.memref_squeeze %dma_wait3A_86 : memref<1x128x16xf32, #tpu.memory_space<vmem>> -> memref<128x16xf32, #tpu.memory_space<vmem>>
      %dma_wait3A_88 = arith.constant 0 : i32
      %dma_wait3A_89 = tpu.memref_slice %arg4[%add3A_60, %dma_wait3A_88] : memref<80x128xi32, #tpu.memory_space<vmem>> -> memref<1x128xi32, #tpu.memory_space<vmem>>
      %dma_wait3A_90 = tpu.memref_squeeze %dma_wait3A_89 : memref<1x128xi32, #tpu.memory_space<vmem>> -> memref<128xi32, #tpu.memory_space<vmem>>
      %dma_wait3A_91 = arith.constant 0 : i32
      %dma_wait3A_92 = arith.constant 0 : i32
      %dma_wait3A_93 = tpu.memref_slice %arg7[%dma_wait3A_91, %dma_wait3A_92] : memref<10240x16xf32, #tpu.memory_space<vmem_shared>> -> memref<10240x16xf32, #tpu.memory_space<vmem_shared>>
      tpu.wait_indirect_dma semaphore(%arg10 : memref<!tpu.dma_semaphore, #tpu.memory_space<semaphore_mem>>) src(%dma_wait3A_87 : memref<128x16xf32, #tpu.memory_space<vmem>>) dst(%dma_wait3A_93 : memref<10240x16xf32, #tpu.memory_space<vmem_shared>>)
      %add3A_94 = arith.constant 1 : i32
      %add3A_95 = arith.addi %add3A_60, %add3A_94 : i32
      %dma_wait3A_96 = arith.constant 1 : i32
      %dma_wait3A_97 = arith.constant 0 : i32
      %dma_wait3A_98 = arith.constant 0 : i32
      %dma_wait3A_99 = tpu.memref_slice %arg5[%dma_wait3A_96, %dma_wait3A_97, %dma_wait3A_98] : memref<2x128x16xf32, #tpu.memory_space<vmem>> -> memref<1x128x16xf32, #tpu.memory_space<vmem>>
      %dma_wait3A_100 = tpu.memref_squeeze %dma_wait3A_99 : memref<1x128x16xf32, #tpu.memory_space<vmem>> -> memref<128x16xf32, #tpu.memory_space<vmem>>
      %dma_wait3A_101 = arith.constant 0 : i32
      %dma_wait3A_102 = tpu.memref_slice %arg4[%add3A_95, %dma_wait3A_101] : memref<80x128xi32, #tpu.memory_space<vmem>> -> memref<1x128xi32, #tpu.memory_space<vmem>>
      %dma_wait3A_103 = tpu.memref_squeeze %dma_wait3A_102 : memref<1x128xi32, #tpu.memory_space<vmem>> -> memref<128xi32, #tpu.memory_space<vmem>>
      %dma_wait3A_104 = arith.constant 0 : i32
      %dma_wait3A_105 = arith.constant 0 : i32
      %dma_wait3A_106 = tpu.memref_slice %arg7[%dma_wait3A_104, %dma_wait3A_105] : memref<10240x16xf32, #tpu.memory_space<vmem_shared>> -> memref<10240x16xf32, #tpu.memory_space<vmem_shared>>
      tpu.wait_indirect_dma semaphore(%arg11 : memref<!tpu.dma_semaphore, #tpu.memory_space<semaphore_mem>>) src(%dma_wait3A_100 : memref<128x16xf32, #tpu.memory_space<vmem>>) dst(%dma_wait3A_106 : memref<10240x16xf32, #tpu.memory_space<vmem_shared>>)
    }
    %scan3A_34 = arith.constant 40 : i32
    %barrier3A_35 = arith.constant 0 : index
    tpu.barrier barrier_id(%barrier3A_35)
    %mul3A_36 = arith.constant 640 : i32
    %mul3A_37 = arith.muli %arg1, %mul3A_36 : i32
    %add3A_38 = arith.constant 0 : i32
    %add3A_39 = arith.addi %mul3A_37, %add3A_38 : i32
    "tpu.region"() ({
      %run_scoped3A = tpu.sem_alloc : memref<!tpu.dma_semaphore, #tpu.memory_space<semaphore_mem>>
      %dma_start3A = arith.constant 0 : i32
      %dma_start3A_56 = tpu.memref_slice %arg7[%add3A_39, %dma_start3A] : memref<10240x16xf32, #tpu.memory_space<vmem_shared>> -> memref<128x16xf32, #tpu.memory_space<vmem_shared>>
      %dma_start3A_57 = arith.constant 0 : i32
      %dma_start3A_58 = tpu.memref_slice %arg7[%add3A_39, %dma_start3A_57] : memref<10240x16xf32, #tpu.memory_space<vmem_shared>> -> memref<128x16xf32, #tpu.memory_space<vmem_shared>>
      tpu.enqueue_dma source(%dma_start3A_58 : memref<128x16xf32, #tpu.memory_space<vmem_shared>>) target(%arg6 : memref<128x16xf32, #tpu.memory_space<vmem>>) target_semaphore(%run_scoped3A : memref<!tpu.dma_semaphore, #tpu.memory_space<semaphore_mem>>)
      %dma_wait3A = arith.constant 0 : i32
      %dma_wait3A_59 = tpu.memref_slice %arg7[%add3A_39, %dma_wait3A] : memref<10240x16xf32, #tpu.memory_space<vmem_shared>> -> memref<128x16xf32, #tpu.memory_space<vmem_shared>>
      %dma_wait3A_60 = arith.constant 0 : i32
      %dma_wait3A_61 = tpu.memref_slice %arg7[%add3A_39, %dma_wait3A_60] : memref<10240x16xf32, #tpu.memory_space<vmem_shared>> -> memref<128x16xf32, #tpu.memory_space<vmem_shared>>
      tpu.wait_dma2 semaphore(%run_scoped3A : memref<!tpu.dma_semaphore, #tpu.memory_space<semaphore_mem>>) src(%dma_wait3A_61 : memref<128x16xf32, #tpu.memory_space<vmem_shared>>) dst(%arg6 : memref<128x16xf32, #tpu.memory_space<vmem>>)
      tpu.yield
    }) : () -> ()
    "tpu.region"() ({
      %run_scoped3A = tpu.sem_alloc : memref<!tpu.dma_semaphore, #tpu.memory_space<semaphore_mem>>
      %dma_start3A = arith.constant 0 : i32
      %dma_start3A_56 = tpu.memref_slice %arg3[%arg0, %add3A_39, %dma_start3A] : memref<2x10240x16xf32, #tpu.memory_space<hbm>> -> memref<1x128x16xf32, #tpu.memory_space<hbm>>
      %dma_start3A_57 = tpu.memref_squeeze %dma_start3A_56 : memref<1x128x16xf32, #tpu.memory_space<hbm>> -> memref<128x16xf32, #tpu.memory_space<hbm>>
      %dma_start3A_58 = arith.constant 0 : i32
      %dma_start3A_59 = tpu.memref_slice %arg3[%arg0, %add3A_39, %dma_start3A_58] : memref<2x10240x16xf32, #tpu.memory_space<hbm>> -> memref<1x128x16xf32, #tpu.memory_space<hbm>>
      %dma_start3A_60 = tpu.memref_squeeze %dma_start3A_59 : memref<1x128x16xf32, #tpu.memory_space<hbm>> -> memref<128x16xf32, #tpu.memory_space<hbm>>
      tpu.enqueue_dma source(%arg6 : memref<128x16xf32, #tpu.memory_space<vmem>>) target(%dma_start3A_60 : memref<128x16xf32, #tpu.memory_space<hbm>>) target_semaphore(%run_scoped3A : memref<!tpu.dma_semaphore, #tpu.memory_space<semaphore_mem>>)
      %dma_wait3A = arith.constant 0 : i32
      %dma_wait3A_61 = tpu.memref_slice %arg3[%arg0, %add3A_39, %dma_wait3A] : memref<2x10240x16xf32, #tpu.memory_space<hbm>> -> memref<1x128x16xf32, #tpu.memory_space<hbm>>
      %dma_wait3A_62 = tpu.memref_squeeze %dma_wait3A_61 : memref<1x128x16xf32, #tpu.memory_space<hbm>> -> memref<128x16xf32, #tpu.memory_space<hbm>>
      %dma_wait3A_63 = arith.constant 0 : i32
      %dma_wait3A_64 = tpu.memref_slice %arg3[%arg0, %add3A_39, %dma_wait3A_63] : memref<2x10240x16xf32, #tpu.memory_space<hbm>> -> memref<1x128x16xf32, #tpu.memory_space<hbm>>
      %dma_wait3A_65 = tpu.memref_squeeze %dma_wait3A_64 : memref<1x128x16xf32, #tpu.memory_space<hbm>> -> memref<128x16xf32, #tpu.memory_space<hbm>>
      tpu.wait_dma2 semaphore(%run_scoped3A : memref<!tpu.dma_semaphore, #tpu.memory_space<semaphore_mem>>) src(%arg6 : memref<128x16xf32, #tpu.memory_space<vmem>>) dst(%dma_wait3A_65 : memref<128x16xf32, #tpu.memory_space<hbm>>)
      tpu.yield
    }) : () -> ()
    %mul3A_40 = arith.constant 640 : i32
    %mul3A_41 = arith.muli %arg1, %mul3A_40 : i32
    %add3A_42 = arith.constant 128 : i32
    %add3A_43 = arith.addi %mul3A_41, %add3A_42 : i32
    "tpu.region"() ({
      %run_scoped3A = tpu.sem_alloc : memref<!tpu.dma_semaphore, #tpu.memory_space<semaphore_mem>>
      %dma_start3A = arith.constant 0 : i32
      %dma_start3A_56 = tpu.memref_slice %arg7[%add3A_43, %dma_start3A] : memref<10240x16xf32, #tpu.memory_space<vmem_shared>> -> memref<128x16xf32, #tpu.memory_space<vmem_shared>>
      %dma_start3A_57 = arith.constant 0 : i32
      %dma_start3A_58 = tpu.memref_slice %arg7[%add3A_43, %dma_start3A_57] : memref<10240x16xf32, #tpu.memory_space<vmem_shared>> -> memref<128x16xf32, #tpu.memory_space<vmem_shared>>
      tpu.enqueue_dma source(%dma_start3A_58 : memref<128x16xf32, #tpu.memory_space<vmem_shared>>) target(%arg6 : memref<128x16xf32, #tpu.memory_space<vmem>>) target_semaphore(%run_scoped3A : memref<!tpu.dma_semaphore, #tpu.memory_space<semaphore_mem>>)
      %dma_wait3A = arith.constant 0 : i32
      %dma_wait3A_59 = tpu.memref_slice %arg7[%add3A_43, %dma_wait3A] : memref<10240x16xf32, #tpu.memory_space<vmem_shared>> -> memref<128x16xf32, #tpu.memory_space<vmem_shared>>
      %dma_wait3A_60 = arith.constant 0 : i32
      %dma_wait3A_61 = tpu.memref_slice %arg7[%add3A_43, %dma_wait3A_60] : memref<10240x16xf32, #tpu.memory_space<vmem_shared>> -> memref<128x16xf32, #tpu.memory_space<vmem_shared>>
      tpu.wait_dma2 semaphore(%run_scoped3A : memref<!tpu.dma_semaphore, #tpu.memory_space<semaphore_mem>>) src(%dma_wait3A_61 : memref<128x16xf32, #tpu.memory_space<vmem_shared>>) dst(%arg6 : memref<128x16xf32, #tpu.memory_space<vmem>>)
      tpu.yield
    }) : () -> ()
    "tpu.region"() ({
      %run_scoped3A = tpu.sem_alloc : memref<!tpu.dma_semaphore, #tpu.memory_space<semaphore_mem>>
      %dma_start3A = arith.constant 0 : i32
      %dma_start3A_56 = tpu.memref_slice %arg3[%arg0, %add3A_43, %dma_start3A] : memref<2x10240x16xf32, #tpu.memory_space<hbm>> -> memref<1x128x16xf32, #tpu.memory_space<hbm>>
      %dma_start3A_57 = tpu.memref_squeeze %dma_start3A_56 : memref<1x128x16xf32, #tpu.memory_space<hbm>> -> memref<128x16xf32, #tpu.memory_space<hbm>>
      %dma_start3A_58 = arith.constant 0 : i32
      %dma_start3A_59 = tpu.memref_slice %arg3[%arg0, %add3A_43, %dma_start3A_58] : memref<2x10240x16xf32, #tpu.memory_space<hbm>> -> memref<1x128x16xf32, #tpu.memory_space<hbm>>
      %dma_start3A_60 = tpu.memref_squeeze %dma_start3A_59 : memref<1x128x16xf32, #tpu.memory_space<hbm>> -> memref<128x16xf32, #tpu.memory_space<hbm>>
      tpu.enqueue_dma source(%arg6 : memref<128x16xf32, #tpu.memory_space<vmem>>) target(%dma_start3A_60 : memref<128x16xf32, #tpu.memory_space<hbm>>) target_semaphore(%run_scoped3A : memref<!tpu.dma_semaphore, #tpu.memory_space<semaphore_mem>>)
      %dma_wait3A = arith.constant 0 : i32
      %dma_wait3A_61 = tpu.memref_slice %arg3[%arg0, %add3A_43, %dma_wait3A] : memref<2x10240x16xf32, #tpu.memory_space<hbm>> -> memref<1x128x16xf32, #tpu.memory_space<hbm>>
      %dma_wait3A_62 = tpu.memref_squeeze %dma_wait3A_61 : memref<1x128x16xf32, #tpu.memory_space<hbm>> -> memref<128x16xf32, #tpu.memory_space<hbm>>
      %dma_wait3A_63 = arith.constant 0 : i32
      %dma_wait3A_64 = tpu.memref_slice %arg3[%arg0, %add3A_43, %dma_wait3A_63] : memref<2x10240x16xf32, #tpu.memory_space<hbm>> -> memref<1x128x16xf32, #tpu.memory_space<hbm>>
      %dma_wait3A_65 = tpu.memref_squeeze %dma_wait3A_64 : memref<1x128x16xf32, #tpu.memory_space<hbm>> -> memref<128x16xf32, #tpu.memory_space<hbm>>
      tpu.wait_dma2 semaphore(%run_scoped3A : memref<!tpu.dma_semaphore, #tpu.memory_space<semaphore_mem>>) src(%arg6 : memref<128x16xf32, #tpu.memory_space<vmem>>) dst(%dma_wait3A_65 : memref<128x16xf32, #tpu.memory_space<hbm>>)
      tpu.yield
    }) : () -> ()
    %mul3A_44 = arith.constant 640 : i32
    %mul3A_45 = arith.muli %arg1, %mul3A_44 : i32
    %add3A_46 = arith.constant 256 : i32
    %add3A_47 = arith.addi %mul3A_45, %add3A_46 : i32
    "tpu.region"() ({
      %run_scoped3A = tpu.sem_alloc : memref<!tpu.dma_semaphore, #tpu.memory_space<semaphore_mem>>
      %dma_start3A = arith.constant 0 : i32
      %dma_start3A_56 = tpu.memref_slice %arg7[%add3A_47, %dma_start3A] : memref<10240x16xf32, #tpu.memory_space<vmem_shared>> -> memref<128x16xf32, #tpu.memory_space<vmem_shared>>
      %dma_start3A_57 = arith.constant 0 : i32
      %dma_start3A_58 = tpu.memref_slice %arg7[%add3A_47, %dma_start3A_57] : memref<10240x16xf32, #tpu.memory_space<vmem_shared>> -> memref<128x16xf32, #tpu.memory_space<vmem_shared>>
      tpu.enqueue_dma source(%dma_start3A_58 : memref<128x16xf32, #tpu.memory_space<vmem_shared>>) target(%arg6 : memref<128x16xf32, #tpu.memory_space<vmem>>) target_semaphore(%run_scoped3A : memref<!tpu.dma_semaphore, #tpu.memory_space<semaphore_mem>>)
      %dma_wait3A = arith.constant 0 : i32
      %dma_wait3A_59 = tpu.memref_slice %arg7[%add3A_47, %dma_wait3A] : memref<10240x16xf32, #tpu.memory_space<vmem_shared>> -> memref<128x16xf32, #tpu.memory_space<vmem_shared>>
      %dma_wait3A_60 = arith.constant 0 : i32
      %dma_wait3A_61 = tpu.memref_slice %arg7[%add3A_47, %dma_wait3A_60] : memref<10240x16xf32, #tpu.memory_space<vmem_shared>> -> memref<128x16xf32, #tpu.memory_space<vmem_shared>>
      tpu.wait_dma2 semaphore(%run_scoped3A : memref<!tpu.dma_semaphore, #tpu.memory_space<semaphore_mem>>) src(%dma_wait3A_61 : memref<128x16xf32, #tpu.memory_space<vmem_shared>>) dst(%arg6 : memref<128x16xf32, #tpu.memory_space<vmem>>)
      tpu.yield
    }) : () -> ()
    "tpu.region"() ({
      %run_scoped3A = tpu.sem_alloc : memref<!tpu.dma_semaphore, #tpu.memory_space<semaphore_mem>>
      %dma_start3A = arith.constant 0 : i32
      %dma_start3A_56 = tpu.memref_slice %arg3[%arg0, %add3A_47, %dma_start3A] : memref<2x10240x16xf32, #tpu.memory_space<hbm>> -> memref<1x128x16xf32, #tpu.memory_space<hbm>>
      %dma_start3A_57 = tpu.memref_squeeze %dma_start3A_56 : memref<1x128x16xf32, #tpu.memory_space<hbm>> -> memref<128x16xf32, #tpu.memory_space<hbm>>
      %dma_start3A_58 = arith.constant 0 : i32
      %dma_start3A_59 = tpu.memref_slice %arg3[%arg0, %add3A_47, %dma_start3A_58] : memref<2x10240x16xf32, #tpu.memory_space<hbm>> -> memref<1x128x16xf32, #tpu.memory_space<hbm>>
      %dma_start3A_60 = tpu.memref_squeeze %dma_start3A_59 : memref<1x128x16xf32, #tpu.memory_space<hbm>> -> memref<128x16xf32, #tpu.memory_space<hbm>>
      tpu.enqueue_dma source(%arg6 : memref<128x16xf32, #tpu.memory_space<vmem>>) target(%dma_start3A_60 : memref<128x16xf32, #tpu.memory_space<hbm>>) target_semaphore(%run_scoped3A : memref<!tpu.dma_semaphore, #tpu.memory_space<semaphore_mem>>)
      %dma_wait3A = arith.constant 0 : i32
      %dma_wait3A_61 = tpu.memref_slice %arg3[%arg0, %add3A_47, %dma_wait3A] : memref<2x10240x16xf32, #tpu.memory_space<hbm>> -> memref<1x128x16xf32, #tpu.memory_space<hbm>>
      %dma_wait3A_62 = tpu.memref_squeeze %dma_wait3A_61 : memref<1x128x16xf32, #tpu.memory_space<hbm>> -> memref<128x16xf32, #tpu.memory_space<hbm>>
      %dma_wait3A_63 = arith.constant 0 : i32
      %dma_wait3A_64 = tpu.memref_slice %arg3[%arg0, %add3A_47, %dma_wait3A_63] : memref<2x10240x16xf32, #tpu.memory_space<hbm>> -> memref<1x128x16xf32, #tpu.memory_space<hbm>>
      %dma_wait3A_65 = tpu.memref_squeeze %dma_wait3A_64 : memref<1x128x16xf32, #tpu.memory_space<hbm>> -> memref<128x16xf32, #tpu.memory_space<hbm>>
      tpu.wait_dma2 semaphore(%run_scoped3A : memref<!tpu.dma_semaphore, #tpu.memory_space<semaphore_mem>>) src(%arg6 : memref<128x16xf32, #tpu.memory_space<vmem>>) dst(%dma_wait3A_65 : memref<128x16xf32, #tpu.memory_space<hbm>>)
      tpu.yield
    }) : () -> ()
    %mul3A_48 = arith.constant 640 : i32
    %mul3A_49 = arith.muli %arg1, %mul3A_48 : i32
    %add3A_50 = arith.constant 384 : i32
    %add3A_51 = arith.addi %mul3A_49, %add3A_50 : i32
    "tpu.region"() ({
      %run_scoped3A = tpu.sem_alloc : memref<!tpu.dma_semaphore, #tpu.memory_space<semaphore_mem>>
      %dma_start3A = arith.constant 0 : i32
      %dma_start3A_56 = tpu.memref_slice %arg7[%add3A_51, %dma_start3A] : memref<10240x16xf32, #tpu.memory_space<vmem_shared>> -> memref<128x16xf32, #tpu.memory_space<vmem_shared>>
      %dma_start3A_57 = arith.constant 0 : i32
      %dma_start3A_58 = tpu.memref_slice %arg7[%add3A_51, %dma_start3A_57] : memref<10240x16xf32, #tpu.memory_space<vmem_shared>> -> memref<128x16xf32, #tpu.memory_space<vmem_shared>>
      tpu.enqueue_dma source(%dma_start3A_58 : memref<128x16xf32, #tpu.memory_space<vmem_shared>>) target(%arg6 : memref<128x16xf32, #tpu.memory_space<vmem>>) target_semaphore(%run_scoped3A : memref<!tpu.dma_semaphore, #tpu.memory_space<semaphore_mem>>)
      %dma_wait3A = arith.constant 0 : i32
      %dma_wait3A_59 = tpu.memref_slice %arg7[%add3A_51, %dma_wait3A] : memref<10240x16xf32, #tpu.memory_space<vmem_shared>> -> memref<128x16xf32, #tpu.memory_space<vmem_shared>>
      %dma_wait3A_60 = arith.constant 0 : i32
      %dma_wait3A_61 = tpu.memref_slice %arg7[%add3A_51, %dma_wait3A_60] : memref<10240x16xf32, #tpu.memory_space<vmem_shared>> -> memref<128x16xf32, #tpu.memory_space<vmem_shared>>
      tpu.wait_dma2 semaphore(%run_scoped3A : memref<!tpu.dma_semaphore, #tpu.memory_space<semaphore_mem>>) src(%dma_wait3A_61 : memref<128x16xf32, #tpu.memory_space<vmem_shared>>) dst(%arg6 : memref<128x16xf32, #tpu.memory_space<vmem>>)
      tpu.yield
    }) : () -> ()
    "tpu.region"() ({
      %run_scoped3A = tpu.sem_alloc : memref<!tpu.dma_semaphore, #tpu.memory_space<semaphore_mem>>
      %dma_start3A = arith.constant 0 : i32
      %dma_start3A_56 = tpu.memref_slice %arg3[%arg0, %add3A_51, %dma_start3A] : memref<2x10240x16xf32, #tpu.memory_space<hbm>> -> memref<1x128x16xf32, #tpu.memory_space<hbm>>
      %dma_start3A_57 = tpu.memref_squeeze %dma_start3A_56 : memref<1x128x16xf32, #tpu.memory_space<hbm>> -> memref<128x16xf32, #tpu.memory_space<hbm>>
      %dma_start3A_58 = arith.constant 0 : i32
      %dma_start3A_59 = tpu.memref_slice %arg3[%arg0, %add3A_51, %dma_start3A_58] : memref<2x10240x16xf32, #tpu.memory_space<hbm>> -> memref<1x128x16xf32, #tpu.memory_space<hbm>>
      %dma_start3A_60 = tpu.memref_squeeze %dma_start3A_59 : memref<1x128x16xf32, #tpu.memory_space<hbm>> -> memref<128x16xf32, #tpu.memory_space<hbm>>
      tpu.enqueue_dma source(%arg6 : memref<128x16xf32, #tpu.memory_space<vmem>>) target(%dma_start3A_60 : memref<128x16xf32, #tpu.memory_space<hbm>>) target_semaphore(%run_scoped3A : memref<!tpu.dma_semaphore, #tpu.memory_space<semaphore_mem>>)
      %dma_wait3A = arith.constant 0 : i32
      %dma_wait3A_61 = tpu.memref_slice %arg3[%arg0, %add3A_51, %dma_wait3A] : memref<2x10240x16xf32, #tpu.memory_space<hbm>> -> memref<1x128x16xf32, #tpu.memory_space<hbm>>
      %dma_wait3A_62 = tpu.memref_squeeze %dma_wait3A_61 : memref<1x128x16xf32, #tpu.memory_space<hbm>> -> memref<128x16xf32, #tpu.memory_space<hbm>>
      %dma_wait3A_63 = arith.constant 0 : i32
      %dma_wait3A_64 = tpu.memref_slice %arg3[%arg0, %add3A_51, %dma_wait3A_63] : memref<2x10240x16xf32, #tpu.memory_space<hbm>> -> memref<1x128x16xf32, #tpu.memory_space<hbm>>
      %dma_wait3A_65 = tpu.memref_squeeze %dma_wait3A_64 : memref<1x128x16xf32, #tpu.memory_space<hbm>> -> memref<128x16xf32, #tpu.memory_space<hbm>>
      tpu.wait_dma2 semaphore(%run_scoped3A : memref<!tpu.dma_semaphore, #tpu.memory_space<semaphore_mem>>) src(%arg6 : memref<128x16xf32, #tpu.memory_space<vmem>>) dst(%dma_wait3A_65 : memref<128x16xf32, #tpu.memory_space<hbm>>)
      tpu.yield
    }) : () -> ()
    %mul3A_52 = arith.constant 640 : i32
    %mul3A_53 = arith.muli %arg1, %mul3A_52 : i32
    %add3A_54 = arith.constant 512 : i32
    %add3A_55 = arith.addi %mul3A_53, %add3A_54 : i32
    "tpu.region"() ({
      %run_scoped3A = tpu.sem_alloc : memref<!tpu.dma_semaphore, #tpu.memory_space<semaphore_mem>>
      %dma_start3A = arith.constant 0 : i32
      %dma_start3A_56 = tpu.memref_slice %arg7[%add3A_55, %dma_start3A] : memref<10240x16xf32, #tpu.memory_space<vmem_shared>> -> memref<128x16xf32, #tpu.memory_space<vmem_shared>>
      %dma_start3A_57 = arith.constant 0 : i32
      %dma_start3A_58 = tpu.memref_slice %arg7[%add3A_55, %dma_start3A_57] : memref<10240x16xf32, #tpu.memory_space<vmem_shared>> -> memref<128x16xf32, #tpu.memory_space<vmem_shared>>
      tpu.enqueue_dma source(%dma_start3A_58 : memref<128x16xf32, #tpu.memory_space<vmem_shared>>) target(%arg6 : memref<128x16xf32, #tpu.memory_space<vmem>>) target_semaphore(%run_scoped3A : memref<!tpu.dma_semaphore, #tpu.memory_space<semaphore_mem>>)
      %dma_wait3A = arith.constant 0 : i32
      %dma_wait3A_59 = tpu.memref_slice %arg7[%add3A_55, %dma_wait3A] : memref<10240x16xf32, #tpu.memory_space<vmem_shared>> -> memref<128x16xf32, #tpu.memory_space<vmem_shared>>
      %dma_wait3A_60 = arith.constant 0 : i32
      %dma_wait3A_61 = tpu.memref_slice %arg7[%add3A_55, %dma_wait3A_60] : memref<10240x16xf32, #tpu.memory_space<vmem_shared>> -> memref<128x16xf32, #tpu.memory_space<vmem_shared>>
      tpu.wait_dma2 semaphore(%run_scoped3A : memref<!tpu.dma_semaphore, #tpu.memory_space<semaphore_mem>>) src(%dma_wait3A_61 : memref<128x16xf32, #tpu.memory_space<vmem_shared>>) dst(%arg6 : memref<128x16xf32, #tpu.memory_space<vmem>>)
      tpu.yield
    }) : () -> ()
    "tpu.region"() ({
      %run_scoped3A = tpu.sem_alloc : memref<!tpu.dma_semaphore, #tpu.memory_space<semaphore_mem>>
      %dma_start3A = arith.constant 0 : i32
      %dma_start3A_56 = tpu.memref_slice %arg3[%arg0, %add3A_55, %dma_start3A] : memref<2x10240x16xf32, #tpu.memory_space<hbm>> -> memref<1x128x16xf32, #tpu.memory_space<hbm>>
      %dma_start3A_57 = tpu.memref_squeeze %dma_start3A_56 : memref<1x128x16xf32, #tpu.memory_space<hbm>> -> memref<128x16xf32, #tpu.memory_space<hbm>>
      %dma_start3A_58 = arith.constant 0 : i32
      %dma_start3A_59 = tpu.memref_slice %arg3[%arg0, %add3A_55, %dma_start3A_58] : memref<2x10240x16xf32, #tpu.memory_space<hbm>> -> memref<1x128x16xf32, #tpu.memory_space<hbm>>
      %dma_start3A_60 = tpu.memref_squeeze %dma_start3A_59 : memref<1x128x16xf32, #tpu.memory_space<hbm>> -> memref<128x16xf32, #tpu.memory_space<hbm>>
      tpu.enqueue_dma source(%arg6 : memref<128x16xf32, #tpu.memory_space<vmem>>) target(%dma_start3A_60 : memref<128x16xf32, #tpu.memory_space<hbm>>) target_semaphore(%run_scoped3A : memref<!tpu.dma_semaphore, #tpu.memory_space<semaphore_mem>>)
      %dma_wait3A = arith.constant 0 : i32
      %dma_wait3A_61 = tpu.memref_slice %arg3[%arg0, %add3A_55, %dma_wait3A] : memref<2x10240x16xf32, #tpu.memory_space<hbm>> -> memref<1x128x16xf32, #tpu.memory_space<hbm>>
      %dma_wait3A_62 = tpu.memref_squeeze %dma_wait3A_61 : memref<1x128x16xf32, #tpu.memory_space<hbm>> -> memref<128x16xf32, #tpu.memory_space<hbm>>
      %dma_wait3A_63 = arith.constant 0 : i32
      %dma_wait3A_64 = tpu.memref_slice %arg3[%arg0, %add3A_55, %dma_wait3A_63] : memref<2x10240x16xf32, #tpu.memory_space<hbm>> -> memref<1x128x16xf32, #tpu.memory_space<hbm>>
      %dma_wait3A_65 = tpu.memref_squeeze %dma_wait3A_64 : memref<1x128x16xf32, #tpu.memory_space<hbm>> -> memref<128x16xf32, #tpu.memory_space<hbm>>
      tpu.wait_dma2 semaphore(%run_scoped3A : memref<!tpu.dma_semaphore, #tpu.memory_space<semaphore_mem>>) src(%arg6 : memref<128x16xf32, #tpu.memory_space<vmem>>) dst(%dma_wait3A_65 : memref<128x16xf32, #tpu.memory_space<hbm>>)
      tpu.yield
    }) : () -> ()
    return
  }
}

#map = affine_map<(d0, d1) -> (0, 0)>
#map1 = affine_map<(d0, d1) -> (0, 0, 0)>
module attributes {stable_mosaic.version = 14 : i64} {
  func.func @body(%arg0: i32, %arg1: i32, %arg2: memref<10240x64xf32, #tpu.memory_space<hbm>>, %arg3: memref<32x80x128xi32, #tpu.memory_space<hbm>>, %arg4: memref<32x80x128xi32, #tpu.memory_space<hbm>>, %arg5: memref<2x10240x64xf32, #tpu.memory_space<hbm>>, %arg6: memref<80x128xi32, #tpu.memory_space<vmem>>, %arg7: memref<80x128xi32, #tpu.memory_space<vmem>>, %arg8: memref<2x128x64xf32, #tpu.memory_space<vmem>>, %arg9: memref<128x64xf32, #tpu.memory_space<vmem>>, %arg10: memref<10240x64xf32, #tpu.memory_space<vmem_shared>>, %arg11: memref<!tpu.dma_semaphore, #tpu.memory_space<semaphore_mem>>, %arg12: memref<!tpu.dma_semaphore, #tpu.memory_space<semaphore_mem>>, %arg13: memref<!tpu.dma_semaphore, #tpu.memory_space<semaphore_mem>>, %arg14: memref<!tpu.dma_semaphore, #tpu.memory_space<semaphore_mem>>) attributes {dimension_semantics = [#tpu.dimension_semantics<core_parallel>, #tpu.dimension_semantics<subcore_parallel>], iteration_bounds = array<i64: 2, 16>, scalar_prefetch = 0 : i64, scratch_operands = 9 : i64, tpu.core_type = #tpu.core_type<sc_vector_subcore>, window_params = [{transform_indices = #map}, {transform_indices = #map1}, {transform_indices = #map1}, {transform_indices = #map1}]} {
    %mul3A = arith.constant 16 : i32
    %mul3A_0 = arith.muli %arg0, %mul3A : i32
    %add3A = arith.addi %mul3A_0, %arg1 : i32
    "tpu.region"() ({
      %run_scoped3A = tpu.sem_alloc : memref<!tpu.dma_semaphore, #tpu.memory_space<semaphore_mem>>
      %dma_start3A_74 = arith.constant 0 : i32
      %dma_start3A_75 = arith.constant 0 : i32
      %dma_start3A_76 = tpu.memref_slice %arg3[%add3A, %dma_start3A_74, %dma_start3A_75] : memref<32x80x128xi32, #tpu.memory_space<hbm>> -> memref<1x80x128xi32, #tpu.memory_space<hbm>>
      %dma_start3A_77 = tpu.memref_squeeze %dma_start3A_76 : memref<1x80x128xi32, #tpu.memory_space<hbm>> -> memref<80x128xi32, #tpu.memory_space<hbm>>
      %dma_start3A_78 = arith.constant 0 : i32
      %dma_start3A_79 = arith.constant 0 : i32
      %dma_start3A_80 = tpu.memref_slice %arg3[%add3A, %dma_start3A_78, %dma_start3A_79] : memref<32x80x128xi32, #tpu.memory_space<hbm>> -> memref<1x80x128xi32, #tpu.memory_space<hbm>>
      %dma_start3A_81 = tpu.memref_squeeze %dma_start3A_80 : memref<1x80x128xi32, #tpu.memory_space<hbm>> -> memref<80x128xi32, #tpu.memory_space<hbm>>
      tpu.enqueue_dma source(%dma_start3A_81 : memref<80x128xi32, #tpu.memory_space<hbm>>) target(%arg6 : memref<80x128xi32, #tpu.memory_space<vmem>>) target_semaphore(%run_scoped3A : memref<!tpu.dma_semaphore, #tpu.memory_space<semaphore_mem>>)
      %dma_wait3A = arith.constant 0 : i32
      %dma_wait3A_82 = arith.constant 0 : i32
      %dma_wait3A_83 = tpu.memref_slice %arg3[%add3A, %dma_wait3A, %dma_wait3A_82] : memref<32x80x128xi32, #tpu.memory_space<hbm>> -> memref<1x80x128xi32, #tpu.memory_space<hbm>>
      %dma_wait3A_84 = tpu.memref_squeeze %dma_wait3A_83 : memref<1x80x128xi32, #tpu.memory_space<hbm>> -> memref<80x128xi32, #tpu.memory_space<hbm>>
      %dma_wait3A_85 = arith.constant 0 : i32
      %dma_wait3A_86 = arith.constant 0 : i32
      %dma_wait3A_87 = tpu.memref_slice %arg3[%add3A, %dma_wait3A_85, %dma_wait3A_86] : memref<32x80x128xi32, #tpu.memory_space<hbm>> -> memref<1x80x128xi32, #tpu.memory_space<hbm>>
      %dma_wait3A_88 = tpu.memref_squeeze %dma_wait3A_87 : memref<1x80x128xi32, #tpu.memory_space<hbm>> -> memref<80x128xi32, #tpu.memory_space<hbm>>
      tpu.wait_dma2 semaphore(%run_scoped3A : memref<!tpu.dma_semaphore, #tpu.memory_space<semaphore_mem>>) src(%dma_wait3A_88 : memref<80x128xi32, #tpu.memory_space<hbm>>) dst(%arg6 : memref<80x128xi32, #tpu.memory_space<vmem>>)
      tpu.yield
    }) : () -> ()
    "tpu.region"() ({
      %run_scoped3A = tpu.sem_alloc : memref<!tpu.dma_semaphore, #tpu.memory_space<semaphore_mem>>
      %dma_start3A_74 = arith.constant 0 : i32
      %dma_start3A_75 = arith.constant 0 : i32
      %dma_start3A_76 = tpu.memref_slice %arg4[%add3A, %dma_start3A_74, %dma_start3A_75] : memref<32x80x128xi32, #tpu.memory_space<hbm>> -> memref<1x80x128xi32, #tpu.memory_space<hbm>>
      %dma_start3A_77 = tpu.memref_squeeze %dma_start3A_76 : memref<1x80x128xi32, #tpu.memory_space<hbm>> -> memref<80x128xi32, #tpu.memory_space<hbm>>
      %dma_start3A_78 = arith.constant 0 : i32
      %dma_start3A_79 = arith.constant 0 : i32
      %dma_start3A_80 = tpu.memref_slice %arg4[%add3A, %dma_start3A_78, %dma_start3A_79] : memref<32x80x128xi32, #tpu.memory_space<hbm>> -> memref<1x80x128xi32, #tpu.memory_space<hbm>>
      %dma_start3A_81 = tpu.memref_squeeze %dma_start3A_80 : memref<1x80x128xi32, #tpu.memory_space<hbm>> -> memref<80x128xi32, #tpu.memory_space<hbm>>
      tpu.enqueue_dma source(%dma_start3A_81 : memref<80x128xi32, #tpu.memory_space<hbm>>) target(%arg7 : memref<80x128xi32, #tpu.memory_space<vmem>>) target_semaphore(%run_scoped3A : memref<!tpu.dma_semaphore, #tpu.memory_space<semaphore_mem>>)
      %dma_wait3A = arith.constant 0 : i32
      %dma_wait3A_82 = arith.constant 0 : i32
      %dma_wait3A_83 = tpu.memref_slice %arg4[%add3A, %dma_wait3A, %dma_wait3A_82] : memref<32x80x128xi32, #tpu.memory_space<hbm>> -> memref<1x80x128xi32, #tpu.memory_space<hbm>>
      %dma_wait3A_84 = tpu.memref_squeeze %dma_wait3A_83 : memref<1x80x128xi32, #tpu.memory_space<hbm>> -> memref<80x128xi32, #tpu.memory_space<hbm>>
      %dma_wait3A_85 = arith.constant 0 : i32
      %dma_wait3A_86 = arith.constant 0 : i32
      %dma_wait3A_87 = tpu.memref_slice %arg4[%add3A, %dma_wait3A_85, %dma_wait3A_86] : memref<32x80x128xi32, #tpu.memory_space<hbm>> -> memref<1x80x128xi32, #tpu.memory_space<hbm>>
      %dma_wait3A_88 = tpu.memref_squeeze %dma_wait3A_87 : memref<1x80x128xi32, #tpu.memory_space<hbm>> -> memref<80x128xi32, #tpu.memory_space<hbm>>
      tpu.wait_dma2 semaphore(%run_scoped3A : memref<!tpu.dma_semaphore, #tpu.memory_space<semaphore_mem>>) src(%dma_wait3A_88 : memref<80x128xi32, #tpu.memory_space<hbm>>) dst(%arg7 : memref<80x128xi32, #tpu.memory_space<vmem>>)
      tpu.yield
    }) : () -> ()
    %scan3A = arith.constant 0 : i32
    %scan3A_1 = arith.constant 128 : i32
    %scan3A_2 = arith.addi %scan3A, %scan3A_1 : i32
    %scan3A_3 = arith.constant 1 : i32
    scf.for %scan3A_74 = %scan3A to %scan3A_2 step %scan3A_3  : i32 {
      %mul3A_75 = arith.constant 1 : i32
      %mul3A_76 = arith.muli %scan3A_74, %mul3A_75 : i32
      %add3A_77 = arith.constant 0 : i32
      %add3A_78 = arith.addi %add3A_77, %mul3A_76 : i32
      %broadcast_in_dim3A = arith.constant 0.000000e+00 : f32
      %broadcast_in_dim3A_79 = vector.broadcast %broadcast_in_dim3A : f32 to vector<16xf32>
      %swap3A = arith.index_cast %add3A_78 : i32 to index
      %swap3A_80 = arith.constant 0 : index
      %swap3A_81 = tpu.vector_load %arg9[%swap3A, %swap3A_80] {strides = array<i32>} : memref<128x64xf32, #tpu.memory_space<vmem>>, vector<1x16xf32>,
      %swap3A_82 = vector.shape_cast %swap3A_81 : vector<1x16xf32> to vector<16xf32>
      %swap3A_83 = vector.shape_cast %broadcast_in_dim3A_79 : vector<16xf32> to vector<1x16xf32>
      tpu.vector_store %arg9[%swap3A, %swap3A_80], %swap3A_83 {strides = array<i32>} : memref<128x64xf32, #tpu.memory_space<vmem>>, vector<1x16xf32>,
      %broadcast_in_dim3A_84 = arith.constant 0.000000e+00 : f32
      %broadcast_in_dim3A_85 = vector.broadcast %broadcast_in_dim3A_84 : f32 to vector<16xf32>
      %swap3A_86 = arith.index_cast %add3A_78 : i32 to index
      %swap3A_87 = arith.constant 16 : index
      %swap3A_88 = tpu.vector_load %arg9[%swap3A_86, %swap3A_87] {strides = array<i32>} : memref<128x64xf32, #tpu.memory_space<vmem>>, vector<1x16xf32>,
      %swap3A_89 = vector.shape_cast %swap3A_88 : vector<1x16xf32> to vector<16xf32>
      %swap3A_90 = vector.shape_cast %broadcast_in_dim3A_85 : vector<16xf32> to vector<1x16xf32>
      tpu.vector_store %arg9[%swap3A_86, %swap3A_87], %swap3A_90 {strides = array<i32>} : memref<128x64xf32, #tpu.memory_space<vmem>>, vector<1x16xf32>,
      %broadcast_in_dim3A_91 = arith.constant 0.000000e+00 : f32
      %broadcast_in_dim3A_92 = vector.broadcast %broadcast_in_dim3A_91 : f32 to vector<16xf32>
      %swap3A_93 = arith.index_cast %add3A_78 : i32 to index
      %swap3A_94 = arith.constant 32 : index
      %swap3A_95 = tpu.vector_load %arg9[%swap3A_93, %swap3A_94] {strides = array<i32>} : memref<128x64xf32, #tpu.memory_space<vmem>>, vector<1x16xf32>,
      %swap3A_96 = vector.shape_cast %swap3A_95 : vector<1x16xf32> to vector<16xf32>
      %swap3A_97 = vector.shape_cast %broadcast_in_dim3A_92 : vector<16xf32> to vector<1x16xf32>
      tpu.vector_store %arg9[%swap3A_93, %swap3A_94], %swap3A_97 {strides = array<i32>} : memref<128x64xf32, #tpu.memory_space<vmem>>, vector<1x16xf32>,
      %broadcast_in_dim3A_98 = arith.constant 0.000000e+00 : f32
      %broadcast_in_dim3A_99 = vector.broadcast %broadcast_in_dim3A_98 : f32 to vector<16xf32>
      %swap3A_100 = arith.index_cast %add3A_78 : i32 to index
      %swap3A_101 = arith.constant 48 : index
      %swap3A_102 = tpu.vector_load %arg9[%swap3A_100, %swap3A_101] {strides = array<i32>} : memref<128x64xf32, #tpu.memory_space<vmem>>, vector<1x16xf32>,
      %swap3A_103 = vector.shape_cast %swap3A_102 : vector<1x16xf32> to vector<16xf32>
      %swap3A_104 = vector.shape_cast %broadcast_in_dim3A_99 : vector<16xf32> to vector<1x16xf32>
      tpu.vector_store %arg9[%swap3A_100, %swap3A_101], %swap3A_104 {strides = array<i32>} : memref<128x64xf32, #tpu.memory_space<vmem>>, vector<1x16xf32>,
    }
    %scan3A_4 = arith.constant 128 : i32
    %mul3A_5 = arith.constant 640 : i32
    %mul3A_6 = arith.muli %arg1, %mul3A_5 : i32
    %add3A_7 = arith.constant 0 : i32
    %add3A_8 = arith.addi %mul3A_6, %add3A_7 : i32
    "tpu.region"() ({
      %run_scoped3A = tpu.sem_alloc : memref<!tpu.dma_semaphore, #tpu.memory_space<semaphore_mem>>
      %dma_start3A_74 = arith.constant 0 : i32
      %dma_start3A_75 = tpu.memref_slice %arg10[%add3A_8, %dma_start3A_74] : memref<10240x64xf32, #tpu.memory_space<vmem_shared>> -> memref<128x64xf32, #tpu.memory_space<vmem_shared>>
      %dma_start3A_76 = arith.constant 0 : i32
      %dma_start3A_77 = tpu.memref_slice %arg10[%add3A_8, %dma_start3A_76] : memref<10240x64xf32, #tpu.memory_space<vmem_shared>> -> memref<128x64xf32, #tpu.memory_space<vmem_shared>>
      tpu.enqueue_dma source(%arg9 : memref<128x64xf32, #tpu.memory_space<vmem>>) target(%dma_start3A_77 : memref<128x64xf32, #tpu.memory_space<vmem_shared>>) target_semaphore(%run_scoped3A : memref<!tpu.dma_semaphore, #tpu.memory_space<semaphore_mem>>)
      %dma_wait3A = arith.constant 0 : i32
      %dma_wait3A_78 = tpu.memref_slice %arg10[%add3A_8, %dma_wait3A] : memref<10240x64xf32, #tpu.memory_space<vmem_shared>> -> memref<128x64xf32, #tpu.memory_space<vmem_shared>>
      %dma_wait3A_79 = arith.constant 0 : i32
      %dma_wait3A_80 = tpu.memref_slice %arg10[%add3A_8, %dma_wait3A_79] : memref<10240x64xf32, #tpu.memory_space<vmem_shared>> -> memref<128x64xf32, #tpu.memory_space<vmem_shared>>
      tpu.wait_dma2 semaphore(%run_scoped3A : memref<!tpu.dma_semaphore, #tpu.memory_space<semaphore_mem>>) src(%arg9 : memref<128x64xf32, #tpu.memory_space<vmem>>) dst(%dma_wait3A_80 : memref<128x64xf32, #tpu.memory_space<vmem_shared>>)
      tpu.yield
    }) : () -> ()
    %mul3A_9 = arith.constant 640 : i32
    %mul3A_10 = arith.muli %arg1, %mul3A_9 : i32
    %add3A_11 = arith.constant 128 : i32
    %add3A_12 = arith.addi %mul3A_10, %add3A_11 : i32
    "tpu.region"() ({
      %run_scoped3A = tpu.sem_alloc : memref<!tpu.dma_semaphore, #tpu.memory_space<semaphore_mem>>
      %dma_start3A_74 = arith.constant 0 : i32
      %dma_start3A_75 = tpu.memref_slice %arg10[%add3A_12, %dma_start3A_74] : memref<10240x64xf32, #tpu.memory_space<vmem_shared>> -> memref<128x64xf32, #tpu.memory_space<vmem_shared>>
      %dma_start3A_76 = arith.constant 0 : i32
      %dma_start3A_77 = tpu.memref_slice %arg10[%add3A_12, %dma_start3A_76] : memref<10240x64xf32, #tpu.memory_space<vmem_shared>> -> memref<128x64xf32, #tpu.memory_space<vmem_shared>>
      tpu.enqueue_dma source(%arg9 : memref<128x64xf32, #tpu.memory_space<vmem>>) target(%dma_start3A_77 : memref<128x64xf32, #tpu.memory_space<vmem_shared>>) target_semaphore(%run_scoped3A : memref<!tpu.dma_semaphore, #tpu.memory_space<semaphore_mem>>)
      %dma_wait3A = arith.constant 0 : i32
      %dma_wait3A_78 = tpu.memref_slice %arg10[%add3A_12, %dma_wait3A] : memref<10240x64xf32, #tpu.memory_space<vmem_shared>> -> memref<128x64xf32, #tpu.memory_space<vmem_shared>>
      %dma_wait3A_79 = arith.constant 0 : i32
      %dma_wait3A_80 = tpu.memref_slice %arg10[%add3A_12, %dma_wait3A_79] : memref<10240x64xf32, #tpu.memory_space<vmem_shared>> -> memref<128x64xf32, #tpu.memory_space<vmem_shared>>
      tpu.wait_dma2 semaphore(%run_scoped3A : memref<!tpu.dma_semaphore, #tpu.memory_space<semaphore_mem>>) src(%arg9 : memref<128x64xf32, #tpu.memory_space<vmem>>) dst(%dma_wait3A_80 : memref<128x64xf32, #tpu.memory_space<vmem_shared>>)
      tpu.yield
    }) : () -> ()
    %mul3A_13 = arith.constant 640 : i32
    %mul3A_14 = arith.muli %arg1, %mul3A_13 : i32
    %add3A_15 = arith.constant 256 : i32
    %add3A_16 = arith.addi %mul3A_14, %add3A_15 : i32
    "tpu.region"() ({
      %run_scoped3A = tpu.sem_alloc : memref<!tpu.dma_semaphore, #tpu.memory_space<semaphore_mem>>
      %dma_start3A_74 = arith.constant 0 : i32
      %dma_start3A_75 = tpu.memref_slice %arg10[%add3A_16, %dma_start3A_74] : memref<10240x64xf32, #tpu.memory_space<vmem_shared>> -> memref<128x64xf32, #tpu.memory_space<vmem_shared>>
      %dma_start3A_76 = arith.constant 0 : i32
      %dma_start3A_77 = tpu.memref_slice %arg10[%add3A_16, %dma_start3A_76] : memref<10240x64xf32, #tpu.memory_space<vmem_shared>> -> memref<128x64xf32, #tpu.memory_space<vmem_shared>>
      tpu.enqueue_dma source(%arg9 : memref<128x64xf32, #tpu.memory_space<vmem>>) target(%dma_start3A_77 : memref<128x64xf32, #tpu.memory_space<vmem_shared>>) target_semaphore(%run_scoped3A : memref<!tpu.dma_semaphore, #tpu.memory_space<semaphore_mem>>)
      %dma_wait3A = arith.constant 0 : i32
      %dma_wait3A_78 = tpu.memref_slice %arg10[%add3A_16, %dma_wait3A] : memref<10240x64xf32, #tpu.memory_space<vmem_shared>> -> memref<128x64xf32, #tpu.memory_space<vmem_shared>>
      %dma_wait3A_79 = arith.constant 0 : i32
      %dma_wait3A_80 = tpu.memref_slice %arg10[%add3A_16, %dma_wait3A_79] : memref<10240x64xf32, #tpu.memory_space<vmem_shared>> -> memref<128x64xf32, #tpu.memory_space<vmem_shared>>
      tpu.wait_dma2 semaphore(%run_scoped3A : memref<!tpu.dma_semaphore, #tpu.memory_space<semaphore_mem>>) src(%arg9 : memref<128x64xf32, #tpu.memory_space<vmem>>) dst(%dma_wait3A_80 : memref<128x64xf32, #tpu.memory_space<vmem_shared>>)
      tpu.yield
    }) : () -> ()
    %mul3A_17 = arith.constant 640 : i32
    %mul3A_18 = arith.muli %arg1, %mul3A_17 : i32
    %add3A_19 = arith.constant 384 : i32
    %add3A_20 = arith.addi %mul3A_18, %add3A_19 : i32
    "tpu.region"() ({
      %run_scoped3A = tpu.sem_alloc : memref<!tpu.dma_semaphore, #tpu.memory_space<semaphore_mem>>
      %dma_start3A_74 = arith.constant 0 : i32
      %dma_start3A_75 = tpu.memref_slice %arg10[%add3A_20, %dma_start3A_74] : memref<10240x64xf32, #tpu.memory_space<vmem_shared>> -> memref<128x64xf32, #tpu.memory_space<vmem_shared>>
      %dma_start3A_76 = arith.constant 0 : i32
      %dma_start3A_77 = tpu.memref_slice %arg10[%add3A_20, %dma_start3A_76] : memref<10240x64xf32, #tpu.memory_space<vmem_shared>> -> memref<128x64xf32, #tpu.memory_space<vmem_shared>>
      tpu.enqueue_dma source(%arg9 : memref<128x64xf32, #tpu.memory_space<vmem>>) target(%dma_start3A_77 : memref<128x64xf32, #tpu.memory_space<vmem_shared>>) target_semaphore(%run_scoped3A : memref<!tpu.dma_semaphore, #tpu.memory_space<semaphore_mem>>)
      %dma_wait3A = arith.constant 0 : i32
      %dma_wait3A_78 = tpu.memref_slice %arg10[%add3A_20, %dma_wait3A] : memref<10240x64xf32, #tpu.memory_space<vmem_shared>> -> memref<128x64xf32, #tpu.memory_space<vmem_shared>>
      %dma_wait3A_79 = arith.constant 0 : i32
      %dma_wait3A_80 = tpu.memref_slice %arg10[%add3A_20, %dma_wait3A_79] : memref<10240x64xf32, #tpu.memory_space<vmem_shared>> -> memref<128x64xf32, #tpu.memory_space<vmem_shared>>
      tpu.wait_dma2 semaphore(%run_scoped3A : memref<!tpu.dma_semaphore, #tpu.memory_space<semaphore_mem>>) src(%arg9 : memref<128x64xf32, #tpu.memory_space<vmem>>) dst(%dma_wait3A_80 : memref<128x64xf32, #tpu.memory_space<vmem_shared>>)
      tpu.yield
    }) : () -> ()
    %mul3A_21 = arith.constant 640 : i32
    %mul3A_22 = arith.muli %arg1, %mul3A_21 : i32
    %add3A_23 = arith.constant 512 : i32
    %add3A_24 = arith.addi %mul3A_22, %add3A_23 : i32
    "tpu.region"() ({
      %run_scoped3A = tpu.sem_alloc : memref<!tpu.dma_semaphore, #tpu.memory_space<semaphore_mem>>
      %dma_start3A_74 = arith.constant 0 : i32
      %dma_start3A_75 = tpu.memref_slice %arg10[%add3A_24, %dma_start3A_74] : memref<10240x64xf32, #tpu.memory_space<vmem_shared>> -> memref<128x64xf32, #tpu.memory_space<vmem_shared>>
      %dma_start3A_76 = arith.constant 0 : i32
      %dma_start3A_77 = tpu.memref_slice %arg10[%add3A_24, %dma_start3A_76] : memref<10240x64xf32, #tpu.memory_space<vmem_shared>> -> memref<128x64xf32, #tpu.memory_space<vmem_shared>>
      tpu.enqueue_dma source(%arg9 : memref<128x64xf32, #tpu.memory_space<vmem>>) target(%dma_start3A_77 : memref<128x64xf32, #tpu.memory_space<vmem_shared>>) target_semaphore(%run_scoped3A : memref<!tpu.dma_semaphore, #tpu.memory_space<semaphore_mem>>)
      %dma_wait3A = arith.constant 0 : i32
      %dma_wait3A_78 = tpu.memref_slice %arg10[%add3A_24, %dma_wait3A] : memref<10240x64xf32, #tpu.memory_space<vmem_shared>> -> memref<128x64xf32, #tpu.memory_space<vmem_shared>>
      %dma_wait3A_79 = arith.constant 0 : i32
      %dma_wait3A_80 = tpu.memref_slice %arg10[%add3A_24, %dma_wait3A_79] : memref<10240x64xf32, #tpu.memory_space<vmem_shared>> -> memref<128x64xf32, #tpu.memory_space<vmem_shared>>
      tpu.wait_dma2 semaphore(%run_scoped3A : memref<!tpu.dma_semaphore, #tpu.memory_space<semaphore_mem>>) src(%arg9 : memref<128x64xf32, #tpu.memory_space<vmem>>) dst(%dma_wait3A_80 : memref<128x64xf32, #tpu.memory_space<vmem_shared>>)
      tpu.yield
    }) : () -> ()
    %barrier3A = arith.constant 0 : index
    tpu.barrier barrier_id(%barrier3A)
    %dma_start3A = arith.constant 0 : i32
    %dma_start3A_25 = arith.constant 0 : i32
    %dma_start3A_26 = arith.constant 0 : i32
    %dma_start3A_27 = arith.constant 0 : i32
    %dma_start3A_28 = tpu.memref_slice %arg8[%dma_start3A_25, %dma_start3A_26, %dma_start3A_27] : memref<2x128x64xf32, #tpu.memory_space<vmem>> -> memref<1x128x64xf32, #tpu.memory_space<vmem>>
    %dma_start3A_29 = tpu.memref_squeeze %dma_start3A_28 : memref<1x128x64xf32, #tpu.memory_space<vmem>> -> memref<128x64xf32, #tpu.memory_space<vmem>>
    %dma_start3A_30 = arith.constant 0 : i32
    %dma_start3A_31 = tpu.memref_slice %arg6[%dma_start3A, %dma_start3A_30] : memref<80x128xi32, #tpu.memory_space<vmem>> -> memref<1x128xi32, #tpu.memory_space<vmem>>
    %dma_start3A_32 = tpu.memref_squeeze %dma_start3A_31 : memref<1x128xi32, #tpu.memory_space<vmem>> -> memref<128xi32, #tpu.memory_space<vmem>>
    %dma_start3A_33 = arith.constant 0 : i32
    %dma_start3A_34 = arith.constant 0 : i32
    %dma_start3A_35 = tpu.memref_slice %arg2[%dma_start3A_33, %dma_start3A_34] : memref<10240x64xf32, #tpu.memory_space<hbm>> -> memref<10240x64xf32, #tpu.memory_space<hbm>>
    tpu.enqueue_indirect_dma source(%dma_start3A_35 : memref<10240x64xf32, #tpu.memory_space<hbm>>) target(%dma_start3A_29 : memref<128x64xf32, #tpu.memory_space<vmem>>) offsets(%dma_start3A_32 : memref<128xi32, #tpu.memory_space<vmem>>) semaphore(%arg11 : memref<!tpu.dma_semaphore, #tpu.memory_space<semaphore_mem>>)
    %dma_start3A_36 = arith.constant 1 : i32
    %dma_start3A_37 = arith.constant 1 : i32
    %dma_start3A_38 = arith.constant 0 : i32
    %dma_start3A_39 = arith.constant 0 : i32
    %dma_start3A_40 = tpu.memref_slice %arg8[%dma_start3A_37, %dma_start3A_38, %dma_start3A_39] : memref<2x128x64xf32, #tpu.memory_space<vmem>> -> memref<1x128x64xf32, #tpu.memory_space<vmem>>
    %dma_start3A_41 = tpu.memref_squeeze %dma_start3A_40 : memref<1x128x64xf32, #tpu.memory_space<vmem>> -> memref<128x64xf32, #tpu.memory_space<vmem>>
    %dma_start3A_42 = arith.constant 0 : i32
    %dma_start3A_43 = tpu.memref_slice %arg6[%dma_start3A_36, %dma_start3A_42] : memref<80x128xi32, #tpu.memory_space<vmem>> -> memref<1x128xi32, #tpu.memory_space<vmem>>
    %dma_start3A_44 = tpu.memref_squeeze %dma_start3A_43 : memref<1x128xi32, #tpu.memory_space<vmem>> -> memref<128xi32, #tpu.memory_space<vmem>>
    %dma_start3A_45 = arith.constant 0 : i32
    %dma_start3A_46 = arith.constant 0 : i32
    %dma_start3A_47 = tpu.memref_slice %arg2[%dma_start3A_45, %dma_start3A_46] : memref<10240x64xf32, #tpu.memory_space<hbm>> -> memref<10240x64xf32, #tpu.memory_space<hbm>>
    tpu.enqueue_indirect_dma source(%dma_start3A_47 : memref<10240x64xf32, #tpu.memory_space<hbm>>) target(%dma_start3A_41 : memref<128x64xf32, #tpu.memory_space<vmem>>) offsets(%dma_start3A_44 : memref<128xi32, #tpu.memory_space<vmem>>) semaphore(%arg12 : memref<!tpu.dma_semaphore, #tpu.memory_space<semaphore_mem>>)
    %scan3A_48 = arith.constant 0 : i32
    %scan3A_49 = arith.constant 40 : i32
    %scan3A_50 = arith.addi %scan3A_48, %scan3A_49 : i32
    %scan3A_51 = arith.constant 1 : i32
    scf.for %scan3A_74 = %scan3A_48 to %scan3A_50 step %scan3A_51  : i32 {
      %mul3A_75 = arith.constant 2 : i32
      %mul3A_76 = arith.muli %scan3A_74, %mul3A_75 : i32
      %add3A_77 = arith.constant 0 : i32
      %add3A_78 = arith.addi %add3A_77, %mul3A_76 : i32
      %dma_wait3A = arith.constant 0 : i32
      %dma_wait3A_79 = arith.constant 0 : i32
      %dma_wait3A_80 = arith.constant 0 : i32
      %dma_wait3A_81 = tpu.memref_slice %arg8[%dma_wait3A, %dma_wait3A_79, %dma_wait3A_80] : memref<2x128x64xf32, #tpu.memory_space<vmem>> -> memref<1x128x64xf32, #tpu.memory_space<vmem>>
      %dma_wait3A_82 = tpu.memref_squeeze %dma_wait3A_81 : memref<1x128x64xf32, #tpu.memory_space<vmem>> -> memref<128x64xf32, #tpu.memory_space<vmem>>
      %dma_wait3A_83 = arith.constant 0 : i32
      %dma_wait3A_84 = tpu.memref_slice %arg6[%add3A_78, %dma_wait3A_83] : memref<80x128xi32, #tpu.memory_space<vmem>> -> memref<1x128xi32, #tpu.memory_space<vmem>>
      %dma_wait3A_85 = tpu.memref_squeeze %dma_wait3A_84 : memref<1x128xi32, #tpu.memory_space<vmem>> -> memref<128xi32, #tpu.memory_space<vmem>>
      %dma_wait3A_86 = arith.constant 0 : i32
      %dma_wait3A_87 = arith.constant 0 : i32
      %dma_wait3A_88 = tpu.memref_slice %arg2[%dma_wait3A_86, %dma_wait3A_87] : memref<10240x64xf32, #tpu.memory_space<hbm>> -> memref<10240x64xf32, #tpu.memory_space<hbm>>
      tpu.wait_indirect_dma semaphore(%arg11 : memref<!tpu.dma_semaphore, #tpu.memory_space<semaphore_mem>>) src(%dma_wait3A_88 : memref<10240x64xf32, #tpu.memory_space<hbm>>) dst(%dma_wait3A_82 : memref<128x64xf32, #tpu.memory_space<vmem>>)
      %run_scoped3A = arith.constant 0 : i32
      "tpu.region"() ({
        %run_scoped3A_116 = tpu.sem_alloc : memref<!tpu.dma_semaphore, #tpu.memory_space<semaphore_mem>>
        %dma_start3A_117 = arith.constant 0 : i32
        %dma_start3A_118 = arith.constant 0 : i32
        %dma_start3A_119 = tpu.memref_slice %arg8[%run_scoped3A, %dma_start3A_117, %dma_start3A_118] : memref<2x128x64xf32, #tpu.memory_space<vmem>> -> memref<1x128x64xf32, #tpu.memory_space<vmem>>
        %dma_start3A_120 = tpu.memref_squeeze %dma_start3A_119 : memref<1x128x64xf32, #tpu.memory_space<vmem>> -> memref<128x64xf32, #tpu.memory_space<vmem>>
        %dma_start3A_121 = arith.constant 0 : i32
        %dma_start3A_122 = tpu.memref_slice %arg7[%add3A_78, %dma_start3A_121] : memref<80x128xi32, #tpu.memory_space<vmem>> -> memref<1x128xi32, #tpu.memory_space<vmem>>
        %dma_start3A_123 = tpu.memref_squeeze %dma_start3A_122 : memref<1x128xi32, #tpu.memory_space<vmem>> -> memref<128xi32, #tpu.memory_space<vmem>>
        %dma_start3A_124 = arith.constant 0 : i32
        %dma_start3A_125 = arith.constant 0 : i32
        %dma_start3A_126 = tpu.memref_slice %arg10[%dma_start3A_124, %dma_start3A_125] : memref<10240x64xf32, #tpu.memory_space<vmem_shared>> -> memref<10240x64xf32, #tpu.memory_space<vmem_shared>>
        tpu.enqueue_indirect_dma source(%dma_start3A_120 : memref<128x64xf32, #tpu.memory_space<vmem>>) target(%dma_start3A_126 : memref<10240x64xf32, #tpu.memory_space<vmem_shared>>) offsets(%dma_start3A_123 : memref<128xi32, #tpu.memory_space<vmem>>) semaphore(%run_scoped3A_116 : memref<!tpu.dma_semaphore, #tpu.memory_space<semaphore_mem>>) {add = true}
        %dma_wait3A_127 = arith.constant 0 : i32
        %dma_wait3A_128 = arith.constant 0 : i32
        %dma_wait3A_129 = tpu.memref_slice %arg8[%run_scoped3A, %dma_wait3A_127, %dma_wait3A_128] : memref<2x128x64xf32, #tpu.memory_space<vmem>> -> memref<1x128x64xf32, #tpu.memory_space<vmem>>
        %dma_wait3A_130 = tpu.memref_squeeze %dma_wait3A_129 : memref<1x128x64xf32, #tpu.memory_space<vmem>> -> memref<128x64xf32, #tpu.memory_space<vmem>>
        %dma_wait3A_131 = arith.constant 0 : i32
        %dma_wait3A_132 = tpu.memref_slice %arg7[%add3A_78, %dma_wait3A_131] : memref<80x128xi32, #tpu.memory_space<vmem>> -> memref<1x128xi32, #tpu.memory_space<vmem>>
        %dma_wait3A_133 = tpu.memref_squeeze %dma_wait3A_132 : memref<1x128xi32, #tpu.memory_space<vmem>> -> memref<128xi32, #tpu.memory_space<vmem>>
        %dma_wait3A_134 = arith.constant 0 : i32
        %dma_wait3A_135 = arith.constant 0 : i32
        %dma_wait3A_136 = tpu.memref_slice %arg10[%dma_wait3A_134, %dma_wait3A_135] : memref<10240x64xf32, #tpu.memory_space<vmem_shared>> -> memref<10240x64xf32, #tpu.memory_space<vmem_shared>>
        tpu.wait_indirect_dma semaphore(%run_scoped3A_116 : memref<!tpu.dma_semaphore, #tpu.memory_space<semaphore_mem>>) src(%dma_wait3A_130 : memref<128x64xf32, #tpu.memory_space<vmem>>) dst(%dma_wait3A_136 : memref<10240x64xf32, #tpu.memory_space<vmem_shared>>)
        tpu.yield
      }) : () -> ()
      %add3A_89 = arith.constant 2 : i32
      %add3A_90 = arith.addi %add3A_78, %add3A_89 : i32
      %lt3A = arith.constant 80 : i32
      %lt3A_91 = arith.cmpi slt, %add3A_90, %lt3A : i32
      %convert_element_type3A = arith.extui %lt3A_91 : i1 to i32
      %cond3A = arith.constant 0 : i32
      %cond3A_92 = arith.cmpi ne, %convert_element_type3A, %cond3A : i32
      scf.if %cond3A_92 {
        %add3A_116 = arith.constant 2 : i32
        %add3A_117 = arith.addi %add3A_78, %add3A_116 : i32
        %dma_start3A_118 = arith.constant 0 : i32
        %dma_start3A_119 = arith.constant 0 : i32
        %dma_start3A_120 = arith.constant 0 : i32
        %dma_start3A_121 = tpu.memref_slice %arg8[%dma_start3A_118, %dma_start3A_119, %dma_start3A_120] : memref<2x128x64xf32, #tpu.memory_space<vmem>> -> memref<1x128x64xf32, #tpu.memory_space<vmem>>
        %dma_start3A_122 = tpu.memref_squeeze %dma_start3A_121 : memref<1x128x64xf32, #tpu.memory_space<vmem>> -> memref<128x64xf32, #tpu.memory_space<vmem>>
        %dma_start3A_123 = arith.constant 0 : i32
        %dma_start3A_124 = tpu.memref_slice %arg6[%add3A_117, %dma_start3A_123] : memref<80x128xi32, #tpu.memory_space<vmem>> -> memref<1x128xi32, #tpu.memory_space<vmem>>
        %dma_start3A_125 = tpu.memref_squeeze %dma_start3A_124 : memref<1x128xi32, #tpu.memory_space<vmem>> -> memref<128xi32, #tpu.memory_space<vmem>>
        %dma_start3A_126 = arith.constant 0 : i32
        %dma_start3A_127 = arith.constant 0 : i32
        %dma_start3A_128 = tpu.memref_slice %arg2[%dma_start3A_126, %dma_start3A_127] : memref<10240x64xf32, #tpu.memory_space<hbm>> -> memref<10240x64xf32, #tpu.memory_space<hbm>>
        tpu.enqueue_indirect_dma source(%dma_start3A_128 : memref<10240x64xf32, #tpu.memory_space<hbm>>) target(%dma_start3A_122 : memref<128x64xf32, #tpu.memory_space<vmem>>) offsets(%dma_start3A_125 : memref<128xi32, #tpu.memory_space<vmem>>) semaphore(%arg11 : memref<!tpu.dma_semaphore, #tpu.memory_space<semaphore_mem>>)
      } else {
      }
      %add3A_93 = arith.constant 1 : i32
      %add3A_94 = arith.addi %add3A_78, %add3A_93 : i32
      %dma_wait3A_95 = arith.constant 1 : i32
      %dma_wait3A_96 = arith.constant 0 : i32
      %dma_wait3A_97 = arith.constant 0 : i32
      %dma_wait3A_98 = tpu.memref_slice %arg8[%dma_wait3A_95, %dma_wait3A_96, %dma_wait3A_97] : memref<2x128x64xf32, #tpu.memory_space<vmem>> -> memref<1x128x64xf32, #tpu.memory_space<vmem>>
      %dma_wait3A_99 = tpu.memref_squeeze %dma_wait3A_98 : memref<1x128x64xf32, #tpu.memory_space<vmem>> -> memref<128x64xf32, #tpu.memory_space<vmem>>
      %dma_wait3A_100 = arith.constant 0 : i32
      %dma_wait3A_101 = tpu.memref_slice %arg6[%add3A_94, %dma_wait3A_100] : memref<80x128xi32, #tpu.memory_space<vmem>> -> memref<1x128xi32, #tpu.memory_space<vmem>>
      %dma_wait3A_102 = tpu.memref_squeeze %dma_wait3A_101 : memref<1x128xi32, #tpu.memory_space<vmem>> -> memref<128xi32, #tpu.memory_space<vmem>>
      %dma_wait3A_103 = arith.constant 0 : i32
      %dma_wait3A_104 = arith.constant 0 : i32
      %dma_wait3A_105 = tpu.memref_slice %arg2[%dma_wait3A_103, %dma_wait3A_104] : memref<10240x64xf32, #tpu.memory_space<hbm>> -> memref<10240x64xf32, #tpu.memory_space<hbm>>
      tpu.wait_indirect_dma semaphore(%arg12 : memref<!tpu.dma_semaphore, #tpu.memory_space<semaphore_mem>>) src(%dma_wait3A_105 : memref<10240x64xf32, #tpu.memory_space<hbm>>) dst(%dma_wait3A_99 : memref<128x64xf32, #tpu.memory_space<vmem>>)
      %add3A_106 = arith.constant 1 : i32
      %add3A_107 = arith.addi %add3A_78, %add3A_106 : i32
      %run_scoped3A_108 = arith.constant 1 : i32
      "tpu.region"() ({
        %run_scoped3A_116 = tpu.sem_alloc : memref<!tpu.dma_semaphore, #tpu.memory_space<semaphore_mem>>
        %dma_start3A_117 = arith.constant 0 : i32
        %dma_start3A_118 = arith.constant 0 : i32
        %dma_start3A_119 = tpu.memref_slice %arg8[%run_scoped3A_108, %dma_start3A_117, %dma_start3A_118] : memref<2x128x64xf32, #tpu.memory_space<vmem>> -> memref<1x128x64xf32, #tpu.memory_space<vmem>>
        %dma_start3A_120 = tpu.memref_squeeze %dma_start3A_119 : memref<1x128x64xf32, #tpu.memory_space<vmem>> -> memref<128x64xf32, #tpu.memory_space<vmem>>
        %dma_start3A_121 = arith.constant 0 : i32
        %dma_start3A_122 = tpu.memref_slice %arg7[%add3A_107, %dma_start3A_121] : memref<80x128xi32, #tpu.memory_space<vmem>> -> memref<1x128xi32, #tpu.memory_space<vmem>>
        %dma_start3A_123 = tpu.memref_squeeze %dma_start3A_122 : memref<1x128xi32, #tpu.memory_space<vmem>> -> memref<128xi32, #tpu.memory_space<vmem>>
        %dma_start3A_124 = arith.constant 0 : i32
        %dma_start3A_125 = arith.constant 0 : i32
        %dma_start3A_126 = tpu.memref_slice %arg10[%dma_start3A_124, %dma_start3A_125] : memref<10240x64xf32, #tpu.memory_space<vmem_shared>> -> memref<10240x64xf32, #tpu.memory_space<vmem_shared>>
        tpu.enqueue_indirect_dma source(%dma_start3A_120 : memref<128x64xf32, #tpu.memory_space<vmem>>) target(%dma_start3A_126 : memref<10240x64xf32, #tpu.memory_space<vmem_shared>>) offsets(%dma_start3A_123 : memref<128xi32, #tpu.memory_space<vmem>>) semaphore(%run_scoped3A_116 : memref<!tpu.dma_semaphore, #tpu.memory_space<semaphore_mem>>) {add = true}
        %dma_wait3A_127 = arith.constant 0 : i32
        %dma_wait3A_128 = arith.constant 0 : i32
        %dma_wait3A_129 = tpu.memref_slice %arg8[%run_scoped3A_108, %dma_wait3A_127, %dma_wait3A_128] : memref<2x128x64xf32, #tpu.memory_space<vmem>> -> memref<1x128x64xf32, #tpu.memory_space<vmem>>
        %dma_wait3A_130 = tpu.memref_squeeze %dma_wait3A_129 : memref<1x128x64xf32, #tpu.memory_space<vmem>> -> memref<128x64xf32, #tpu.memory_space<vmem>>
        %dma_wait3A_131 = arith.constant 0 : i32
        %dma_wait3A_132 = tpu.memref_slice %arg7[%add3A_107, %dma_wait3A_131] : memref<80x128xi32, #tpu.memory_space<vmem>> -> memref<1x128xi32, #tpu.memory_space<vmem>>
        %dma_wait3A_133 = tpu.memref_squeeze %dma_wait3A_132 : memref<1x128xi32, #tpu.memory_space<vmem>> -> memref<128xi32, #tpu.memory_space<vmem>>
        %dma_wait3A_134 = arith.constant 0 : i32
        %dma_wait3A_135 = arith.constant 0 : i32
        %dma_wait3A_136 = tpu.memref_slice %arg10[%dma_wait3A_134, %dma_wait3A_135] : memref<10240x64xf32, #tpu.memory_space<vmem_shared>> -> memref<10240x64xf32, #tpu.memory_space<vmem_shared>>
        tpu.wait_indirect_dma semaphore(%run_scoped3A_116 : memref<!tpu.dma_semaphore, #tpu.memory_space<semaphore_mem>>) src(%dma_wait3A_130 : memref<128x64xf32, #tpu.memory_space<vmem>>) dst(%dma_wait3A_136 : memref<10240x64xf32, #tpu.memory_space<vmem_shared>>)
        tpu.yield
      }) : () -> ()
      %add3A_109 = arith.constant 3 : i32
      %add3A_110 = arith.addi %add3A_78, %add3A_109 : i32
      %lt3A_111 = arith.constant 80 : i32
      %lt3A_112 = arith.cmpi slt, %add3A_110, %lt3A_111 : i32
      %convert_element_type3A_113 = arith.extui %lt3A_112 : i1 to i32
      %cond3A_114 = arith.constant 0 : i32
      %cond3A_115 = arith.cmpi ne, %convert_element_type3A_113, %cond3A_114 : i32
      scf.if %cond3A_115 {
        %add3A_116 = arith.constant 3 : i32
        %add3A_117 = arith.addi %add3A_78, %add3A_116 : i32
        %dma_start3A_118 = arith.constant 1 : i32
        %dma_start3A_119 = arith.constant 0 : i32
        %dma_start3A_120 = arith.constant 0 : i32
        %dma_start3A_121 = tpu.memref_slice %arg8[%dma_start3A_118, %dma_start3A_119, %dma_start3A_120] : memref<2x128x64xf32, #tpu.memory_space<vmem>> -> memref<1x128x64xf32, #tpu.memory_space<vmem>>
        %dma_start3A_122 = tpu.memref_squeeze %dma_start3A_121 : memref<1x128x64xf32, #tpu.memory_space<vmem>> -> memref<128x64xf32, #tpu.memory_space<vmem>>
        %dma_start3A_123 = arith.constant 0 : i32
        %dma_start3A_124 = tpu.memref_slice %arg6[%add3A_117, %dma_start3A_123] : memref<80x128xi32, #tpu.memory_space<vmem>> -> memref<1x128xi32, #tpu.memory_space<vmem>>
        %dma_start3A_125 = tpu.memref_squeeze %dma_start3A_124 : memref<1x128xi32, #tpu.memory_space<vmem>> -> memref<128xi32, #tpu.memory_space<vmem>>
        %dma_start3A_126 = arith.constant 0 : i32
        %dma_start3A_127 = arith.constant 0 : i32
        %dma_start3A_128 = tpu.memref_slice %arg2[%dma_start3A_126, %dma_start3A_127] : memref<10240x64xf32, #tpu.memory_space<hbm>> -> memref<10240x64xf32, #tpu.memory_space<hbm>>
        tpu.enqueue_indirect_dma source(%dma_start3A_128 : memref<10240x64xf32, #tpu.memory_space<hbm>>) target(%dma_start3A_122 : memref<128x64xf32, #tpu.memory_space<vmem>>) offsets(%dma_start3A_125 : memref<128xi32, #tpu.memory_space<vmem>>) semaphore(%arg12 : memref<!tpu.dma_semaphore, #tpu.memory_space<semaphore_mem>>)
      } else {
      }
    }
    %scan3A_52 = arith.constant 40 : i32
    %barrier3A_53 = arith.constant 0 : index
    tpu.barrier barrier_id(%barrier3A_53)
    %mul3A_54 = arith.constant 640 : i32
    %mul3A_55 = arith.muli %arg1, %mul3A_54 : i32
    %add3A_56 = arith.constant 0 : i32
    %add3A_57 = arith.addi %mul3A_55, %add3A_56 : i32
    "tpu.region"() ({
      %run_scoped3A = tpu.sem_alloc : memref<!tpu.dma_semaphore, #tpu.memory_space<semaphore_mem>>
      %dma_start3A_74 = arith.constant 0 : i32
      %dma_start3A_75 = tpu.memref_slice %arg10[%add3A_57, %dma_start3A_74] : memref<10240x64xf32, #tpu.memory_space<vmem_shared>> -> memref<128x64xf32, #tpu.memory_space<vmem_shared>>
      %dma_start3A_76 = arith.constant 0 : i32
      %dma_start3A_77 = tpu.memref_slice %arg10[%add3A_57, %dma_start3A_76] : memref<10240x64xf32, #tpu.memory_space<vmem_shared>> -> memref<128x64xf32, #tpu.memory_space<vmem_shared>>
      tpu.enqueue_dma source(%dma_start3A_77 : memref<128x64xf32, #tpu.memory_space<vmem_shared>>) target(%arg9 : memref<128x64xf32, #tpu.memory_space<vmem>>) target_semaphore(%run_scoped3A : memref<!tpu.dma_semaphore, #tpu.memory_space<semaphore_mem>>)
      %dma_wait3A = arith.constant 0 : i32
      %dma_wait3A_78 = tpu.memref_slice %arg10[%add3A_57, %dma_wait3A] : memref<10240x64xf32, #tpu.memory_space<vmem_shared>> -> memref<128x64xf32, #tpu.memory_space<vmem_shared>>
      %dma_wait3A_79 = arith.constant 0 : i32
      %dma_wait3A_80 = tpu.memref_slice %arg10[%add3A_57, %dma_wait3A_79] : memref<10240x64xf32, #tpu.memory_space<vmem_shared>> -> memref<128x64xf32, #tpu.memory_space<vmem_shared>>
      tpu.wait_dma2 semaphore(%run_scoped3A : memref<!tpu.dma_semaphore, #tpu.memory_space<semaphore_mem>>) src(%dma_wait3A_80 : memref<128x64xf32, #tpu.memory_space<vmem_shared>>) dst(%arg9 : memref<128x64xf32, #tpu.memory_space<vmem>>)
      tpu.yield
    }) : () -> ()
    "tpu.region"() ({
      %run_scoped3A = tpu.sem_alloc : memref<!tpu.dma_semaphore, #tpu.memory_space<semaphore_mem>>
      %dma_start3A_74 = arith.constant 0 : i32
      %dma_start3A_75 = tpu.memref_slice %arg5[%arg0, %add3A_57, %dma_start3A_74] : memref<2x10240x64xf32, #tpu.memory_space<hbm>> -> memref<1x128x64xf32, #tpu.memory_space<hbm>>
      %dma_start3A_76 = tpu.memref_squeeze %dma_start3A_75 : memref<1x128x64xf32, #tpu.memory_space<hbm>> -> memref<128x64xf32, #tpu.memory_space<hbm>>
      %dma_start3A_77 = arith.constant 0 : i32
      %dma_start3A_78 = tpu.memref_slice %arg5[%arg0, %add3A_57, %dma_start3A_77] : memref<2x10240x64xf32, #tpu.memory_space<hbm>> -> memref<1x128x64xf32, #tpu.memory_space<hbm>>
      %dma_start3A_79 = tpu.memref_squeeze %dma_start3A_78 : memref<1x128x64xf32, #tpu.memory_space<hbm>> -> memref<128x64xf32, #tpu.memory_space<hbm>>
      tpu.enqueue_dma source(%arg9 : memref<128x64xf32, #tpu.memory_space<vmem>>) target(%dma_start3A_79 : memref<128x64xf32, #tpu.memory_space<hbm>>) target_semaphore(%run_scoped3A : memref<!tpu.dma_semaphore, #tpu.memory_space<semaphore_mem>>)
      %dma_wait3A = arith.constant 0 : i32
      %dma_wait3A_80 = tpu.memref_slice %arg5[%arg0, %add3A_57, %dma_wait3A] : memref<2x10240x64xf32, #tpu.memory_space<hbm>> -> memref<1x128x64xf32, #tpu.memory_space<hbm>>
      %dma_wait3A_81 = tpu.memref_squeeze %dma_wait3A_80 : memref<1x128x64xf32, #tpu.memory_space<hbm>> -> memref<128x64xf32, #tpu.memory_space<hbm>>
      %dma_wait3A_82 = arith.constant 0 : i32
      %dma_wait3A_83 = tpu.memref_slice %arg5[%arg0, %add3A_57, %dma_wait3A_82] : memref<2x10240x64xf32, #tpu.memory_space<hbm>> -> memref<1x128x64xf32, #tpu.memory_space<hbm>>
      %dma_wait3A_84 = tpu.memref_squeeze %dma_wait3A_83 : memref<1x128x64xf32, #tpu.memory_space<hbm>> -> memref<128x64xf32, #tpu.memory_space<hbm>>
      tpu.wait_dma2 semaphore(%run_scoped3A : memref<!tpu.dma_semaphore, #tpu.memory_space<semaphore_mem>>) src(%arg9 : memref<128x64xf32, #tpu.memory_space<vmem>>) dst(%dma_wait3A_84 : memref<128x64xf32, #tpu.memory_space<hbm>>)
      tpu.yield
    }) : () -> ()
    %mul3A_58 = arith.constant 640 : i32
    %mul3A_59 = arith.muli %arg1, %mul3A_58 : i32
    %add3A_60 = arith.constant 128 : i32
    %add3A_61 = arith.addi %mul3A_59, %add3A_60 : i32
    "tpu.region"() ({
      %run_scoped3A = tpu.sem_alloc : memref<!tpu.dma_semaphore, #tpu.memory_space<semaphore_mem>>
      %dma_start3A_74 = arith.constant 0 : i32
      %dma_start3A_75 = tpu.memref_slice %arg10[%add3A_61, %dma_start3A_74] : memref<10240x64xf32, #tpu.memory_space<vmem_shared>> -> memref<128x64xf32, #tpu.memory_space<vmem_shared>>
      %dma_start3A_76 = arith.constant 0 : i32
      %dma_start3A_77 = tpu.memref_slice %arg10[%add3A_61, %dma_start3A_76] : memref<10240x64xf32, #tpu.memory_space<vmem_shared>> -> memref<128x64xf32, #tpu.memory_space<vmem_shared>>
      tpu.enqueue_dma source(%dma_start3A_77 : memref<128x64xf32, #tpu.memory_space<vmem_shared>>) target(%arg9 : memref<128x64xf32, #tpu.memory_space<vmem>>) target_semaphore(%run_scoped3A : memref<!tpu.dma_semaphore, #tpu.memory_space<semaphore_mem>>)
      %dma_wait3A = arith.constant 0 : i32
      %dma_wait3A_78 = tpu.memref_slice %arg10[%add3A_61, %dma_wait3A] : memref<10240x64xf32, #tpu.memory_space<vmem_shared>> -> memref<128x64xf32, #tpu.memory_space<vmem_shared>>
      %dma_wait3A_79 = arith.constant 0 : i32
      %dma_wait3A_80 = tpu.memref_slice %arg10[%add3A_61, %dma_wait3A_79] : memref<10240x64xf32, #tpu.memory_space<vmem_shared>> -> memref<128x64xf32, #tpu.memory_space<vmem_shared>>
      tpu.wait_dma2 semaphore(%run_scoped3A : memref<!tpu.dma_semaphore, #tpu.memory_space<semaphore_mem>>) src(%dma_wait3A_80 : memref<128x64xf32, #tpu.memory_space<vmem_shared>>) dst(%arg9 : memref<128x64xf32, #tpu.memory_space<vmem>>)
      tpu.yield
    }) : () -> ()
    "tpu.region"() ({
      %run_scoped3A = tpu.sem_alloc : memref<!tpu.dma_semaphore, #tpu.memory_space<semaphore_mem>>
      %dma_start3A_74 = arith.constant 0 : i32
      %dma_start3A_75 = tpu.memref_slice %arg5[%arg0, %add3A_61, %dma_start3A_74] : memref<2x10240x64xf32, #tpu.memory_space<hbm>> -> memref<1x128x64xf32, #tpu.memory_space<hbm>>
      %dma_start3A_76 = tpu.memref_squeeze %dma_start3A_75 : memref<1x128x64xf32, #tpu.memory_space<hbm>> -> memref<128x64xf32, #tpu.memory_space<hbm>>
      %dma_start3A_77 = arith.constant 0 : i32
      %dma_start3A_78 = tpu.memref_slice %arg5[%arg0, %add3A_61, %dma_start3A_77] : memref<2x10240x64xf32, #tpu.memory_space<hbm>> -> memref<1x128x64xf32, #tpu.memory_space<hbm>>
      %dma_start3A_79 = tpu.memref_squeeze %dma_start3A_78 : memref<1x128x64xf32, #tpu.memory_space<hbm>> -> memref<128x64xf32, #tpu.memory_space<hbm>>
      tpu.enqueue_dma source(%arg9 : memref<128x64xf32, #tpu.memory_space<vmem>>) target(%dma_start3A_79 : memref<128x64xf32, #tpu.memory_space<hbm>>) target_semaphore(%run_scoped3A : memref<!tpu.dma_semaphore, #tpu.memory_space<semaphore_mem>>)
      %dma_wait3A = arith.constant 0 : i32
      %dma_wait3A_80 = tpu.memref_slice %arg5[%arg0, %add3A_61, %dma_wait3A] : memref<2x10240x64xf32, #tpu.memory_space<hbm>> -> memref<1x128x64xf32, #tpu.memory_space<hbm>>
      %dma_wait3A_81 = tpu.memref_squeeze %dma_wait3A_80 : memref<1x128x64xf32, #tpu.memory_space<hbm>> -> memref<128x64xf32, #tpu.memory_space<hbm>>
      %dma_wait3A_82 = arith.constant 0 : i32
      %dma_wait3A_83 = tpu.memref_slice %arg5[%arg0, %add3A_61, %dma_wait3A_82] : memref<2x10240x64xf32, #tpu.memory_space<hbm>> -> memref<1x128x64xf32, #tpu.memory_space<hbm>>
      %dma_wait3A_84 = tpu.memref_squeeze %dma_wait3A_83 : memref<1x128x64xf32, #tpu.memory_space<hbm>> -> memref<128x64xf32, #tpu.memory_space<hbm>>
      tpu.wait_dma2 semaphore(%run_scoped3A : memref<!tpu.dma_semaphore, #tpu.memory_space<semaphore_mem>>) src(%arg9 : memref<128x64xf32, #tpu.memory_space<vmem>>) dst(%dma_wait3A_84 : memref<128x64xf32, #tpu.memory_space<hbm>>)
      tpu.yield
    }) : () -> ()
    %mul3A_62 = arith.constant 640 : i32
    %mul3A_63 = arith.muli %arg1, %mul3A_62 : i32
    %add3A_64 = arith.constant 256 : i32
    %add3A_65 = arith.addi %mul3A_63, %add3A_64 : i32
    "tpu.region"() ({
      %run_scoped3A = tpu.sem_alloc : memref<!tpu.dma_semaphore, #tpu.memory_space<semaphore_mem>>
      %dma_start3A_74 = arith.constant 0 : i32
      %dma_start3A_75 = tpu.memref_slice %arg10[%add3A_65, %dma_start3A_74] : memref<10240x64xf32, #tpu.memory_space<vmem_shared>> -> memref<128x64xf32, #tpu.memory_space<vmem_shared>>
      %dma_start3A_76 = arith.constant 0 : i32
      %dma_start3A_77 = tpu.memref_slice %arg10[%add3A_65, %dma_start3A_76] : memref<10240x64xf32, #tpu.memory_space<vmem_shared>> -> memref<128x64xf32, #tpu.memory_space<vmem_shared>>
      tpu.enqueue_dma source(%dma_start3A_77 : memref<128x64xf32, #tpu.memory_space<vmem_shared>>) target(%arg9 : memref<128x64xf32, #tpu.memory_space<vmem>>) target_semaphore(%run_scoped3A : memref<!tpu.dma_semaphore, #tpu.memory_space<semaphore_mem>>)
      %dma_wait3A = arith.constant 0 : i32
      %dma_wait3A_78 = tpu.memref_slice %arg10[%add3A_65, %dma_wait3A] : memref<10240x64xf32, #tpu.memory_space<vmem_shared>> -> memref<128x64xf32, #tpu.memory_space<vmem_shared>>
      %dma_wait3A_79 = arith.constant 0 : i32
      %dma_wait3A_80 = tpu.memref_slice %arg10[%add3A_65, %dma_wait3A_79] : memref<10240x64xf32, #tpu.memory_space<vmem_shared>> -> memref<128x64xf32, #tpu.memory_space<vmem_shared>>
      tpu.wait_dma2 semaphore(%run_scoped3A : memref<!tpu.dma_semaphore, #tpu.memory_space<semaphore_mem>>) src(%dma_wait3A_80 : memref<128x64xf32, #tpu.memory_space<vmem_shared>>) dst(%arg9 : memref<128x64xf32, #tpu.memory_space<vmem>>)
      tpu.yield
    }) : () -> ()
    "tpu.region"() ({
      %run_scoped3A = tpu.sem_alloc : memref<!tpu.dma_semaphore, #tpu.memory_space<semaphore_mem>>
      %dma_start3A_74 = arith.constant 0 : i32
      %dma_start3A_75 = tpu.memref_slice %arg5[%arg0, %add3A_65, %dma_start3A_74] : memref<2x10240x64xf32, #tpu.memory_space<hbm>> -> memref<1x128x64xf32, #tpu.memory_space<hbm>>
      %dma_start3A_76 = tpu.memref_squeeze %dma_start3A_75 : memref<1x128x64xf32, #tpu.memory_space<hbm>> -> memref<128x64xf32, #tpu.memory_space<hbm>>
      %dma_start3A_77 = arith.constant 0 : i32
      %dma_start3A_78 = tpu.memref_slice %arg5[%arg0, %add3A_65, %dma_start3A_77] : memref<2x10240x64xf32, #tpu.memory_space<hbm>> -> memref<1x128x64xf32, #tpu.memory_space<hbm>>
      %dma_start3A_79 = tpu.memref_squeeze %dma_start3A_78 : memref<1x128x64xf32, #tpu.memory_space<hbm>> -> memref<128x64xf32, #tpu.memory_space<hbm>>
      tpu.enqueue_dma source(%arg9 : memref<128x64xf32, #tpu.memory_space<vmem>>) target(%dma_start3A_79 : memref<128x64xf32, #tpu.memory_space<hbm>>) target_semaphore(%run_scoped3A : memref<!tpu.dma_semaphore, #tpu.memory_space<semaphore_mem>>)
      %dma_wait3A = arith.constant 0 : i32
      %dma_wait3A_80 = tpu.memref_slice %arg5[%arg0, %add3A_65, %dma_wait3A] : memref<2x10240x64xf32, #tpu.memory_space<hbm>> -> memref<1x128x64xf32, #tpu.memory_space<hbm>>
      %dma_wait3A_81 = tpu.memref_squeeze %dma_wait3A_80 : memref<1x128x64xf32, #tpu.memory_space<hbm>> -> memref<128x64xf32, #tpu.memory_space<hbm>>
      %dma_wait3A_82 = arith.constant 0 : i32
      %dma_wait3A_83 = tpu.memref_slice %arg5[%arg0, %add3A_65, %dma_wait3A_82] : memref<2x10240x64xf32, #tpu.memory_space<hbm>> -> memref<1x128x64xf32, #tpu.memory_space<hbm>>
      %dma_wait3A_84 = tpu.memref_squeeze %dma_wait3A_83 : memref<1x128x64xf32, #tpu.memory_space<hbm>> -> memref<128x64xf32, #tpu.memory_space<hbm>>
      tpu.wait_dma2 semaphore(%run_scoped3A : memref<!tpu.dma_semaphore, #tpu.memory_space<semaphore_mem>>) src(%arg9 : memref<128x64xf32, #tpu.memory_space<vmem>>) dst(%dma_wait3A_84 : memref<128x64xf32, #tpu.memory_space<hbm>>)
      tpu.yield
    }) : () -> ()
    %mul3A_66 = arith.constant 640 : i32
    %mul3A_67 = arith.muli %arg1, %mul3A_66 : i32
    %add3A_68 = arith.constant 384 : i32
    %add3A_69 = arith.addi %mul3A_67, %add3A_68 : i32
    "tpu.region"() ({
      %run_scoped3A = tpu.sem_alloc : memref<!tpu.dma_semaphore, #tpu.memory_space<semaphore_mem>>
      %dma_start3A_74 = arith.constant 0 : i32
      %dma_start3A_75 = tpu.memref_slice %arg10[%add3A_69, %dma_start3A_74] : memref<10240x64xf32, #tpu.memory_space<vmem_shared>> -> memref<128x64xf32, #tpu.memory_space<vmem_shared>>
      %dma_start3A_76 = arith.constant 0 : i32
      %dma_start3A_77 = tpu.memref_slice %arg10[%add3A_69, %dma_start3A_76] : memref<10240x64xf32, #tpu.memory_space<vmem_shared>> -> memref<128x64xf32, #tpu.memory_space<vmem_shared>>
      tpu.enqueue_dma source(%dma_start3A_77 : memref<128x64xf32, #tpu.memory_space<vmem_shared>>) target(%arg9 : memref<128x64xf32, #tpu.memory_space<vmem>>) target_semaphore(%run_scoped3A : memref<!tpu.dma_semaphore, #tpu.memory_space<semaphore_mem>>)
      %dma_wait3A = arith.constant 0 : i32
      %dma_wait3A_78 = tpu.memref_slice %arg10[%add3A_69, %dma_wait3A] : memref<10240x64xf32, #tpu.memory_space<vmem_shared>> -> memref<128x64xf32, #tpu.memory_space<vmem_shared>>
      %dma_wait3A_79 = arith.constant 0 : i32
      %dma_wait3A_80 = tpu.memref_slice %arg10[%add3A_69, %dma_wait3A_79] : memref<10240x64xf32, #tpu.memory_space<vmem_shared>> -> memref<128x64xf32, #tpu.memory_space<vmem_shared>>
      tpu.wait_dma2 semaphore(%run_scoped3A : memref<!tpu.dma_semaphore, #tpu.memory_space<semaphore_mem>>) src(%dma_wait3A_80 : memref<128x64xf32, #tpu.memory_space<vmem_shared>>) dst(%arg9 : memref<128x64xf32, #tpu.memory_space<vmem>>)
      tpu.yield
    }) : () -> ()
    "tpu.region"() ({
      %run_scoped3A = tpu.sem_alloc : memref<!tpu.dma_semaphore, #tpu.memory_space<semaphore_mem>>
      %dma_start3A_74 = arith.constant 0 : i32
      %dma_start3A_75 = tpu.memref_slice %arg5[%arg0, %add3A_69, %dma_start3A_74] : memref<2x10240x64xf32, #tpu.memory_space<hbm>> -> memref<1x128x64xf32, #tpu.memory_space<hbm>>
      %dma_start3A_76 = tpu.memref_squeeze %dma_start3A_75 : memref<1x128x64xf32, #tpu.memory_space<hbm>> -> memref<128x64xf32, #tpu.memory_space<hbm>>
      %dma_start3A_77 = arith.constant 0 : i32
      %dma_start3A_78 = tpu.memref_slice %arg5[%arg0, %add3A_69, %dma_start3A_77] : memref<2x10240x64xf32, #tpu.memory_space<hbm>> -> memref<1x128x64xf32, #tpu.memory_space<hbm>>
      %dma_start3A_79 = tpu.memref_squeeze %dma_start3A_78 : memref<1x128x64xf32, #tpu.memory_space<hbm>> -> memref<128x64xf32, #tpu.memory_space<hbm>>
      tpu.enqueue_dma source(%arg9 : memref<128x64xf32, #tpu.memory_space<vmem>>) target(%dma_start3A_79 : memref<128x64xf32, #tpu.memory_space<hbm>>) target_semaphore(%run_scoped3A : memref<!tpu.dma_semaphore, #tpu.memory_space<semaphore_mem>>)
      %dma_wait3A = arith.constant 0 : i32
      %dma_wait3A_80 = tpu.memref_slice %arg5[%arg0, %add3A_69, %dma_wait3A] : memref<2x10240x64xf32, #tpu.memory_space<hbm>> -> memref<1x128x64xf32, #tpu.memory_space<hbm>>
      %dma_wait3A_81 = tpu.memref_squeeze %dma_wait3A_80 : memref<1x128x64xf32, #tpu.memory_space<hbm>> -> memref<128x64xf32, #tpu.memory_space<hbm>>
      %dma_wait3A_82 = arith.constant 0 : i32
      %dma_wait3A_83 = tpu.memref_slice %arg5[%arg0, %add3A_69, %dma_wait3A_82] : memref<2x10240x64xf32, #tpu.memory_space<hbm>> -> memref<1x128x64xf32, #tpu.memory_space<hbm>>
      %dma_wait3A_84 = tpu.memref_squeeze %dma_wait3A_83 : memref<1x128x64xf32, #tpu.memory_space<hbm>> -> memref<128x64xf32, #tpu.memory_space<hbm>>
      tpu.wait_dma2 semaphore(%run_scoped3A : memref<!tpu.dma_semaphore, #tpu.memory_space<semaphore_mem>>) src(%arg9 : memref<128x64xf32, #tpu.memory_space<vmem>>) dst(%dma_wait3A_84 : memref<128x64xf32, #tpu.memory_space<hbm>>)
      tpu.yield
    }) : () -> ()
    %mul3A_70 = arith.constant 640 : i32
    %mul3A_71 = arith.muli %arg1, %mul3A_70 : i32
    %add3A_72 = arith.constant 512 : i32
    %add3A_73 = arith.addi %mul3A_71, %add3A_72 : i32
    "tpu.region"() ({
      %run_scoped3A = tpu.sem_alloc : memref<!tpu.dma_semaphore, #tpu.memory_space<semaphore_mem>>
      %dma_start3A_74 = arith.constant 0 : i32
      %dma_start3A_75 = tpu.memref_slice %arg10[%add3A_73, %dma_start3A_74] : memref<10240x64xf32, #tpu.memory_space<vmem_shared>> -> memref<128x64xf32, #tpu.memory_space<vmem_shared>>
      %dma_start3A_76 = arith.constant 0 : i32
      %dma_start3A_77 = tpu.memref_slice %arg10[%add3A_73, %dma_start3A_76] : memref<10240x64xf32, #tpu.memory_space<vmem_shared>> -> memref<128x64xf32, #tpu.memory_space<vmem_shared>>
      tpu.enqueue_dma source(%dma_start3A_77 : memref<128x64xf32, #tpu.memory_space<vmem_shared>>) target(%arg9 : memref<128x64xf32, #tpu.memory_space<vmem>>) target_semaphore(%run_scoped3A : memref<!tpu.dma_semaphore, #tpu.memory_space<semaphore_mem>>)
      %dma_wait3A = arith.constant 0 : i32
      %dma_wait3A_78 = tpu.memref_slice %arg10[%add3A_73, %dma_wait3A] : memref<10240x64xf32, #tpu.memory_space<vmem_shared>> -> memref<128x64xf32, #tpu.memory_space<vmem_shared>>
      %dma_wait3A_79 = arith.constant 0 : i32
      %dma_wait3A_80 = tpu.memref_slice %arg10[%add3A_73, %dma_wait3A_79] : memref<10240x64xf32, #tpu.memory_space<vmem_shared>> -> memref<128x64xf32, #tpu.memory_space<vmem_shared>>
      tpu.wait_dma2 semaphore(%run_scoped3A : memref<!tpu.dma_semaphore, #tpu.memory_space<semaphore_mem>>) src(%dma_wait3A_80 : memref<128x64xf32, #tpu.memory_space<vmem_shared>>) dst(%arg9 : memref<128x64xf32, #tpu.memory_space<vmem>>)
      tpu.yield
    }) : () -> ()
    "tpu.region"() ({
      %run_scoped3A = tpu.sem_alloc : memref<!tpu.dma_semaphore, #tpu.memory_space<semaphore_mem>>
      %dma_start3A_74 = arith.constant 0 : i32
      %dma_start3A_75 = tpu.memref_slice %arg5[%arg0, %add3A_73, %dma_start3A_74] : memref<2x10240x64xf32, #tpu.memory_space<hbm>> -> memref<1x128x64xf32, #tpu.memory_space<hbm>>
      %dma_start3A_76 = tpu.memref_squeeze %dma_start3A_75 : memref<1x128x64xf32, #tpu.memory_space<hbm>> -> memref<128x64xf32, #tpu.memory_space<hbm>>
      %dma_start3A_77 = arith.constant 0 : i32
      %dma_start3A_78 = tpu.memref_slice %arg5[%arg0, %add3A_73, %dma_start3A_77] : memref<2x10240x64xf32, #tpu.memory_space<hbm>> -> memref<1x128x64xf32, #tpu.memory_space<hbm>>
      %dma_start3A_79 = tpu.memref_squeeze %dma_start3A_78 : memref<1x128x64xf32, #tpu.memory_space<hbm>> -> memref<128x64xf32, #tpu.memory_space<hbm>>
      tpu.enqueue_dma source(%arg9 : memref<128x64xf32, #tpu.memory_space<vmem>>) target(%dma_start3A_79 : memref<128x64xf32, #tpu.memory_space<hbm>>) target_semaphore(%run_scoped3A : memref<!tpu.dma_semaphore, #tpu.memory_space<semaphore_mem>>)
      %dma_wait3A = arith.constant 0 : i32
      %dma_wait3A_80 = tpu.memref_slice %arg5[%arg0, %add3A_73, %dma_wait3A] : memref<2x10240x64xf32, #tpu.memory_space<hbm>> -> memref<1x128x64xf32, #tpu.memory_space<hbm>>
      %dma_wait3A_81 = tpu.memref_squeeze %dma_wait3A_80 : memref<1x128x64xf32, #tpu.memory_space<hbm>> -> memref<128x64xf32, #tpu.memory_space<hbm>>
      %dma_wait3A_82 = arith.constant 0 : i32
      %dma_wait3A_83 = tpu.memref_slice %arg5[%arg0, %add3A_73, %dma_wait3A_82] : memref<2x10240x64xf32, #tpu.memory_space<hbm>> -> memref<1x128x64xf32, #tpu.memory_space<hbm>>
      %dma_wait3A_84 = tpu.memref_squeeze %dma_wait3A_83 : memref<1x128x64xf32, #tpu.memory_space<hbm>> -> memref<128x64xf32, #tpu.memory_space<hbm>>
      tpu.wait_dma2 semaphore(%run_scoped3A : memref<!tpu.dma_semaphore, #tpu.memory_space<semaphore_mem>>) src(%arg9 : memref<128x64xf32, #tpu.memory_space<vmem>>) dst(%dma_wait3A_84 : memref<128x64xf32, #tpu.memory_space<hbm>>)
      tpu.yield
    }) : () -> ()
    return
  }
}

module attributes {stable_mosaic.version = 14 : i64} {
  func.func @_tc_mm1_body(%arg0: i32, %arg1: memref<1024x128xf32, #tpu.memory_space<vmem>>, %arg2: memref<128x64xf32, #tpu.memory_space<vmem>>, %arg3: memref<1024x64xf32, #tpu.memory_space<vmem>>) attributes {dimension_semantics = [#tpu.dimension_semantics<arbitrary>], iteration_bounds = array<i64: 10>, scalar_prefetch = 0 : i64, scratch_operands = 0 : i64, tpu.core_type = #tpu.core_type<tc>, window_params = [{transform_indices = @transform_0, window_bounds = array<i64: 1024, 128>}, {pipeline_mode = #tpu.pipeline_mode<synchronous>, transform_indices = @transform_1, window_bounds = array<i64: 128, 64>}, {transform_indices = @transform_2, window_bounds = array<i64: 1024, 64>}]} {
    %get3A = arith.constant 0 : index
    %get3A_0 = arith.constant 0 : index
    %get3A_1 = vector.load %arg1[%get3A, %get3A_0] : memref<1024x128xf32, #tpu.memory_space<vmem>>, vector<1024x128xf32>
    %get3A_2 = arith.constant 0 : index
    %get3A_3 = arith.constant 0 : index
    %get3A_4 = vector.load %arg2[%get3A_2, %get3A_3] : memref<128x64xf32, #tpu.memory_space<vmem>>, vector<128x64xf32>
    %dot_general3A = arith.constant dense<0.000000e+00> : vector<1024x64xf32>
    %dot_general3A_5 = tpu.matmul %get3A_1, %get3A_4, %dot_general3A {dimension_numbers = #tpu.dot_dimension_numbers<[1], [0], [0], [1], [0, 0, 1, 1], [], []>, precision = #tpu.contract_precision<fp32>, transpose_lhs_hint = false} : vector<1024x128xf32>, vector<128x64xf32>, vector<1024x64xf32> -> vector<1024x64xf32>
    %swap3A = arith.constant 0 : index
    %swap3A_6 = arith.constant 0 : index
    %swap3A_7 = vector.load %arg3[%swap3A, %swap3A_6] : memref<1024x64xf32, #tpu.memory_space<vmem>>, vector<1024x64xf32>
    tpu.vector_store %arg3[%swap3A, %swap3A_6], %dot_general3A_5 {strides = array<i32>} : memref<1024x64xf32, #tpu.memory_space<vmem>>, vector<1024x64xf32>,
    return
  }
  func.func @transform_0(%arg0: i32) -> (i32, i32) {
    %c0_i32 = arith.constant 0 : i32
    %c0_i32_0 = arith.constant 0 : i32
    return %arg0, %c0_i32 : i32, i32
  }
  func.func @transform_1(%arg0: i32) -> (i32, i32) {
    %c0_i32 = arith.constant 0 : i32
    %c0_i32_0 = arith.constant 0 : i32
    %c0_i32_1 = arith.constant 0 : i32
    return %c0_i32, %c0_i32_0 : i32, i32
  }
  func.func @transform_2(%arg0: i32) -> (i32, i32) {
    %c0_i32 = arith.constant 0 : i32
    %c0_i32_0 = arith.constant 0 : i32
    return %arg0, %c0_i32 : i32, i32
  }
}

module attributes {stable_mosaic.version = 14 : i64} {
  func.func @_tc_scale1_body(%arg0: i32, %arg1: memref<2x1024x16xf32, #tpu.memory_space<vmem>>, %arg2: memref<1024x64xf32, #tpu.memory_space<vmem>>, %arg3: memref<1024x64xf32, #tpu.memory_space<vmem>>, %arg4: memref<1024x1xf32, #tpu.memory_space<vmem>>) attributes {dimension_semantics = [#tpu.dimension_semantics<arbitrary>], iteration_bounds = array<i64: 10>, scalar_prefetch = 0 : i64, scratch_operands = 0 : i64, tpu.core_type = #tpu.core_type<tc>, window_params = [{transform_indices = @transform_0, window_bounds = array<i64: 2, 1024, 16>}, {transform_indices = @transform_1, window_bounds = array<i64: 1024, 64>}, {transform_indices = @transform_2, window_bounds = array<i64: 1024, 64>}, {transform_indices = @transform_3, window_bounds = array<i64: 1024, 1>}]} {
    %get3A = arith.constant 0 : index
    %get3A_0 = arith.constant 0 : index
    %get3A_1 = arith.constant 0 : index
    %get3A_2 = vector.load %arg1[%get3A, %get3A_0, %get3A_1] : memref<2x1024x16xf32, #tpu.memory_space<vmem>>, vector<1x1024x1xf32>
    %get3A_3 = vector.shape_cast %get3A_2 : vector<1x1024x1xf32> to vector<1024x1xf32>
    %get3A_4 = arith.constant 1 : index
    %get3A_5 = arith.constant 0 : index
    %get3A_6 = arith.constant 0 : index
    %get3A_7 = vector.load %arg1[%get3A_4, %get3A_5, %get3A_6] : memref<2x1024x16xf32, #tpu.memory_space<vmem>>, vector<1x1024x1xf32>
    %get3A_8 = vector.shape_cast %get3A_7 : vector<1x1024x1xf32> to vector<1024x1xf32>
    %add3A = arith.addf %get3A_3, %get3A_8 : vector<1024x1xf32>
    %add3A_9 = arith.constant 1.000000e+00 : f32
    %add3A_10 = vector.broadcast %add3A_9 : f32 to vector<1024x1xf32>
    %add3A_11 = arith.addf %add3A, %add3A_10 : vector<1024x1xf32>
    %pow3A = arith.constant -5.000000e-01 : f32
    %pow3A_12 = vector.broadcast %pow3A : f32 to vector<1024x1xf32>
    %pow3A_13 = math.powf %add3A_11, %pow3A_12 : vector<1024x1xf32>
    %get3A_14 = arith.constant 0 : index
    %get3A_15 = arith.constant 0 : index
    %get3A_16 = vector.load %arg2[%get3A_14, %get3A_15] : memref<1024x64xf32, #tpu.memory_space<vmem>>, vector<1024x64xf32>
    %mul3A = vector.broadcast %pow3A_13 : vector<1024x1xf32> to vector<1024x64xf32>
    %mul3A_17 = arith.mulf %mul3A, %get3A_16 : vector<1024x64xf32>
    %swap3A = arith.constant 0 : index
    %swap3A_18 = arith.constant 0 : index
    %swap3A_19 = vector.load %arg3[%swap3A, %swap3A_18] : memref<1024x64xf32, #tpu.memory_space<vmem>>, vector<1024x64xf32>
    tpu.vector_store %arg3[%swap3A, %swap3A_18], %mul3A_17 {strides = array<i32>} : memref<1024x64xf32, #tpu.memory_space<vmem>>, vector<1024x64xf32>,
    %swap3A_20 = arith.constant 0 : index
    %swap3A_21 = arith.constant 0 : index
    %swap3A_22 = vector.load %arg4[%swap3A_20, %swap3A_21] : memref<1024x1xf32, #tpu.memory_space<vmem>>, vector<1024x1xf32>
    tpu.vector_store %arg4[%swap3A_20, %swap3A_21], %pow3A_13 {strides = array<i32>} : memref<1024x1xf32, #tpu.memory_space<vmem>>, vector<1024x1xf32>,
    return
  }
  func.func @transform_0(%arg0: i32) -> (i32, i32, i32) {
    %c0_i32 = arith.constant 0 : i32
    %c0_i32_0 = arith.constant 0 : i32
    %c0_i32_1 = arith.constant 0 : i32
    return %c0_i32, %arg0, %c0_i32_0 : i32, i32, i32
  }
  func.func @transform_1(%arg0: i32) -> (i32, i32) {
    %c0_i32 = arith.constant 0 : i32
    %c0_i32_0 = arith.constant 0 : i32
    return %arg0, %c0_i32 : i32, i32
  }
  func.func @transform_2(%arg0: i32) -> (i32, i32) {
    %c0_i32 = arith.constant 0 : i32
    %c0_i32_0 = arith.constant 0 : i32
    return %arg0, %c0_i32 : i32, i32
  }
  func.func @transform_3(%arg0: i32) -> (i32, i32) {
    %c0_i32 = arith.constant 0 : i32
    %c0_i32_0 = arith.constant 0 : i32
    return %arg0, %c0_i32 : i32, i32
  }
}

module attributes {stable_mosaic.version = 14 : i64} {
  func.func @_tc_mid_body(%arg0: i32, %arg1: memref<2x1024x64xf32, #tpu.memory_space<vmem>>, %arg2: memref<1024x64xf32, #tpu.memory_space<vmem>>, %arg3: memref<1024x1xf32, #tpu.memory_space<vmem>>, %arg4: memref<1x64xf32, #tpu.memory_space<vmem>>, %arg5: memref<64x64xf32, #tpu.memory_space<vmem>>, %arg6: memref<1024x64xf32, #tpu.memory_space<vmem>>) attributes {dimension_semantics = [#tpu.dimension_semantics<arbitrary>], iteration_bounds = array<i64: 10>, scalar_prefetch = 0 : i64, scratch_operands = 0 : i64, tpu.core_type = #tpu.core_type<tc>, window_params = [{transform_indices = @transform_0, window_bounds = array<i64: 2, 1024, 64>}, {transform_indices = @transform_1, window_bounds = array<i64: 1024, 64>}, {transform_indices = @transform_2, window_bounds = array<i64: 1024, 1>}, {pipeline_mode = #tpu.pipeline_mode<synchronous>, transform_indices = @transform_3, window_bounds = array<i64: 1, 64>}, {pipeline_mode = #tpu.pipeline_mode<synchronous>, transform_indices = @transform_4, window_bounds = array<i64: 64, 64>}, {transform_indices = @transform_5, window_bounds = array<i64: 1024, 64>}]} {
    %get3A = arith.constant 0 : index
    %get3A_0 = arith.constant 0 : index
    %get3A_1 = arith.constant 0 : index
    %get3A_2 = vector.load %arg1[%get3A, %get3A_0, %get3A_1] : memref<2x1024x64xf32, #tpu.memory_space<vmem>>, vector<1x1024x64xf32>
    %get3A_3 = vector.shape_cast %get3A_2 : vector<1x1024x64xf32> to vector<1024x64xf32>
    %get3A_4 = arith.constant 1 : index
    %get3A_5 = arith.constant 0 : index
    %get3A_6 = arith.constant 0 : index
    %get3A_7 = vector.load %arg1[%get3A_4, %get3A_5, %get3A_6] : memref<2x1024x64xf32, #tpu.memory_space<vmem>>, vector<1x1024x64xf32>
    %get3A_8 = vector.shape_cast %get3A_7 : vector<1x1024x64xf32> to vector<1024x64xf32>
    %add3A = arith.addf %get3A_3, %get3A_8 : vector<1024x64xf32>
    %get3A_9 = arith.constant 0 : index
    %get3A_10 = arith.constant 0 : index
    %get3A_11 = vector.load %arg2[%get3A_9, %get3A_10] : memref<1024x64xf32, #tpu.memory_space<vmem>>, vector<1024x64xf32>
    %add3A_12 = arith.addf %add3A, %get3A_11 : vector<1024x64xf32>
    %get3A_13 = arith.constant 0 : index
    %get3A_14 = arith.constant 0 : index
    %get3A_15 = vector.load %arg3[%get3A_13, %get3A_14] : memref<1024x1xf32, #tpu.memory_space<vmem>>, vector<1024x1xf32>
    %mul3A = vector.broadcast %get3A_15 : vector<1024x1xf32> to vector<1024x64xf32>
    %mul3A_16 = arith.mulf %mul3A, %add3A_12 : vector<1024x64xf32>
    %get3A_17 = arith.constant 0 : index
    %get3A_18 = arith.constant 0 : index
    %get3A_19 = vector.load %arg4[%get3A_17, %get3A_18] : memref<1x64xf32, #tpu.memory_space<vmem>>, vector<1x64xf32>
    %add3A_20 = vector.broadcast %get3A_19 : vector<1x64xf32> to vector<1024x64xf32>
    %add3A_21 = arith.addf %mul3A_16, %add3A_20 : vector<1024x64xf32>
    %max3A = arith.constant 0.000000e+00 : f32
    %max3A_22 = vector.broadcast %max3A : f32 to vector<1024x64xf32>
    %max3A_23 = arith.maximumf %add3A_21, %max3A_22 : vector<1024x64xf32>
    %get3A_24 = arith.constant 0 : index
    %get3A_25 = arith.constant 0 : index
    %get3A_26 = vector.load %arg5[%get3A_24, %get3A_25] : memref<64x64xf32, #tpu.memory_space<vmem>>, vector<64x64xf32>
    %dot_general3A = arith.constant dense<0.000000e+00> : vector<1024x64xf32>
    %dot_general3A_27 = tpu.matmul %max3A_23, %get3A_26, %dot_general3A {dimension_numbers = #tpu.dot_dimension_numbers<[1], [0], [0], [1], [0, 0, 1, 1], [], []>, precision = #tpu.contract_precision<fp32>, transpose_lhs_hint = false} : vector<1024x64xf32>, vector<64x64xf32>, vector<1024x64xf32> -> vector<1024x64xf32>
    %mul3A_28 = vector.broadcast %get3A_15 : vector<1024x1xf32> to vector<1024x64xf32>
    %mul3A_29 = arith.mulf %mul3A_28, %dot_general3A_27 : vector<1024x64xf32>
    %swap3A = arith.constant 0 : index
    %swap3A_30 = arith.constant 0 : index
    %swap3A_31 = vector.load %arg6[%swap3A, %swap3A_30] : memref<1024x64xf32, #tpu.memory_space<vmem>>, vector<1024x64xf32>
    tpu.vector_store %arg6[%swap3A, %swap3A_30], %mul3A_29 {strides = array<i32>} : memref<1024x64xf32, #tpu.memory_space<vmem>>, vector<1024x64xf32>,
    return
  }
  func.func @transform_0(%arg0: i32) -> (i32, i32, i32) {
    %c0_i32 = arith.constant 0 : i32
    %c0_i32_0 = arith.constant 0 : i32
    %c0_i32_1 = arith.constant 0 : i32
    return %c0_i32, %arg0, %c0_i32_0 : i32, i32, i32
  }
  func.func @transform_1(%arg0: i32) -> (i32, i32) {
    %c0_i32 = arith.constant 0 : i32
    %c0_i32_0 = arith.constant 0 : i32
    return %arg0, %c0_i32 : i32, i32
  }
  func.func @transform_2(%arg0: i32) -> (i32, i32) {
    %c0_i32 = arith.constant 0 : i32
    %c0_i32_0 = arith.constant 0 : i32
    return %arg0, %c0_i32 : i32, i32
  }
  func.func @transform_3(%arg0: i32) -> (i32, i32) {
    %c0_i32 = arith.constant 0 : i32
    %c0_i32_0 = arith.constant 0 : i32
    %c0_i32_1 = arith.constant 0 : i32
    return %c0_i32, %c0_i32_0 : i32, i32
  }
  func.func @transform_4(%arg0: i32) -> (i32, i32) {
    %c0_i32 = arith.constant 0 : i32
    %c0_i32_0 = arith.constant 0 : i32
    %c0_i32_1 = arith.constant 0 : i32
    return %c0_i32, %c0_i32_0 : i32, i32
  }
  func.func @transform_5(%arg0: i32) -> (i32, i32) {
    %c0_i32 = arith.constant 0 : i32
    %c0_i32_0 = arith.constant 0 : i32
    return %arg0, %c0_i32 : i32, i32
  }
}

module attributes {stable_mosaic.version = 14 : i64} {
  func.func @_tc_final_body(%arg0: memref<2x10240x64xf32, #tpu.memory_space<vmem>>, %arg1: memref<10240x64xf32, #tpu.memory_space<vmem>>, %arg2: memref<10240x1xf32, #tpu.memory_space<vmem>>, %arg3: memref<1x64xf32, #tpu.memory_space<vmem>>, %arg4: memref<64x128xf32, #tpu.memory_space<vmem>>, %arg5: memref<1x128xf32, #tpu.memory_space<vmem>>, %arg6: memref<128x1xf32, #tpu.memory_space<vmem>>, %arg7: memref<1x1xf32, #tpu.memory_space<vmem>>, %arg8: memref<1x1xf32, #tpu.memory_space<vmem>>) attributes {dimension_semantics = [], scalar_prefetch = 0 : i64, scratch_operands = 0 : i64, tpu.core_type = #tpu.core_type<tc>} {
    %get3A = arith.constant 0 : index
    %get3A_0 = arith.constant 0 : index
    %get3A_1 = arith.constant 0 : index
    %get3A_2 = vector.load %arg0[%get3A, %get3A_0, %get3A_1] : memref<2x10240x64xf32, #tpu.memory_space<vmem>>, vector<1x10240x64xf32>
    %get3A_3 = vector.shape_cast %get3A_2 : vector<1x10240x64xf32> to vector<10240x64xf32>
    %get3A_4 = arith.constant 1 : index
    %get3A_5 = arith.constant 0 : index
    %get3A_6 = arith.constant 0 : index
    %get3A_7 = vector.load %arg0[%get3A_4, %get3A_5, %get3A_6] : memref<2x10240x64xf32, #tpu.memory_space<vmem>>, vector<1x10240x64xf32>
    %get3A_8 = vector.shape_cast %get3A_7 : vector<1x10240x64xf32> to vector<10240x64xf32>
    %add3A = arith.addf %get3A_3, %get3A_8 : vector<10240x64xf32>
    %get3A_9 = arith.constant 0 : index
    %get3A_10 = arith.constant 0 : index
    %get3A_11 = vector.load %arg1[%get3A_9, %get3A_10] : memref<10240x64xf32, #tpu.memory_space<vmem>>, vector<10240x64xf32>
    %add3A_12 = arith.addf %add3A, %get3A_11 : vector<10240x64xf32>
    %get3A_13 = arith.constant 0 : index
    %get3A_14 = arith.constant 0 : index
    %get3A_15 = vector.load %arg2[%get3A_13, %get3A_14] : memref<10240x1xf32, #tpu.memory_space<vmem>>, vector<10240x1xf32>
    %mul3A = vector.broadcast %get3A_15 : vector<10240x1xf32> to vector<10240x64xf32>
    %mul3A_16 = arith.mulf %mul3A, %add3A_12 : vector<10240x64xf32>
    %get3A_17 = arith.constant 0 : index
    %get3A_18 = arith.constant 0 : index
    %get3A_19 = vector.load %arg3[%get3A_17, %get3A_18] : memref<1x64xf32, #tpu.memory_space<vmem>>, vector<1x64xf32>
    %add3A_20 = vector.broadcast %get3A_19 : vector<1x64xf32> to vector<10240x64xf32>
    %add3A_21 = arith.addf %mul3A_16, %add3A_20 : vector<10240x64xf32>
    %max3A = arith.constant 0.000000e+00 : f32
    %max3A_22 = vector.broadcast %max3A : f32 to vector<10240x64xf32>
    %max3A_23 = arith.maximumf %add3A_21, %max3A_22 : vector<10240x64xf32>
    %iota3A = tpu.iota {dimensions = array<i32: 0>} : vector<10240x1xi32>
    %lt3A = arith.constant 10000 : i32
    %lt3A_24 = vector.broadcast %lt3A : i32 to vector<10240x1xi32>
    %lt3A_25 = arith.cmpi slt, %iota3A, %lt3A_24 : vector<10240x1xi32>
    %jit3A = arith.constant 0.000000e+00 : f32
    %broadcast_in_dim3A = vector.shape_cast %lt3A_25 : vector<10240x1xi1> to vector<10240x1xi1>
    %broadcast_in_dim3A_26 = vector.broadcast %broadcast_in_dim3A : vector<10240x1xi1> to vector<10240x64xi1>
    %broadcast_in_dim3A_27 = vector.broadcast %jit3A : f32 to vector<10240x64xf32>
    %select_n3A = arith.select %broadcast_in_dim3A_26, %max3A_23, %broadcast_in_dim3A_27 : vector<10240x64xi1>, vector<10240x64xf32>
    %reduce_sum3A = arith.constant dense<0.000000e+00> : vector<64xf32>
    %reduce_sum3A_28 = vector.multi_reduction <add>, %select_n3A, %reduce_sum3A [0] : vector<10240x64xf32> to vector<64xf32>
    %broadcast_in_dim3A_29 = vector.shape_cast %reduce_sum3A_28 : vector<64xf32> to vector<1x64xf32>
    %mul3A_30 = arith.constant 9.99999974E-5 : f32
    %mul3A_31 = vector.broadcast %mul3A_30 : f32 to vector<1x64xf32>
    %mul3A_32 = arith.mulf %broadcast_in_dim3A_29, %mul3A_31 : vector<1x64xf32>
    %get3A_33 = arith.constant 0 : index
    %get3A_34 = arith.constant 0 : index
    %get3A_35 = vector.load %arg4[%get3A_33, %get3A_34] : memref<64x128xf32, #tpu.memory_space<vmem>>, vector<64x128xf32>
    %dot_general3A = arith.constant dense<0.000000e+00> : vector<1x128xf32>
    %dot_general3A_36 = tpu.matmul %mul3A_32, %get3A_35, %dot_general3A {dimension_numbers = #tpu.dot_dimension_numbers<[1], [0], [0], [1], [0, 0, 1, 1], [], []>, precision = #tpu.contract_precision<fp32>, transpose_lhs_hint = false} : vector<1x64xf32>, vector<64x128xf32>, vector<1x128xf32> -> vector<1x128xf32>
    %get3A_37 = arith.constant 0 : index
    %get3A_38 = arith.constant 0 : index
    %get3A_39 = vector.load %arg5[%get3A_37, %get3A_38] : memref<1x128xf32, #tpu.memory_space<vmem>>, vector<1x128xf32>
    %add3A_40 = arith.addf %dot_general3A_36, %get3A_39 : vector<1x128xf32>
    %max3A_41 = arith.constant 0.000000e+00 : f32
    %max3A_42 = vector.broadcast %max3A_41 : f32 to vector<1x128xf32>
    %max3A_43 = arith.maximumf %add3A_40, %max3A_42 : vector<1x128xf32>
    %get3A_44 = arith.constant 0 : index
    %get3A_45 = arith.constant 0 : index
    %get3A_46 = vector.load %arg6[%get3A_44, %get3A_45] : memref<128x1xf32, #tpu.memory_space<vmem>>, vector<128x1xf32>
    %dot_general3A_47 = arith.constant dense<0.000000e+00> : vector<1x1xf32>
    %dot_general3A_48 = tpu.matmul %max3A_43, %get3A_46, %dot_general3A_47 {dimension_numbers = #tpu.dot_dimension_numbers<[1], [0], [0], [1], [0, 0, 1, 1], [], []>, precision = #tpu.contract_precision<fp32>, transpose_lhs_hint = false} : vector<1x128xf32>, vector<128x1xf32>, vector<1x1xf32> -> vector<1x1xf32>
    %get3A_49 = arith.constant 0 : index
    %get3A_50 = arith.constant 0 : index
    %get3A_51 = vector.load %arg7[%get3A_49, %get3A_50] : memref<1x1xf32, #tpu.memory_space<vmem>>, vector<1x1xf32>
    %add3A_52 = arith.addf %dot_general3A_48, %get3A_51 : vector<1x1xf32>
    %swap3A = arith.constant 0 : index
    %swap3A_53 = arith.constant 0 : index
    %swap3A_54 = vector.load %arg8[%swap3A, %swap3A_53] : memref<1x1xf32, #tpu.memory_space<vmem>>, vector<1x1xf32>
    tpu.vector_store %arg8[%swap3A, %swap3A_53], %add3A_52 {strides = array<i32>} : memref<1x1xf32, #tpu.memory_space<vmem>>, vector<1x1xf32>,
    return
  }
}

</mosaic_0001>

<sc_bundles>
// kernel: _run.11.cloned.1.call-start
scs
__scs_entry_jumppad:
0x0: {  	(pc) =	sbr.rel $0x88, $3  }
0x1: {  	(tag) =	ssettag $0x0;
	lr =	simm.s32 $0x1  }
0x2: {  	[smem:$0x3F95] =	sst lr;
	_ =	strace $0xD0000000  }
0x3: {  	_ = 	snop  }
0x4: {  	_ = 	snop  }
0x5: {  	_ = 	snop  }
0x6: {  	_ = 	snop  }
0x7: {  	_ = 	snop  }
__scs_overlays_trampoline_lowered:
0x8: {  	[smem:$0x3FA4] =	sst s0  }
0x9: {  	[smem:$0x3FA5] =	sst s1  }
0xa: {  	[smem:$0x3FA6] =	sst s2  }
0xb: {  	[smem:$0x3FA7] =	sst s3  }
0xc: {  	[smem:$0x3FA8] =	sst s4  }
0xd: {  	[smem:$0x3FA9] =	sst s5  }
0xe: {  	[smem:$0x3FAA] =	sst s6  }
0xf: {  	[smem:$0x3FAB] =	sst s7  }
0x10: {  	[smem:$0x3FAC] =	sst s8  }
0x11: {  	[smem:$0x3FAD] =	sst s9;
	s0 =	simm.s32 @!p0 $0x0  }
0x12: {  	s1 =	sld [smem:$0x3F93];
	s0 =	simm.s32 @p0 $0x1  }
0x13: {  	[smem:$0x3FAE] =	sst s0;
	s0 =	simm.s32 @!p1 $0x0  }
0x14: {  	s2 =	sld [smem:$0x3F92];
	s0 =	simm.s32 @p1 $0x1  }
0x15: {  	[smem:$0x3FAF] =	sst s0;
	s0 =	simm.s32 @!p2 $0x0  }
0x16: {  	s3 =	sld [smem:$0x3FDB];
	s0 =	simm.s32 @p2 $0x1  }
0x17: {  	s4 =	simm.s32 $0x1BF5;
	[smem:$0x3FB1] =	sst s0  }
0x18: {  	s0 =	sld [smem:$0x3F94];
	_ =	swait.ge [sflag:s4], $0x0  }
0x19: {  	s7 =	sld [smem:$0x3F95]  }
0x1a: {  	s8 =	sadd.s32 $0xFFFFE003, lr  }
0x1b: {  	s9 =	sadd.s32 $0xFFFFFEF7, lr;
	s5 =	simm.s32 $0xFFFFFFFF;
	p2 =	slt.u32 s8, $0xFFFFF086  }
0x1c: {  	p1 =	slt.u32 s9, $0xF7A;
	s5 =	simm.s32 @!p2 $0x0  }
0x1d: {  	s5 =	simm.s32 @p1 $0x1;
	p0 =	seq.s32 s7, s2  }
0x1e: {  	s7 =	smul.u32 @!p0 $0xF7A, s2;
	p2 =	seq.s32 @!p0 s5, $0x0  }
0x1f: {  	s9 =	smul.u32 $0xF7A, s1;
	s8 =	simm.s32 @!p0 $0x1BF5;
	p2 =	por !p2, p0  }
0x20: {  	[sflag:s8] =	ssyncset.s32 @!p0 $0xFFFFF086;
	s6 =	sadd.s32 @!p0 s3, s7;
	s7 =	simm.s32 @!p0 $0x108  }
0x21: {  	s3 =	sadd.s32 s3, s9;
	s6 =	sadd.s32 @!p0 $0x88, s6;
	s7 =	simm.s32 @p2 $0x1082  }
0x22: {  	[simem:s7], [sflag:s8] =	dma.local @!p0 [hbm:s6], $0xF7A  }
0x23: {  	s9 =	sor.u32 $0xD0000000, s2;
	s6 =	simm.s32 $0x108;
	_ =	swait.ge @!p0 [sflag:s8], $0x0  }
0x24: {  	s3 =	sadd.s32 $0x88, s3;
	s6 =	simm.s32 @!p1 $0x1082;
	[sflag:s4] =	ssyncset.s32 $0xFFFFF086  }
0x25: {  	[simem:s6], [sflag:s4] =	dma.local [hbm:s3], $0xF7A  }
0x26: {  	[smem:$0x3F95] =	sst s1;
	(tag) =	ssettag s2;
	_ =	strace s9  }
0x27: {  	s1 =	sld [smem:$0x3FA5]  }
0x28: {  	s2 =	sld [smem:$0x3FA6]  }
0x29: {  	s4 =	sld [smem:$0x3FA8]  }
0x2a: {  	p0 =	seq.s32 s5, $0x0;
	s5 =	sld [smem:$0x3FA9]  }
0x2b: {  	s6 =	sld [smem:$0x3FAA]  }
0x2c: {  	s7 =	sld [smem:$0x3FAB]  }
0x2d: {  	s3 =	simm.s32 $0x108;
	s8 =	sld [smem:$0x3FAC]  }
0x2e: {  	s3 =	simm.s32 @!p0 $0x1082;
	s9 =	sld [smem:$0x3FAD]  }
0x2f: {  	lr =	sadd.s32 s0, s3;
	s0 =	sld [smem:$0x3FA4]  }
0x30: {  	s3 =	sld [smem:$0x3FA7]  }
0x31: {  	[smem:$0x3FB0] =	sst s10  }
0x32: {  	s10 =	sld [smem:$0x3FAE];
	_ =	sdelay $0x3  }
0x33: {  	p0 =	seq.s32 s10, $0x1;
	s10 =	sld [smem:$0x3FB0];
	_ =	sdelay $0x3  }
0x34: {  	[smem:$0x3FB0] =	sst s10  }
0x35: {  	s10 =	sld [smem:$0x3FAF];
	_ =	sdelay $0x3  }
0x36: {  	p1 =	seq.s32 s10, $0x1;
	s10 =	sld [smem:$0x3FB0];
	_ =	sdelay $0x3  }
0x37: {  	[smem:$0x3FB0] =	sst s10  }
0x38: {  	s10 =	sld [smem:$0x3FB1]  }
0x39: {  	_ = 	snop;
	(pc) =	sbr.ind lr, $3  }
0x3a: {  	_ = 	snop  }
0x3b: {  	_ = 	snop  }
0x3c: {  	p2 =	seq.s32 s10, $0x1;
	s10 =	sld [smem:$0x3FB0]  }
0x3d: {  	_ =	shalt  }
0x3e: {  	_ =	shalt  }
0x3f: {  	_ =	shalt  }
0x40: {  	_ =	shalt  }
0x41: {  	_ =	shalt  }
0x42: {  	_ =	shalt  }
0x43: {  	_ =	shalt  }
0x44: {  	_ =	shalt  }
0x45: {  	_ =	shalt  }
0x46: {  	_ =	shalt  }
0x47: {  	_ =	shalt  }
0x48: {  	_ =	shalt  }
0x49: {  	_ =	shalt  }
0x4a: {  	_ =	shalt  }
0x4b: {  	_ =	shalt  }
0x4c: {  	_ =	shalt  }
0x4d: {  	_ =	shalt  }
0x4e: {  	_ =	shalt  }
0x4f: {  	_ =	shalt  }
0x50: {  	_ =	shalt  }
0x51: {  	_ =	shalt  }
0x52: {  	_ =	shalt  }
0x53: {  	_ =	shalt  }
0x54: {  	_ =	shalt  }
0x55: {  	_ =	shalt  }
0x56: {  	_ =	shalt  }
0x57: {  	_ =	shalt  }
0x58: {  	_ =	shalt  }
0x59: {  	_ =	shalt  }
0x5a: {  	_ =	shalt  }
0x5b: {  	_ =	shalt  }
0x5c: {  	_ =	shalt  }
0x5d: {  	_ =	shalt  }
0x5e: {  	_ =	shalt  }
0x5f: {  	_ =	shalt  }
0x60: {  	_ =	shalt  }
0x61: {  	_ =	shalt  }
0x62: {  	_ =	shalt  }
0x63: {  	_ =	shalt  }
0x64: {  	_ =	shalt  }
0x65: {  	_ =	shalt  }
0x66: {  	_ =	shalt  }
0x67: {  	_ =	shalt  }
0x68: {  	_ =	shalt  }
0x69: {  	_ =	shalt  }
0x6a: {  	_ =	shalt  }
0x6b: {  	_ =	shalt  }
0x6c: {  	_ =	shalt  }
0x6d: {  	_ =	shalt  }
0x6e: {  	_ =	shalt  }
0x6f: {  	_ =	shalt  }
0x70: {  	_ =	shalt  }
0x71: {  	_ =	shalt  }
0x72: {  	_ =	shalt  }
0x73: {  	_ =	shalt  }
0x74: {  	_ =	shalt  }
0x75: {  	_ =	shalt  }
0x76: {  	_ =	shalt  }
0x77: {  	_ =	shalt  }
0x78: {  	_ =	shalt  }
0x79: {  	_ =	shalt  }
0x7a: {  	_ =	shalt  }
0x7b: {  	_ =	shalt  }
0x7c: {  	_ =	shalt  }
0x7d: {  	_ =	shalt  }
0x7e: {  	_ =	shalt  }
0x7f: {  	_ =	shalt  }
0x80: {  	_ =	shalt  }
0x81: {  	_ =	shalt  }
0x82: {  	_ =	shalt  }
0x83: {  	_ =	shalt  }
0x84: {  	_ =	shalt  }
0x85: {  	_ =	shalt  }
0x86: {  	_ =	shalt  }
0x87: {  	_ =	shalt  }
.Lfunc_end0:
.L_simem_size_0:
called_computation_lowered:
.L_overlay_start_0:
0x88: {  	s2 =	sld [smem:$0x3FD9]  }
0x89: {  	s3 =	sld [smem:$0x3FFE];
	_ =	sdelay $0x1  }
0x8a: {  	s1 =	srdreg.scid  }
0x8b: {  	s0 =	sand.u32 $0x1, s1  }
0x8c: {  	s16 =	sshll.u32 s0, $0xA;
	s2 =	sadd.s32 s3, s2  }
0x8d: {  	s2 =	sadd.s32 s2, s16  }
0x8e: {  	[smem:$0x3FBC] =	sst s2  }
0x8f: {  	_ = 	snop  }
0x90: {  	(tm) =	ssettm $0x1  }
0x91: {  	s17 =	sld [smem:$0x3FFB];
	_ =	sdelay $0x3  }
0x92: {  	_ =	strace s17  }
0x93: {  	s2 =	sld [smem:$0x3FFC];
	_ =	sdelay $0x3  }
0x94: {  	_ =	strace s2  }
0x95: {  	s2 =	sld [smem:$0x3FFD];
	_ =	sdelay $0x3  }
0x96: {  	_ =	strace s2  }
0x97: {  	_ =	strace $0x8FFFFFFF  }
0x98: {  	s18 =	sld [smem:$0x3FDB];
	_ =	sdelay $0x1  }
0x99: {  	s19 =	simm.s32 $_scs_section_size  }
0x9a: {  	s4 =	simm.s32 $_size__tile_overlayer_lowered;
	s5 =	simm.s32 $_tile_overlayer_lowered  }
0x9b: {  	s22 =	simm.s32 $0x1BFF;
	s21 =	sshll.u32 s5, $0x1;
	s2 =	sadd.s32 s19, s18  }
0x9c: {  	s6 =	simm.s32 $0x0;
	s20 =	sshll.u32 s4, $0x1;
	s4 =	sadd.s32 s21, s2  }
0x9d: {  	[timem:s6], [sflag:s22] =	dma.local [hbm:s4], s20  }
0x9e: {  	_ =	swait.ge [sflag:s22], s20  }
0x9f: {  	s3 =	ssub.s32 $0x0, s20;
	[sflag:s22] =	ssyncset.done $0x0  }
0xa0: {  	[sflag:s22] =	ssyncadd.s32 s3;
	_ =	sdelay $0x1  }
0xa1: {  	s23 =	simm.s32 $0x1B8B  }
0xa2: {  	_ =	swait.ge [sflag:s23], $0x1  }
0xa3: {  	[sflag:s23] =	ssyncset.done $0x0  }
0xa4: {  	s25 =	simm.s32 $0x1B8E;
	s24 =	sld [smem:$0x3FFE];
	[sflag:s23] =	ssyncadd.s32 $0xFFFFFFFF  }
0xa5: {  	s26 =	simm.s32 $execute0_lowered;
	[smem:$0x3FD2] =	sst s25  }
0xa6: {  	s4 =	sshll.u32 s26, $0x1;
	_ =	strace $0x80000046;
	[dreg:$0x1] =	wrdreg $0xFFFFFFFF  }
0xa7: {  	s28 =	simm.s32 $_size_execute0_lowered;
	s2 =	sadd.s32 s2, s4;
	[dreg:$0x0] =	wrdreg $0x0  }
0xa8: {  	s4 =	sshll.u32 s28, $0x1;
	[dreg:$0x2] =	wrdreg s2  }
0xa9: {  	[dreg:$0x3] =	wrdreg s4  }
0xaa: {  	[dreg:$0x4] =	wrdreg $0xC0  }
0xab: {  	_ =	task [dreg:s6], $0x5FFFF  }
0xac: {  	[dreg:$0x1] =	wrdreg $0xFFFFFFFF  }
0xad: {  	[dreg:$0x0] =	wrdreg $0x60  }
0xae: {  	[dreg:$0x2] =	wrdreg s24  }
0xaf: {  	[dreg:$0x3] =	wrdreg $0x40000  }
0xb0: {  	[dreg:$0x4] =	wrdreg $0x9  }
0xb1: {  	_ =	task.clear_ibuf [dreg:s6], $0x5FFFF;
	_ =	strace $0x90000046  }
0xb2: {  	s29 =	simm.s32 $0x9;
	_ =	strace $0x80000048  }
0xb3: {  	_ =	swait.ge [sflag:s29], $0x1  }
0xb4: {  	[sflag:s29] =	ssyncadd.s32 $0xFFFFFFFF  }
0xb5: {  	_ =	strace $0x90000048  }
0xb6: {  	_ =	sfence  }
0xb7: {  	s30 =	sld [smem:$0x0];
	_ =	sdelay $0x2  }
0xb8: {  	s31 =	sshll.u32 s1, $0xD;
	s1 =	sshrl.u32 s1, $0x2  }
0xb9: {  	s3 =	sand.u32 $0x4000, s31;
	s1 =	sadd.s32 s1, s30  }
0xba: {  	s0 =	sor.u32 s3, s0;
	s1 =	sshll.u32 s1, $0x11  }
0xbb: {  	s0 =	sor.u32 s1, s0  }
0xbc: {  	s0 =	sadd.s32 $0x8F2B, s0  }
0xbd: {  	[sflag:s0] =	ssyncadd.remote.s32 $0x1  }
0xbe: {  	_ =	sfence.sel $0xFFFF  }
0xbf: {  	[dreg:$0x0] =	wrdreg $0xFFFFFFFF;
	(pc) =	sbr.abs _section_cstart, $3  }
0xc0: {  	[dreg:$0x1] =	wrdreg $0xFFFFFFFF  }
0xc1: {  	_ =	task.clear_ibuf [dreg:s6], $0x2FFFF;
	_ =	strace $0x9FFFFFFF  }
0xc2: {  	(tm) =	ssettm $0x7FFFFFFF  }
0xc3: {  	_ =	shalt  }
tec
execute0_lowered:
.L_overlay_start_1:
0x0: {  	(tag) =	ssettag $0x1  }
0x1: {  	s0 =	srdreg.scid;
	s4 =	rddreg [dreg:$0x0]  }
0x2: {  	s2 =	rddreg [dreg:$0x1];
	s1 =	stileid.u32;
	s3 =	simm.s32 $0x0  }
0x3: {  	s19 =	simm.s32 $0x2800;
	s20 =	simm.s32 $0x3000;
	s21 =	simm.s32 $0x1  }
0x4: {  	s22 =	simm.s32 $0x2;
	s6 =	sand.u32 $0x1, s0;
	s0 =	rddreg [dreg:$0x2]  }
0x5: {  	s23 =	simm.s32 $0x0;
	[smem:$0x7FF] =	sst s3;
	s9 =	smul.u32 $0x2800, s1  }
0x6: {  	s14 =	sadd.s32 $0x16600, s4;
	s5 =	sshll.u32 s6, $0x4;
	_ =	strace $0x80000047  }
0x7: {  	s7 =	ssub.s32 $0x2, s6;
	s13 =	smul.u32 $0x28000, s6;
	s5 =	sor.u32 s1, s5  }
0x8: {  	s31 =	sshrl.u32 s7, $0x1;
	s10 =	sadd.s32 $0x800, s9;
	s12 =	sadd.s32 $0x1000, s9  }
0x9: {  	s16 =	sadd.s32 $0x1800, s9;
	s17 =	sadd.s32 $0x2000, s9;
	s5 =	smul.u32 $0x500, s5  }
0xa: {  	s15 =	ssub.s32 s7, s31;
	s6 =	sadd.s32 s10, s2;
	s7 =	sadd.s32 s12, s2  }
0xb: {  	s8 =	sadd.s32 s16, s2;
	s11 =	sadd.s32 s9, s13;
	s10 =	sadd.s32 s13, s10  }
0xc: {  	s12 =	sadd.s32 s13, s12;
	s16 =	sadd.s32 s13, s16;
	s13 =	sadd.s32 s13, s17  }
0xd: {  	s11 =	sshrl.u32 s11, $0x3;
	s18 =	sshrl.u32 s10, $0x3;
	s12 =	sshrl.u32 s12, $0x3  }
0xe: {  	s16 =	sshrl.u32 s16, $0x3;
	s15 =	smax.u32 s15, $0x1;
	s5 =	sadd.s32 s5, s4  }
0xf: {  	s10 =	sadd.s32 s14, s11;
	s11 =	sadd.s32 s14, s18;
	s12 =	sadd.s32 s14, s12  }
0x10: {  	s18 =	simm.s32 $0x80;
	s4 =	sadd.s32 $0xC600, s5;
	s5 =	sadd.s32 s9, s2  }
0x11: {  	s9 =	sadd.s32 s17, s2;
	s17 =	sshrl.u32 s13, $0x3;
	s13 =	sadd.s32 s14, s16  }
0x12: {  	v0 =	vimm.f32 $1.000000000e+00;
	v1 =	vimm.f32 $0.0e+00;
	s16 =	simm.s32 $0x3;
	s14 =	sadd.s32 s14, s17;
	s17 =	simm.s32 $0x3800  }
.LBB2_1:
0x13: {  	[tilespmem:s3], [sflag:$0x3] =	stream.linear.gather [hbm4b:s4+s3], $0x2800, $0x38;
	[tilespmem:$0x6800] =	vst v63  }
0x14: {  	_ =	swait.ge [sflag:s16], $0x2800  }
0x15: {  	[sflag:s16] =	ssyncset.done $0x0  }
0x16: {  	s24 =	simm.s32 $0x0;
	[sflag:s16] =	ssyncadd.s32 $0xFFFFD800  }
.LBB2_2:
0x17: {  	p0 =	sne.s32 s24, $0x1FC0  }
.Ltmp0:
0x18: {  	_ = 	snop;
	(pc) =	sbr.rel @p0 .LBB2_2-.Ltmp0, $4  }
0x19: {  	_ = 	snop  }
0x1a: {  	s25 =	sshra.s32 s24, $0x2  }
0x1b: {  	[tilespmem:s25+$0x2800] =	vst v0  }
0x1c: {  	s24 =	sadd.s32 $0x40, s24;
	[tilespmem:s25+$0x3000] =	vst v0  }
0x1d: {  	s24 =	simm.s32 $0x40;
	s25 =	simm.s32 $0x0  }
.LBB2_4:
0x1e: {  	p0 =	sne.s32 s24, $0x1FC0;
	[tilespmem:s25+$0x3800] =	vst v1;
	s25 =	smov.u32 s24;
	s24 =	sadd.s32 $0x40, s24  }
.Ltmp1:
0x1f: {  	(pc) =	sbr.rel @p0 .LBB2_4-.Ltmp1, $2  }
0x20: {  	_ =	sdelay $0x2  }
0x21: {  	s25 =	sshra.s32 s25, $0x2  }
0x22: {  	[tilespmem:s25+$0x3800] =	vst v1  }
0x23: {  	[spmem:s5] =	stream.linear.scatter [tilespmem:s17], [sflag:$0x3], $0x800, $0x38;
	[tilespmem:$0x6800] =	vst v63  }
0x24: {  	_ =	swait.ge [sflag:s16], $0x800  }
0x25: {  	[sflag:s16] =	ssyncset.done $0x0  }
0x26: {  	[sflag:s16] =	ssyncadd.s32 $0xFFFFF800  }
0x27: {  	[spmem:s6] =	stream.linear.scatter [tilespmem:s17], [sflag:$0x3], $0x800, $0x38;
	[tilespmem:$0x6800] =	vst v63  }
0x28: {  	_ =	swait.ge [sflag:s16], $0x800  }
0x29: {  	[sflag:s16] =	ssyncset.done $0x0  }
0x2a: {  	[sflag:s16] =	ssyncadd.s32 $0xFFFFF800  }
0x2b: {  	[spmem:s7] =	stream.linear.scatter [tilespmem:s17], [sflag:$0x3], $0x800, $0x38;
	[tilespmem:$0x6800] =	vst v63  }
0x2c: {  	_ =	swait.ge [sflag:s16], $0x800  }
0x2d: {  	[sflag:s16] =	ssyncset.done $0x0  }
0x2e: {  	[sflag:s16] =	ssyncadd.s32 $0xFFFFF800  }
0x2f: {  	[spmem:s8] =	stream.linear.scatter [tilespmem:s17], [sflag:$0x3], $0x800, $0x38;
	[tilespmem:$0x6800] =	vst v63  }
0x30: {  	_ =	swait.ge [sflag:s16], $0x800  }
0x31: {  	[sflag:s16] =	ssyncset.done $0x0  }
0x32: {  	[sflag:s16] =	ssyncadd.s32 $0xFFFFF800  }
0x33: {  	[spmem:s9] =	stream.linear.scatter [tilespmem:s17], [sflag:$0x3], $0x800, $0x38;
	[tilespmem:$0x6800] =	vst v63  }
0x34: {  	_ =	swait.ge [sflag:s16], $0x800  }
0x35: {  	[sflag:s16] =	ssyncset.done $0x0  }
0x36: {  	[sflag:s16] =	ssyncadd.s32 $0xFFFFF800  }
0x37: {  	s24 =	simm.s32 $0x0;
	[bflag:$0x0] =	sbarrier.arrive $0xFFFF  }
0x38: {  	[spmem:s2] =	stream.indirect.scatter.add.f32 [tilespmem:s19], [sflag:$0x1], $0x10, s24, s18, $0xb8;
	[tilespmem:$0x6800] =	vst v63  }
0x39: {  	s31 =	simm.s32 $0x80  }
0x3a: {  	[spmem:s2] =	stream.indirect.scatter.add.f32 [tilespmem:s20], [sflag:$0x2], $0x10, s31, s18, $0xb8;
	[tilespmem:$0x6800] =	vst v63  }
0x3b: {  	_ =	swait.ge [sflag:s21], $0x800  }
0x3c: {  	[sflag:s21] =	ssyncset.done $0x0  }
0x3d: {  	[sflag:s21] =	ssyncadd.s32 $0xFFFFF800  }
0x3e: {  	_ =	swait.ge [sflag:s22], $0x800  }
0x3f: {  	s25 =	simm.s32 $0x800;
	s24 =	simm.s32 $0x400;
	[sflag:s22] =	ssyncset.done $0x0  }
.LBB2_6:
0x40: {  	s26 =	sshra.s32 s24, $0x2  }
0x41: {  	[sflag:s22] =	ssyncadd.s32 $0xFFFFF800;
	s24 =	smov.u32 s25;
	s28 =	sadd.s32 $0x400, s25  }
0x42: {  	[spmem:s2] =	stream.indirect.scatter.add.f32 [tilespmem:s19], [sflag:$0x1], $0x10, s26, s18, $0xb8;
	[tilespmem:$0x6800] =	vst v63  }
0x43: {  	p0 =	sne.s32 s25, $0x9C00;
	s25 =	sadd.s32 $0x80, s26  }
0x44: {  	[spmem:s2] =	stream.indirect.scatter.add.f32 [tilespmem:s20], [sflag:$0x2], $0x10, s25, s18, $0xb8;
	[tilespmem:$0x6800] =	vst v63  }
.Ltmp2:
0x45: {  	_ =	swait.ge [sflag:s21], $0x800;
	(pc) =	sbr.rel @p0 .LBB2_6-.Ltmp2, $4  }
0x46: {  	[sflag:s21] =	ssyncset.done $0x0  }
0x47: {  	[sflag:s21] =	ssyncadd.s32 $0xFFFFF800  }
0x48: {  	_ =	swait.ge [sflag:s22], $0x800  }
0x49: {  	s25 =	smov.u32 s28;
	[sflag:s22] =	ssyncset.done $0x0  }
0x4a: {  	s24 =	sshra.s32 s24, $0x2;
	[sflag:s22] =	ssyncadd.s32 $0xFFFFF800  }
0x4b: {  	[spmem:s2] =	stream.indirect.scatter.add.f32 [tilespmem:s19], [sflag:$0x1], $0x10, s24, s18, $0xb8;
	[tilespmem:$0x6800] =	vst v63  }
0x4c: {  	s24 =	sadd.s32 $0x80, s24  }
0x4d: {  	[spmem:s2] =	stream.indirect.scatter.add.f32 [tilespmem:s20], [sflag:$0x2], $0x10, s24, s18, $0xb8;
	[tilespmem:$0x6800] =	vst v63  }
0x4e: {  	_ =	swait.ge [sflag:s21], $0x800  }
0x4f: {  	[sflag:s21] =	ssyncset.done $0x0  }
0x50: {  	[sflag:s21] =	ssyncadd.s32 $0xFFFFF800  }
0x51: {  	_ =	swait.ge [sflag:s22], $0x800  }
0x52: {  	[sflag:s22] =	ssyncset.done $0x0  }
0x53: {  	[sflag:s22] =	ssyncadd.s32 $0xFFFFF800  }
0x54: {  	[bflag:$0x0] =	sbarrier.arrive $0xFFFF  }
0x55: {  	[tilespmem:s17], [sflag:$0x3] =	stream.linear.gather [spmem:s5], $0x800, $0x38;
	[tilespmem:$0x6800] =	vst v63  }
0x56: {  	_ =	swait.ge [sflag:s16], $0x800  }
0x57: {  	[sflag:s16] =	ssyncset.done $0x0  }
0x58: {  	[sflag:s16] =	ssyncadd.s32 $0xFFFFF800  }
0x59: {  	[hbm4b:s10+s3] =	stream.linear.scatter [tilespmem:s17], [sflag:$0x3], $0x800, $0x38;
	[tilespmem:$0x6800] =	vst v63  }
0x5a: {  	_ =	swait.ge [sflag:s16], $0x800  }
0x5b: {  	[sflag:s16] =	ssyncset.done $0x0  }
0x5c: {  	[sflag:s16] =	ssyncadd.s32 $0xFFFFF800  }
0x5d: {  	[tilespmem:s17], [sflag:$0x3] =	stream.linear.gather [spmem:s6], $0x800, $0x38;
	[tilespmem:$0x6800] =	vst v63  }
0x5e: {  	_ =	swait.ge [sflag:s16], $0x800  }
0x5f: {  	[sflag:s16] =	ssyncset.done $0x0  }
0x60: {  	[sflag:s16] =	ssyncadd.s32 $0xFFFFF800  }
0x61: {  	[hbm4b:s11+s3] =	stream.linear.scatter [tilespmem:s17], [sflag:$0x3], $0x800, $0x38;
	[tilespmem:$0x6800] =	vst v63  }
0x62: {  	_ =	swait.ge [sflag:s16], $0x800  }
0x63: {  	[sflag:s16] =	ssyncset.done $0x0  }
0x64: {  	[sflag:s16] =	ssyncadd.s32 $0xFFFFF800  }
0x65: {  	[tilespmem:s17], [sflag:$0x3] =	stream.linear.gather [spmem:s7], $0x800, $0x38;
	[tilespmem:$0x6800] =	vst v63  }
0x66: {  	_ =	swait.ge [sflag:s16], $0x800  }
0x67: {  	[sflag:s16] =	ssyncset.done $0x0  }
0x68: {  	[sflag:s16] =	ssyncadd.s32 $0xFFFFF800  }
0x69: {  	[hbm4b:s12+s3] =	stream.linear.scatter [tilespmem:s17], [sflag:$0x3], $0x800, $0x38;
	[tilespmem:$0x6800] =	vst v63  }
0x6a: {  	_ =	swait.ge [sflag:s16], $0x800  }
0x6b: {  	[sflag:s16] =	ssyncset.done $0x0  }
0x6c: {  	[sflag:s16] =	ssyncadd.s32 $0xFFFFF800  }
0x6d: {  	[tilespmem:s17], [sflag:$0x3] =	stream.linear.gather [spmem:s8], $0x800, $0x38;
	[tilespmem:$0x6800] =	vst v63  }
0x6e: {  	_ =	swait.ge [sflag:s16], $0x800  }
0x6f: {  	[sflag:s16] =	ssyncset.done $0x0  }
0x70: {  	[sflag:s16] =	ssyncadd.s32 $0xFFFFF800  }
0x71: {  	[hbm4b:s13+s3] =	stream.linear.scatter [tilespmem:s17], [sflag:$0x3], $0x800, $0x38;
	[tilespmem:$0x6800] =	vst v63  }
0x72: {  	_ =	swait.ge [sflag:s16], $0x800  }
0x73: {  	[sflag:s16] =	ssyncset.done $0x0  }
0x74: {  	[sflag:s16] =	ssyncadd.s32 $0xFFFFF800  }
0x75: {  	[tilespmem:s17], [sflag:$0x3] =	stream.linear.gather [spmem:s9], $0x800, $0x38;
	[tilespmem:$0x6800] =	vst v63  }
0x76: {  	s23 =	sadd.s32 $0x1, s23;
	_ =	swait.ge [sflag:s16], $0x800  }
0x77: {  	p0 =	sne.s32 s23, s15;
	[sflag:s16] =	ssyncset.done $0x0  }
.Ltmp3:
0x78: {  	[sflag:s16] =	ssyncadd.s32 $0xFFFFF800;
	(pc) =	sbr.rel @p0 .LBB2_1-.Ltmp3, $4  }
0x79: {  	[hbm4b:s14+s3] =	stream.linear.scatter [tilespmem:s17], [sflag:$0x3], $0x800, $0x38;
	[tilespmem:$0x6800] =	vst v63  }
0x7a: {  	_ =	swait.ge [sflag:s16], $0x800  }
0x7b: {  	[sflag:s16] =	ssyncset.done $0x0  }
0x7c: {  	[sflag:s16] =	ssyncadd.s32 $0xFFFFF800  }
0x7d: {  	_ =	sfence.sel $0x180000  }
0x7e: {  	[bflag:$0x0] =	sbarrier.arrive $0xFFFF  }
0x7f: {  	p0 =	sne.s32 s1, $0x0;
	_ =	strace $0x90000047  }
0x80: {  	s0 =	sadd.s32 @!p0 $0x100000, s0;
	[bflag:$0x2] =	sbarrier.arrive $0xFFFF  }
0x81: {  	[sflag:s0] =	ssyncadd.tile.s32 @!p0 $0x1;
	_ =	shalt  }
.Lfunc_end2:
_tile_overlayer_lowered:
.L_overlay_start_2:
0x82: {  	(tag) =	ssettag $0x2  }
0x83: {  	s0 =	rddreg [dreg:$0x0];
	s2 =	stileid.u32  }
0x84: {  	s1 =	rddreg [dreg:$0x1];
	p0 =	sne.s32 s2, $0x0  }
0x85: {  	s3 =	rddreg [dreg:$0x2];
	[bflag:$0x3] =	sbarrier.arrive $0xFFFF;
	s2 =	simm.s32 @!p0 $0x1C03  }
0x86: {  	[timem:s3], [sflag:s2] =	dma.local @!p0 [hbm:s0], s1  }
0x87: {  	s0 =	simm.s32 @!p0 $0x3  }
0x88: {  	_ =	swait.ge @!p0 [sflag:s0], s1  }
0x89: {  	s1 =	ssub.s32 @!p0 $0x0, s1;
	[sflag:s0] =	ssyncset.done @!p0 $0x0  }
0x8a: {  	[sflag:s0] =	ssyncadd.s32 @!p0 s1  }
0x8b: {  	[bflag:$0x3] =	sbarrier.arrive $0xFFFF  }
0x8c: {  	_ =	shalt  }

// kernel: _run.14.cloned.1.call-start
scs
__scs_entry_jumppad:
0x0: {  	(pc) =	sbr.rel $0x88, $3  }
0x1: {  	(tag) =	ssettag $0x0;
	lr =	simm.s32 $0x1  }
0x2: {  	[smem:$0x3F95] =	sst lr;
	_ =	strace $0xD0000000  }
0x3: {  	_ = 	snop  }
0x4: {  	_ = 	snop  }
0x5: {  	_ = 	snop  }
0x6: {  	_ = 	snop  }
0x7: {  	_ = 	snop  }
__scs_overlays_trampoline_lowered:
0x8: {  	[smem:$0x3FA4] =	sst s0  }
0x9: {  	[smem:$0x3FA5] =	sst s1  }
0xa: {  	[smem:$0x3FA6] =	sst s2  }
0xb: {  	[smem:$0x3FA7] =	sst s3  }
0xc: {  	[smem:$0x3FA8] =	sst s4  }
0xd: {  	[smem:$0x3FA9] =	sst s5  }
0xe: {  	[smem:$0x3FAA] =	sst s6  }
0xf: {  	[smem:$0x3FAB] =	sst s7  }
0x10: {  	[smem:$0x3FAC] =	sst s8  }
0x11: {  	[smem:$0x3FAD] =	sst s9;
	s0 =	simm.s32 @!p0 $0x0  }
0x12: {  	s1 =	sld [smem:$0x3F93];
	s0 =	simm.s32 @p0 $0x1  }
0x13: {  	[smem:$0x3FAE] =	sst s0;
	s0 =	simm.s32 @!p1 $0x0  }
0x14: {  	s2 =	sld [smem:$0x3F92];
	s0 =	simm.s32 @p1 $0x1  }
0x15: {  	[smem:$0x3FAF] =	sst s0;
	s0 =	simm.s32 @!p2 $0x0  }
0x16: {  	s3 =	sld [smem:$0x3FDB];
	s0 =	simm.s32 @p2 $0x1  }
0x17: {  	s4 =	simm.s32 $0x1BF5;
	[smem:$0x3FB1] =	sst s0  }
0x18: {  	s0 =	sld [smem:$0x3F94];
	_ =	swait.ge [sflag:s4], $0x0  }
0x19: {  	s7 =	sld [smem:$0x3F95]  }
0x1a: {  	s8 =	sadd.s32 $0xFFFFE003, lr  }
0x1b: {  	s9 =	sadd.s32 $0xFFFFFEF7, lr;
	s5 =	simm.s32 $0xFFFFFFFF;
	p2 =	slt.u32 s8, $0xFFFFF086  }
0x1c: {  	p1 =	slt.u32 s9, $0xF7A;
	s5 =	simm.s32 @!p2 $0x0  }
0x1d: {  	s5 =	simm.s32 @p1 $0x1;
	p0 =	seq.s32 s7, s2  }
0x1e: {  	s7 =	smul.u32 @!p0 $0xF7A, s2;
	p2 =	seq.s32 @!p0 s5, $0x0  }
0x1f: {  	s9 =	smul.u32 $0xF7A, s1;
	s8 =	simm.s32 @!p0 $0x1BF5;
	p2 =	por !p2, p0  }
0x20: {  	[sflag:s8] =	ssyncset.s32 @!p0 $0xFFFFF086;
	s6 =	sadd.s32 @!p0 s3, s7;
	s7 =	simm.s32 @!p0 $0x108  }
0x21: {  	s3 =	sadd.s32 s3, s9;
	s6 =	sadd.s32 @!p0 $0x88, s6;
	s7 =	simm.s32 @p2 $0x1082  }
0x22: {  	[simem:s7], [sflag:s8] =	dma.local @!p0 [hbm:s6], $0xF7A  }
0x23: {  	s9 =	sor.u32 $0xD0000000, s2;
	s6 =	simm.s32 $0x108;
	_ =	swait.ge @!p0 [sflag:s8], $0x0  }
0x24: {  	s3 =	sadd.s32 $0x88, s3;
	s6 =	simm.s32 @!p1 $0x1082;
	[sflag:s4] =	ssyncset.s32 $0xFFFFF086  }
0x25: {  	[simem:s6], [sflag:s4] =	dma.local [hbm:s3], $0xF7A  }
0x26: {  	[smem:$0x3F95] =	sst s1;
	(tag) =	ssettag s2;
	_ =	strace s9  }
0x27: {  	s1 =	sld [smem:$0x3FA5]  }
0x28: {  	s2 =	sld [smem:$0x3FA6]  }
0x29: {  	s4 =	sld [smem:$0x3FA8]  }
0x2a: {  	p0 =	seq.s32 s5, $0x0;
	s5 =	sld [smem:$0x3FA9]  }
0x2b: {  	s6 =	sld [smem:$0x3FAA]  }
0x2c: {  	s7 =	sld [smem:$0x3FAB]  }
0x2d: {  	s3 =	simm.s32 $0x108;
	s8 =	sld [smem:$0x3FAC]  }
0x2e: {  	s3 =	simm.s32 @!p0 $0x1082;
	s9 =	sld [smem:$0x3FAD]  }
0x2f: {  	lr =	sadd.s32 s0, s3;
	s0 =	sld [smem:$0x3FA4]  }
0x30: {  	s3 =	sld [smem:$0x3FA7]  }
0x31: {  	[smem:$0x3FB0] =	sst s10  }
0x32: {  	s10 =	sld [smem:$0x3FAE];
	_ =	sdelay $0x3  }
0x33: {  	p0 =	seq.s32 s10, $0x1;
	s10 =	sld [smem:$0x3FB0];
	_ =	sdelay $0x3  }
0x34: {  	[smem:$0x3FB0] =	sst s10  }
0x35: {  	s10 =	sld [smem:$0x3FAF];
	_ =	sdelay $0x3  }
0x36: {  	p1 =	seq.s32 s10, $0x1;
	s10 =	sld [smem:$0x3FB0];
	_ =	sdelay $0x3  }
0x37: {  	[smem:$0x3FB0] =	sst s10  }
0x38: {  	s10 =	sld [smem:$0x3FB1]  }
0x39: {  	_ = 	snop;
	(pc) =	sbr.ind lr, $3  }
0x3a: {  	_ = 	snop  }
0x3b: {  	_ = 	snop  }
0x3c: {  	p2 =	seq.s32 s10, $0x1;
	s10 =	sld [smem:$0x3FB0]  }
0x3d: {  	_ =	shalt  }
0x3e: {  	_ =	shalt  }
0x3f: {  	_ =	shalt  }
0x40: {  	_ =	shalt  }
0x41: {  	_ =	shalt  }
0x42: {  	_ =	shalt  }
0x43: {  	_ =	shalt  }
0x44: {  	_ =	shalt  }
0x45: {  	_ =	shalt  }
0x46: {  	_ =	shalt  }
0x47: {  	_ =	shalt  }
0x48: {  	_ =	shalt  }
0x49: {  	_ =	shalt  }
0x4a: {  	_ =	shalt  }
0x4b: {  	_ =	shalt  }
0x4c: {  	_ =	shalt  }
0x4d: {  	_ =	shalt  }
0x4e: {  	_ =	shalt  }
0x4f: {  	_ =	shalt  }
0x50: {  	_ =	shalt  }
0x51: {  	_ =	shalt  }
0x52: {  	_ =	shalt  }
0x53: {  	_ =	shalt  }
0x54: {  	_ =	shalt  }
0x55: {  	_ =	shalt  }
0x56: {  	_ =	shalt  }
0x57: {  	_ =	shalt  }
0x58: {  	_ =	shalt  }
0x59: {  	_ =	shalt  }
0x5a: {  	_ =	shalt  }
0x5b: {  	_ =	shalt  }
0x5c: {  	_ =	shalt  }
0x5d: {  	_ =	shalt  }
0x5e: {  	_ =	shalt  }
0x5f: {  	_ =	shalt  }
0x60: {  	_ =	shalt  }
0x61: {  	_ =	shalt  }
0x62: {  	_ =	shalt  }
0x63: {  	_ =	shalt  }
0x64: {  	_ =	shalt  }
0x65: {  	_ =	shalt  }
0x66: {  	_ =	shalt  }
0x67: {  	_ =	shalt  }
0x68: {  	_ =	shalt  }
0x69: {  	_ =	shalt  }
0x6a: {  	_ =	shalt  }
0x6b: {  	_ =	shalt  }
0x6c: {  	_ =	shalt  }
0x6d: {  	_ =	shalt  }
0x6e: {  	_ =	shalt  }
0x6f: {  	_ =	shalt  }
0x70: {  	_ =	shalt  }
0x71: {  	_ =	shalt  }
0x72: {  	_ =	shalt  }
0x73: {  	_ =	shalt  }
0x74: {  	_ =	shalt  }
0x75: {  	_ =	shalt  }
0x76: {  	_ =	shalt  }
0x77: {  	_ =	shalt  }
0x78: {  	_ =	shalt  }
0x79: {  	_ =	shalt  }
0x7a: {  	_ =	shalt  }
0x7b: {  	_ =	shalt  }
0x7c: {  	_ =	shalt  }
0x7d: {  	_ =	shalt  }
0x7e: {  	_ =	shalt  }
0x7f: {  	_ =	shalt  }
0x80: {  	_ =	shalt  }
0x81: {  	_ =	shalt  }
0x82: {  	_ =	shalt  }
0x83: {  	_ =	shalt  }
0x84: {  	_ =	shalt  }
0x85: {  	_ =	shalt  }
0x86: {  	_ =	shalt  }
0x87: {  	_ =	shalt  }
.Lfunc_end0:
.L_simem_size_0:
called_computation.1_lowered:
.L_overlay_start_0:
0x88: {  	s2 =	sld [smem:$0x3FD9]  }
0x89: {  	s3 =	sld [smem:$0x3FFE];
	_ =	sdelay $0x1  }
0x8a: {  	s1 =	srdreg.scid  }
0x8b: {  	s0 =	sand.u32 $0x1, s1  }
0x8c: {  	s16 =	sshll.u32 s0, $0xA;
	s2 =	sadd.s32 s3, s2  }
0x8d: {  	s2 =	sadd.s32 s2, s16  }
0x8e: {  	[smem:$0x3FBC] =	sst s2  }
0x8f: {  	_ = 	snop  }
0x90: {  	(tm) =	ssettm $0x1  }
0x91: {  	s17 =	sld [smem:$0x3FFB];
	_ =	sdelay $0x3  }
0x92: {  	_ =	strace s17  }
0x93: {  	s2 =	sld [smem:$0x3FFC];
	_ =	sdelay $0x3  }
0x94: {  	_ =	strace s2  }
0x95: {  	s2 =	sld [smem:$0x3FFD];
	_ =	sdelay $0x3  }
0x96: {  	_ =	strace s2  }
0x97: {  	_ =	strace $0x8FFFFFFF  }
0x98: {  	s18 =	sld [smem:$0x3FDB];
	_ =	sdelay $0x1  }
0x99: {  	s19 =	simm.s32 $_scs_section_size  }
0x9a: {  	s4 =	simm.s32 $_size__tile_overlayer_lowered;
	s5 =	simm.s32 $_tile_overlayer_lowered  }
0x9b: {  	s22 =	simm.s32 $0x1BFF;
	s21 =	sshll.u32 s5, $0x1;
	s2 =	sadd.s32 s19, s18  }
0x9c: {  	s6 =	simm.s32 $0x0;
	s20 =	sshll.u32 s4, $0x1;
	s4 =	sadd.s32 s21, s2  }
0x9d: {  	[timem:s6], [sflag:s22] =	dma.local [hbm:s4], s20  }
0x9e: {  	_ =	swait.ge [sflag:s22], s20  }
0x9f: {  	s3 =	ssub.s32 $0x0, s20;
	[sflag:s22] =	ssyncset.done $0x0  }
0xa0: {  	[sflag:s22] =	ssyncadd.s32 s3;
	_ =	sdelay $0x1  }
0xa1: {  	s23 =	simm.s32 $0x1B8B  }
0xa2: {  	_ =	swait.ge [sflag:s23], $0x1  }
0xa3: {  	[sflag:s23] =	ssyncset.done $0x0  }
0xa4: {  	s25 =	simm.s32 $0x1B8E;
	s24 =	sld [smem:$0x3FFE];
	[sflag:s23] =	ssyncadd.s32 $0xFFFFFFFF  }
0xa5: {  	s26 =	simm.s32 $execute0_lowered;
	[smem:$0x3FD2] =	sst s25  }
0xa6: {  	s4 =	sshll.u32 s26, $0x1;
	_ =	strace $0x80000049;
	[dreg:$0x1] =	wrdreg $0xFFFFFFFF  }
0xa7: {  	s28 =	simm.s32 $_size_execute0_lowered;
	s2 =	sadd.s32 s2, s4;
	[dreg:$0x0] =	wrdreg $0x0  }
0xa8: {  	s4 =	sshll.u32 s28, $0x1;
	[dreg:$0x2] =	wrdreg s2  }
0xa9: {  	[dreg:$0x3] =	wrdreg s4  }
0xaa: {  	[dreg:$0x4] =	wrdreg $0xC0  }
0xab: {  	_ =	task [dreg:s6], $0x5FFFF  }
0xac: {  	[dreg:$0x1] =	wrdreg $0xFFFFFFFF  }
0xad: {  	[dreg:$0x0] =	wrdreg $0x60  }
0xae: {  	[dreg:$0x2] =	wrdreg s24  }
0xaf: {  	[dreg:$0x3] =	wrdreg $0xB0000  }
0xb0: {  	[dreg:$0x4] =	wrdreg $0x9  }
0xb1: {  	_ =	task.clear_ibuf [dreg:s6], $0x5FFFF;
	_ =	strace $0x90000049  }
0xb2: {  	s29 =	simm.s32 $0x9;
	_ =	strace $0x8000004B  }
0xb3: {  	_ =	swait.ge [sflag:s29], $0x1  }
0xb4: {  	[sflag:s29] =	ssyncadd.s32 $0xFFFFFFFF  }
0xb5: {  	_ =	strace $0x9000004B  }
0xb6: {  	_ =	sfence  }
0xb7: {  	s30 =	sld [smem:$0x0];
	_ =	sdelay $0x2  }
0xb8: {  	s31 =	sshll.u32 s1, $0xD;
	s1 =	sshrl.u32 s1, $0x2  }
0xb9: {  	s3 =	sand.u32 $0x4000, s31;
	s1 =	sadd.s32 s1, s30  }
0xba: {  	s0 =	sor.u32 s3, s0;
	s1 =	sshll.u32 s1, $0x11  }
0xbb: {  	s0 =	sor.u32 s1, s0  }
0xbc: {  	s0 =	sadd.s32 $0x8F2B, s0  }
0xbd: {  	[sflag:s0] =	ssyncadd.remote.s32 $0x1  }
0xbe: {  	_ =	sfence.sel $0xFFFF  }
0xbf: {  	[dreg:$0x0] =	wrdreg $0xFFFFFFFF;
	(pc) =	sbr.abs _section_cstart, $3  }
0xc0: {  	[dreg:$0x1] =	wrdreg $0xFFFFFFFF  }
0xc1: {  	_ =	task.clear_ibuf [dreg:s6], $0x2FFFF;
	_ =	strace $0x9FFFFFFF  }
0xc2: {  	(tm) =	ssettm $0x7FFFFFFF  }
0xc3: {  	_ =	shalt  }
tec
execute0_lowered:
.L_overlay_start_1:
0x0: {  	(tag) =	ssettag $0x1  }
0x1: {  	s5 =	rddreg [dreg:$0x0]  }
0x2: {  	s1 =	rddreg [dreg:$0x1];
	s2 =	srdreg.scid  }
0x3: {  	s3 =	simm.s32 $0x0;
	s21 =	simm.s32 $0x80;
	s22 =	simm.s32 $0x5000  }
0x4: {  	s23 =	simm.s32 $0x7000;
	s24 =	simm.s32 $0x1;
	s25 =	simm.s32 $0x2  }
0x5: {  	s26 =	simm.s32 $0x4F00;
	s28 =	simm.s32 $0x4F80;
	s29 =	simm.s32 $0x0  }
0x6: {  	s8 =	sand.u32 $0x1, s2;
	s2 =	stileid.u32;
	[smem:$0x7FF] =	sst s3  }
0x7: {  	s16 =	sadd.s32 $0x2A600, s5;
	s4 =	sshll.u32 s8, $0x4;
	s11 =	smul.u32 $0xA000, s2  }
0x8: {  	s7 =	ssub.s32 $0x2, s8;
	s15 =	smul.u32 $0xA0000, s8;
	s4 =	sor.u32 s2, s4  }
0x9: {  	_ =	strace $0x8000004A;
	s9 =	sshrl.u32 s7, $0x1;
	s6 =	smul.u32 $0x500, s4  }
0xa: {  	s4 =	sadd.s32 $0x16600, s5;
	s17 =	ssub.s32 s7, s9;
	s7 =	sadd.s32 s11, s1  }
0xb: {  	s12 =	sadd.s32 $0x2000, s11;
	s14 =	sadd.s32 $0x4000, s11;
	s18 =	sadd.s32 $0x6000, s11  }
0xc: {  	s13 =	sadd.s32 s11, s15;
	s19 =	sadd.s32 $0x8000, s11;
	s8 =	sadd.s32 s12, s1  }
0xd: {  	s9 =	sadd.s32 s14, s1;
	s10 =	sadd.s32 s18, s1;
	s12 =	sadd.s32 s15, s12  }
0xe: {  	s13 =	sshrl.u32 s13, $0x3;
	s11 =	sadd.s32 s19, s1;
	s14 =	sadd.s32 s15, s14  }
0xf: {  	s18 =	sadd.s32 s15, s18;
	s15 =	sadd.s32 s15, s19;
	s17 =	smax.u32 s17, $0x1  }
0x10: {  	s6 =	sadd.s32 s6, s5;
	s20 =	sshrl.u32 s12, $0x3;
	s12 =	sadd.s32 s16, s13  }
0x11: {  	s14 =	sshrl.u32 s14, $0x3;
	s18 =	sshrl.u32 s18, $0x3;
	s19 =	sshrl.u32 s15, $0x3  }
0x12: {  	s5 =	sadd.s32 $0x2600, s6;
	s6 =	sadd.s32 $0xC600, s6;
	s13 =	sadd.s32 s16, s20  }
0x13: {  	s14 =	sadd.s32 s16, s14;
	s15 =	sadd.s32 s16, s18;
	s16 =	sadd.s32 s16, s19  }
0x14: {  	v0 =	vimm.f32 $0.0e+00;
	s18 =	simm.s32 $0x3;
	s19 =	simm.s32 $0x2800;
	s20 =	simm.s32 $0x9000  }
.LBB2_1:
0x15: {  	[tilespmem:s3], [sflag:$0x3] =	stream.linear.gather [hbm4b:s5+s3], $0x2800, $0x38;
	[tilespmem:$0x15000] =	vst v63  }
0x16: {  	_ =	swait.ge [sflag:s18], $0x2800  }
0x17: {  	[sflag:s18] =	ssyncset.done $0x0  }
0x18: {  	[sflag:s18] =	ssyncadd.s32 $0xFFFFD800  }
0x19: {  	[tilespmem:s19], [sflag:$0x3] =	stream.linear.gather [hbm4b:s6+s3], $0x2800, $0x38;
	[tilespmem:$0x15000] =	vst v63  }
0x1a: {  	_ =	swait.ge [sflag:s18], $0x2800  }
0x1b: {  	[sflag:s18] =	ssyncset.done $0x0  }
0x1c: {  	s31 =	simm.s32 $0x100;
	s30 =	simm.s32 $0x0;
	[sflag:s18] =	ssyncadd.s32 $0xFFFFD800  }
.LBB2_2:
0x1d: {  	p0 =	sne.s32 s31, $0x7F00;
	[tilespmem:s30+$0x9030] =	vst v0;
	s0 =	smov.u32 s31;
	s31 =	sadd.s32 $0x100, s31  }
.Ltmp0:
0x1e: {  	[tilespmem:s30+$0x9020] =	vst v0;
	(pc) =	sbr.rel @p0 .LBB2_2-.Ltmp0, $3  }
0x1f: {  	[tilespmem:s30+$0x9000] =	vst v0  }
0x20: {  	[tilespmem:s30+$0x9010] =	vst v0;
	_ =	sdelay $0x1  }
0x21: {  	s30 =	sshra.s32 s0, $0x2  }
0x22: {  	[tilespmem:s30+$0x9030] =	vst v0  }
0x23: {  	[tilespmem:s30+$0x9020] =	vst v0  }
0x24: {  	[tilespmem:s30+$0x9000] =	vst v0  }
0x25: {  	[tilespmem:s30+$0x9010] =	vst v0  }
0x26: {  	[spmem:s7] =	stream.linear.scatter [tilespmem:s20], [sflag:$0x3], $0x2000, $0x38;
	[tilespmem:$0x15000] =	vst v63  }
0x27: {  	_ =	swait.ge [sflag:s18], $0x2000  }
0x28: {  	[sflag:s18] =	ssyncset.done $0x0  }
0x29: {  	[sflag:s18] =	ssyncadd.s32 $0xFFFFE000  }
0x2a: {  	[spmem:s8] =	stream.linear.scatter [tilespmem:s20], [sflag:$0x3], $0x2000, $0x38;
	[tilespmem:$0x15000] =	vst v63  }
0x2b: {  	_ =	swait.ge [sflag:s18], $0x2000  }
0x2c: {  	[sflag:s18] =	ssyncset.done $0x0  }
0x2d: {  	[sflag:s18] =	ssyncadd.s32 $0xFFFFE000  }
0x2e: {  	[spmem:s9] =	stream.linear.scatter [tilespmem:s20], [sflag:$0x3], $0x2000, $0x38;
	[tilespmem:$0x15000] =	vst v63  }
0x2f: {  	_ =	swait.ge [sflag:s18], $0x2000  }
0x30: {  	[sflag:s18] =	ssyncset.done $0x0  }
0x31: {  	[sflag:s18] =	ssyncadd.s32 $0xFFFFE000  }
0x32: {  	[spmem:s10] =	stream.linear.scatter [tilespmem:s20], [sflag:$0x3], $0x2000, $0x38;
	[tilespmem:$0x15000] =	vst v63  }
0x33: {  	_ =	swait.ge [sflag:s18], $0x2000  }
0x34: {  	[sflag:s18] =	ssyncset.done $0x0  }
0x35: {  	[sflag:s18] =	ssyncadd.s32 $0xFFFFE000  }
0x36: {  	[spmem:s11] =	stream.linear.scatter [tilespmem:s20], [sflag:$0x3], $0x2000, $0x38;
	[tilespmem:$0x15000] =	vst v63  }
0x37: {  	_ =	swait.ge [sflag:s18], $0x2000  }
0x38: {  	[sflag:s18] =	ssyncset.done $0x0  }
0x39: {  	[sflag:s18] =	ssyncadd.s32 $0xFFFFE000  }
0x3a: {  	s0 =	simm.s32 $0x0;
	[bflag:$0x0] =	sbarrier.arrive $0xFFFF  }
0x3b: {  	[tilespmem:s22], [sflag:$0x1] =	stream.indirect.gather [hbm4b:s4+s21], $0x40, s0, s21, $0xb8;
	[tilespmem:$0x15000] =	vst v63  }
0x3c: {  	_ = 	snop  }
0x3d: {  	[tilespmem:s23], [sflag:$0x2] =	stream.indirect.gather [hbm4b:s4+s21], $0x40, s21, s21, $0xb8;
	[tilespmem:$0x15000] =	vst v63  }
0x3e: {  	_ =	swait.ge [sflag:s24], $0x2000  }
0x3f: {  	[sflag:s24] =	ssyncset.done $0x0  }
0x40: {  	s0 =	simm.s32 $0x2800;
	[sflag:s24] =	ssyncadd.s32 $0xFFFFE000  }
0x41: {  	[spmem:s1] =	stream.indirect.scatter.add.f32 [tilespmem:s22], [sflag:$0x3], $0x40, s0, s21, $0xb8;
	[tilespmem:$0x15000] =	vst v63  }
0x42: {  	_ =	swait.ge [sflag:s18], $0x2000  }
0x43: {  	[sflag:s18] =	ssyncset.done $0x0  }
0x44: {  	s0 =	simm.s32 $0x100;
	[sflag:s18] =	ssyncadd.s32 $0xFFFFE000  }
0x45: {  	[tilespmem:s22], [sflag:$0x1] =	stream.indirect.gather [hbm4b:s4+s21], $0x40, s0, s21, $0xb8;
	[tilespmem:$0x15000] =	vst v63  }
0x46: {  	_ =	swait.ge [sflag:s25], $0x2000  }
0x47: {  	[sflag:s25] =	ssyncset.done $0x0  }
0x48: {  	s0 =	simm.s32 $0x2880;
	[sflag:s25] =	ssyncadd.s32 $0xFFFFE000  }
0x49: {  	[spmem:s1] =	stream.indirect.scatter.add.f32 [tilespmem:s23], [sflag:$0x3], $0x40, s0, s21, $0xb8;
	[tilespmem:$0x15000] =	vst v63  }
0x4a: {  	_ =	swait.ge [sflag:s18], $0x2000  }
0x4b: {  	[sflag:s18] =	ssyncset.done $0x0  }
0x4c: {  	s30 =	simm.s32 $0x400;
	s31 =	simm.s32 $0x180;
	[sflag:s18] =	ssyncadd.s32 $0xFFFFE000  }
.LBB2_4:
0x4d: {  	[tilespmem:s23], [sflag:$0x2] =	stream.indirect.gather [hbm4b:s4+s21], $0x40, s31, s21, $0xb8;
	[tilespmem:$0x15000] =	vst v63  }
0x4e: {  	s0 =	smov.u32 s30  }
0x4f: {  	p0 =	sne.s32 s30, $0x9800;
	s30 =	sadd.s32 $0x400, s30;
	_ =	swait.ge [sflag:s24], $0x2000  }
0x50: {  	s0 =	sshra.s32 s0, $0x2;
	[sflag:s24] =	ssyncset.done $0x0  }
0x51: {  	s31 =	sadd.s32 $0x2800, s0;
	[sflag:s24] =	ssyncadd.s32 $0xFFFFE000  }
0x52: {  	[spmem:s1] =	stream.indirect.scatter.add.f32 [tilespmem:s22], [sflag:$0x3], $0x40, s31, s21, $0xb8;
	[tilespmem:$0x15000] =	vst v63  }
0x53: {  	_ =	swait.ge [sflag:s18], $0x2000  }
0x54: {  	[sflag:s18] =	ssyncset.done $0x0  }
0x55: {  	s31 =	sadd.s32 $0x100, s0;
	[sflag:s18] =	ssyncadd.s32 $0xFFFFE000  }
0x56: {  	[tilespmem:s22], [sflag:$0x1] =	stream.indirect.gather [hbm4b:s4+s21], $0x40, s31, s21, $0xb8;
	[tilespmem:$0x15000] =	vst v63  }
0x57: {  	_ =	swait.ge [sflag:s25], $0x2000  }
0x58: {  	[sflag:s25] =	ssyncset.done $0x0  }
.Ltmp1:
0x59: {  	s31 =	sadd.s32 $0x2880, s0;
	[sflag:s25] =	ssyncadd.s32 $0xFFFFE000;
	(pc) =	sbr.rel @p0 .LBB2_4-.Ltmp1, $4  }
0x5a: {  	[spmem:s1] =	stream.indirect.scatter.add.f32 [tilespmem:s23], [sflag:$0x3], $0x40, s31, s21, $0xb8;
	[tilespmem:$0x15000] =	vst v63  }
0x5b: {  	_ =	swait.ge [sflag:s18], $0x2000  }
0x5c: {  	[sflag:s18] =	ssyncset.done $0x0  }
0x5d: {  	s31 =	sadd.s32 $0x180, s0;
	[sflag:s18] =	ssyncadd.s32 $0xFFFFE000  }
0x5e: {  	[tilespmem:s23], [sflag:$0x2] =	stream.indirect.gather [hbm4b:s4+s21], $0x40, s31, s21, $0xb8;
	[tilespmem:$0x15000] =	vst v63  }
0x5f: {  	_ =	swait.ge [sflag:s24], $0x2000  }
0x60: {  	[sflag:s24] =	ssyncset.done $0x0  }
0x61: {  	[sflag:s24] =	ssyncadd.s32 $0xFFFFE000  }
0x62: {  	[spmem:s1] =	stream.indirect.scatter.add.f32 [tilespmem:s22], [sflag:$0x3], $0x40, s26, s21, $0xb8;
	[tilespmem:$0x15000] =	vst v63  }
0x63: {  	_ =	swait.ge [sflag:s18], $0x2000  }
0x64: {  	[sflag:s18] =	ssyncset.done $0x0  }
0x65: {  	[sflag:s18] =	ssyncadd.s32 $0xFFFFE000  }
0x66: {  	_ =	swait.ge [sflag:s25], $0x2000  }
0x67: {  	[sflag:s25] =	ssyncset.done $0x0  }
0x68: {  	[sflag:s25] =	ssyncadd.s32 $0xFFFFE000  }
0x69: {  	[spmem:s1] =	stream.indirect.scatter.add.f32 [tilespmem:s23], [sflag:$0x3], $0x40, s28, s21, $0xb8;
	[tilespmem:$0x15000] =	vst v63  }
0x6a: {  	_ =	swait.ge [sflag:s18], $0x2000  }
0x6b: {  	[sflag:s18] =	ssyncset.done $0x0  }
0x6c: {  	[sflag:s18] =	ssyncadd.s32 $0xFFFFE000  }
0x6d: {  	[bflag:$0x0] =	sbarrier.arrive $0xFFFF  }
0x6e: {  	[tilespmem:s20], [sflag:$0x3] =	stream.linear.gather [spmem:s7], $0x2000, $0x38;
	[tilespmem:$0x15000] =	vst v63  }
0x6f: {  	_ =	swait.ge [sflag:s18], $0x2000  }
0x70: {  	[sflag:s18] =	ssyncset.done $0x0  }
0x71: {  	[sflag:s18] =	ssyncadd.s32 $0xFFFFE000  }
0x72: {  	[hbm4b:s12+s3] =	stream.linear.scatter [tilespmem:s20], [sflag:$0x3], $0x2000, $0x38;
	[tilespmem:$0x15000] =	vst v63  }
0x73: {  	_ =	swait.ge [sflag:s18], $0x2000  }
0x74: {  	[sflag:s18] =	ssyncset.done $0x0  }
0x75: {  	[sflag:s18] =	ssyncadd.s32 $0xFFFFE000  }
0x76: {  	[tilespmem:s20], [sflag:$0x3] =	stream.linear.gather [spmem:s8], $0x2000, $0x38;
	[tilespmem:$0x15000] =	vst v63  }
0x77: {  	_ =	swait.ge [sflag:s18], $0x2000  }
0x78: {  	[sflag:s18] =	ssyncset.done $0x0  }
0x79: {  	[sflag:s18] =	ssyncadd.s32 $0xFFFFE000  }
0x7a: {  	[hbm4b:s13+s3] =	stream.linear.scatter [tilespmem:s20], [sflag:$0x3], $0x2000, $0x38;
	[tilespmem:$0x15000] =	vst v63  }
0x7b: {  	_ =	swait.ge [sflag:s18], $0x2000  }
0x7c: {  	[sflag:s18] =	ssyncset.done $0x0  }
0x7d: {  	[sflag:s18] =	ssyncadd.s32 $0xFFFFE000  }
0x7e: {  	[tilespmem:s20], [sflag:$0x3] =	stream.linear.gather [spmem:s9], $0x2000, $0x38;
	[tilespmem:$0x15000] =	vst v63  }
0x7f: {  	_ =	swait.ge [sflag:s18], $0x2000  }
0x80: {  	[sflag:s18] =	ssyncset.done $0x0  }
0x81: {  	[sflag:s18] =	ssyncadd.s32 $0xFFFFE000  }
0x82: {  	[hbm4b:s14+s3] =	stream.linear.scatter [tilespmem:s20], [sflag:$0x3], $0x2000, $0x38;
	[tilespmem:$0x15000] =	vst v63  }
0x83: {  	_ =	swait.ge [sflag:s18], $0x2000  }
0x84: {  	[sflag:s18] =	ssyncset.done $0x0  }
0x85: {  	[sflag:s18] =	ssyncadd.s32 $0xFFFFE000  }
0x86: {  	[tilespmem:s20], [sflag:$0x3] =	stream.linear.gather [spmem:s10], $0x2000, $0x38;
	[tilespmem:$0x15000] =	vst v63  }
0x87: {  	_ =	swait.ge [sflag:s18], $0x2000  }
0x88: {  	[sflag:s18] =	ssyncset.done $0x0  }
0x89: {  	[sflag:s18] =	ssyncadd.s32 $0xFFFFE000  }
0x8a: {  	[hbm4b:s15+s3] =	stream.linear.scatter [tilespmem:s20], [sflag:$0x3], $0x2000, $0x38;
	[tilespmem:$0x15000] =	vst v63  }
0x8b: {  	_ =	swait.ge [sflag:s18], $0x2000  }
0x8c: {  	[sflag:s18] =	ssyncset.done $0x0  }
0x8d: {  	[sflag:s18] =	ssyncadd.s32 $0xFFFFE000  }
0x8e: {  	[tilespmem:s20], [sflag:$0x3] =	stream.linear.gather [spmem:s11], $0x2000, $0x38;
	[tilespmem:$0x15000] =	vst v63  }
0x8f: {  	s29 =	sadd.s32 $0x1, s29;
	_ =	swait.ge [sflag:s18], $0x2000  }
0x90: {  	p0 =	sne.s32 s29, s17;
	[sflag:s18] =	ssyncset.done $0x0  }
.Ltmp2:
0x91: {  	[sflag:s18] =	ssyncadd.s32 $0xFFFFE000;
	(pc) =	sbr.rel @p0 .LBB2_1-.Ltmp2, $4  }
0x92: {  	[hbm4b:s16+s3] =	stream.linear.scatter [tilespmem:s20], [sflag:$0x3], $0x2000, $0x38;
	[tilespmem:$0x15000] =	vst v63  }
0x93: {  	_ =	swait.ge [sflag:s18], $0x2000  }
0x94: {  	[sflag:s18] =	ssyncset.done $0x0  }
0x95: {  	[sflag:s18] =	ssyncadd.s32 $0xFFFFE000  }
0x96: {  	_ =	sfence.sel $0x180000  }
0x97: {  	[bflag:$0x0] =	sbarrier.arrive $0xFFFF  }
0x98: {  	_ =	strace $0x9000004A  }
0x99: {  	[bflag:$0x2] =	sbarrier.arrive $0xFFFF  }
0x9a: {  	p0 =	sne.s32 s2, $0x0;
	s0 =	rddreg [dreg:$0x2]  }
0x9b: {  	s0 =	sadd.s32 @!p0 $0x100000, s0  }
0x9c: {  	[sflag:s0] =	ssyncadd.tile.s32 @!p0 $0x1;
	_ =	shalt  }
.Lfunc_end2:
_tile_overlayer_lowered:
.L_overlay_start_2:
0x9d: {  	(tag) =	ssettag $0x2  }
0x9e: {  	s0 =	rddreg [dreg:$0x0];
	s2 =	stileid.u32  }
0x9f: {  	s1 =	rddreg [dreg:$0x1];
	p0 =	sne.s32 s2, $0x0  }
0xa0: {  	s3 =	rddreg [dreg:$0x2];
	[bflag:$0x3] =	sbarrier.arrive $0xFFFF;
	s2 =	simm.s32 @!p0 $0x1C03  }
0xa1: {  	[timem:s3], [sflag:s2] =	dma.local @!p0 [hbm:s0], s1  }
0xa2: {  	s0 =	simm.s32 @!p0 $0x3  }
0xa3: {  	_ =	swait.ge @!p0 [sflag:s0], s1  }
0xa4: {  	s1 =	ssub.s32 @!p0 $0x0, s1;
	[sflag:s0] =	ssyncset.done @!p0 $0x0  }
0xa5: {  	[sflag:s0] =	ssyncadd.s32 @!p0 s1  }
0xa6: {  	[bflag:$0x3] =	sbarrier.arrive $0xFFFF  }
0xa7: {  	_ =	shalt  }

// kernel: _run.17.cloned.1.call-start
scs
__scs_entry_jumppad:
0x0: {  	(pc) =	sbr.rel $0x88, $3  }
0x1: {  	(tag) =	ssettag $0x0;
	lr =	simm.s32 $0x1  }
0x2: {  	[smem:$0x3F95] =	sst lr;
	_ =	strace $0xD0000000  }
0x3: {  	_ = 	snop  }
0x4: {  	_ = 	snop  }
0x5: {  	_ = 	snop  }
0x6: {  	_ = 	snop  }
0x7: {  	_ = 	snop  }
__scs_overlays_trampoline_lowered:
0x8: {  	[smem:$0x3FA4] =	sst s0  }
0x9: {  	[smem:$0x3FA5] =	sst s1  }
0xa: {  	[smem:$0x3FA6] =	sst s2  }
0xb: {  	[smem:$0x3FA7] =	sst s3  }
0xc: {  	[smem:$0x3FA8] =	sst s4  }
0xd: {  	[smem:$0x3FA9] =	sst s5  }
0xe: {  	[smem:$0x3FAA] =	sst s6  }
0xf: {  	[smem:$0x3FAB] =	sst s7  }
0x10: {  	[smem:$0x3FAC] =	sst s8  }
0x11: {  	[smem:$0x3FAD] =	sst s9;
	s0 =	simm.s32 @!p0 $0x0  }
0x12: {  	s1 =	sld [smem:$0x3F93];
	s0 =	simm.s32 @p0 $0x1  }
0x13: {  	[smem:$0x3FAE] =	sst s0;
	s0 =	simm.s32 @!p1 $0x0  }
0x14: {  	s2 =	sld [smem:$0x3F92];
	s0 =	simm.s32 @p1 $0x1  }
0x15: {  	[smem:$0x3FAF] =	sst s0;
	s0 =	simm.s32 @!p2 $0x0  }
0x16: {  	s3 =	sld [smem:$0x3FDB];
	s0 =	simm.s32 @p2 $0x1  }
0x17: {  	s4 =	simm.s32 $0x1BF5;
	[smem:$0x3FB1] =	sst s0  }
0x18: {  	s0 =	sld [smem:$0x3F94];
	_ =	swait.ge [sflag:s4], $0x0  }
0x19: {  	s7 =	sld [smem:$0x3F95]  }
0x1a: {  	s8 =	sadd.s32 $0xFFFFE003, lr  }
0x1b: {  	s9 =	sadd.s32 $0xFFFFFEF7, lr;
	s5 =	simm.s32 $0xFFFFFFFF;
	p2 =	slt.u32 s8, $0xFFFFF086  }
0x1c: {  	p1 =	slt.u32 s9, $0xF7A;
	s5 =	simm.s32 @!p2 $0x0  }
0x1d: {  	s5 =	simm.s32 @p1 $0x1;
	p0 =	seq.s32 s7, s2  }
0x1e: {  	s7 =	smul.u32 @!p0 $0xF7A, s2;
	p2 =	seq.s32 @!p0 s5, $0x0  }
0x1f: {  	s9 =	smul.u32 $0xF7A, s1;
	s8 =	simm.s32 @!p0 $0x1BF5;
	p2 =	por !p2, p0  }
0x20: {  	[sflag:s8] =	ssyncset.s32 @!p0 $0xFFFFF086;
	s6 =	sadd.s32 @!p0 s3, s7;
	s7 =	simm.s32 @!p0 $0x108  }
0x21: {  	s3 =	sadd.s32 s3, s9;
	s6 =	sadd.s32 @!p0 $0x88, s6;
	s7 =	simm.s32 @p2 $0x1082  }
0x22: {  	[simem:s7], [sflag:s8] =	dma.local @!p0 [hbm:s6], $0xF7A  }
0x23: {  	s9 =	sor.u32 $0xD0000000, s2;
	s6 =	simm.s32 $0x108;
	_ =	swait.ge @!p0 [sflag:s8], $0x0  }
0x24: {  	s3 =	sadd.s32 $0x88, s3;
	s6 =	simm.s32 @!p1 $0x1082;
	[sflag:s4] =	ssyncset.s32 $0xFFFFF086  }
0x25: {  	[simem:s6], [sflag:s4] =	dma.local [hbm:s3], $0xF7A  }
0x26: {  	[smem:$0x3F95] =	sst s1;
	(tag) =	ssettag s2;
	_ =	strace s9  }
0x27: {  	s1 =	sld [smem:$0x3FA5]  }
0x28: {  	s2 =	sld [smem:$0x3FA6]  }
0x29: {  	s4 =	sld [smem:$0x3FA8]  }
0x2a: {  	p0 =	seq.s32 s5, $0x0;
	s5 =	sld [smem:$0x3FA9]  }
0x2b: {  	s6 =	sld [smem:$0x3FAA]  }
0x2c: {  	s7 =	sld [smem:$0x3FAB]  }
0x2d: {  	s3 =	simm.s32 $0x108;
	s8 =	sld [smem:$0x3FAC]  }
0x2e: {  	s3 =	simm.s32 @!p0 $0x1082;
	s9 =	sld [smem:$0x3FAD]  }
0x2f: {  	lr =	sadd.s32 s0, s3;
	s0 =	sld [smem:$0x3FA4]  }
0x30: {  	s3 =	sld [smem:$0x3FA7]  }
0x31: {  	[smem:$0x3FB0] =	sst s10  }
0x32: {  	s10 =	sld [smem:$0x3FAE];
	_ =	sdelay $0x3  }
0x33: {  	p0 =	seq.s32 s10, $0x1;
	s10 =	sld [smem:$0x3FB0];
	_ =	sdelay $0x3  }
0x34: {  	[smem:$0x3FB0] =	sst s10  }
0x35: {  	s10 =	sld [smem:$0x3FAF];
	_ =	sdelay $0x3  }
0x36: {  	p1 =	seq.s32 s10, $0x1;
	s10 =	sld [smem:$0x3FB0];
	_ =	sdelay $0x3  }
0x37: {  	[smem:$0x3FB0] =	sst s10  }
0x38: {  	s10 =	sld [smem:$0x3FB1]  }
0x39: {  	_ = 	snop;
	(pc) =	sbr.ind lr, $3  }
0x3a: {  	_ = 	snop  }
0x3b: {  	_ = 	snop  }
0x3c: {  	p2 =	seq.s32 s10, $0x1;
	s10 =	sld [smem:$0x3FB0]  }
0x3d: {  	_ =	shalt  }
0x3e: {  	_ =	shalt  }
0x3f: {  	_ =	shalt  }
0x40: {  	_ =	shalt  }
0x41: {  	_ =	shalt  }
0x42: {  	_ =	shalt  }
0x43: {  	_ =	shalt  }
0x44: {  	_ =	shalt  }
0x45: {  	_ =	shalt  }
0x46: {  	_ =	shalt  }
0x47: {  	_ =	shalt  }
0x48: {  	_ =	shalt  }
0x49: {  	_ =	shalt  }
0x4a: {  	_ =	shalt  }
0x4b: {  	_ =	shalt  }
0x4c: {  	_ =	shalt  }
0x4d: {  	_ =	shalt  }
0x4e: {  	_ =	shalt  }
0x4f: {  	_ =	shalt  }
0x50: {  	_ =	shalt  }
0x51: {  	_ =	shalt  }
0x52: {  	_ =	shalt  }
0x53: {  	_ =	shalt  }
0x54: {  	_ =	shalt  }
0x55: {  	_ =	shalt  }
0x56: {  	_ =	shalt  }
0x57: {  	_ =	shalt  }
0x58: {  	_ =	shalt  }
0x59: {  	_ =	shalt  }
0x5a: {  	_ =	shalt  }
0x5b: {  	_ =	shalt  }
0x5c: {  	_ =	shalt  }
0x5d: {  	_ =	shalt  }
0x5e: {  	_ =	shalt  }
0x5f: {  	_ =	shalt  }
0x60: {  	_ =	shalt  }
0x61: {  	_ =	shalt  }
0x62: {  	_ =	shalt  }
0x63: {  	_ =	shalt  }
0x64: {  	_ =	shalt  }
0x65: {  	_ =	shalt  }
0x66: {  	_ =	shalt  }
0x67: {  	_ =	shalt  }
0x68: {  	_ =	shalt  }
0x69: {  	_ =	shalt  }
0x6a: {  	_ =	shalt  }
0x6b: {  	_ =	shalt  }
0x6c: {  	_ =	shalt  }
0x6d: {  	_ =	shalt  }
0x6e: {  	_ =	shalt  }
0x6f: {  	_ =	shalt  }
0x70: {  	_ =	shalt  }
0x71: {  	_ =	shalt  }
0x72: {  	_ =	shalt  }
0x73: {  	_ =	shalt  }
0x74: {  	_ =	shalt  }
0x75: {  	_ =	shalt  }
0x76: {  	_ =	shalt  }
0x77: {  	_ =	shalt  }
0x78: {  	_ =	shalt  }
0x79: {  	_ =	shalt  }
0x7a: {  	_ =	shalt  }
0x7b: {  	_ =	shalt  }
0x7c: {  	_ =	shalt  }
0x7d: {  	_ =	shalt  }
0x7e: {  	_ =	shalt  }
0x7f: {  	_ =	shalt  }
0x80: {  	_ =	shalt  }
0x81: {  	_ =	shalt  }
0x82: {  	_ =	shalt  }
0x83: {  	_ =	shalt  }
0x84: {  	_ =	shalt  }
0x85: {  	_ =	shalt  }
0x86: {  	_ =	shalt  }
0x87: {  	_ =	shalt  }
.Lfunc_end0:
.L_simem_size_0:
called_computation.2_lowered:
.L_overlay_start_0:
0x88: {  	s2 =	sld [smem:$0x3FD9]  }
0x89: {  	s3 =	sld [smem:$0x3FFE];
	_ =	sdelay $0x1  }
0x8a: {  	s1 =	srdreg.scid  }
0x8b: {  	s0 =	sand.u32 $0x1, s1  }
0x8c: {  	s16 =	sshll.u32 s0, $0xA;
	s2 =	sadd.s32 s3, s2  }
0x8d: {  	s2 =	sadd.s32 s2, s16  }
0x8e: {  	[smem:$0x3FBC] =	sst s2  }
0x8f: {  	_ = 	snop  }
0x90: {  	(tm) =	ssettm $0x1  }
0x91: {  	s17 =	sld [smem:$0x3FFB];
	_ =	sdelay $0x3  }
0x92: {  	_ =	strace s17  }
0x93: {  	s2 =	sld [smem:$0x3FFC];
	_ =	sdelay $0x3  }
0x94: {  	_ =	strace s2  }
0x95: {  	s2 =	sld [smem:$0x3FFD];
	_ =	sdelay $0x3  }
0x96: {  	_ =	strace s2  }
0x97: {  	_ =	strace $0x8FFFFFFF  }
0x98: {  	s18 =	sld [smem:$0x3FDB];
	_ =	sdelay $0x1  }
0x99: {  	s19 =	simm.s32 $_scs_section_size  }
0x9a: {  	s4 =	simm.s32 $_size__tile_overlayer_lowered;
	s5 =	simm.s32 $_tile_overlayer_lowered  }
0x9b: {  	s22 =	simm.s32 $0x1BFF;
	s21 =	sshll.u32 s5, $0x1;
	s2 =	sadd.s32 s19, s18  }
0x9c: {  	s6 =	simm.s32 $0x0;
	s20 =	sshll.u32 s4, $0x1;
	s4 =	sadd.s32 s21, s2  }
0x9d: {  	[timem:s6], [sflag:s22] =	dma.local [hbm:s4], s20  }
0x9e: {  	_ =	swait.ge [sflag:s22], s20  }
0x9f: {  	s3 =	ssub.s32 $0x0, s20;
	[sflag:s22] =	ssyncset.done $0x0  }
0xa0: {  	[sflag:s22] =	ssyncadd.s32 s3;
	_ =	sdelay $0x1  }
0xa1: {  	s23 =	simm.s32 $0x1B8B  }
0xa2: {  	_ =	swait.ge [sflag:s23], $0x1  }
0xa3: {  	[sflag:s23] =	ssyncset.done $0x0  }
0xa4: {  	s25 =	simm.s32 $0x1B8E;
	s24 =	sld [smem:$0x3FFE];
	[sflag:s23] =	ssyncadd.s32 $0xFFFFFFFF  }
0xa5: {  	s26 =	simm.s32 $execute0_lowered;
	[smem:$0x3FD2] =	sst s25  }
0xa6: {  	s4 =	sshll.u32 s26, $0x1;
	_ =	strace $0x8000004C;
	[dreg:$0x1] =	wrdreg $0xFFFFFFFF  }
0xa7: {  	s28 =	simm.s32 $_size_execute0_lowered;
	s2 =	sadd.s32 s2, s4;
	[dreg:$0x0] =	wrdreg $0x0  }
0xa8: {  	s4 =	sshll.u32 s28, $0x1;
	[dreg:$0x2] =	wrdreg s2  }
0xa9: {  	[dreg:$0x3] =	wrdreg s4  }
0xaa: {  	[dreg:$0x4] =	wrdreg $0xC0  }
0xab: {  	_ =	task [dreg:s6], $0x5FFFF  }
0xac: {  	[dreg:$0x1] =	wrdreg $0xFFFFFFFF  }
0xad: {  	[dreg:$0x0] =	wrdreg $0x60  }
0xae: {  	[dreg:$0x2] =	wrdreg s24  }
0xaf: {  	[dreg:$0x3] =	wrdreg $0xB0000  }
0xb0: {  	[dreg:$0x4] =	wrdreg $0x9  }
0xb1: {  	_ =	task.clear_ibuf [dreg:s6], $0x5FFFF;
	_ =	strace $0x9000004C  }
0xb2: {  	s29 =	simm.s32 $0x9;
	_ =	strace $0x8000004E  }
0xb3: {  	_ =	swait.ge [sflag:s29], $0x1  }
0xb4: {  	[sflag:s29] =	ssyncadd.s32 $0xFFFFFFFF  }
0xb5: {  	_ =	strace $0x9000004E  }
0xb6: {  	_ =	sfence  }
0xb7: {  	s30 =	sld [smem:$0x0];
	_ =	sdelay $0x2  }
0xb8: {  	s31 =	sshll.u32 s1, $0xD;
	s1 =	sshrl.u32 s1, $0x2  }
0xb9: {  	s3 =	sand.u32 $0x4000, s31;
	s1 =	sadd.s32 s1, s30  }
0xba: {  	s0 =	sor.u32 s3, s0;
	s1 =	sshll.u32 s1, $0x11  }
0xbb: {  	s0 =	sor.u32 s1, s0  }
0xbc: {  	s0 =	sadd.s32 $0x8F2B, s0  }
0xbd: {  	[sflag:s0] =	ssyncadd.remote.s32 $0x1  }
0xbe: {  	_ =	sfence.sel $0xFFFF  }
0xbf: {  	[dreg:$0x0] =	wrdreg $0xFFFFFFFF;
	(pc) =	sbr.abs _section_cstart, $3  }
0xc0: {  	[dreg:$0x1] =	wrdreg $0xFFFFFFFF  }
0xc1: {  	_ =	task.clear_ibuf [dreg:s6], $0x2FFFF;
	_ =	strace $0x9FFFFFFF  }
0xc2: {  	(tm) =	ssettm $0x7FFFFFFF  }
0xc3: {  	_ =	shalt  }
tec
execute0_lowered:
.L_overlay_start_1:
0x0: {  	(tag) =	ssettag $0x1  }
0x1: {  	s5 =	rddreg [dreg:$0x0]  }
0x2: {  	s1 =	rddreg [dreg:$0x1];
	s2 =	srdreg.scid  }
0x3: {  	s3 =	simm.s32 $0x0;
	s21 =	simm.s32 $0x80;
	s22 =	simm.s32 $0x5000  }
0x4: {  	s23 =	simm.s32 $0x7000;
	s24 =	simm.s32 $0x1;
	s25 =	simm.s32 $0x2  }
0x5: {  	s26 =	simm.s32 $0x4F00;
	s28 =	simm.s32 $0x4F80;
	s29 =	simm.s32 $0x0  }
0x6: {  	s8 =	sand.u32 $0x1, s2;
	s2 =	stileid.u32;
	[smem:$0x7FF] =	sst s3  }
0x7: {  	s16 =	sadd.s32 $0x2A600, s5;
	s4 =	sshll.u32 s8, $0x4;
	s11 =	smul.u32 $0xA000, s2  }
0x8: {  	s7 =	ssub.s32 $0x2, s8;
	s15 =	smul.u32 $0xA0000, s8;
	s4 =	sor.u32 s2, s4  }
0x9: {  	_ =	strace $0x8000004D;
	s9 =	sshrl.u32 s7, $0x1;
	s6 =	smul.u32 $0x500, s4  }
0xa: {  	s4 =	sadd.s32 $0x16600, s5;
	s17 =	ssub.s32 s7, s9;
	s7 =	sadd.s32 s11, s1  }
0xb: {  	s12 =	sadd.s32 $0x2000, s11;
	s14 =	sadd.s32 $0x4000, s11;
	s18 =	sadd.s32 $0x6000, s11  }
0xc: {  	s13 =	sadd.s32 s11, s15;
	s19 =	sadd.s32 $0x8000, s11;
	s8 =	sadd.s32 s12, s1  }
0xd: {  	s9 =	sadd.s32 s14, s1;
	s10 =	sadd.s32 s18, s1;
	s12 =	sadd.s32 s15, s12  }
0xe: {  	s13 =	sshrl.u32 s13, $0x3;
	s11 =	sadd.s32 s19, s1;
	s14 =	sadd.s32 s15, s14  }
0xf: {  	s18 =	sadd.s32 s15, s18;
	s15 =	sadd.s32 s15, s19;
	s17 =	smax.u32 s17, $0x1  }
0x10: {  	s6 =	sadd.s32 s6, s5;
	s20 =	sshrl.u32 s12, $0x3;
	s12 =	sadd.s32 s16, s13  }
0x11: {  	s14 =	sshrl.u32 s14, $0x3;
	s18 =	sshrl.u32 s18, $0x3;
	s19 =	sshrl.u32 s15, $0x3  }
0x12: {  	s5 =	sadd.s32 $0x2600, s6;
	s6 =	sadd.s32 $0xC600, s6;
	s13 =	sadd.s32 s16, s20  }
0x13: {  	s14 =	sadd.s32 s16, s14;
	s15 =	sadd.s32 s16, s18;
	s16 =	sadd.s32 s16, s19  }
0x14: {  	v0 =	vimm.f32 $0.0e+00;
	s18 =	simm.s32 $0x3;
	s19 =	simm.s32 $0x2800;
	s20 =	simm.s32 $0x9000  }
.LBB2_1:
0x15: {  	[tilespmem:s3], [sflag:$0x3] =	stream.linear.gather [hbm4b:s5+s3], $0x2800, $0x38;
	[tilespmem:$0x15000] =	vst v63  }
0x16: {  	_ =	swait.ge [sflag:s18], $0x2800  }
0x17: {  	[sflag:s18] =	ssyncset.done $0x0  }
0x18: {  	[sflag:s18] =	ssyncadd.s32 $0xFFFFD800  }
0x19: {  	[tilespmem:s19], [sflag:$0x3] =	stream.linear.gather [hbm4b:s6+s3], $0x2800, $0x38;
	[tilespmem:$0x15000] =	vst v63  }
0x1a: {  	_ =	swait.ge [sflag:s18], $0x2800  }
0x1b: {  	[sflag:s18] =	ssyncset.done $0x0  }
0x1c: {  	s31 =	simm.s32 $0x100;
	s30 =	simm.s32 $0x0;
	[sflag:s18] =	ssyncadd.s32 $0xFFFFD800  }
.LBB2_2:
0x1d: {  	p0 =	sne.s32 s31, $0x7F00;
	[tilespmem:s30+$0x9030] =	vst v0;
	s0 =	smov.u32 s31;
	s31 =	sadd.s32 $0x100, s31  }
.Ltmp0:
0x1e: {  	[tilespmem:s30+$0x9020] =	vst v0;
	(pc) =	sbr.rel @p0 .LBB2_2-.Ltmp0, $3  }
0x1f: {  	[tilespmem:s30+$0x9000] =	vst v0  }
0x20: {  	[tilespmem:s30+$0x9010] =	vst v0;
	_ =	sdelay $0x1  }
0x21: {  	s30 =	sshra.s32 s0, $0x2  }
0x22: {  	[tilespmem:s30+$0x9030] =	vst v0  }
0x23: {  	[tilespmem:s30+$0x9020] =	vst v0  }
0x24: {  	[tilespmem:s30+$0x9000] =	vst v0  }
0x25: {  	[tilespmem:s30+$0x9010] =	vst v0  }
0x26: {  	[spmem:s7] =	stream.linear.scatter [tilespmem:s20], [sflag:$0x3], $0x2000, $0x38;
	[tilespmem:$0x15000] =	vst v63  }
0x27: {  	_ =	swait.ge [sflag:s18], $0x2000  }
0x28: {  	[sflag:s18] =	ssyncset.done $0x0  }
0x29: {  	[sflag:s18] =	ssyncadd.s32 $0xFFFFE000  }
0x2a: {  	[spmem:s8] =	stream.linear.scatter [tilespmem:s20], [sflag:$0x3], $0x2000, $0x38;
	[tilespmem:$0x15000] =	vst v63  }
0x2b: {  	_ =	swait.ge [sflag:s18], $0x2000  }
0x2c: {  	[sflag:s18] =	ssyncset.done $0x0  }
0x2d: {  	[sflag:s18] =	ssyncadd.s32 $0xFFFFE000  }
0x2e: {  	[spmem:s9] =	stream.linear.scatter [tilespmem:s20], [sflag:$0x3], $0x2000, $0x38;
	[tilespmem:$0x15000] =	vst v63  }
0x2f: {  	_ =	swait.ge [sflag:s18], $0x2000  }
0x30: {  	[sflag:s18] =	ssyncset.done $0x0  }
0x31: {  	[sflag:s18] =	ssyncadd.s32 $0xFFFFE000  }
0x32: {  	[spmem:s10] =	stream.linear.scatter [tilespmem:s20], [sflag:$0x3], $0x2000, $0x38;
	[tilespmem:$0x15000] =	vst v63  }
0x33: {  	_ =	swait.ge [sflag:s18], $0x2000  }
0x34: {  	[sflag:s18] =	ssyncset.done $0x0  }
0x35: {  	[sflag:s18] =	ssyncadd.s32 $0xFFFFE000  }
0x36: {  	[spmem:s11] =	stream.linear.scatter [tilespmem:s20], [sflag:$0x3], $0x2000, $0x38;
	[tilespmem:$0x15000] =	vst v63  }
0x37: {  	_ =	swait.ge [sflag:s18], $0x2000  }
0x38: {  	[sflag:s18] =	ssyncset.done $0x0  }
0x39: {  	[sflag:s18] =	ssyncadd.s32 $0xFFFFE000  }
0x3a: {  	s0 =	simm.s32 $0x0;
	[bflag:$0x0] =	sbarrier.arrive $0xFFFF  }
0x3b: {  	[tilespmem:s22], [sflag:$0x1] =	stream.indirect.gather [hbm4b:s4+s21], $0x40, s0, s21, $0xb8;
	[tilespmem:$0x15000] =	vst v63  }
0x3c: {  	_ = 	snop  }
0x3d: {  	[tilespmem:s23], [sflag:$0x2] =	stream.indirect.gather [hbm4b:s4+s21], $0x40, s21, s21, $0xb8;
	[tilespmem:$0x15000] =	vst v63  }
0x3e: {  	_ =	swait.ge [sflag:s24], $0x2000  }
0x3f: {  	[sflag:s24] =	ssyncset.done $0x0  }
0x40: {  	s0 =	simm.s32 $0x2800;
	[sflag:s24] =	ssyncadd.s32 $0xFFFFE000  }
0x41: {  	[spmem:s1] =	stream.indirect.scatter.add.f32 [tilespmem:s22], [sflag:$0x3], $0x40, s0, s21, $0xb8;
	[tilespmem:$0x15000] =	vst v63  }
0x42: {  	_ =	swait.ge [sflag:s18], $0x2000  }
0x43: {  	[sflag:s18] =	ssyncset.done $0x0  }
0x44: {  	s0 =	simm.s32 $0x100;
	[sflag:s18] =	ssyncadd.s32 $0xFFFFE000  }
0x45: {  	[tilespmem:s22], [sflag:$0x1] =	stream.indirect.gather [hbm4b:s4+s21], $0x40, s0, s21, $0xb8;
	[tilespmem:$0x15000] =	vst v63  }
0x46: {  	_ =	swait.ge [sflag:s25], $0x2000  }
0x47: {  	[sflag:s25] =	ssyncset.done $0x0  }
0x48: {  	s0 =	simm.s32 $0x2880;
	[sflag:s25] =	ssyncadd.s32 $0xFFFFE000  }
0x49: {  	[spmem:s1] =	stream.indirect.scatter.add.f32 [tilespmem:s23], [sflag:$0x3], $0x40, s0, s21, $0xb8;
	[tilespmem:$0x15000] =	vst v63  }
0x4a: {  	_ =	swait.ge [sflag:s18], $0x2000  }
0x4b: {  	[sflag:s18] =	ssyncset.done $0x0  }
0x4c: {  	s30 =	simm.s32 $0x400;
	s31 =	simm.s32 $0x180;
	[sflag:s18] =	ssyncadd.s32 $0xFFFFE000  }
.LBB2_4:
0x4d: {  	[tilespmem:s23], [sflag:$0x2] =	stream.indirect.gather [hbm4b:s4+s21], $0x40, s31, s21, $0xb8;
	[tilespmem:$0x15000] =	vst v63  }
0x4e: {  	s0 =	smov.u32 s30  }
0x4f: {  	p0 =	sne.s32 s30, $0x9800;
	s30 =	sadd.s32 $0x400, s30;
	_ =	swait.ge [sflag:s24], $0x2000  }
0x50: {  	s0 =	sshra.s32 s0, $0x2;
	[sflag:s24] =	ssyncset.done $0x0  }
0x51: {  	s31 =	sadd.s32 $0x2800, s0;
	[sflag:s24] =	ssyncadd.s32 $0xFFFFE000  }
0x52: {  	[spmem:s1] =	stream.indirect.scatter.add.f32 [tilespmem:s22], [sflag:$0x3], $0x40, s31, s21, $0xb8;
	[tilespmem:$0x15000] =	vst v63  }
0x53: {  	_ =	swait.ge [sflag:s18], $0x2000  }
0x54: {  	[sflag:s18] =	ssyncset.done $0x0  }
0x55: {  	s31 =	sadd.s32 $0x100, s0;
	[sflag:s18] =	ssyncadd.s32 $0xFFFFE000  }
0x56: {  	[tilespmem:s22], [sflag:$0x1] =	stream.indirect.gather [hbm4b:s4+s21], $0x40, s31, s21, $0xb8;
	[tilespmem:$0x15000] =	vst v63  }
0x57: {  	_ =	swait.ge [sflag:s25], $0x2000  }
0x58: {  	[sflag:s25] =	ssyncset.done $0x0  }
.Ltmp1:
0x59: {  	s31 =	sadd.s32 $0x2880, s0;
	[sflag:s25] =	ssyncadd.s32 $0xFFFFE000;
	(pc) =	sbr.rel @p0 .LBB2_4-.Ltmp1, $4  }
0x5a: {  	[spmem:s1] =	stream.indirect.scatter.add.f32 [tilespmem:s23], [sflag:$0x3], $0x40, s31, s21, $0xb8;
	[tilespmem:$0x15000] =	vst v63  }
0x5b: {  	_ =	swait.ge [sflag:s18], $0x2000  }
0x5c: {  	[sflag:s18] =	ssyncset.done $0x0  }
0x5d: {  	s31 =	sadd.s32 $0x180, s0;
	[sflag:s18] =	ssyncadd.s32 $0xFFFFE000  }
0x5e: {  	[tilespmem:s23], [sflag:$0x2] =	stream.indirect.gather [hbm4b:s4+s21], $0x40, s31, s21, $0xb8;
	[tilespmem:$0x15000] =	vst v63  }
0x5f: {  	_ =	swait.ge [sflag:s24], $0x2000  }
0x60: {  	[sflag:s24] =	ssyncset.done $0x0  }
0x61: {  	[sflag:s24] =	ssyncadd.s32 $0xFFFFE000  }
0x62: {  	[spmem:s1] =	stream.indirect.scatter.add.f32 [tilespmem:s22], [sflag:$0x3], $0x40, s26, s21, $0xb8;
	[tilespmem:$0x15000] =	vst v63  }
0x63: {  	_ =	swait.ge [sflag:s18], $0x2000  }
0x64: {  	[sflag:s18] =	ssyncset.done $0x0  }
0x65: {  	[sflag:s18] =	ssyncadd.s32 $0xFFFFE000  }
0x66: {  	_ =	swait.ge [sflag:s25], $0x2000  }
0x67: {  	[sflag:s25] =	ssyncset.done $0x0  }
0x68: {  	[sflag:s25] =	ssyncadd.s32 $0xFFFFE000  }
0x69: {  	[spmem:s1] =	stream.indirect.scatter.add.f32 [tilespmem:s23], [sflag:$0x3], $0x40, s28, s21, $0xb8;
	[tilespmem:$0x15000] =	vst v63  }
0x6a: {  	_ =	swait.ge [sflag:s18], $0x2000  }
0x6b: {  	[sflag:s18] =	ssyncset.done $0x0  }
0x6c: {  	[sflag:s18] =	ssyncadd.s32 $0xFFFFE000  }
0x6d: {  	[bflag:$0x0] =	sbarrier.arrive $0xFFFF  }
0x6e: {  	[tilespmem:s20], [sflag:$0x3] =	stream.linear.gather [spmem:s7], $0x2000, $0x38;
	[tilespmem:$0x15000] =	vst v63  }
0x6f: {  	_ =	swait.ge [sflag:s18], $0x2000  }
0x70: {  	[sflag:s18] =	ssyncset.done $0x0  }
0x71: {  	[sflag:s18] =	ssyncadd.s32 $0xFFFFE000  }
0x72: {  	[hbm4b:s12+s3] =	stream.linear.scatter [tilespmem:s20], [sflag:$0x3], $0x2000, $0x38;
	[tilespmem:$0x15000] =	vst v63  }
0x73: {  	_ =	swait.ge [sflag:s18], $0x2000  }
0x74: {  	[sflag:s18] =	ssyncset.done $0x0  }
0x75: {  	[sflag:s18] =	ssyncadd.s32 $0xFFFFE000  }
0x76: {  	[tilespmem:s20], [sflag:$0x3] =	stream.linear.gather [spmem:s8], $0x2000, $0x38;
	[tilespmem:$0x15000] =	vst v63  }
0x77: {  	_ =	swait.ge [sflag:s18], $0x2000  }
0x78: {  	[sflag:s18] =	ssyncset.done $0x0  }
0x79: {  	[sflag:s18] =	ssyncadd.s32 $0xFFFFE000  }
0x7a: {  	[hbm4b:s13+s3] =	stream.linear.scatter [tilespmem:s20], [sflag:$0x3], $0x2000, $0x38;
	[tilespmem:$0x15000] =	vst v63  }
0x7b: {  	_ =	swait.ge [sflag:s18], $0x2000  }
0x7c: {  	[sflag:s18] =	ssyncset.done $0x0  }
0x7d: {  	[sflag:s18] =	ssyncadd.s32 $0xFFFFE000  }
0x7e: {  	[tilespmem:s20], [sflag:$0x3] =	stream.linear.gather [spmem:s9], $0x2000, $0x38;
	[tilespmem:$0x15000] =	vst v63  }
0x7f: {  	_ =	swait.ge [sflag:s18], $0x2000  }
0x80: {  	[sflag:s18] =	ssyncset.done $0x0  }
0x81: {  	[sflag:s18] =	ssyncadd.s32 $0xFFFFE000  }
0x82: {  	[hbm4b:s14+s3] =	stream.linear.scatter [tilespmem:s20], [sflag:$0x3], $0x2000, $0x38;
	[tilespmem:$0x15000] =	vst v63  }
0x83: {  	_ =	swait.ge [sflag:s18], $0x2000  }
0x84: {  	[sflag:s18] =	ssyncset.done $0x0  }
0x85: {  	[sflag:s18] =	ssyncadd.s32 $0xFFFFE000  }
0x86: {  	[tilespmem:s20], [sflag:$0x3] =	stream.linear.gather [spmem:s10], $0x2000, $0x38;
	[tilespmem:$0x15000] =	vst v63  }
0x87: {  	_ =	swait.ge [sflag:s18], $0x2000  }
0x88: {  	[sflag:s18] =	ssyncset.done $0x0  }
0x89: {  	[sflag:s18] =	ssyncadd.s32 $0xFFFFE000  }
0x8a: {  	[hbm4b:s15+s3] =	stream.linear.scatter [tilespmem:s20], [sflag:$0x3], $0x2000, $0x38;
	[tilespmem:$0x15000] =	vst v63  }
0x8b: {  	_ =	swait.ge [sflag:s18], $0x2000  }
0x8c: {  	[sflag:s18] =	ssyncset.done $0x0  }
0x8d: {  	[sflag:s18] =	ssyncadd.s32 $0xFFFFE000  }
0x8e: {  	[tilespmem:s20], [sflag:$0x3] =	stream.linear.gather [spmem:s11], $0x2000, $0x38;
	[tilespmem:$0x15000] =	vst v63  }
0x8f: {  	s29 =	sadd.s32 $0x1, s29;
	_ =	swait.ge [sflag:s18], $0x2000  }
0x90: {  	p0 =	sne.s32 s29, s17;
	[sflag:s18] =	ssyncset.done $0x0  }
.Ltmp2:
0x91: {  	[sflag:s18] =	ssyncadd.s32 $0xFFFFE000;
	(pc) =	sbr.rel @p0 .LBB2_1-.Ltmp2, $4  }
0x92: {  	[hbm4b:s16+s3] =	stream.linear.scatter [tilespmem:s20], [sflag:$0x3], $0x2000, $0x38;
	[tilespmem:$0x15000] =	vst v63  }
0x93: {  	_ =	swait.ge [sflag:s18], $0x2000  }
0x94: {  	[sflag:s18] =	ssyncset.done $0x0  }
0x95: {  	[sflag:s18] =	ssyncadd.s32 $0xFFFFE000  }
0x96: {  	_ =	sfence.sel $0x180000  }
0x97: {  	[bflag:$0x0] =	sbarrier.arrive $0xFFFF  }
0x98: {  	_ =	strace $0x9000004D  }
0x99: {  	[bflag:$0x2] =	sbarrier.arrive $0xFFFF  }
0x9a: {  	p0 =	sne.s32 s2, $0x0;
	s0 =	rddreg [dreg:$0x2]  }
0x9b: {  	s0 =	sadd.s32 @!p0 $0x100000, s0  }
0x9c: {  	[sflag:s0] =	ssyncadd.tile.s32 @!p0 $0x1;
	_ =	shalt  }
.Lfunc_end2:
_tile_overlayer_lowered:
.L_overlay_start_2:
0x9d: {  	(tag) =	ssettag $0x2  }
0x9e: {  	s0 =	rddreg [dreg:$0x0];
	s2 =	stileid.u32  }
0x9f: {  	s1 =	rddreg [dreg:$0x1];
	p0 =	sne.s32 s2, $0x0  }
0xa0: {  	s3 =	rddreg [dreg:$0x2];
	[bflag:$0x3] =	sbarrier.arrive $0xFFFF;
	s2 =	simm.s32 @!p0 $0x1C03  }
0xa1: {  	[timem:s3], [sflag:s2] =	dma.local @!p0 [hbm:s0], s1  }
0xa2: {  	s0 =	simm.s32 @!p0 $0x3  }
0xa3: {  	_ =	swait.ge @!p0 [sflag:s0], s1  }
0xa4: {  	s1 =	ssub.s32 @!p0 $0x0, s1;
	[sflag:s0] =	ssyncset.done @!p0 $0x0  }
0xa5: {  	[sflag:s0] =	ssyncadd.s32 @!p0 s1  }
0xa6: {  	[bflag:$0x3] =	sbarrier.arrive $0xFFFF  }
0xa7: {  	_ =	shalt  }

// kernel: _run.20.cloned.1.call-start
scs
__scs_entry_jumppad:
0x0: {  	(pc) =	sbr.rel $0x88, $3  }
0x1: {  	(tag) =	ssettag $0x0;
	lr =	simm.s32 $0x1  }
0x2: {  	[smem:$0x3F95] =	sst lr;
	_ =	strace $0xD0000000  }
0x3: {  	_ = 	snop  }
0x4: {  	_ = 	snop  }
0x5: {  	_ = 	snop  }
0x6: {  	_ = 	snop  }
0x7: {  	_ = 	snop  }
__scs_overlays_trampoline_lowered:
0x8: {  	[smem:$0x3FA4] =	sst s0  }
0x9: {  	[smem:$0x3FA5] =	sst s1  }
0xa: {  	[smem:$0x3FA6] =	sst s2  }
0xb: {  	[smem:$0x3FA7] =	sst s3  }
0xc: {  	[smem:$0x3FA8] =	sst s4  }
0xd: {  	[smem:$0x3FA9] =	sst s5  }
0xe: {  	[smem:$0x3FAA] =	sst s6  }
0xf: {  	[smem:$0x3FAB] =	sst s7  }
0x10: {  	[smem:$0x3FAC] =	sst s8  }
0x11: {  	[smem:$0x3FAD] =	sst s9;
	s0 =	simm.s32 @!p0 $0x0  }
0x12: {  	s1 =	sld [smem:$0x3F93];
	s0 =	simm.s32 @p0 $0x1  }
0x13: {  	[smem:$0x3FAE] =	sst s0;
	s0 =	simm.s32 @!p1 $0x0  }
0x14: {  	s2 =	sld [smem:$0x3F92];
	s0 =	simm.s32 @p1 $0x1  }
0x15: {  	[smem:$0x3FAF] =	sst s0;
	s0 =	simm.s32 @!p2 $0x0  }
0x16: {  	s3 =	sld [smem:$0x3FDB];
	s0 =	simm.s32 @p2 $0x1  }
0x17: {  	s4 =	simm.s32 $0x1BF5;
	[smem:$0x3FB1] =	sst s0  }
0x18: {  	s0 =	sld [smem:$0x3F94];
	_ =	swait.ge [sflag:s4], $0x0  }
0x19: {  	s7 =	sld [smem:$0x3F95]  }
0x1a: {  	s8 =	sadd.s32 $0xFFFFE003, lr  }
0x1b: {  	s9 =	sadd.s32 $0xFFFFFEF7, lr;
	s5 =	simm.s32 $0xFFFFFFFF;
	p2 =	slt.u32 s8, $0xFFFFF086  }
0x1c: {  	p1 =	slt.u32 s9, $0xF7A;
	s5 =	simm.s32 @!p2 $0x0  }
0x1d: {  	s5 =	simm.s32 @p1 $0x1;
	p0 =	seq.s32 s7, s2  }
0x1e: {  	s7 =	smul.u32 @!p0 $0xF7A, s2;
	p2 =	seq.s32 @!p0 s5, $0x0  }
0x1f: {  	s9 =	smul.u32 $0xF7A, s1;
	s8 =	simm.s32 @!p0 $0x1BF5;
	p2 =	por !p2, p0  }
0x20: {  	[sflag:s8] =	ssyncset.s32 @!p0 $0xFFFFF086;
	s6 =	sadd.s32 @!p0 s3, s7;
	s7 =	simm.s32 @!p0 $0x108  }
0x21: {  	s3 =	sadd.s32 s3, s9;
	s6 =	sadd.s32 @!p0 $0x88, s6;
	s7 =	simm.s32 @p2 $0x1082  }
0x22: {  	[simem:s7], [sflag:s8] =	dma.local @!p0 [hbm:s6], $0xF7A  }
0x23: {  	s9 =	sor.u32 $0xD0000000, s2;
	s6 =	simm.s32 $0x108;
	_ =	swait.ge @!p0 [sflag:s8], $0x0  }
0x24: {  	s3 =	sadd.s32 $0x88, s3;
	s6 =	simm.s32 @!p1 $0x1082;
	[sflag:s4] =	ssyncset.s32 $0xFFFFF086  }
0x25: {  	[simem:s6], [sflag:s4] =	dma.local [hbm:s3], $0xF7A  }
0x26: {  	[smem:$0x3F95] =	sst s1;
	(tag) =	ssettag s2;
	_ =	strace s9  }
0x27: {  	s1 =	sld [smem:$0x3FA5]  }
0x28: {  	s2 =	sld [smem:$0x3FA6]  }
0x29: {  	s4 =	sld [smem:$0x3FA8]  }
0x2a: {  	p0 =	seq.s32 s5, $0x0;
	s5 =	sld [smem:$0x3FA9]  }
0x2b: {  	s6 =	sld [smem:$0x3FAA]  }
0x2c: {  	s7 =	sld [smem:$0x3FAB]  }
0x2d: {  	s3 =	simm.s32 $0x108;
	s8 =	sld [smem:$0x3FAC]  }
0x2e: {  	s3 =	simm.s32 @!p0 $0x1082;
	s9 =	sld [smem:$0x3FAD]  }
0x2f: {  	lr =	sadd.s32 s0, s3;
	s0 =	sld [smem:$0x3FA4]  }
0x30: {  	s3 =	sld [smem:$0x3FA7]  }
0x31: {  	[smem:$0x3FB0] =	sst s10  }
0x32: {  	s10 =	sld [smem:$0x3FAE];
	_ =	sdelay $0x3  }
0x33: {  	p0 =	seq.s32 s10, $0x1;
	s10 =	sld [smem:$0x3FB0];
	_ =	sdelay $0x3  }
0x34: {  	[smem:$0x3FB0] =	sst s10  }
0x35: {  	s10 =	sld [smem:$0x3FAF];
	_ =	sdelay $0x3  }
0x36: {  	p1 =	seq.s32 s10, $0x1;
	s10 =	sld [smem:$0x3FB0];
	_ =	sdelay $0x3  }
0x37: {  	[smem:$0x3FB0] =	sst s10  }
0x38: {  	s10 =	sld [smem:$0x3FB1]  }
0x39: {  	_ = 	snop;
	(pc) =	sbr.ind lr, $3  }
0x3a: {  	_ = 	snop  }
0x3b: {  	_ = 	snop  }
0x3c: {  	p2 =	seq.s32 s10, $0x1;
	s10 =	sld [smem:$0x3FB0]  }
0x3d: {  	_ =	shalt  }
0x3e: {  	_ =	shalt  }
0x3f: {  	_ =	shalt  }
0x40: {  	_ =	shalt  }
0x41: {  	_ =	shalt  }
0x42: {  	_ =	shalt  }
0x43: {  	_ =	shalt  }
0x44: {  	_ =	shalt  }
0x45: {  	_ =	shalt  }
0x46: {  	_ =	shalt  }
0x47: {  	_ =	shalt  }
0x48: {  	_ =	shalt  }
0x49: {  	_ =	shalt  }
0x4a: {  	_ =	shalt  }
0x4b: {  	_ =	shalt  }
0x4c: {  	_ =	shalt  }
0x4d: {  	_ =	shalt  }
0x4e: {  	_ =	shalt  }
0x4f: {  	_ =	shalt  }
0x50: {  	_ =	shalt  }
0x51: {  	_ =	shalt  }
0x52: {  	_ =	shalt  }
0x53: {  	_ =	shalt  }
0x54: {  	_ =	shalt  }
0x55: {  	_ =	shalt  }
0x56: {  	_ =	shalt  }
0x57: {  	_ =	shalt  }
0x58: {  	_ =	shalt  }
0x59: {  	_ =	shalt  }
0x5a: {  	_ =	shalt  }
0x5b: {  	_ =	shalt  }
0x5c: {  	_ =	shalt  }
0x5d: {  	_ =	shalt  }
0x5e: {  	_ =	shalt  }
0x5f: {  	_ =	shalt  }
0x60: {  	_ =	shalt  }
0x61: {  	_ =	shalt  }
0x62: {  	_ =	shalt  }
0x63: {  	_ =	shalt  }
0x64: {  	_ =	shalt  }
0x65: {  	_ =	shalt  }
0x66: {  	_ =	shalt  }
0x67: {  	_ =	shalt  }
0x68: {  	_ =	shalt  }
0x69: {  	_ =	shalt  }
0x6a: {  	_ =	shalt  }
0x6b: {  	_ =	shalt  }
0x6c: {  	_ =	shalt  }
0x6d: {  	_ =	shalt  }
0x6e: {  	_ =	shalt  }
0x6f: {  	_ =	shalt  }
0x70: {  	_ =	shalt  }
0x71: {  	_ =	shalt  }
0x72: {  	_ =	shalt  }
0x73: {  	_ =	shalt  }
0x74: {  	_ =	shalt  }
0x75: {  	_ =	shalt  }
0x76: {  	_ =	shalt  }
0x77: {  	_ =	shalt  }
0x78: {  	_ =	shalt  }
0x79: {  	_ =	shalt  }
0x7a: {  	_ =	shalt  }
0x7b: {  	_ =	shalt  }
0x7c: {  	_ =	shalt  }
0x7d: {  	_ =	shalt  }
0x7e: {  	_ =	shalt  }
0x7f: {  	_ =	shalt  }
0x80: {  	_ =	shalt  }
0x81: {  	_ =	shalt  }
0x82: {  	_ =	shalt  }
0x83: {  	_ =	shalt  }
0x84: {  	_ =	shalt  }
0x85: {  	_ =	shalt  }
0x86: {  	_ =	shalt  }
0x87: {  	_ =	shalt  }
.Lfunc_end0:
.L_simem_size_0:
called_computation.3_lowered:
.L_overlay_start_0:
0x88: {  	s2 =	sld [smem:$0x3FD9]  }
0x89: {  	s3 =	sld [smem:$0x3FFE];
	_ =	sdelay $0x1  }
0x8a: {  	s1 =	srdreg.scid  }
0x8b: {  	s0 =	sand.u32 $0x1, s1  }
0x8c: {  	s16 =	sshll.u32 s0, $0xA;
	s2 =	sadd.s32 s3, s2  }
0x8d: {  	s2 =	sadd.s32 s2, s16  }
0x8e: {  	[smem:$0x3FBC] =	sst s2  }
0x8f: {  	_ = 	snop  }
0x90: {  	(tm) =	ssettm $0x1  }
0x91: {  	s17 =	sld [smem:$0x3FFB];
	_ =	sdelay $0x3  }
0x92: {  	_ =	strace s17  }
0x93: {  	s2 =	sld [smem:$0x3FFC];
	_ =	sdelay $0x3  }
0x94: {  	_ =	strace s2  }
0x95: {  	s2 =	sld [smem:$0x3FFD];
	_ =	sdelay $0x3  }
0x96: {  	_ =	strace s2  }
0x97: {  	_ =	strace $0x8FFFFFFF  }
0x98: {  	s18 =	sld [smem:$0x3FDB];
	_ =	sdelay $0x1  }
0x99: {  	s19 =	simm.s32 $_scs_section_size  }
0x9a: {  	s4 =	simm.s32 $_size__tile_overlayer_lowered;
	s5 =	simm.s32 $_tile_overlayer_lowered  }
0x9b: {  	s22 =	simm.s32 $0x1BFF;
	s21 =	sshll.u32 s5, $0x1;
	s2 =	sadd.s32 s19, s18  }
0x9c: {  	s6 =	simm.s32 $0x0;
	s20 =	sshll.u32 s4, $0x1;
	s4 =	sadd.s32 s21, s2  }
0x9d: {  	[timem:s6], [sflag:s22] =	dma.local [hbm:s4], s20  }
0x9e: {  	_ =	swait.ge [sflag:s22], s20  }
0x9f: {  	s3 =	ssub.s32 $0x0, s20;
	[sflag:s22] =	ssyncset.done $0x0  }
0xa0: {  	[sflag:s22] =	ssyncadd.s32 s3;
	_ =	sdelay $0x1  }
0xa1: {  	s23 =	simm.s32 $0x1B8B  }
0xa2: {  	_ =	swait.ge [sflag:s23], $0x1  }
0xa3: {  	[sflag:s23] =	ssyncset.done $0x0  }
0xa4: {  	s25 =	simm.s32 $0x1B8E;
	s24 =	sld [smem:$0x3FFE];
	[sflag:s23] =	ssyncadd.s32 $0xFFFFFFFF  }
0xa5: {  	s26 =	simm.s32 $execute0_lowered;
	[smem:$0x3FD2] =	sst s25  }
0xa6: {  	s4 =	sshll.u32 s26, $0x1;
	_ =	strace $0x8000004F;
	[dreg:$0x1] =	wrdreg $0xFFFFFFFF  }
0xa7: {  	s28 =	simm.s32 $_size_execute0_lowered;
	s2 =	sadd.s32 s2, s4;
	[dreg:$0x0] =	wrdreg $0x0  }
0xa8: {  	s4 =	sshll.u32 s28, $0x1;
	[dreg:$0x2] =	wrdreg s2  }
0xa9: {  	[dreg:$0x3] =	wrdreg s4  }
0xaa: {  	[dreg:$0x4] =	wrdreg $0xC0  }
0xab: {  	_ =	task [dreg:s6], $0x5FFFF  }
0xac: {  	[dreg:$0x1] =	wrdreg $0xFFFFFFFF  }
0xad: {  	[dreg:$0x0] =	wrdreg $0x60  }
0xae: {  	[dreg:$0x2] =	wrdreg s24  }
0xaf: {  	[dreg:$0x3] =	wrdreg $0xB0000  }
0xb0: {  	[dreg:$0x4] =	wrdreg $0x9  }
0xb1: {  	_ =	task.clear_ibuf [dreg:s6], $0x5FFFF;
	_ =	strace $0x9000004F  }
0xb2: {  	s29 =	simm.s32 $0x9;
	_ =	strace $0x80000051  }
0xb3: {  	_ =	swait.ge [sflag:s29], $0x1  }
0xb4: {  	[sflag:s29] =	ssyncadd.s32 $0xFFFFFFFF  }
0xb5: {  	_ =	strace $0x90000051  }
0xb6: {  	_ =	sfence  }
0xb7: {  	s30 =	sld [smem:$0x0];
	_ =	sdelay $0x2  }
0xb8: {  	s31 =	sshll.u32 s1, $0xD;
	s1 =	sshrl.u32 s1, $0x2  }
0xb9: {  	s3 =	sand.u32 $0x4000, s31;
	s1 =	sadd.s32 s1, s30  }
0xba: {  	s0 =	sor.u32 s3, s0;
	s1 =	sshll.u32 s1, $0x11  }
0xbb: {  	s0 =	sor.u32 s1, s0  }
0xbc: {  	s0 =	sadd.s32 $0x8F2B, s0  }
0xbd: {  	[sflag:s0] =	ssyncadd.remote.s32 $0x1  }
0xbe: {  	_ =	sfence.sel $0xFFFF  }
0xbf: {  	[dreg:$0x0] =	wrdreg $0xFFFFFFFF;
	(pc) =	sbr.abs _section_cstart, $3  }
0xc0: {  	[dreg:$0x1] =	wrdreg $0xFFFFFFFF  }
0xc1: {  	_ =	task.clear_ibuf [dreg:s6], $0x2FFFF;
	_ =	strace $0x9FFFFFFF  }
0xc2: {  	(tm) =	ssettm $0x7FFFFFFF  }
0xc3: {  	_ =	shalt  }
tec
execute0_lowered:
.L_overlay_start_1:
0x0: {  	(tag) =	ssettag $0x1  }
0x1: {  	s5 =	rddreg [dreg:$0x0]  }
0x2: {  	s1 =	rddreg [dreg:$0x1];
	s2 =	srdreg.scid  }
0x3: {  	s3 =	simm.s32 $0x0;
	s21 =	simm.s32 $0x80;
	s22 =	simm.s32 $0x5000  }
0x4: {  	s23 =	simm.s32 $0x7000;
	s24 =	simm.s32 $0x1;
	s25 =	simm.s32 $0x2  }
0x5: {  	s26 =	simm.s32 $0x4F00;
	s28 =	simm.s32 $0x4F80;
	s29 =	simm.s32 $0x0  }
0x6: {  	s8 =	sand.u32 $0x1, s2;
	s2 =	stileid.u32;
	[smem:$0x7FF] =	sst s3  }
0x7: {  	s16 =	sadd.s32 $0x2A600, s5;
	s4 =	sshll.u32 s8, $0x4;
	s11 =	smul.u32 $0xA000, s2  }
0x8: {  	s7 =	ssub.s32 $0x2, s8;
	s15 =	smul.u32 $0xA0000, s8;
	s4 =	sor.u32 s2, s4  }
0x9: {  	_ =	strace $0x80000050;
	s9 =	sshrl.u32 s7, $0x1;
	s6 =	smul.u32 $0x500, s4  }
0xa: {  	s4 =	sadd.s32 $0x16600, s5;
	s17 =	ssub.s32 s7, s9;
	s7 =	sadd.s32 s11, s1  }
0xb: {  	s12 =	sadd.s32 $0x2000, s11;
	s14 =	sadd.s32 $0x4000, s11;
	s18 =	sadd.s32 $0x6000, s11  }
0xc: {  	s13 =	sadd.s32 s11, s15;
	s19 =	sadd.s32 $0x8000, s11;
	s8 =	sadd.s32 s12, s1  }
0xd: {  	s9 =	sadd.s32 s14, s1;
	s10 =	sadd.s32 s18, s1;
	s12 =	sadd.s32 s15, s12  }
0xe: {  	s13 =	sshrl.u32 s13, $0x3;
	s11 =	sadd.s32 s19, s1;
	s14 =	sadd.s32 s15, s14  }
0xf: {  	s18 =	sadd.s32 s15, s18;
	s15 =	sadd.s32 s15, s19;
	s17 =	smax.u32 s17, $0x1  }
0x10: {  	s6 =	sadd.s32 s6, s5;
	s20 =	sshrl.u32 s12, $0x3;
	s12 =	sadd.s32 s16, s13  }
0x11: {  	s14 =	sshrl.u32 s14, $0x3;
	s18 =	sshrl.u32 s18, $0x3;
	s19 =	sshrl.u32 s15, $0x3  }
0x12: {  	s5 =	sadd.s32 $0x2600, s6;
	s6 =	sadd.s32 $0xC600, s6;
	s13 =	sadd.s32 s16, s20  }
0x13: {  	s14 =	sadd.s32 s16, s14;
	s15 =	sadd.s32 s16, s18;
	s16 =	sadd.s32 s16, s19  }
0x14: {  	v0 =	vimm.f32 $0.0e+00;
	s18 =	simm.s32 $0x3;
	s19 =	simm.s32 $0x2800;
	s20 =	simm.s32 $0x9000  }
.LBB2_1:
0x15: {  	[tilespmem:s3], [sflag:$0x3] =	stream.linear.gather [hbm4b:s5+s3], $0x2800, $0x38;
	[tilespmem:$0x15000] =	vst v63  }
0x16: {  	_ =	swait.ge [sflag:s18], $0x2800  }
0x17: {  	[sflag:s18] =	ssyncset.done $0x0  }
0x18: {  	[sflag:s18] =	ssyncadd.s32 $0xFFFFD800  }
0x19: {  	[tilespmem:s19], [sflag:$0x3] =	stream.linear.gather [hbm4b:s6+s3], $0x2800, $0x38;
	[tilespmem:$0x15000] =	vst v63  }
0x1a: {  	_ =	swait.ge [sflag:s18], $0x2800  }
0x1b: {  	[sflag:s18] =	ssyncset.done $0x0  }
0x1c: {  	s31 =	simm.s32 $0x100;
	s30 =	simm.s32 $0x0;
	[sflag:s18] =	ssyncadd.s32 $0xFFFFD800  }
.LBB2_2:
0x1d: {  	p0 =	sne.s32 s31, $0x7F00;
	[tilespmem:s30+$0x9030] =	vst v0;
	s0 =	smov.u32 s31;
	s31 =	sadd.s32 $0x100, s31  }
.Ltmp0:
0x1e: {  	[tilespmem:s30+$0x9020] =	vst v0;
	(pc) =	sbr.rel @p0 .LBB2_2-.Ltmp0, $3  }
0x1f: {  	[tilespmem:s30+$0x9000] =	vst v0  }
0x20: {  	[tilespmem:s30+$0x9010] =	vst v0;
	_ =	sdelay $0x1  }
0x21: {  	s30 =	sshra.s32 s0, $0x2  }
0x22: {  	[tilespmem:s30+$0x9030] =	vst v0  }
0x23: {  	[tilespmem:s30+$0x9020] =	vst v0  }
0x24: {  	[tilespmem:s30+$0x9000] =	vst v0  }
0x25: {  	[tilespmem:s30+$0x9010] =	vst v0  }
0x26: {  	[spmem:s7] =	stream.linear.scatter [tilespmem:s20], [sflag:$0x3], $0x2000, $0x38;
	[tilespmem:$0x15000] =	vst v63  }
0x27: {  	_ =	swait.ge [sflag:s18], $0x2000  }
0x28: {  	[sflag:s18] =	ssyncset.done $0x0  }
0x29: {  	[sflag:s18] =	ssyncadd.s32 $0xFFFFE000  }
0x2a: {  	[spmem:s8] =	stream.linear.scatter [tilespmem:s20], [sflag:$0x3], $0x2000, $0x38;
	[tilespmem:$0x15000] =	vst v63  }
0x2b: {  	_ =	swait.ge [sflag:s18], $0x2000  }
0x2c: {  	[sflag:s18] =	ssyncset.done $0x0  }
0x2d: {  	[sflag:s18] =	ssyncadd.s32 $0xFFFFE000  }
0x2e: {  	[spmem:s9] =	stream.linear.scatter [tilespmem:s20], [sflag:$0x3], $0x2000, $0x38;
	[tilespmem:$0x15000] =	vst v63  }
0x2f: {  	_ =	swait.ge [sflag:s18], $0x2000  }
0x30: {  	[sflag:s18] =	ssyncset.done $0x0  }
0x31: {  	[sflag:s18] =	ssyncadd.s32 $0xFFFFE000  }
0x32: {  	[spmem:s10] =	stream.linear.scatter [tilespmem:s20], [sflag:$0x3], $0x2000, $0x38;
	[tilespmem:$0x15000] =	vst v63  }
0x33: {  	_ =	swait.ge [sflag:s18], $0x2000  }
0x34: {  	[sflag:s18] =	ssyncset.done $0x0  }
0x35: {  	[sflag:s18] =	ssyncadd.s32 $0xFFFFE000  }
0x36: {  	[spmem:s11] =	stream.linear.scatter [tilespmem:s20], [sflag:$0x3], $0x2000, $0x38;
	[tilespmem:$0x15000] =	vst v63  }
0x37: {  	_ =	swait.ge [sflag:s18], $0x2000  }
0x38: {  	[sflag:s18] =	ssyncset.done $0x0  }
0x39: {  	[sflag:s18] =	ssyncadd.s32 $0xFFFFE000  }
0x3a: {  	s0 =	simm.s32 $0x0;
	[bflag:$0x0] =	sbarrier.arrive $0xFFFF  }
0x3b: {  	[tilespmem:s22], [sflag:$0x1] =	stream.indirect.gather [hbm4b:s4+s21], $0x40, s0, s21, $0xb8;
	[tilespmem:$0x15000] =	vst v63  }
0x3c: {  	_ = 	snop  }
0x3d: {  	[tilespmem:s23], [sflag:$0x2] =	stream.indirect.gather [hbm4b:s4+s21], $0x40, s21, s21, $0xb8;
	[tilespmem:$0x15000] =	vst v63  }
0x3e: {  	_ =	swait.ge [sflag:s24], $0x2000  }
0x3f: {  	[sflag:s24] =	ssyncset.done $0x0  }
0x40: {  	s0 =	simm.s32 $0x2800;
	[sflag:s24] =	ssyncadd.s32 $0xFFFFE000  }
0x41: {  	[spmem:s1] =	stream.indirect.scatter.add.f32 [tilespmem:s22], [sflag:$0x3], $0x40, s0, s21, $0xb8;
	[tilespmem:$0x15000] =	vst v63  }
0x42: {  	_ =	swait.ge [sflag:s18], $0x2000  }
0x43: {  	[sflag:s18] =	ssyncset.done $0x0  }
0x44: {  	s0 =	simm.s32 $0x100;
	[sflag:s18] =	ssyncadd.s32 $0xFFFFE000  }
0x45: {  	[tilespmem:s22], [sflag:$0x1] =	stream.indirect.gather [hbm4b:s4+s21], $0x40, s0, s21, $0xb8;
	[tilespmem:$0x15000] =	vst v63  }
0x46: {  	_ =	swait.ge [sflag:s25], $0x2000  }
0x47: {  	[sflag:s25] =	ssyncset.done $0x0  }
0x48: {  	s0 =	simm.s32 $0x2880;
	[sflag:s25] =	ssyncadd.s32 $0xFFFFE000  }
0x49: {  	[spmem:s1] =	stream.indirect.scatter.add.f32 [tilespmem:s23], [sflag:$0x3], $0x40, s0, s21, $0xb8;
	[tilespmem:$0x15000] =	vst v63  }
0x4a: {  	_ =	swait.ge [sflag:s18], $0x2000  }
0x4b: {  	[sflag:s18] =	ssyncset.done $0x0  }
0x4c: {  	s30 =	simm.s32 $0x400;
	s31 =	simm.s32 $0x180;
	[sflag:s18] =	ssyncadd.s32 $0xFFFFE000  }
.LBB2_4:
0x4d: {  	[tilespmem:s23], [sflag:$0x2] =	stream.indirect.gather [hbm4b:s4+s21], $0x40, s31, s21, $0xb8;
	[tilespmem:$0x15000] =	vst v63  }
0x4e: {  	s0 =	smov.u32 s30  }
0x4f: {  	p0 =	sne.s32 s30, $0x9800;
	s30 =	sadd.s32 $0x400, s30;
	_ =	swait.ge [sflag:s24], $0x2000  }
0x50: {  	s0 =	sshra.s32 s0, $0x2;
	[sflag:s24] =	ssyncset.done $0x0  }
0x51: {  	s31 =	sadd.s32 $0x2800, s0;
	[sflag:s24] =	ssyncadd.s32 $0xFFFFE000  }
0x52: {  	[spmem:s1] =	stream.indirect.scatter.add.f32 [tilespmem:s22], [sflag:$0x3], $0x40, s31, s21, $0xb8;
	[tilespmem:$0x15000] =	vst v63  }
0x53: {  	_ =	swait.ge [sflag:s18], $0x2000  }
0x54: {  	[sflag:s18] =	ssyncset.done $0x0  }
0x55: {  	s31 =	sadd.s32 $0x100, s0;
	[sflag:s18] =	ssyncadd.s32 $0xFFFFE000  }
0x56: {  	[tilespmem:s22], [sflag:$0x1] =	stream.indirect.gather [hbm4b:s4+s21], $0x40, s31, s21, $0xb8;
	[tilespmem:$0x15000] =	vst v63  }
0x57: {  	_ =	swait.ge [sflag:s25], $0x2000  }
0x58: {  	[sflag:s25] =	ssyncset.done $0x0  }
.Ltmp1:
0x59: {  	s31 =	sadd.s32 $0x2880, s0;
	[sflag:s25] =	ssyncadd.s32 $0xFFFFE000;
	(pc) =	sbr.rel @p0 .LBB2_4-.Ltmp1, $4  }
0x5a: {  	[spmem:s1] =	stream.indirect.scatter.add.f32 [tilespmem:s23], [sflag:$0x3], $0x40, s31, s21, $0xb8;
	[tilespmem:$0x15000] =	vst v63  }
0x5b: {  	_ =	swait.ge [sflag:s18], $0x2000  }
0x5c: {  	[sflag:s18] =	ssyncset.done $0x0  }
0x5d: {  	s31 =	sadd.s32 $0x180, s0;
	[sflag:s18] =	ssyncadd.s32 $0xFFFFE000  }
0x5e: {  	[tilespmem:s23], [sflag:$0x2] =	stream.indirect.gather [hbm4b:s4+s21], $0x40, s31, s21, $0xb8;
	[tilespmem:$0x15000] =	vst v63  }
0x5f: {  	_ =	swait.ge [sflag:s24], $0x2000  }
0x60: {  	[sflag:s24] =	ssyncset.done $0x0  }
0x61: {  	[sflag:s24] =	ssyncadd.s32 $0xFFFFE000  }
0x62: {  	[spmem:s1] =	stream.indirect.scatter.add.f32 [tilespmem:s22], [sflag:$0x3], $0x40, s26, s21, $0xb8;
	[tilespmem:$0x15000] =	vst v63  }
0x63: {  	_ =	swait.ge [sflag:s18], $0x2000  }
0x64: {  	[sflag:s18] =	ssyncset.done $0x0  }
0x65: {  	[sflag:s18] =	ssyncadd.s32 $0xFFFFE000  }
0x66: {  	_ =	swait.ge [sflag:s25], $0x2000  }
0x67: {  	[sflag:s25] =	ssyncset.done $0x0  }
0x68: {  	[sflag:s25] =	ssyncadd.s32 $0xFFFFE000  }
0x69: {  	[spmem:s1] =	stream.indirect.scatter.add.f32 [tilespmem:s23], [sflag:$0x3], $0x40, s28, s21, $0xb8;
	[tilespmem:$0x15000] =	vst v63  }
0x6a: {  	_ =	swait.ge [sflag:s18], $0x2000  }
0x6b: {  	[sflag:s18] =	ssyncset.done $0x0  }
0x6c: {  	[sflag:s18] =	ssyncadd.s32 $0xFFFFE000  }
0x6d: {  	[bflag:$0x0] =	sbarrier.arrive $0xFFFF  }
0x6e: {  	[tilespmem:s20], [sflag:$0x3] =	stream.linear.gather [spmem:s7], $0x2000, $0x38;
	[tilespmem:$0x15000] =	vst v63  }
0x6f: {  	_ =	swait.ge [sflag:s18], $0x2000  }
0x70: {  	[sflag:s18] =	ssyncset.done $0x0  }
0x71: {  	[sflag:s18] =	ssyncadd.s32 $0xFFFFE000  }
0x72: {  	[hbm4b:s12+s3] =	stream.linear.scatter [tilespmem:s20], [sflag:$0x3], $0x2000, $0x38;
	[tilespmem:$0x15000] =	vst v63  }
0x73: {  	_ =	swait.ge [sflag:s18], $0x2000  }
0x74: {  	[sflag:s18] =	ssyncset.done $0x0  }
0x75: {  	[sflag:s18] =	ssyncadd.s32 $0xFFFFE000  }
0x76: {  	[tilespmem:s20], [sflag:$0x3] =	stream.linear.gather [spmem:s8], $0x2000, $0x38;
	[tilespmem:$0x15000] =	vst v63  }
0x77: {  	_ =	swait.ge [sflag:s18], $0x2000  }
0x78: {  	[sflag:s18] =	ssyncset.done $0x0  }
0x79: {  	[sflag:s18] =	ssyncadd.s32 $0xFFFFE000  }
0x7a: {  	[hbm4b:s13+s3] =	stream.linear.scatter [tilespmem:s20], [sflag:$0x3], $0x2000, $0x38;
	[tilespmem:$0x15000] =	vst v63  }
0x7b: {  	_ =	swait.ge [sflag:s18], $0x2000  }
0x7c: {  	[sflag:s18] =	ssyncset.done $0x0  }
0x7d: {  	[sflag:s18] =	ssyncadd.s32 $0xFFFFE000  }
0x7e: {  	[tilespmem:s20], [sflag:$0x3] =	stream.linear.gather [spmem:s9], $0x2000, $0x38;
	[tilespmem:$0x15000] =	vst v63  }
0x7f: {  	_ =	swait.ge [sflag:s18], $0x2000  }
0x80: {  	[sflag:s18] =	ssyncset.done $0x0  }
0x81: {  	[sflag:s18] =	ssyncadd.s32 $0xFFFFE000  }
0x82: {  	[hbm4b:s14+s3] =	stream.linear.scatter [tilespmem:s20], [sflag:$0x3], $0x2000, $0x38;
	[tilespmem:$0x15000] =	vst v63  }
0x83: {  	_ =	swait.ge [sflag:s18], $0x2000  }
0x84: {  	[sflag:s18] =	ssyncset.done $0x0  }
0x85: {  	[sflag:s18] =	ssyncadd.s32 $0xFFFFE000  }
0x86: {  	[tilespmem:s20], [sflag:$0x3] =	stream.linear.gather [spmem:s10], $0x2000, $0x38;
	[tilespmem:$0x15000] =	vst v63  }
0x87: {  	_ =	swait.ge [sflag:s18], $0x2000  }
0x88: {  	[sflag:s18] =	ssyncset.done $0x0  }
0x89: {  	[sflag:s18] =	ssyncadd.s32 $0xFFFFE000  }
0x8a: {  	[hbm4b:s15+s3] =	stream.linear.scatter [tilespmem:s20], [sflag:$0x3], $0x2000, $0x38;
	[tilespmem:$0x15000] =	vst v63  }
0x8b: {  	_ =	swait.ge [sflag:s18], $0x2000  }
0x8c: {  	[sflag:s18] =	ssyncset.done $0x0  }
0x8d: {  	[sflag:s18] =	ssyncadd.s32 $0xFFFFE000  }
0x8e: {  	[tilespmem:s20], [sflag:$0x3] =	stream.linear.gather [spmem:s11], $0x2000, $0x38;
	[tilespmem:$0x15000] =	vst v63  }
0x8f: {  	s29 =	sadd.s32 $0x1, s29;
	_ =	swait.ge [sflag:s18], $0x2000  }
0x90: {  	p0 =	sne.s32 s29, s17;
	[sflag:s18] =	ssyncset.done $0x0  }
.Ltmp2:
0x91: {  	[sflag:s18] =	ssyncadd.s32 $0xFFFFE000;
	(pc) =	sbr.rel @p0 .LBB2_1-.Ltmp2, $4  }
0x92: {  	[hbm4b:s16+s3] =	stream.linear.scatter [tilespmem:s20], [sflag:$0x3], $0x2000, $0x38;
	[tilespmem:$0x15000] =	vst v63  }
0x93: {  	_ =	swait.ge [sflag:s18], $0x2000  }
0x94: {  	[sflag:s18] =	ssyncset.done $0x0  }
0x95: {  	[sflag:s18] =	ssyncadd.s32 $0xFFFFE000  }
0x96: {  	_ =	sfence.sel $0x180000  }
0x97: {  	[bflag:$0x0] =	sbarrier.arrive $0xFFFF  }
0x98: {  	_ =	strace $0x90000050  }
0x99: {  	[bflag:$0x2] =	sbarrier.arrive $0xFFFF  }
0x9a: {  	p0 =	sne.s32 s2, $0x0;
	s0 =	rddreg [dreg:$0x2]  }
0x9b: {  	s0 =	sadd.s32 @!p0 $0x100000, s0  }
0x9c: {  	[sflag:s0] =	ssyncadd.tile.s32 @!p0 $0x1;
	_ =	shalt  }
.Lfunc_end2:
_tile_overlayer_lowered:
.L_overlay_start_2:
0x9d: {  	(tag) =	ssettag $0x2  }
0x9e: {  	s0 =	rddreg [dreg:$0x0];
	s2 =	stileid.u32  }
0x9f: {  	s1 =	rddreg [dreg:$0x1];
	p0 =	sne.s32 s2, $0x0  }
0xa0: {  	s3 =	rddreg [dreg:$0x2];
	[bflag:$0x3] =	sbarrier.arrive $0xFFFF;
	s2 =	simm.s32 @!p0 $0x1C03  }
0xa1: {  	[timem:s3], [sflag:s2] =	dma.local @!p0 [hbm:s0], s1  }
0xa2: {  	s0 =	simm.s32 @!p0 $0x3  }
0xa3: {  	_ =	swait.ge @!p0 [sflag:s0], s1  }
0xa4: {  	s1 =	ssub.s32 @!p0 $0x0, s1;
	[sflag:s0] =	ssyncset.done @!p0 $0x0  }
0xa5: {  	[sflag:s0] =	ssyncadd.s32 @!p0 s1  }
0xa6: {  	[bflag:$0x3] =	sbarrier.arrive $0xFFFF  }
0xa7: {  	_ =	shalt  }

</sc_bundles>
